<compile_context>
chip_gen: v7x
topology: tpu7x:2x2x1
jax: 0.10.2.dev20260603
libtpu: 0.0.44.dev20260713+nightly
codegen_flags: <defaults>
</compile_context>

<pallas_src>
import functools

import jax
import jax.numpy as jnp
from jax import lax
from jax.experimental import pallas as pl
from jax.experimental.pallas import tpu as pltpu
from jax.experimental.pallas import tpu_sc as plsc

T = 4096
D = 1024
E = 8
K = 2
N = T * K
BM = 128
NB = N // BM + E
NPAD = NB * BM

NW = 32
_SC_MESH = dict(core_axis_name="c", subcore_axis_name="s")



def _excl_cumsum(x):
    z = jnp.zeros_like(x)
    acc = x
    sh = 1
    while sh < T:
        acc = acc + jnp.concatenate([z[:sh], acc[: T - sh]], axis=0)
        sh *= 2
    return acc - x


def _route_sched_body(x_ref, wg_ref, bg_ref,
                      p0_ref, p1_ref, w0_ref, w1_ref, bmap_ref, bval_ref):
    x = x_ref[...]
    logits = jnp.dot(x, wg_ref[...], preferred_element_type=jnp.float32)
    logits = logits + bg_ref[...]
    e_iota = lax.broadcasted_iota(jnp.int32, logits.shape, 1)
    m1 = jnp.max(logits, axis=1, keepdims=True)
    i1 = jnp.min(jnp.where(logits == m1, e_iota, E), axis=1, keepdims=True)
    masked = jnp.where(e_iota == i1, -jnp.inf, logits)
    m2 = jnp.max(masked, axis=1, keepdims=True)
    i2 = jnp.min(jnp.where(masked == m2, e_iota, E), axis=1, keepdims=True)
    z = jnp.exp(m2 - m1)
    w1 = 1.0 / (1.0 + z)
    w0_ref[...] = jnp.broadcast_to(w1, (T, 16))
    w1_ref[...] = jnp.broadcast_to(1.0 - w1, (T, 16))

    oh1 = (e_iota == i1).astype(jnp.int32)
    oh2 = (e_iota == i2).astype(jnp.int32)
    oh = oh1 + oh2
    r = _excl_cumsum(oh)
    counts = r[T - 1:T, :] + oh[T - 1:T, :]
    blocks_per = (counts + BM - 1) // BM
    ri = lax.broadcasted_iota(jnp.int32, (E, E), 0)
    ci = lax.broadcasted_iota(jnp.int32, (E, E), 1)
    tri = (ri <= ci).astype(jnp.float32)
    cumblocks = jnp.dot(blocks_per.astype(jnp.float32), tri,
                        preferred_element_type=jnp.float32).astype(jnp.int32)
    padded_start = (cumblocks - blocks_per) * BM

    dest1 = jnp.sum(oh1 * (padded_start + r), axis=1, keepdims=True)
    dest2 = jnp.sum(oh2 * (padded_start + r + oh1), axis=1, keepdims=True)
    p0_ref[...] = dest1.reshape(NW, T // NW)
    p1_ref[...] = dest2.reshape(NW, T // NW)

    b_iota = lax.broadcasted_iota(jnp.int32, (NB, E), 0)
    bmap = jnp.sum((jnp.broadcast_to(cumblocks, (NB, E)) <= b_iota)
                   .astype(jnp.int32), axis=1, keepdims=True)
    bmap_ref[...] = jnp.minimum(bmap, E - 1)
    bval_ref[...] = (b_iota[:, :1] < cumblocks[0, E - 1]).astype(jnp.int32)


def _routing(inputs, Wg, bg):
    return pl.pallas_call(
        _route_sched_body,
        grid=(1,),
        in_specs=[
            pl.BlockSpec((T, D), lambda i: (0, 0)),
            pl.BlockSpec((D, E), lambda i: (0, 0)),
            pl.BlockSpec((1, E), lambda i: (0, 0)),
        ],
        out_specs=[
            pl.BlockSpec((NW, T // NW), lambda i: (0, 0)),
            pl.BlockSpec((NW, T // NW), lambda i: (0, 0)),
            pl.BlockSpec((T, 16), lambda i: (0, 0)),
            pl.BlockSpec((T, 16), lambda i: (0, 0)),
            pl.BlockSpec((NB, 1), lambda i: (0, 0)),
            pl.BlockSpec((NB, 1), lambda i: (0, 0)),
        ],
        out_shape=[
            jax.ShapeDtypeStruct((NW, T // NW), jnp.int32),
            jax.ShapeDtypeStruct((NW, T // NW), jnp.int32),
            jax.ShapeDtypeStruct((T, 16), jnp.float32),
            jax.ShapeDtypeStruct((T, 16), jnp.float32),
            jax.ShapeDtypeStruct((NB, 1), jnp.int32),
            jax.ShapeDtypeStruct((NB, 1), jnp.int32),
        ],
    )(inputs, Wg, bg.reshape(1, E))



_DCT = 32
_DNCH = (T // NW) // _DCT


def _dispatch_body(x_hbm, p0_hbm, p1_hbm, out_hbm, i0_v, i1_v, xin_v,
                   lsem, ssem):
    per_w = T // NW
    wid = lax.axis_index("s") * 2 + lax.axis_index("c")
    tbase = wid * per_w

    def start_load(c):
        b = c % 2
        base = tbase + c * _DCT
        return (
            pltpu.async_copy(p0_hbm.at[wid, pl.ds(c * _DCT, _DCT)],
                             i0_v.at[b], lsem),
            pltpu.async_copy(p1_hbm.at[wid, pl.ds(c * _DCT, _DCT)],
                             i1_v.at[b], lsem),
            pltpu.async_copy(x_hbm.at[pl.ds(base, _DCT)], xin_v.at[b], lsem),
        )

    loads = {0: start_load(0), 1: start_load(1)}
    scats = {}
    for c in range(_DNCH):
        b = c % 2
        for h in loads[c]:
            h.wait()
        scats[c] = (
            pltpu.async_copy(xin_v.at[b], out_hbm.at[i0_v.at[b]], ssem),
            pltpu.async_copy(xin_v.at[b], out_hbm.at[i1_v.at[b]], ssem),
        )
        if c + 2 < _DNCH:
            for h in scats[c]:
                h.wait()
            loads[c + 2] = start_load(c + 2)
    for c in (_DNCH - 2, _DNCH - 1):
        for h in scats[c]:
            h.wait()


def _dispatch(inputs, pos0, pos1):
    return pl.kernel(
        _dispatch_body,
        out_type=jax.ShapeDtypeStruct((NPAD, D), jnp.float32),
        mesh=plsc.VectorSubcoreMesh(**_SC_MESH),
        scratch_types=[
            pltpu.VMEM((2, _DCT), jnp.int32),
            pltpu.VMEM((2, _DCT), jnp.int32),
            pltpu.VMEM((2, _DCT, D), jnp.float32),
            pltpu.SemaphoreType.DMA,
            pltpu.SemaphoreType.DMA,
        ],
    )(inputs, pos0, pos1)



def _gmm_body(bmap_ref, bval_ref, x_ref, we_ref, be_ref, y_ref):
    del bmap_ref

    @pl.when(bval_ref[pl.program_id(0)] != 0)
    def _():
        y = jnp.dot(x_ref[...].astype(jnp.bfloat16),
                    we_ref[0].astype(jnp.bfloat16),
                    preferred_element_type=jnp.float32)
        y_ref[...] = y + be_ref[0]


def _gmm(x_pad, We, be, block_expert, block_valid):
    grid_spec = pltpu.PrefetchScalarGridSpec(
        num_scalar_prefetch=2,
        grid=(NB,),
        in_specs=[
            pl.BlockSpec((BM, D), lambda i, bmap, bval: (i, 0)),
            pl.BlockSpec((1, D, D), lambda i, bmap, bval: (bmap[i], 0, 0)),
            pl.BlockSpec((1, 1, D), lambda i, bmap, bval: (bmap[i], 0, 0)),
        ],
        out_specs=pl.BlockSpec((BM, D), lambda i, bmap, bval: (i, 0)),
    )
    return pl.pallas_call(
        _gmm_body,
        grid_spec=grid_spec,
        out_shape=jax.ShapeDtypeStruct((NPAD, D), jnp.float32),
    )(block_expert, block_valid, x_pad, We, be.reshape(E, 1, D))



_CCT = 16
_CNCH = (T // NW) // _CCT


def _combine_body(y_hbm, p0_hbm, p1_hbm, w0_hbm, w1_hbm, out_hbm,
                  i0_v, i1_v, w0_v, w1_v, r0_v, r1_v, o_v,
                  isem, gsem, wsem):
    per_w = T // NW
    wid = lax.axis_index("s") * 2 + lax.axis_index("c")
    tbase = wid * per_w

    pltpu.async_copy(p0_hbm.at[wid], i0_v, isem).wait()
    pltpu.async_copy(p1_hbm.at[wid], i1_v, isem).wait()

    def start_gather(c):
        b = c % 2
        s = pl.ds(c * _CCT, _CCT)
        hs = pl.ds(tbase + c * _CCT, _CCT)
        return (
            pltpu.async_copy(y_hbm.at[i0_v.at[s]], r0_v.at[b], gsem),
            pltpu.async_copy(y_hbm.at[i1_v.at[s]], r1_v.at[b], gsem),
            pltpu.async_copy(w0_hbm.at[hs], w0_v.at[b], gsem),
            pltpu.async_copy(w1_hbm.at[hs], w1_v.at[b], gsem),
        )

    gath = {0: start_gather(0), 1: start_gather(1)}
    stores = {}
    for c in range(_CNCH):
        b = c % 2
        for h in gath[c]:
            h.wait()
        if c >= 2:
            stores[c - 2].wait()

        def add_row(j, _):
            wa = w0_v[b, j, :]
            wb = w1_v[b, j, :]

            def add4(k, _):
                for u in range(4):
                    s = pl.ds((k * 4 + u) * 16, 16)
                    o_v[b, j, s] = r0_v[b, j, s] * wa + r1_v[b, j, s] * wb
                return 0
            lax.fori_loop(0, D // 64, add4, 0)
            return 0

        lax.fori_loop(0, _CCT, add_row, 0)
        stores[c] = pltpu.async_copy(
            o_v.at[b], out_hbm.at[pl.ds(tbase + c * _CCT, _CCT)], wsem)
        if c + 2 < _CNCH:
            gath[c + 2] = start_gather(c + 2)
    stores[_CNCH - 2].wait()
    stores[_CNCH - 1].wait()


def _combine(y_pad, pos0, pos1, w0e, w1e):
    per_w = T // NW
    return pl.kernel(
        _combine_body,
        out_type=jax.ShapeDtypeStruct((T, D), jnp.float32),
        mesh=plsc.VectorSubcoreMesh(**_SC_MESH),
        scratch_types=[
            pltpu.VMEM((per_w,), jnp.int32),
            pltpu.VMEM((per_w,), jnp.int32),
            pltpu.VMEM((2, _CCT, 16), jnp.float32),
            pltpu.VMEM((2, _CCT, 16), jnp.float32),
            pltpu.VMEM((2, _CCT, D), jnp.float32),
            pltpu.VMEM((2, _CCT, D), jnp.float32),
            pltpu.VMEM((2, _CCT, D), jnp.float32),
            pltpu.SemaphoreType.DMA,
            pltpu.SemaphoreType.DMA,
            pltpu.SemaphoreType.DMA,
        ],
    )(y_pad, pos0, pos1, w0e, w1e)


def kernel(inputs, Wg, bg, We, be):
    p0, p1, w0e, w1e, bmap, bval = _routing(inputs, Wg, bg)
    x_pad = _dispatch(inputs, p0, p1)
    y_pad = _gmm(x_pad, We, be, bmap.reshape(NB), bval.reshape(NB))
    return _combine(y_pad, p0, p1, w0e, w1e)

# --- scband reference (transcript-rebuilt; emitter-appended) ---
"""Pipeline reference for scband-mo-e-54013508715282 (READ-ONLY COPY).

The authoritative reference and input builder live on the scoring server;
editing this copy changes nothing except your own understanding.
"""

import jax, jax.numpy as jnp
import numpy as np

T = 4096      # tokens = batch(2) * seq_len(2048)
D = 1024      # in_dim = out_dim = d_model
E = 8         # num experts
TOPK = 2

def setup_inputs(seed: int = 0) -> dict:
    key = jax.random.key(seed)
    k1, k2, k3 = jax.random.split(key, 3)
    inputs = jax.random.normal(k1, (T, D), dtype=jnp.float32)
    # gate: Linear(in_dim -> E)
    Wg = jax.random.normal(k2, (D, E), dtype=jnp.float32) * 0.02
    bg = jnp.zeros((E,), dtype=jnp.float32)
    # experts: E x Linear(in_dim -> out_dim)
    We = jax.random.normal(k3, (E, D, D), dtype=jnp.float32) * 0.02
    be = jnp.zeros((E, D), dtype=jnp.float32)
    return {"inputs": inputs, "Wg": Wg, "bg": bg, "We": We, "be": be}

def reference(inputs, Wg, bg, We, be):
    # gate logits and top-k routing
    logits = inputs @ Wg + bg                      # [T, E]
    top_vals, top_idx = jax.lax.top_k(logits, TOPK)  # [T, K]
    weights = jax.nn.softmax(top_vals, axis=-1)      # [T, K], renormalized over selected experts
    # scatter routing weights into dense combine matrix [T, E]
    rows = jnp.arange(inputs.shape[0])[:, None]
    combine = jnp.zeros((inputs.shape[0], We.shape[0]), dtype=inputs.dtype)
    combine = combine.at[rows, top_idx].add(weights)
    # run all experts, combine with sparse routing weights
    expert_out = jnp.einsum('td,edf->tef', inputs, We) + be[None, :, :]  # [T, E, D]
    out = jnp.einsum('te,tef->tf', combine, expert_out)                  # [T, D]
    return out

if False:  # reference __main__ guard neutralized (emitter)
    inp = setup_inputs()
    o = reference(**inp)
    print(o.shape, o.dtype)

if __name__ == "__main__":
    import jax
    _d = setup_inputs()
    print(jax.jit(kernel)(*tuple(_d.values())))

</pallas_src>

<mosaic_0001>
#map = affine_map<(d0, d1) -> (0, 0)>
module attributes {stable_mosaic.version = 14 : i64} {
  func.func @_dispatch_body(%arg0: i32, %arg1: i32, %arg2: memref<4096x1024xf32, #tpu.memory_space<hbm>>, %arg3: memref<32x128xi32, #tpu.memory_space<hbm>>, %arg4: memref<32x128xi32, #tpu.memory_space<hbm>>, %arg5: memref<9216x1024xf32, #tpu.memory_space<hbm>>, %arg6: memref<2x32xi32, #tpu.memory_space<vmem>>, %arg7: memref<2x32xi32, #tpu.memory_space<vmem>>, %arg8: memref<2x32x1024xf32, #tpu.memory_space<vmem>>, %arg9: memref<!tpu.dma_semaphore, #tpu.memory_space<semaphore_mem>>, %arg10: memref<!tpu.dma_semaphore, #tpu.memory_space<semaphore_mem>>) attributes {dimension_semantics = [#tpu.dimension_semantics<core_parallel>, #tpu.dimension_semantics<subcore_parallel>], iteration_bounds = array<i64: 2, 16>, scalar_prefetch = 0 : i64, scratch_operands = 5 : i64, tpu.core_type = #tpu.core_type<sc_vector_subcore>, window_params = [{transform_indices = #map}, {transform_indices = #map}, {transform_indices = #map}, {transform_indices = #map}]} {
    %mul3A = arith.constant 2 : i32
    %mul3A_0 = arith.muli %arg1, %mul3A : i32
    %add3A = arith.addi %mul3A_0, %arg0 : i32
    %mul3A_1 = arith.constant 128 : i32
    %mul3A_2 = arith.muli %add3A, %mul3A_1 : i32
    %add3A_3 = arith.constant 0 : i32
    %add3A_4 = arith.addi %mul3A_2, %add3A_3 : i32
    %dma_start3A = arith.constant 0 : i32
    %dma_start3A_5 = arith.constant 0 : i32
    %dma_start3A_6 = tpu.memref_slice %arg6[%dma_start3A, %dma_start3A_5] : memref<2x32xi32, #tpu.memory_space<vmem>> -> memref<1x32xi32, #tpu.memory_space<vmem>>
    %dma_start3A_7 = tpu.memref_squeeze %dma_start3A_6 : memref<1x32xi32, #tpu.memory_space<vmem>> -> memref<32xi32, #tpu.memory_space<vmem>>
    %dma_start3A_8 = arith.constant 0 : i32
    %dma_start3A_9 = tpu.memref_slice %arg3[%add3A, %dma_start3A_8] : memref<32x128xi32, #tpu.memory_space<hbm>> -> memref<1x32xi32, #tpu.memory_space<hbm>>
    %dma_start3A_10 = tpu.memref_squeeze %dma_start3A_9 : memref<1x32xi32, #tpu.memory_space<hbm>> -> memref<32xi32, #tpu.memory_space<hbm>>
    %dma_start3A_11 = arith.constant 0 : i32
    %dma_start3A_12 = tpu.memref_slice %arg6[%dma_start3A, %dma_start3A_11] : memref<2x32xi32, #tpu.memory_space<vmem>> -> memref<1x32xi32, #tpu.memory_space<vmem>>
    %dma_start3A_13 = tpu.memref_squeeze %dma_start3A_12 : memref<1x32xi32, #tpu.memory_space<vmem>> -> memref<32xi32, #tpu.memory_space<vmem>>
    %dma_start3A_14 = arith.constant 0 : i32
    %dma_start3A_15 = tpu.memref_slice %arg3[%add3A, %dma_start3A_14] : memref<32x128xi32, #tpu.memory_space<hbm>> -> memref<1x32xi32, #tpu.memory_space<hbm>>
    %dma_start3A_16 = tpu.memref_squeeze %dma_start3A_15 : memref<1x32xi32, #tpu.memory_space<hbm>> -> memref<32xi32, #tpu.memory_space<hbm>>
    tpu.enqueue_dma source(%dma_start3A_16 : memref<32xi32, #tpu.memory_space<hbm>>) target(%dma_start3A_13 : memref<32xi32, #tpu.memory_space<vmem>>) target_semaphore(%arg9 : memref<!tpu.dma_semaphore, #tpu.memory_space<semaphore_mem>>)
    %dma_start3A_17 = arith.constant 0 : i32
    %dma_start3A_18 = arith.constant 0 : i32
    %dma_start3A_19 = tpu.memref_slice %arg7[%dma_start3A_17, %dma_start3A_18] : memref<2x32xi32, #tpu.memory_space<vmem>> -> memref<1x32xi32, #tpu.memory_space<vmem>>
    %dma_start3A_20 = tpu.memref_squeeze %dma_start3A_19 : memref<1x32xi32, #tpu.memory_space<vmem>> -> memref<32xi32, #tpu.memory_space<vmem>>
    %dma_start3A_21 = arith.constant 0 : i32
    %dma_start3A_22 = tpu.memref_slice %arg4[%add3A, %dma_start3A_21] : memref<32x128xi32, #tpu.memory_space<hbm>> -> memref<1x32xi32, #tpu.memory_space<hbm>>
    %dma_start3A_23 = tpu.memref_squeeze %dma_start3A_22 : memref<1x32xi32, #tpu.memory_space<hbm>> -> memref<32xi32, #tpu.memory_space<hbm>>
    %dma_start3A_24 = arith.constant 0 : i32
    %dma_start3A_25 = tpu.memref_slice %arg7[%dma_start3A_17, %dma_start3A_24] : memref<2x32xi32, #tpu.memory_space<vmem>> -> memref<1x32xi32, #tpu.memory_space<vmem>>
    %dma_start3A_26 = tpu.memref_squeeze %dma_start3A_25 : memref<1x32xi32, #tpu.memory_space<vmem>> -> memref<32xi32, #tpu.memory_space<vmem>>
    %dma_start3A_27 = arith.constant 0 : i32
    %dma_start3A_28 = tpu.memref_slice %arg4[%add3A, %dma_start3A_27] : memref<32x128xi32, #tpu.memory_space<hbm>> -> memref<1x32xi32, #tpu.memory_space<hbm>>
    %dma_start3A_29 = tpu.memref_squeeze %dma_start3A_28 : memref<1x32xi32, #tpu.memory_space<hbm>> -> memref<32xi32, #tpu.memory_space<hbm>>
    tpu.enqueue_dma source(%dma_start3A_29 : memref<32xi32, #tpu.memory_space<hbm>>) target(%dma_start3A_26 : memref<32xi32, #tpu.memory_space<vmem>>) target_semaphore(%arg9 : memref<!tpu.dma_semaphore, #tpu.memory_space<semaphore_mem>>)
    %dma_start3A_30 = arith.constant 0 : i32
    %dma_start3A_31 = arith.constant 0 : i32
    %dma_start3A_32 = arith.constant 0 : i32
    %dma_start3A_33 = tpu.memref_slice %arg8[%dma_start3A_30, %dma_start3A_31, %dma_start3A_32] : memref<2x32x1024xf32, #tpu.memory_space<vmem>> -> memref<1x32x1024xf32, #tpu.memory_space<vmem>>
    %dma_start3A_34 = tpu.memref_squeeze %dma_start3A_33 : memref<1x32x1024xf32, #tpu.memory_space<vmem>> -> memref<32x1024xf32, #tpu.memory_space<vmem>>
    %dma_start3A_35 = arith.constant 0 : i32
    %dma_start3A_36 = tpu.memref_slice %arg2[%add3A_4, %dma_start3A_35] : memref<4096x1024xf32, #tpu.memory_space<hbm>> -> memref<32x1024xf32, #tpu.memory_space<hbm>>
    %dma_start3A_37 = arith.constant 0 : i32
    %dma_start3A_38 = arith.constant 0 : i32
    %dma_start3A_39 = tpu.memref_slice %arg8[%dma_start3A_30, %dma_start3A_37, %dma_start3A_38] : memref<2x32x1024xf32, #tpu.memory_space<vmem>> -> memref<1x32x1024xf32, #tpu.memory_space<vmem>>
    %dma_start3A_40 = tpu.memref_squeeze %dma_start3A_39 : memref<1x32x1024xf32, #tpu.memory_space<vmem>> -> memref<32x1024xf32, #tpu.memory_space<vmem>>
    %dma_start3A_41 = arith.constant 0 : i32
    %dma_start3A_42 = tpu.memref_slice %arg2[%add3A_4, %dma_start3A_41] : memref<4096x1024xf32, #tpu.memory_space<hbm>> -> memref<32x1024xf32, #tpu.memory_space<hbm>>
    tpu.enqueue_dma source(%dma_start3A_42 : memref<32x1024xf32, #tpu.memory_space<hbm>>) target(%dma_start3A_40 : memref<32x1024xf32, #tpu.memory_space<vmem>>) target_semaphore(%arg9 : memref<!tpu.dma_semaphore, #tpu.memory_space<semaphore_mem>>)
    %add3A_43 = arith.constant 32 : i32
    %add3A_44 = arith.addi %mul3A_2, %add3A_43 : i32
    %dma_start3A_45 = arith.constant 1 : i32
    %dma_start3A_46 = arith.constant 0 : i32
    %dma_start3A_47 = tpu.memref_slice %arg6[%dma_start3A_45, %dma_start3A_46] : memref<2x32xi32, #tpu.memory_space<vmem>> -> memref<1x32xi32, #tpu.memory_space<vmem>>
    %dma_start3A_48 = tpu.memref_squeeze %dma_start3A_47 : memref<1x32xi32, #tpu.memory_space<vmem>> -> memref<32xi32, #tpu.memory_space<vmem>>
    %dma_start3A_49 = arith.constant 32 : i32
    %dma_start3A_50 = tpu.memref_slice %arg3[%add3A, %dma_start3A_49] : memref<32x128xi32, #tpu.memory_space<hbm>> -> memref<1x32xi32, #tpu.memory_space<hbm>>
    %dma_start3A_51 = tpu.memref_squeeze %dma_start3A_50 : memref<1x32xi32, #tpu.memory_space<hbm>> -> memref<32xi32, #tpu.memory_space<hbm>>
    %dma_start3A_52 = arith.constant 0 : i32
    %dma_start3A_53 = tpu.memref_slice %arg6[%dma_start3A_45, %dma_start3A_52] : memref<2x32xi32, #tpu.memory_space<vmem>> -> memref<1x32xi32, #tpu.memory_space<vmem>>
    %dma_start3A_54 = tpu.memref_squeeze %dma_start3A_53 : memref<1x32xi32, #tpu.memory_space<vmem>> -> memref<32xi32, #tpu.memory_space<vmem>>
    %dma_start3A_55 = arith.constant 32 : i32
    %dma_start3A_56 = tpu.memref_slice %arg3[%add3A, %dma_start3A_55] : memref<32x128xi32, #tpu.memory_space<hbm>> -> memref<1x32xi32, #tpu.memory_space<hbm>>
    %dma_start3A_57 = tpu.memref_squeeze %dma_start3A_56 : memref<1x32xi32, #tpu.memory_space<hbm>> -> memref<32xi32, #tpu.memory_space<hbm>>
    tpu.enqueue_dma source(%dma_start3A_57 : memref<32xi32, #tpu.memory_space<hbm>>) target(%dma_start3A_54 : memref<32xi32, #tpu.memory_space<vmem>>) target_semaphore(%arg9 : memref<!tpu.dma_semaphore, #tpu.memory_space<semaphore_mem>>)
    %dma_start3A_58 = arith.constant 1 : i32
    %dma_start3A_59 = arith.constant 0 : i32
    %dma_start3A_60 = tpu.memref_slice %arg7[%dma_start3A_58, %dma_start3A_59] : memref<2x32xi32, #tpu.memory_space<vmem>> -> memref<1x32xi32, #tpu.memory_space<vmem>>
    %dma_start3A_61 = tpu.memref_squeeze %dma_start3A_60 : memref<1x32xi32, #tpu.memory_space<vmem>> -> memref<32xi32, #tpu.memory_space<vmem>>
    %dma_start3A_62 = arith.constant 32 : i32
    %dma_start3A_63 = tpu.memref_slice %arg4[%add3A, %dma_start3A_62] : memref<32x128xi32, #tpu.memory_space<hbm>> -> memref<1x32xi32, #tpu.memory_space<hbm>>
    %dma_start3A_64 = tpu.memref_squeeze %dma_start3A_63 : memref<1x32xi32, #tpu.memory_space<hbm>> -> memref<32xi32, #tpu.memory_space<hbm>>
    %dma_start3A_65 = arith.constant 0 : i32
    %dma_start3A_66 = tpu.memref_slice %arg7[%dma_start3A_58, %dma_start3A_65] : memref<2x32xi32, #tpu.memory_space<vmem>> -> memref<1x32xi32, #tpu.memory_space<vmem>>
    %dma_start3A_67 = tpu.memref_squeeze %dma_start3A_66 : memref<1x32xi32, #tpu.memory_space<vmem>> -> memref<32xi32, #tpu.memory_space<vmem>>
    %dma_start3A_68 = arith.constant 32 : i32
    %dma_start3A_69 = tpu.memref_slice %arg4[%add3A, %dma_start3A_68] : memref<32x128xi32, #tpu.memory_space<hbm>> -> memref<1x32xi32, #tpu.memory_space<hbm>>
    %dma_start3A_70 = tpu.memref_squeeze %dma_start3A_69 : memref<1x32xi32, #tpu.memory_space<hbm>> -> memref<32xi32, #tpu.memory_space<hbm>>
    tpu.enqueue_dma source(%dma_start3A_70 : memref<32xi32, #tpu.memory_space<hbm>>) target(%dma_start3A_67 : memref<32xi32, #tpu.memory_space<vmem>>) target_semaphore(%arg9 : memref<!tpu.dma_semaphore, #tpu.memory_space<semaphore_mem>>)
    %dma_start3A_71 = arith.constant 1 : i32
    %dma_start3A_72 = arith.constant 0 : i32
    %dma_start3A_73 = arith.constant 0 : i32
    %dma_start3A_74 = tpu.memref_slice %arg8[%dma_start3A_71, %dma_start3A_72, %dma_start3A_73] : memref<2x32x1024xf32, #tpu.memory_space<vmem>> -> memref<1x32x1024xf32, #tpu.memory_space<vmem>>
    %dma_start3A_75 = tpu.memref_squeeze %dma_start3A_74 : memref<1x32x1024xf32, #tpu.memory_space<vmem>> -> memref<32x1024xf32, #tpu.memory_space<vmem>>
    %dma_start3A_76 = arith.constant 0 : i32
    %dma_start3A_77 = tpu.memref_slice %arg2[%add3A_44, %dma_start3A_76] : memref<4096x1024xf32, #tpu.memory_space<hbm>> -> memref<32x1024xf32, #tpu.memory_space<hbm>>
    %dma_start3A_78 = arith.constant 0 : i32
    %dma_start3A_79 = arith.constant 0 : i32
    %dma_start3A_80 = tpu.memref_slice %arg8[%dma_start3A_71, %dma_start3A_78, %dma_start3A_79] : memref<2x32x1024xf32, #tpu.memory_space<vmem>> -> memref<1x32x1024xf32, #tpu.memory_space<vmem>>
    %dma_start3A_81 = tpu.memref_squeeze %dma_start3A_80 : memref<1x32x1024xf32, #tpu.memory_space<vmem>> -> memref<32x1024xf32, #tpu.memory_space<vmem>>
    %dma_start3A_82 = arith.constant 0 : i32
    %dma_start3A_83 = tpu.memref_slice %arg2[%add3A_44, %dma_start3A_82] : memref<4096x1024xf32, #tpu.memory_space<hbm>> -> memref<32x1024xf32, #tpu.memory_space<hbm>>
    tpu.enqueue_dma source(%dma_start3A_83 : memref<32x1024xf32, #tpu.memory_space<hbm>>) target(%dma_start3A_81 : memref<32x1024xf32, #tpu.memory_space<vmem>>) target_semaphore(%arg9 : memref<!tpu.dma_semaphore, #tpu.memory_space<semaphore_mem>>)
    %dma_wait3A = arith.constant 0 : i32
    %dma_wait3A_84 = arith.constant 0 : i32
    %dma_wait3A_85 = tpu.memref_slice %arg6[%dma_wait3A, %dma_wait3A_84] : memref<2x32xi32, #tpu.memory_space<vmem>> -> memref<1x32xi32, #tpu.memory_space<vmem>>
    %dma_wait3A_86 = tpu.memref_squeeze %dma_wait3A_85 : memref<1x32xi32, #tpu.memory_space<vmem>> -> memref<32xi32, #tpu.memory_space<vmem>>
    %dma_wait3A_87 = arith.constant 0 : i32
    %dma_wait3A_88 = tpu.memref_slice %arg3[%add3A, %dma_wait3A_87] : memref<32x128xi32, #tpu.memory_space<hbm>> -> memref<1x32xi32, #tpu.memory_space<hbm>>
    %dma_wait3A_89 = tpu.memref_squeeze %dma_wait3A_88 : memref<1x32xi32, #tpu.memory_space<hbm>> -> memref<32xi32, #tpu.memory_space<hbm>>
    %dma_wait3A_90 = arith.constant 0 : i32
    %dma_wait3A_91 = tpu.memref_slice %arg6[%dma_wait3A, %dma_wait3A_90] : memref<2x32xi32, #tpu.memory_space<vmem>> -> memref<1x32xi32, #tpu.memory_space<vmem>>
    %dma_wait3A_92 = tpu.memref_squeeze %dma_wait3A_91 : memref<1x32xi32, #tpu.memory_space<vmem>> -> memref<32xi32, #tpu.memory_space<vmem>>
    %dma_wait3A_93 = arith.constant 0 : i32
    %dma_wait3A_94 = tpu.memref_slice %arg3[%add3A, %dma_wait3A_93] : memref<32x128xi32, #tpu.memory_space<hbm>> -> memref<1x32xi32, #tpu.memory_space<hbm>>
    %dma_wait3A_95 = tpu.memref_squeeze %dma_wait3A_94 : memref<1x32xi32, #tpu.memory_space<hbm>> -> memref<32xi32, #tpu.memory_space<hbm>>
    tpu.wait_dma2 semaphore(%arg9 : memref<!tpu.dma_semaphore, #tpu.memory_space<semaphore_mem>>) src(%dma_wait3A_95 : memref<32xi32, #tpu.memory_space<hbm>>) dst(%dma_wait3A_92 : memref<32xi32, #tpu.memory_space<vmem>>)
    %dma_wait3A_96 = arith.constant 0 : i32
    %dma_wait3A_97 = arith.constant 0 : i32
    %dma_wait3A_98 = tpu.memref_slice %arg7[%dma_wait3A_96, %dma_wait3A_97] : memref<2x32xi32, #tpu.memory_space<vmem>> -> memref<1x32xi32, #tpu.memory_space<vmem>>
    %dma_wait3A_99 = tpu.memref_squeeze %dma_wait3A_98 : memref<1x32xi32, #tpu.memory_space<vmem>> -> memref<32xi32, #tpu.memory_space<vmem>>
    %dma_wait3A_100 = arith.constant 0 : i32
    %dma_wait3A_101 = tpu.memref_slice %arg4[%add3A, %dma_wait3A_100] : memref<32x128xi32, #tpu.memory_space<hbm>> -> memref<1x32xi32, #tpu.memory_space<hbm>>
    %dma_wait3A_102 = tpu.memref_squeeze %dma_wait3A_101 : memref<1x32xi32, #tpu.memory_space<hbm>> -> memref<32xi32, #tpu.memory_space<hbm>>
    %dma_wait3A_103 = arith.constant 0 : i32
    %dma_wait3A_104 = tpu.memref_slice %arg7[%dma_wait3A_96, %dma_wait3A_103] : memref<2x32xi32, #tpu.memory_space<vmem>> -> memref<1x32xi32, #tpu.memory_space<vmem>>
    %dma_wait3A_105 = tpu.memref_squeeze %dma_wait3A_104 : memref<1x32xi32, #tpu.memory_space<vmem>> -> memref<32xi32, #tpu.memory_space<vmem>>
    %dma_wait3A_106 = arith.constant 0 : i32
    %dma_wait3A_107 = tpu.memref_slice %arg4[%add3A, %dma_wait3A_106] : memref<32x128xi32, #tpu.memory_space<hbm>> -> memref<1x32xi32, #tpu.memory_space<hbm>>
    %dma_wait3A_108 = tpu.memref_squeeze %dma_wait3A_107 : memref<1x32xi32, #tpu.memory_space<hbm>> -> memref<32xi32, #tpu.memory_space<hbm>>
    tpu.wait_dma2 semaphore(%arg9 : memref<!tpu.dma_semaphore, #tpu.memory_space<semaphore_mem>>) src(%dma_wait3A_108 : memref<32xi32, #tpu.memory_space<hbm>>) dst(%dma_wait3A_105 : memref<32xi32, #tpu.memory_space<vmem>>)
    %dma_wait3A_109 = arith.constant 0 : i32
    %dma_wait3A_110 = arith.constant 0 : i32
    %dma_wait3A_111 = arith.constant 0 : i32
    %dma_wait3A_112 = tpu.memref_slice %arg8[%dma_wait3A_109, %dma_wait3A_110, %dma_wait3A_111] : memref<2x32x1024xf32, #tpu.memory_space<vmem>> -> memref<1x32x1024xf32, #tpu.memory_space<vmem>>
    %dma_wait3A_113 = tpu.memref_squeeze %dma_wait3A_112 : memref<1x32x1024xf32, #tpu.memory_space<vmem>> -> memref<32x1024xf32, #tpu.memory_space<vmem>>
    %dma_wait3A_114 = arith.constant 0 : i32
    %dma_wait3A_115 = tpu.memref_slice %arg2[%add3A_4, %dma_wait3A_114] : memref<4096x1024xf32, #tpu.memory_space<hbm>> -> memref<32x1024xf32, #tpu.memory_space<hbm>>
    %dma_wait3A_116 = arith.constant 0 : i32
    %dma_wait3A_117 = arith.constant 0 : i32
    %dma_wait3A_118 = tpu.memref_slice %arg8[%dma_wait3A_109, %dma_wait3A_116, %dma_wait3A_117] : memref<2x32x1024xf32, #tpu.memory_space<vmem>> -> memref<1x32x1024xf32, #tpu.memory_space<vmem>>
    %dma_wait3A_119 = tpu.memref_squeeze %dma_wait3A_118 : memref<1x32x1024xf32, #tpu.memory_space<vmem>> -> memref<32x1024xf32, #tpu.memory_space<vmem>>
    %dma_wait3A_120 = arith.constant 0 : i32
    %dma_wait3A_121 = tpu.memref_slice %arg2[%add3A_4, %dma_wait3A_120] : memref<4096x1024xf32, #tpu.memory_space<hbm>> -> memref<32x1024xf32, #tpu.memory_space<hbm>>
    tpu.wait_dma2 semaphore(%arg9 : memref<!tpu.dma_semaphore, #tpu.memory_space<semaphore_mem>>) src(%dma_wait3A_121 : memref<32x1024xf32, #tpu.memory_space<hbm>>) dst(%dma_wait3A_119 : memref<32x1024xf32, #tpu.memory_space<vmem>>)
    %dma_start3A_122 = arith.constant 0 : i32
    %dma_start3A_123 = arith.constant 0 : i32
    %dma_start3A_124 = arith.constant 0 : i32
    %dma_start3A_125 = arith.constant 0 : i32
    %dma_start3A_126 = tpu.memref_slice %arg8[%dma_start3A_122, %dma_start3A_124, %dma_start3A_125] : memref<2x32x1024xf32, #tpu.memory_space<vmem>> -> memref<1x32x1024xf32, #tpu.memory_space<vmem>>
    %dma_start3A_127 = tpu.memref_squeeze %dma_start3A_126 : memref<1x32x1024xf32, #tpu.memory_space<vmem>> -> memref<32x1024xf32, #tpu.memory_space<vmem>>
    %dma_start3A_128 = arith.constant 0 : i32
    %dma_start3A_129 = tpu.memref_slice %arg6[%dma_start3A_123, %dma_start3A_128] : memref<2x32xi32, #tpu.memory_space<vmem>> -> memref<1x32xi32, #tpu.memory_space<vmem>>
    %dma_start3A_130 = tpu.memref_squeeze %dma_start3A_129 : memref<1x32xi32, #tpu.memory_space<vmem>> -> memref<32xi32, #tpu.memory_space<vmem>>
    %dma_start3A_131 = arith.constant 0 : i32
    %dma_start3A_132 = arith.constant 0 : i32
    %dma_start3A_133 = tpu.memref_slice %arg5[%dma_start3A_131, %dma_start3A_132] : memref<9216x1024xf32, #tpu.memory_space<hbm>> -> memref<9216x1024xf32, #tpu.memory_space<hbm>>
    tpu.enqueue_indirect_dma source(%dma_start3A_127 : memref<32x1024xf32, #tpu.memory_space<vmem>>) target(%dma_start3A_133 : memref<9216x1024xf32, #tpu.memory_space<hbm>>) offsets(%dma_start3A_130 : memref<32xi32, #tpu.memory_space<vmem>>) semaphore(%arg10 : memref<!tpu.dma_semaphore, #tpu.memory_space<semaphore_mem>>)
    %dma_start3A_134 = arith.constant 0 : i32
    %dma_start3A_135 = arith.constant 0 : i32
    %dma_start3A_136 = arith.constant 0 : i32
    %dma_start3A_137 = arith.constant 0 : i32
    %dma_start3A_138 = tpu.memref_slice %arg8[%dma_start3A_134, %dma_start3A_136, %dma_start3A_137] : memref<2x32x1024xf32, #tpu.memory_space<vmem>> -> memref<1x32x1024xf32, #tpu.memory_space<vmem>>
    %dma_start3A_139 = tpu.memref_squeeze %dma_start3A_138 : memref<1x32x1024xf32, #tpu.memory_space<vmem>> -> memref<32x1024xf32, #tpu.memory_space<vmem>>
    %dma_start3A_140 = arith.constant 0 : i32
    %dma_start3A_141 = tpu.memref_slice %arg7[%dma_start3A_135, %dma_start3A_140] : memref<2x32xi32, #tpu.memory_space<vmem>> -> memref<1x32xi32, #tpu.memory_space<vmem>>
    %dma_start3A_142 = tpu.memref_squeeze %dma_start3A_141 : memref<1x32xi32, #tpu.memory_space<vmem>> -> memref<32xi32, #tpu.memory_space<vmem>>
    %dma_start3A_143 = arith.constant 0 : i32
    %dma_start3A_144 = arith.constant 0 : i32
    %dma_start3A_145 = tpu.memref_slice %arg5[%dma_start3A_143, %dma_start3A_144] : memref<9216x1024xf32, #tpu.memory_space<hbm>> -> memref<9216x1024xf32, #tpu.memory_space<hbm>>
    tpu.enqueue_indirect_dma source(%dma_start3A_139 : memref<32x1024xf32, #tpu.memory_space<vmem>>) target(%dma_start3A_145 : memref<9216x1024xf32, #tpu.memory_space<hbm>>) offsets(%dma_start3A_142 : memref<32xi32, #tpu.memory_space<vmem>>) semaphore(%arg10 : memref<!tpu.dma_semaphore, #tpu.memory_space<semaphore_mem>>)
    %dma_wait3A_146 = arith.constant 0 : i32
    %dma_wait3A_147 = arith.constant 0 : i32
    %dma_wait3A_148 = arith.constant 0 : i32
    %dma_wait3A_149 = arith.constant 0 : i32
    %dma_wait3A_150 = tpu.memref_slice %arg8[%dma_wait3A_146, %dma_wait3A_148, %dma_wait3A_149] : memref<2x32x1024xf32, #tpu.memory_space<vmem>> -> memref<1x32x1024xf32, #tpu.memory_space<vmem>>
    %dma_wait3A_151 = tpu.memref_squeeze %dma_wait3A_150 : memref<1x32x1024xf32, #tpu.memory_space<vmem>> -> memref<32x1024xf32, #tpu.memory_space<vmem>>
    %dma_wait3A_152 = arith.constant 0 : i32
    %dma_wait3A_153 = tpu.memref_slice %arg6[%dma_wait3A_147, %dma_wait3A_152] : memref<2x32xi32, #tpu.memory_space<vmem>> -> memref<1x32xi32, #tpu.memory_space<vmem>>
    %dma_wait3A_154 = tpu.memref_squeeze %dma_wait3A_153 : memref<1x32xi32, #tpu.memory_space<vmem>> -> memref<32xi32, #tpu.memory_space<vmem>>
    %dma_wait3A_155 = arith.constant 0 : i32
    %dma_wait3A_156 = arith.constant 0 : i32
    %dma_wait3A_157 = tpu.memref_slice %arg5[%dma_wait3A_155, %dma_wait3A_156] : memref<9216x1024xf32, #tpu.memory_space<hbm>> -> memref<9216x1024xf32, #tpu.memory_space<hbm>>
    tpu.wait_indirect_dma semaphore(%arg10 : memref<!tpu.dma_semaphore, #tpu.memory_space<semaphore_mem>>) src(%dma_wait3A_151 : memref<32x1024xf32, #tpu.memory_space<vmem>>) dst(%dma_wait3A_157 : memref<9216x1024xf32, #tpu.memory_space<hbm>>)
    %dma_wait3A_158 = arith.constant 0 : i32
    %dma_wait3A_159 = arith.constant 0 : i32
    %dma_wait3A_160 = arith.constant 0 : i32
    %dma_wait3A_161 = arith.constant 0 : i32
    %dma_wait3A_162 = tpu.memref_slice %arg8[%dma_wait3A_158, %dma_wait3A_160, %dma_wait3A_161] : memref<2x32x1024xf32, #tpu.memory_space<vmem>> -> memref<1x32x1024xf32, #tpu.memory_space<vmem>>
    %dma_wait3A_163 = tpu.memref_squeeze %dma_wait3A_162 : memref<1x32x1024xf32, #tpu.memory_space<vmem>> -> memref<32x1024xf32, #tpu.memory_space<vmem>>
    %dma_wait3A_164 = arith.constant 0 : i32
    %dma_wait3A_165 = tpu.memref_slice %arg7[%dma_wait3A_159, %dma_wait3A_164] : memref<2x32xi32, #tpu.memory_space<vmem>> -> memref<1x32xi32, #tpu.memory_space<vmem>>
    %dma_wait3A_166 = tpu.memref_squeeze %dma_wait3A_165 : memref<1x32xi32, #tpu.memory_space<vmem>> -> memref<32xi32, #tpu.memory_space<vmem>>
    %dma_wait3A_167 = arith.constant 0 : i32
    %dma_wait3A_168 = arith.constant 0 : i32
    %dma_wait3A_169 = tpu.memref_slice %arg5[%dma_wait3A_167, %dma_wait3A_168] : memref<9216x1024xf32, #tpu.memory_space<hbm>> -> memref<9216x1024xf32, #tpu.memory_space<hbm>>
    tpu.wait_indirect_dma semaphore(%arg10 : memref<!tpu.dma_semaphore, #tpu.memory_space<semaphore_mem>>) src(%dma_wait3A_163 : memref<32x1024xf32, #tpu.memory_space<vmem>>) dst(%dma_wait3A_169 : memref<9216x1024xf32, #tpu.memory_space<hbm>>)
    %add3A_170 = arith.constant 64 : i32
    %add3A_171 = arith.addi %mul3A_2, %add3A_170 : i32
    %dma_start3A_172 = arith.constant 0 : i32
    %dma_start3A_173 = arith.constant 0 : i32
    %dma_start3A_174 = tpu.memref_slice %arg6[%dma_start3A_172, %dma_start3A_173] : memref<2x32xi32, #tpu.memory_space<vmem>> -> memref<1x32xi32, #tpu.memory_space<vmem>>
    %dma_start3A_175 = tpu.memref_squeeze %dma_start3A_174 : memref<1x32xi32, #tpu.memory_space<vmem>> -> memref<32xi32, #tpu.memory_space<vmem>>
    %dma_start3A_176 = arith.constant 64 : i32
    %dma_start3A_177 = tpu.memref_slice %arg3[%add3A, %dma_start3A_176] : memref<32x128xi32, #tpu.memory_space<hbm>> -> memref<1x32xi32, #tpu.memory_space<hbm>>
    %dma_start3A_178 = tpu.memref_squeeze %dma_start3A_177 : memref<1x32xi32, #tpu.memory_space<hbm>> -> memref<32xi32, #tpu.memory_space<hbm>>
    %dma_start3A_179 = arith.constant 0 : i32
    %dma_start3A_180 = tpu.memref_slice %arg6[%dma_start3A_172, %dma_start3A_179] : memref<2x32xi32, #tpu.memory_space<vmem>> -> memref<1x32xi32, #tpu.memory_space<vmem>>
    %dma_start3A_181 = tpu.memref_squeeze %dma_start3A_180 : memref<1x32xi32, #tpu.memory_space<vmem>> -> memref<32xi32, #tpu.memory_space<vmem>>
    %dma_start3A_182 = arith.constant 64 : i32
    %dma_start3A_183 = tpu.memref_slice %arg3[%add3A, %dma_start3A_182] : memref<32x128xi32, #tpu.memory_space<hbm>> -> memref<1x32xi32, #tpu.memory_space<hbm>>
    %dma_start3A_184 = tpu.memref_squeeze %dma_start3A_183 : memref<1x32xi32, #tpu.memory_space<hbm>> -> memref<32xi32, #tpu.memory_space<hbm>>
    tpu.enqueue_dma source(%dma_start3A_184 : memref<32xi32, #tpu.memory_space<hbm>>) target(%dma_start3A_181 : memref<32xi32, #tpu.memory_space<vmem>>) target_semaphore(%arg9 : memref<!tpu.dma_semaphore, #tpu.memory_space<semaphore_mem>>)
    %dma_start3A_185 = arith.constant 0 : i32
    %dma_start3A_186 = arith.constant 0 : i32
    %dma_start3A_187 = tpu.memref_slice %arg7[%dma_start3A_185, %dma_start3A_186] : memref<2x32xi32, #tpu.memory_space<vmem>> -> memref<1x32xi32, #tpu.memory_space<vmem>>
    %dma_start3A_188 = tpu.memref_squeeze %dma_start3A_187 : memref<1x32xi32, #tpu.memory_space<vmem>> -> memref<32xi32, #tpu.memory_space<vmem>>
    %dma_start3A_189 = arith.constant 64 : i32
    %dma_start3A_190 = tpu.memref_slice %arg4[%add3A, %dma_start3A_189] : memref<32x128xi32, #tpu.memory_space<hbm>> -> memref<1x32xi32, #tpu.memory_space<hbm>>
    %dma_start3A_191 = tpu.memref_squeeze %dma_start3A_190 : memref<1x32xi32, #tpu.memory_space<hbm>> -> memref<32xi32, #tpu.memory_space<hbm>>
    %dma_start3A_192 = arith.constant 0 : i32
    %dma_start3A_193 = tpu.memref_slice %arg7[%dma_start3A_185, %dma_start3A_192] : memref<2x32xi32, #tpu.memory_space<vmem>> -> memref<1x32xi32, #tpu.memory_space<vmem>>
    %dma_start3A_194 = tpu.memref_squeeze %dma_start3A_193 : memref<1x32xi32, #tpu.memory_space<vmem>> -> memref<32xi32, #tpu.memory_space<vmem>>
    %dma_start3A_195 = arith.constant 64 : i32
    %dma_start3A_196 = tpu.memref_slice %arg4[%add3A, %dma_start3A_195] : memref<32x128xi32, #tpu.memory_space<hbm>> -> memref<1x32xi32, #tpu.memory_space<hbm>>
    %dma_start3A_197 = tpu.memref_squeeze %dma_start3A_196 : memref<1x32xi32, #tpu.memory_space<hbm>> -> memref<32xi32, #tpu.memory_space<hbm>>
    tpu.enqueue_dma source(%dma_start3A_197 : memref<32xi32, #tpu.memory_space<hbm>>) target(%dma_start3A_194 : memref<32xi32, #tpu.memory_space<vmem>>) target_semaphore(%arg9 : memref<!tpu.dma_semaphore, #tpu.memory_space<semaphore_mem>>)
    %dma_start3A_198 = arith.constant 0 : i32
    %dma_start3A_199 = arith.constant 0 : i32
    %dma_start3A_200 = arith.constant 0 : i32
    %dma_start3A_201 = tpu.memref_slice %arg8[%dma_start3A_198, %dma_start3A_199, %dma_start3A_200] : memref<2x32x1024xf32, #tpu.memory_space<vmem>> -> memref<1x32x1024xf32, #tpu.memory_space<vmem>>
    %dma_start3A_202 = tpu.memref_squeeze %dma_start3A_201 : memref<1x32x1024xf32, #tpu.memory_space<vmem>> -> memref<32x1024xf32, #tpu.memory_space<vmem>>
    %dma_start3A_203 = arith.constant 0 : i32
    %dma_start3A_204 = tpu.memref_slice %arg2[%add3A_171, %dma_start3A_203] : memref<4096x1024xf32, #tpu.memory_space<hbm>> -> memref<32x1024xf32, #tpu.memory_space<hbm>>
    %dma_start3A_205 = arith.constant 0 : i32
    %dma_start3A_206 = arith.constant 0 : i32
    %dma_start3A_207 = tpu.memref_slice %arg8[%dma_start3A_198, %dma_start3A_205, %dma_start3A_206] : memref<2x32x1024xf32, #tpu.memory_space<vmem>> -> memref<1x32x1024xf32, #tpu.memory_space<vmem>>
    %dma_start3A_208 = tpu.memref_squeeze %dma_start3A_207 : memref<1x32x1024xf32, #tpu.memory_space<vmem>> -> memref<32x1024xf32, #tpu.memory_space<vmem>>
    %dma_start3A_209 = arith.constant 0 : i32
    %dma_start3A_210 = tpu.memref_slice %arg2[%add3A_171, %dma_start3A_209] : memref<4096x1024xf32, #tpu.memory_space<hbm>> -> memref<32x1024xf32, #tpu.memory_space<hbm>>
    tpu.enqueue_dma source(%dma_start3A_210 : memref<32x1024xf32, #tpu.memory_space<hbm>>) target(%dma_start3A_208 : memref<32x1024xf32, #tpu.memory_space<vmem>>) target_semaphore(%arg9 : memref<!tpu.dma_semaphore, #tpu.memory_space<semaphore_mem>>)
    %dma_wait3A_211 = arith.constant 1 : i32
    %dma_wait3A_212 = arith.constant 0 : i32
    %dma_wait3A_213 = tpu.memref_slice %arg6[%dma_wait3A_211, %dma_wait3A_212] : memref<2x32xi32, #tpu.memory_space<vmem>> -> memref<1x32xi32, #tpu.memory_space<vmem>>
    %dma_wait3A_214 = tpu.memref_squeeze %dma_wait3A_213 : memref<1x32xi32, #tpu.memory_space<vmem>> -> memref<32xi32, #tpu.memory_space<vmem>>
    %dma_wait3A_215 = arith.constant 32 : i32
    %dma_wait3A_216 = tpu.memref_slice %arg3[%add3A, %dma_wait3A_215] : memref<32x128xi32, #tpu.memory_space<hbm>> -> memref<1x32xi32, #tpu.memory_space<hbm>>
    %dma_wait3A_217 = tpu.memref_squeeze %dma_wait3A_216 : memref<1x32xi32, #tpu.memory_space<hbm>> -> memref<32xi32, #tpu.memory_space<hbm>>
    %dma_wait3A_218 = arith.constant 0 : i32
    %dma_wait3A_219 = tpu.memref_slice %arg6[%dma_wait3A_211, %dma_wait3A_218] : memref<2x32xi32, #tpu.memory_space<vmem>> -> memref<1x32xi32, #tpu.memory_space<vmem>>
    %dma_wait3A_220 = tpu.memref_squeeze %dma_wait3A_219 : memref<1x32xi32, #tpu.memory_space<vmem>> -> memref<32xi32, #tpu.memory_space<vmem>>
    %dma_wait3A_221 = arith.constant 32 : i32
    %dma_wait3A_222 = tpu.memref_slice %arg3[%add3A, %dma_wait3A_221] : memref<32x128xi32, #tpu.memory_space<hbm>> -> memref<1x32xi32, #tpu.memory_space<hbm>>
    %dma_wait3A_223 = tpu.memref_squeeze %dma_wait3A_222 : memref<1x32xi32, #tpu.memory_space<hbm>> -> memref<32xi32, #tpu.memory_space<hbm>>
    tpu.wait_dma2 semaphore(%arg9 : memref<!tpu.dma_semaphore, #tpu.memory_space<semaphore_mem>>) src(%dma_wait3A_223 : memref<32xi32, #tpu.memory_space<hbm>>) dst(%dma_wait3A_220 : memref<32xi32, #tpu.memory_space<vmem>>)
    %dma_wait3A_224 = arith.constant 1 : i32
    %dma_wait3A_225 = arith.constant 0 : i32
    %dma_wait3A_226 = tpu.memref_slice %arg7[%dma_wait3A_224, %dma_wait3A_225] : memref<2x32xi32, #tpu.memory_space<vmem>> -> memref<1x32xi32, #tpu.memory_space<vmem>>
    %dma_wait3A_227 = tpu.memref_squeeze %dma_wait3A_226 : memref<1x32xi32, #tpu.memory_space<vmem>> -> memref<32xi32, #tpu.memory_space<vmem>>
    %dma_wait3A_228 = arith.constant 32 : i32
    %dma_wait3A_229 = tpu.memref_slice %arg4[%add3A, %dma_wait3A_228] : memref<32x128xi32, #tpu.memory_space<hbm>> -> memref<1x32xi32, #tpu.memory_space<hbm>>
    %dma_wait3A_230 = tpu.memref_squeeze %dma_wait3A_229 : memref<1x32xi32, #tpu.memory_space<hbm>> -> memref<32xi32, #tpu.memory_space<hbm>>
    %dma_wait3A_231 = arith.constant 0 : i32
    %dma_wait3A_232 = tpu.memref_slice %arg7[%dma_wait3A_224, %dma_wait3A_231] : memref<2x32xi32, #tpu.memory_space<vmem>> -> memref<1x32xi32, #tpu.memory_space<vmem>>
    %dma_wait3A_233 = tpu.memref_squeeze %dma_wait3A_232 : memref<1x32xi32, #tpu.memory_space<vmem>> -> memref<32xi32, #tpu.memory_space<vmem>>
    %dma_wait3A_234 = arith.constant 32 : i32
    %dma_wait3A_235 = tpu.memref_slice %arg4[%add3A, %dma_wait3A_234] : memref<32x128xi32, #tpu.memory_space<hbm>> -> memref<1x32xi32, #tpu.memory_space<hbm>>
    %dma_wait3A_236 = tpu.memref_squeeze %dma_wait3A_235 : memref<1x32xi32, #tpu.memory_space<hbm>> -> memref<32xi32, #tpu.memory_space<hbm>>
    tpu.wait_dma2 semaphore(%arg9 : memref<!tpu.dma_semaphore, #tpu.memory_space<semaphore_mem>>) src(%dma_wait3A_236 : memref<32xi32, #tpu.memory_space<hbm>>) dst(%dma_wait3A_233 : memref<32xi32, #tpu.memory_space<vmem>>)
    %dma_wait3A_237 = arith.constant 1 : i32
    %dma_wait3A_238 = arith.constant 0 : i32
    %dma_wait3A_239 = arith.constant 0 : i32
    %dma_wait3A_240 = tpu.memref_slice %arg8[%dma_wait3A_237, %dma_wait3A_238, %dma_wait3A_239] : memref<2x32x1024xf32, #tpu.memory_space<vmem>> -> memref<1x32x1024xf32, #tpu.memory_space<vmem>>
    %dma_wait3A_241 = tpu.memref_squeeze %dma_wait3A_240 : memref<1x32x1024xf32, #tpu.memory_space<vmem>> -> memref<32x1024xf32, #tpu.memory_space<vmem>>
    %dma_wait3A_242 = arith.constant 0 : i32
    %dma_wait3A_243 = tpu.memref_slice %arg2[%add3A_44, %dma_wait3A_242] : memref<4096x1024xf32, #tpu.memory_space<hbm>> -> memref<32x1024xf32, #tpu.memory_space<hbm>>
    %dma_wait3A_244 = arith.constant 0 : i32
    %dma_wait3A_245 = arith.constant 0 : i32
    %dma_wait3A_246 = tpu.memref_slice %arg8[%dma_wait3A_237, %dma_wait3A_244, %dma_wait3A_245] : memref<2x32x1024xf32, #tpu.memory_space<vmem>> -> memref<1x32x1024xf32, #tpu.memory_space<vmem>>
    %dma_wait3A_247 = tpu.memref_squeeze %dma_wait3A_246 : memref<1x32x1024xf32, #tpu.memory_space<vmem>> -> memref<32x1024xf32, #tpu.memory_space<vmem>>
    %dma_wait3A_248 = arith.constant 0 : i32
    %dma_wait3A_249 = tpu.memref_slice %arg2[%add3A_44, %dma_wait3A_248] : memref<4096x1024xf32, #tpu.memory_space<hbm>> -> memref<32x1024xf32, #tpu.memory_space<hbm>>
    tpu.wait_dma2 semaphore(%arg9 : memref<!tpu.dma_semaphore, #tpu.memory_space<semaphore_mem>>) src(%dma_wait3A_249 : memref<32x1024xf32, #tpu.memory_space<hbm>>) dst(%dma_wait3A_247 : memref<32x1024xf32, #tpu.memory_space<vmem>>)
    %dma_start3A_250 = arith.constant 1 : i32
    %dma_start3A_251 = arith.constant 1 : i32
    %dma_start3A_252 = arith.constant 0 : i32
    %dma_start3A_253 = arith.constant 0 : i32
    %dma_start3A_254 = tpu.memref_slice %arg8[%dma_start3A_250, %dma_start3A_252, %dma_start3A_253] : memref<2x32x1024xf32, #tpu.memory_space<vmem>> -> memref<1x32x1024xf32, #tpu.memory_space<vmem>>
    %dma_start3A_255 = tpu.memref_squeeze %dma_start3A_254 : memref<1x32x1024xf32, #tpu.memory_space<vmem>> -> memref<32x1024xf32, #tpu.memory_space<vmem>>
    %dma_start3A_256 = arith.constant 0 : i32
    %dma_start3A_257 = tpu.memref_slice %arg6[%dma_start3A_251, %dma_start3A_256] : memref<2x32xi32, #tpu.memory_space<vmem>> -> memref<1x32xi32, #tpu.memory_space<vmem>>
    %dma_start3A_258 = tpu.memref_squeeze %dma_start3A_257 : memref<1x32xi32, #tpu.memory_space<vmem>> -> memref<32xi32, #tpu.memory_space<vmem>>
    %dma_start3A_259 = arith.constant 0 : i32
    %dma_start3A_260 = arith.constant 0 : i32
    %dma_start3A_261 = tpu.memref_slice %arg5[%dma_start3A_259, %dma_start3A_260] : memref<9216x1024xf32, #tpu.memory_space<hbm>> -> memref<9216x1024xf32, #tpu.memory_space<hbm>>
    tpu.enqueue_indirect_dma source(%dma_start3A_255 : memref<32x1024xf32, #tpu.memory_space<vmem>>) target(%dma_start3A_261 : memref<9216x1024xf32, #tpu.memory_space<hbm>>) offsets(%dma_start3A_258 : memref<32xi32, #tpu.memory_space<vmem>>) semaphore(%arg10 : memref<!tpu.dma_semaphore, #tpu.memory_space<semaphore_mem>>)
    %dma_start3A_262 = arith.constant 1 : i32
    %dma_start3A_263 = arith.constant 1 : i32
    %dma_start3A_264 = arith.constant 0 : i32
    %dma_start3A_265 = arith.constant 0 : i32
    %dma_start3A_266 = tpu.memref_slice %arg8[%dma_start3A_262, %dma_start3A_264, %dma_start3A_265] : memref<2x32x1024xf32, #tpu.memory_space<vmem>> -> memref<1x32x1024xf32, #tpu.memory_space<vmem>>
    %dma_start3A_267 = tpu.memref_squeeze %dma_start3A_266 : memref<1x32x1024xf32, #tpu.memory_space<vmem>> -> memref<32x1024xf32, #tpu.memory_space<vmem>>
    %dma_start3A_268 = arith.constant 0 : i32
    %dma_start3A_269 = tpu.memref_slice %arg7[%dma_start3A_263, %dma_start3A_268] : memref<2x32xi32, #tpu.memory_space<vmem>> -> memref<1x32xi32, #tpu.memory_space<vmem>>
    %dma_start3A_270 = tpu.memref_squeeze %dma_start3A_269 : memref<1x32xi32, #tpu.memory_space<vmem>> -> memref<32xi32, #tpu.memory_space<vmem>>
    %dma_start3A_271 = arith.constant 0 : i32
    %dma_start3A_272 = arith.constant 0 : i32
    %dma_start3A_273 = tpu.memref_slice %arg5[%dma_start3A_271, %dma_start3A_272] : memref<9216x1024xf32, #tpu.memory_space<hbm>> -> memref<9216x1024xf32, #tpu.memory_space<hbm>>
    tpu.enqueue_indirect_dma source(%dma_start3A_267 : memref<32x1024xf32, #tpu.memory_space<vmem>>) target(%dma_start3A_273 : memref<9216x1024xf32, #tpu.memory_space<hbm>>) offsets(%dma_start3A_270 : memref<32xi32, #tpu.memory_space<vmem>>) semaphore(%arg10 : memref<!tpu.dma_semaphore, #tpu.memory_space<semaphore_mem>>)
    %dma_wait3A_274 = arith.constant 1 : i32
    %dma_wait3A_275 = arith.constant 1 : i32
    %dma_wait3A_276 = arith.constant 0 : i32
    %dma_wait3A_277 = arith.constant 0 : i32
    %dma_wait3A_278 = tpu.memref_slice %arg8[%dma_wait3A_274, %dma_wait3A_276, %dma_wait3A_277] : memref<2x32x1024xf32, #tpu.memory_space<vmem>> -> memref<1x32x1024xf32, #tpu.memory_space<vmem>>
    %dma_wait3A_279 = tpu.memref_squeeze %dma_wait3A_278 : memref<1x32x1024xf32, #tpu.memory_space<vmem>> -> memref<32x1024xf32, #tpu.memory_space<vmem>>
    %dma_wait3A_280 = arith.constant 0 : i32
    %dma_wait3A_281 = tpu.memref_slice %arg6[%dma_wait3A_275, %dma_wait3A_280] : memref<2x32xi32, #tpu.memory_space<vmem>> -> memref<1x32xi32, #tpu.memory_space<vmem>>
    %dma_wait3A_282 = tpu.memref_squeeze %dma_wait3A_281 : memref<1x32xi32, #tpu.memory_space<vmem>> -> memref<32xi32, #tpu.memory_space<vmem>>
    %dma_wait3A_283 = arith.constant 0 : i32
    %dma_wait3A_284 = arith.constant 0 : i32
    %dma_wait3A_285 = tpu.memref_slice %arg5[%dma_wait3A_283, %dma_wait3A_284] : memref<9216x1024xf32, #tpu.memory_space<hbm>> -> memref<9216x1024xf32, #tpu.memory_space<hbm>>
    tpu.wait_indirect_dma semaphore(%arg10 : memref<!tpu.dma_semaphore, #tpu.memory_space<semaphore_mem>>) src(%dma_wait3A_279 : memref<32x1024xf32, #tpu.memory_space<vmem>>) dst(%dma_wait3A_285 : memref<9216x1024xf32, #tpu.memory_space<hbm>>)
    %dma_wait3A_286 = arith.constant 1 : i32
    %dma_wait3A_287 = arith.constant 1 : i32
    %dma_wait3A_288 = arith.constant 0 : i32
    %dma_wait3A_289 = arith.constant 0 : i32
    %dma_wait3A_290 = tpu.memref_slice %arg8[%dma_wait3A_286, %dma_wait3A_288, %dma_wait3A_289] : memref<2x32x1024xf32, #tpu.memory_space<vmem>> -> memref<1x32x1024xf32, #tpu.memory_space<vmem>>
    %dma_wait3A_291 = tpu.memref_squeeze %dma_wait3A_290 : memref<1x32x1024xf32, #tpu.memory_space<vmem>> -> memref<32x1024xf32, #tpu.memory_space<vmem>>
    %dma_wait3A_292 = arith.constant 0 : i32
    %dma_wait3A_293 = tpu.memref_slice %arg7[%dma_wait3A_287, %dma_wait3A_292] : memref<2x32xi32, #tpu.memory_space<vmem>> -> memref<1x32xi32, #tpu.memory_space<vmem>>
    %dma_wait3A_294 = tpu.memref_squeeze %dma_wait3A_293 : memref<1x32xi32, #tpu.memory_space<vmem>> -> memref<32xi32, #tpu.memory_space<vmem>>
    %dma_wait3A_295 = arith.constant 0 : i32
    %dma_wait3A_296 = arith.constant 0 : i32
    %dma_wait3A_297 = tpu.memref_slice %arg5[%dma_wait3A_295, %dma_wait3A_296] : memref<9216x1024xf32, #tpu.memory_space<hbm>> -> memref<9216x1024xf32, #tpu.memory_space<hbm>>
    tpu.wait_indirect_dma semaphore(%arg10 : memref<!tpu.dma_semaphore, #tpu.memory_space<semaphore_mem>>) src(%dma_wait3A_291 : memref<32x1024xf32, #tpu.memory_space<vmem>>) dst(%dma_wait3A_297 : memref<9216x1024xf32, #tpu.memory_space<hbm>>)
    %add3A_298 = arith.constant 96 : i32
    %add3A_299 = arith.addi %mul3A_2, %add3A_298 : i32
    %dma_start3A_300 = arith.constant 1 : i32
    %dma_start3A_301 = arith.constant 0 : i32
    %dma_start3A_302 = tpu.memref_slice %arg6[%dma_start3A_300, %dma_start3A_301] : memref<2x32xi32, #tpu.memory_space<vmem>> -> memref<1x32xi32, #tpu.memory_space<vmem>>
    %dma_start3A_303 = tpu.memref_squeeze %dma_start3A_302 : memref<1x32xi32, #tpu.memory_space<vmem>> -> memref<32xi32, #tpu.memory_space<vmem>>
    %dma_start3A_304 = arith.constant 96 : i32
    %dma_start3A_305 = tpu.memref_slice %arg3[%add3A, %dma_start3A_304] : memref<32x128xi32, #tpu.memory_space<hbm>> -> memref<1x32xi32, #tpu.memory_space<hbm>>
    %dma_start3A_306 = tpu.memref_squeeze %dma_start3A_305 : memref<1x32xi32, #tpu.memory_space<hbm>> -> memref<32xi32, #tpu.memory_space<hbm>>
    %dma_start3A_307 = arith.constant 0 : i32
    %dma_start3A_308 = tpu.memref_slice %arg6[%dma_start3A_300, %dma_start3A_307] : memref<2x32xi32, #tpu.memory_space<vmem>> -> memref<1x32xi32, #tpu.memory_space<vmem>>
    %dma_start3A_309 = tpu.memref_squeeze %dma_start3A_308 : memref<1x32xi32, #tpu.memory_space<vmem>> -> memref<32xi32, #tpu.memory_space<vmem>>
    %dma_start3A_310 = arith.constant 96 : i32
    %dma_start3A_311 = tpu.memref_slice %arg3[%add3A, %dma_start3A_310] : memref<32x128xi32, #tpu.memory_space<hbm>> -> memref<1x32xi32, #tpu.memory_space<hbm>>
    %dma_start3A_312 = tpu.memref_squeeze %dma_start3A_311 : memref<1x32xi32, #tpu.memory_space<hbm>> -> memref<32xi32, #tpu.memory_space<hbm>>
    tpu.enqueue_dma source(%dma_start3A_312 : memref<32xi32, #tpu.memory_space<hbm>>) target(%dma_start3A_309 : memref<32xi32, #tpu.memory_space<vmem>>) target_semaphore(%arg9 : memref<!tpu.dma_semaphore, #tpu.memory_space<semaphore_mem>>)
    %dma_start3A_313 = arith.constant 1 : i32
    %dma_start3A_314 = arith.constant 0 : i32
    %dma_start3A_315 = tpu.memref_slice %arg7[%dma_start3A_313, %dma_start3A_314] : memref<2x32xi32, #tpu.memory_space<vmem>> -> memref<1x32xi32, #tpu.memory_space<vmem>>
    %dma_start3A_316 = tpu.memref_squeeze %dma_start3A_315 : memref<1x32xi32, #tpu.memory_space<vmem>> -> memref<32xi32, #tpu.memory_space<vmem>>
    %dma_start3A_317 = arith.constant 96 : i32
    %dma_start3A_318 = tpu.memref_slice %arg4[%add3A, %dma_start3A_317] : memref<32x128xi32, #tpu.memory_space<hbm>> -> memref<1x32xi32, #tpu.memory_space<hbm>>
    %dma_start3A_319 = tpu.memref_squeeze %dma_start3A_318 : memref<1x32xi32, #tpu.memory_space<hbm>> -> memref<32xi32, #tpu.memory_space<hbm>>
    %dma_start3A_320 = arith.constant 0 : i32
    %dma_start3A_321 = tpu.memref_slice %arg7[%dma_start3A_313, %dma_start3A_320] : memref<2x32xi32, #tpu.memory_space<vmem>> -> memref<1x32xi32, #tpu.memory_space<vmem>>
    %dma_start3A_322 = tpu.memref_squeeze %dma_start3A_321 : memref<1x32xi32, #tpu.memory_space<vmem>> -> memref<32xi32, #tpu.memory_space<vmem>>
    %dma_start3A_323 = arith.constant 96 : i32
    %dma_start3A_324 = tpu.memref_slice %arg4[%add3A, %dma_start3A_323] : memref<32x128xi32, #tpu.memory_space<hbm>> -> memref<1x32xi32, #tpu.memory_space<hbm>>
    %dma_start3A_325 = tpu.memref_squeeze %dma_start3A_324 : memref<1x32xi32, #tpu.memory_space<hbm>> -> memref<32xi32, #tpu.memory_space<hbm>>
    tpu.enqueue_dma source(%dma_start3A_325 : memref<32xi32, #tpu.memory_space<hbm>>) target(%dma_start3A_322 : memref<32xi32, #tpu.memory_space<vmem>>) target_semaphore(%arg9 : memref<!tpu.dma_semaphore, #tpu.memory_space<semaphore_mem>>)
    %dma_start3A_326 = arith.constant 1 : i32
    %dma_start3A_327 = arith.constant 0 : i32
    %dma_start3A_328 = arith.constant 0 : i32
    %dma_start3A_329 = tpu.memref_slice %arg8[%dma_start3A_326, %dma_start3A_327, %dma_start3A_328] : memref<2x32x1024xf32, #tpu.memory_space<vmem>> -> memref<1x32x1024xf32, #tpu.memory_space<vmem>>
    %dma_start3A_330 = tpu.memref_squeeze %dma_start3A_329 : memref<1x32x1024xf32, #tpu.memory_space<vmem>> -> memref<32x1024xf32, #tpu.memory_space<vmem>>
    %dma_start3A_331 = arith.constant 0 : i32
    %dma_start3A_332 = tpu.memref_slice %arg2[%add3A_299, %dma_start3A_331] : memref<4096x1024xf32, #tpu.memory_space<hbm>> -> memref<32x1024xf32, #tpu.memory_space<hbm>>
    %dma_start3A_333 = arith.constant 0 : i32
    %dma_start3A_334 = arith.constant 0 : i32
    %dma_start3A_335 = tpu.memref_slice %arg8[%dma_start3A_326, %dma_start3A_333, %dma_start3A_334] : memref<2x32x1024xf32, #tpu.memory_space<vmem>> -> memref<1x32x1024xf32, #tpu.memory_space<vmem>>
    %dma_start3A_336 = tpu.memref_squeeze %dma_start3A_335 : memref<1x32x1024xf32, #tpu.memory_space<vmem>> -> memref<32x1024xf32, #tpu.memory_space<vmem>>
    %dma_start3A_337 = arith.constant 0 : i32
    %dma_start3A_338 = tpu.memref_slice %arg2[%add3A_299, %dma_start3A_337] : memref<4096x1024xf32, #tpu.memory_space<hbm>> -> memref<32x1024xf32, #tpu.memory_space<hbm>>
    tpu.enqueue_dma source(%dma_start3A_338 : memref<32x1024xf32, #tpu.memory_space<hbm>>) target(%dma_start3A_336 : memref<32x1024xf32, #tpu.memory_space<vmem>>) target_semaphore(%arg9 : memref<!tpu.dma_semaphore, #tpu.memory_space<semaphore_mem>>)
    %dma_wait3A_339 = arith.constant 0 : i32
    %dma_wait3A_340 = arith.constant 0 : i32
    %dma_wait3A_341 = tpu.memref_slice %arg6[%dma_wait3A_339, %dma_wait3A_340] : memref<2x32xi32, #tpu.memory_space<vmem>> -> memref<1x32xi32, #tpu.memory_space<vmem>>
    %dma_wait3A_342 = tpu.memref_squeeze %dma_wait3A_341 : memref<1x32xi32, #tpu.memory_space<vmem>> -> memref<32xi32, #tpu.memory_space<vmem>>
    %dma_wait3A_343 = arith.constant 64 : i32
    %dma_wait3A_344 = tpu.memref_slice %arg3[%add3A, %dma_wait3A_343] : memref<32x128xi32, #tpu.memory_space<hbm>> -> memref<1x32xi32, #tpu.memory_space<hbm>>
    %dma_wait3A_345 = tpu.memref_squeeze %dma_wait3A_344 : memref<1x32xi32, #tpu.memory_space<hbm>> -> memref<32xi32, #tpu.memory_space<hbm>>
    %dma_wait3A_346 = arith.constant 0 : i32
    %dma_wait3A_347 = tpu.memref_slice %arg6[%dma_wait3A_339, %dma_wait3A_346] : memref<2x32xi32, #tpu.memory_space<vmem>> -> memref<1x32xi32, #tpu.memory_space<vmem>>
    %dma_wait3A_348 = tpu.memref_squeeze %dma_wait3A_347 : memref<1x32xi32, #tpu.memory_space<vmem>> -> memref<32xi32, #tpu.memory_space<vmem>>
    %dma_wait3A_349 = arith.constant 64 : i32
    %dma_wait3A_350 = tpu.memref_slice %arg3[%add3A, %dma_wait3A_349] : memref<32x128xi32, #tpu.memory_space<hbm>> -> memref<1x32xi32, #tpu.memory_space<hbm>>
    %dma_wait3A_351 = tpu.memref_squeeze %dma_wait3A_350 : memref<1x32xi32, #tpu.memory_space<hbm>> -> memref<32xi32, #tpu.memory_space<hbm>>
    tpu.wait_dma2 semaphore(%arg9 : memref<!tpu.dma_semaphore, #tpu.memory_space<semaphore_mem>>) src(%dma_wait3A_351 : memref<32xi32, #tpu.memory_space<hbm>>) dst(%dma_wait3A_348 : memref<32xi32, #tpu.memory_space<vmem>>)
    %dma_wait3A_352 = arith.constant 0 : i32
    %dma_wait3A_353 = arith.constant 0 : i32
    %dma_wait3A_354 = tpu.memref_slice %arg7[%dma_wait3A_352, %dma_wait3A_353] : memref<2x32xi32, #tpu.memory_space<vmem>> -> memref<1x32xi32, #tpu.memory_space<vmem>>
    %dma_wait3A_355 = tpu.memref_squeeze %dma_wait3A_354 : memref<1x32xi32, #tpu.memory_space<vmem>> -> memref<32xi32, #tpu.memory_space<vmem>>
    %dma_wait3A_356 = arith.constant 64 : i32
    %dma_wait3A_357 = tpu.memref_slice %arg4[%add3A, %dma_wait3A_356] : memref<32x128xi32, #tpu.memory_space<hbm>> -> memref<1x32xi32, #tpu.memory_space<hbm>>
    %dma_wait3A_358 = tpu.memref_squeeze %dma_wait3A_357 : memref<1x32xi32, #tpu.memory_space<hbm>> -> memref<32xi32, #tpu.memory_space<hbm>>
    %dma_wait3A_359 = arith.constant 0 : i32
    %dma_wait3A_360 = tpu.memref_slice %arg7[%dma_wait3A_352, %dma_wait3A_359] : memref<2x32xi32, #tpu.memory_space<vmem>> -> memref<1x32xi32, #tpu.memory_space<vmem>>
    %dma_wait3A_361 = tpu.memref_squeeze %dma_wait3A_360 : memref<1x32xi32, #tpu.memory_space<vmem>> -> memref<32xi32, #tpu.memory_space<vmem>>
    %dma_wait3A_362 = arith.constant 64 : i32
    %dma_wait3A_363 = tpu.memref_slice %arg4[%add3A, %dma_wait3A_362] : memref<32x128xi32, #tpu.memory_space<hbm>> -> memref<1x32xi32, #tpu.memory_space<hbm>>
    %dma_wait3A_364 = tpu.memref_squeeze %dma_wait3A_363 : memref<1x32xi32, #tpu.memory_space<hbm>> -> memref<32xi32, #tpu.memory_space<hbm>>
    tpu.wait_dma2 semaphore(%arg9 : memref<!tpu.dma_semaphore, #tpu.memory_space<semaphore_mem>>) src(%dma_wait3A_364 : memref<32xi32, #tpu.memory_space<hbm>>) dst(%dma_wait3A_361 : memref<32xi32, #tpu.memory_space<vmem>>)
    %dma_wait3A_365 = arith.constant 0 : i32
    %dma_wait3A_366 = arith.constant 0 : i32
    %dma_wait3A_367 = arith.constant 0 : i32
    %dma_wait3A_368 = tpu.memref_slice %arg8[%dma_wait3A_365, %dma_wait3A_366, %dma_wait3A_367] : memref<2x32x1024xf32, #tpu.memory_space<vmem>> -> memref<1x32x1024xf32, #tpu.memory_space<vmem>>
    %dma_wait3A_369 = tpu.memref_squeeze %dma_wait3A_368 : memref<1x32x1024xf32, #tpu.memory_space<vmem>> -> memref<32x1024xf32, #tpu.memory_space<vmem>>
    %dma_wait3A_370 = arith.constant 0 : i32
    %dma_wait3A_371 = tpu.memref_slice %arg2[%add3A_171, %dma_wait3A_370] : memref<4096x1024xf32, #tpu.memory_space<hbm>> -> memref<32x1024xf32, #tpu.memory_space<hbm>>
    %dma_wait3A_372 = arith.constant 0 : i32
    %dma_wait3A_373 = arith.constant 0 : i32
    %dma_wait3A_374 = tpu.memref_slice %arg8[%dma_wait3A_365, %dma_wait3A_372, %dma_wait3A_373] : memref<2x32x1024xf32, #tpu.memory_space<vmem>> -> memref<1x32x1024xf32, #tpu.memory_space<vmem>>
    %dma_wait3A_375 = tpu.memref_squeeze %dma_wait3A_374 : memref<1x32x1024xf32, #tpu.memory_space<vmem>> -> memref<32x1024xf32, #tpu.memory_space<vmem>>
    %dma_wait3A_376 = arith.constant 0 : i32
    %dma_wait3A_377 = tpu.memref_slice %arg2[%add3A_171, %dma_wait3A_376] : memref<4096x1024xf32, #tpu.memory_space<hbm>> -> memref<32x1024xf32, #tpu.memory_space<hbm>>
    tpu.wait_dma2 semaphore(%arg9 : memref<!tpu.dma_semaphore, #tpu.memory_space<semaphore_mem>>) src(%dma_wait3A_377 : memref<32x1024xf32, #tpu.memory_space<hbm>>) dst(%dma_wait3A_375 : memref<32x1024xf32, #tpu.memory_space<vmem>>)
    %dma_start3A_378 = arith.constant 0 : i32
    %dma_start3A_379 = arith.constant 0 : i32
    %dma_start3A_380 = arith.constant 0 : i32
    %dma_start3A_381 = arith.constant 0 : i32
    %dma_start3A_382 = tpu.memref_slice %arg8[%dma_start3A_378, %dma_start3A_380, %dma_start3A_381] : memref<2x32x1024xf32, #tpu.memory_space<vmem>> -> memref<1x32x1024xf32, #tpu.memory_space<vmem>>
    %dma_start3A_383 = tpu.memref_squeeze %dma_start3A_382 : memref<1x32x1024xf32, #tpu.memory_space<vmem>> -> memref<32x1024xf32, #tpu.memory_space<vmem>>
    %dma_start3A_384 = arith.constant 0 : i32
    %dma_start3A_385 = tpu.memref_slice %arg6[%dma_start3A_379, %dma_start3A_384] : memref<2x32xi32, #tpu.memory_space<vmem>> -> memref<1x32xi32, #tpu.memory_space<vmem>>
    %dma_start3A_386 = tpu.memref_squeeze %dma_start3A_385 : memref<1x32xi32, #tpu.memory_space<vmem>> -> memref<32xi32, #tpu.memory_space<vmem>>
    %dma_start3A_387 = arith.constant 0 : i32
    %dma_start3A_388 = arith.constant 0 : i32
    %dma_start3A_389 = tpu.memref_slice %arg5[%dma_start3A_387, %dma_start3A_388] : memref<9216x1024xf32, #tpu.memory_space<hbm>> -> memref<9216x1024xf32, #tpu.memory_space<hbm>>
    tpu.enqueue_indirect_dma source(%dma_start3A_383 : memref<32x1024xf32, #tpu.memory_space<vmem>>) target(%dma_start3A_389 : memref<9216x1024xf32, #tpu.memory_space<hbm>>) offsets(%dma_start3A_386 : memref<32xi32, #tpu.memory_space<vmem>>) semaphore(%arg10 : memref<!tpu.dma_semaphore, #tpu.memory_space<semaphore_mem>>)
    %dma_start3A_390 = arith.constant 0 : i32
    %dma_start3A_391 = arith.constant 0 : i32
    %dma_start3A_392 = arith.constant 0 : i32
    %dma_start3A_393 = arith.constant 0 : i32
    %dma_start3A_394 = tpu.memref_slice %arg8[%dma_start3A_390, %dma_start3A_392, %dma_start3A_393] : memref<2x32x1024xf32, #tpu.memory_space<vmem>> -> memref<1x32x1024xf32, #tpu.memory_space<vmem>>
    %dma_start3A_395 = tpu.memref_squeeze %dma_start3A_394 : memref<1x32x1024xf32, #tpu.memory_space<vmem>> -> memref<32x1024xf32, #tpu.memory_space<vmem>>
    %dma_start3A_396 = arith.constant 0 : i32
    %dma_start3A_397 = tpu.memref_slice %arg7[%dma_start3A_391, %dma_start3A_396] : memref<2x32xi32, #tpu.memory_space<vmem>> -> memref<1x32xi32, #tpu.memory_space<vmem>>
    %dma_start3A_398 = tpu.memref_squeeze %dma_start3A_397 : memref<1x32xi32, #tpu.memory_space<vmem>> -> memref<32xi32, #tpu.memory_space<vmem>>
    %dma_start3A_399 = arith.constant 0 : i32
    %dma_start3A_400 = arith.constant 0 : i32
    %dma_start3A_401 = tpu.memref_slice %arg5[%dma_start3A_399, %dma_start3A_400] : memref<9216x1024xf32, #tpu.memory_space<hbm>> -> memref<9216x1024xf32, #tpu.memory_space<hbm>>
    tpu.enqueue_indirect_dma source(%dma_start3A_395 : memref<32x1024xf32, #tpu.memory_space<vmem>>) target(%dma_start3A_401 : memref<9216x1024xf32, #tpu.memory_space<hbm>>) offsets(%dma_start3A_398 : memref<32xi32, #tpu.memory_space<vmem>>) semaphore(%arg10 : memref<!tpu.dma_semaphore, #tpu.memory_space<semaphore_mem>>)
    %dma_wait3A_402 = arith.constant 1 : i32
    %dma_wait3A_403 = arith.constant 0 : i32
    %dma_wait3A_404 = tpu.memref_slice %arg6[%dma_wait3A_402, %dma_wait3A_403] : memref<2x32xi32, #tpu.memory_space<vmem>> -> memref<1x32xi32, #tpu.memory_space<vmem>>
    %dma_wait3A_405 = tpu.memref_squeeze %dma_wait3A_404 : memref<1x32xi32, #tpu.memory_space<vmem>> -> memref<32xi32, #tpu.memory_space<vmem>>
    %dma_wait3A_406 = arith.constant 96 : i32
    %dma_wait3A_407 = tpu.memref_slice %arg3[%add3A, %dma_wait3A_406] : memref<32x128xi32, #tpu.memory_space<hbm>> -> memref<1x32xi32, #tpu.memory_space<hbm>>
    %dma_wait3A_408 = tpu.memref_squeeze %dma_wait3A_407 : memref<1x32xi32, #tpu.memory_space<hbm>> -> memref<32xi32, #tpu.memory_space<hbm>>
    %dma_wait3A_409 = arith.constant 0 : i32
    %dma_wait3A_410 = tpu.memref_slice %arg6[%dma_wait3A_402, %dma_wait3A_409] : memref<2x32xi32, #tpu.memory_space<vmem>> -> memref<1x32xi32, #tpu.memory_space<vmem>>
    %dma_wait3A_411 = tpu.memref_squeeze %dma_wait3A_410 : memref<1x32xi32, #tpu.memory_space<vmem>> -> memref<32xi32, #tpu.memory_space<vmem>>
    %dma_wait3A_412 = arith.constant 96 : i32
    %dma_wait3A_413 = tpu.memref_slice %arg3[%add3A, %dma_wait3A_412] : memref<32x128xi32, #tpu.memory_space<hbm>> -> memref<1x32xi32, #tpu.memory_space<hbm>>
    %dma_wait3A_414 = tpu.memref_squeeze %dma_wait3A_413 : memref<1x32xi32, #tpu.memory_space<hbm>> -> memref<32xi32, #tpu.memory_space<hbm>>
    tpu.wait_dma2 semaphore(%arg9 : memref<!tpu.dma_semaphore, #tpu.memory_space<semaphore_mem>>) src(%dma_wait3A_414 : memref<32xi32, #tpu.memory_space<hbm>>) dst(%dma_wait3A_411 : memref<32xi32, #tpu.memory_space<vmem>>)
    %dma_wait3A_415 = arith.constant 1 : i32
    %dma_wait3A_416 = arith.constant 0 : i32
    %dma_wait3A_417 = tpu.memref_slice %arg7[%dma_wait3A_415, %dma_wait3A_416] : memref<2x32xi32, #tpu.memory_space<vmem>> -> memref<1x32xi32, #tpu.memory_space<vmem>>
    %dma_wait3A_418 = tpu.memref_squeeze %dma_wait3A_417 : memref<1x32xi32, #tpu.memory_space<vmem>> -> memref<32xi32, #tpu.memory_space<vmem>>
    %dma_wait3A_419 = arith.constant 96 : i32
    %dma_wait3A_420 = tpu.memref_slice %arg4[%add3A, %dma_wait3A_419] : memref<32x128xi32, #tpu.memory_space<hbm>> -> memref<1x32xi32, #tpu.memory_space<hbm>>
    %dma_wait3A_421 = tpu.memref_squeeze %dma_wait3A_420 : memref<1x32xi32, #tpu.memory_space<hbm>> -> memref<32xi32, #tpu.memory_space<hbm>>
    %dma_wait3A_422 = arith.constant 0 : i32
    %dma_wait3A_423 = tpu.memref_slice %arg7[%dma_wait3A_415, %dma_wait3A_422] : memref<2x32xi32, #tpu.memory_space<vmem>> -> memref<1x32xi32, #tpu.memory_space<vmem>>
    %dma_wait3A_424 = tpu.memref_squeeze %dma_wait3A_423 : memref<1x32xi32, #tpu.memory_space<vmem>> -> memref<32xi32, #tpu.memory_space<vmem>>
    %dma_wait3A_425 = arith.constant 96 : i32
    %dma_wait3A_426 = tpu.memref_slice %arg4[%add3A, %dma_wait3A_425] : memref<32x128xi32, #tpu.memory_space<hbm>> -> memref<1x32xi32, #tpu.memory_space<hbm>>
    %dma_wait3A_427 = tpu.memref_squeeze %dma_wait3A_426 : memref<1x32xi32, #tpu.memory_space<hbm>> -> memref<32xi32, #tpu.memory_space<hbm>>
    tpu.wait_dma2 semaphore(%arg9 : memref<!tpu.dma_semaphore, #tpu.memory_space<semaphore_mem>>) src(%dma_wait3A_427 : memref<32xi32, #tpu.memory_space<hbm>>) dst(%dma_wait3A_424 : memref<32xi32, #tpu.memory_space<vmem>>)
    %dma_wait3A_428 = arith.constant 1 : i32
    %dma_wait3A_429 = arith.constant 0 : i32
    %dma_wait3A_430 = arith.constant 0 : i32
    %dma_wait3A_431 = tpu.memref_slice %arg8[%dma_wait3A_428, %dma_wait3A_429, %dma_wait3A_430] : memref<2x32x1024xf32, #tpu.memory_space<vmem>> -> memref<1x32x1024xf32, #tpu.memory_space<vmem>>
    %dma_wait3A_432 = tpu.memref_squeeze %dma_wait3A_431 : memref<1x32x1024xf32, #tpu.memory_space<vmem>> -> memref<32x1024xf32, #tpu.memory_space<vmem>>
    %dma_wait3A_433 = arith.constant 0 : i32
    %dma_wait3A_434 = tpu.memref_slice %arg2[%add3A_299, %dma_wait3A_433] : memref<4096x1024xf32, #tpu.memory_space<hbm>> -> memref<32x1024xf32, #tpu.memory_space<hbm>>
    %dma_wait3A_435 = arith.constant 0 : i32
    %dma_wait3A_436 = arith.constant 0 : i32
    %dma_wait3A_437 = tpu.memref_slice %arg8[%dma_wait3A_428, %dma_wait3A_435, %dma_wait3A_436] : memref<2x32x1024xf32, #tpu.memory_space<vmem>> -> memref<1x32x1024xf32, #tpu.memory_space<vmem>>
    %dma_wait3A_438 = tpu.memref_squeeze %dma_wait3A_437 : memref<1x32x1024xf32, #tpu.memory_space<vmem>> -> memref<32x1024xf32, #tpu.memory_space<vmem>>
    %dma_wait3A_439 = arith.constant 0 : i32
    %dma_wait3A_440 = tpu.memref_slice %arg2[%add3A_299, %dma_wait3A_439] : memref<4096x1024xf32, #tpu.memory_space<hbm>> -> memref<32x1024xf32, #tpu.memory_space<hbm>>
    tpu.wait_dma2 semaphore(%arg9 : memref<!tpu.dma_semaphore, #tpu.memory_space<semaphore_mem>>) src(%dma_wait3A_440 : memref<32x1024xf32, #tpu.memory_space<hbm>>) dst(%dma_wait3A_438 : memref<32x1024xf32, #tpu.memory_space<vmem>>)
    %dma_start3A_441 = arith.constant 1 : i32
    %dma_start3A_442 = arith.constant 1 : i32
    %dma_start3A_443 = arith.constant 0 : i32
    %dma_start3A_444 = arith.constant 0 : i32
    %dma_start3A_445 = tpu.memref_slice %arg8[%dma_start3A_441, %dma_start3A_443, %dma_start3A_444] : memref<2x32x1024xf32, #tpu.memory_space<vmem>> -> memref<1x32x1024xf32, #tpu.memory_space<vmem>>
    %dma_start3A_446 = tpu.memref_squeeze %dma_start3A_445 : memref<1x32x1024xf32, #tpu.memory_space<vmem>> -> memref<32x1024xf32, #tpu.memory_space<vmem>>
    %dma_start3A_447 = arith.constant 0 : i32
    %dma_start3A_448 = tpu.memref_slice %arg6[%dma_start3A_442, %dma_start3A_447] : memref<2x32xi32, #tpu.memory_space<vmem>> -> memref<1x32xi32, #tpu.memory_space<vmem>>
    %dma_start3A_449 = tpu.memref_squeeze %dma_start3A_448 : memref<1x32xi32, #tpu.memory_space<vmem>> -> memref<32xi32, #tpu.memory_space<vmem>>
    %dma_start3A_450 = arith.constant 0 : i32
    %dma_start3A_451 = arith.constant 0 : i32
    %dma_start3A_452 = tpu.memref_slice %arg5[%dma_start3A_450, %dma_start3A_451] : memref<9216x1024xf32, #tpu.memory_space<hbm>> -> memref<9216x1024xf32, #tpu.memory_space<hbm>>
    tpu.enqueue_indirect_dma source(%dma_start3A_446 : memref<32x1024xf32, #tpu.memory_space<vmem>>) target(%dma_start3A_452 : memref<9216x1024xf32, #tpu.memory_space<hbm>>) offsets(%dma_start3A_449 : memref<32xi32, #tpu.memory_space<vmem>>) semaphore(%arg10 : memref<!tpu.dma_semaphore, #tpu.memory_space<semaphore_mem>>)
    %dma_start3A_453 = arith.constant 1 : i32
    %dma_start3A_454 = arith.constant 1 : i32
    %dma_start3A_455 = arith.constant 0 : i32
    %dma_start3A_456 = arith.constant 0 : i32
    %dma_start3A_457 = tpu.memref_slice %arg8[%dma_start3A_453, %dma_start3A_455, %dma_start3A_456] : memref<2x32x1024xf32, #tpu.memory_space<vmem>> -> memref<1x32x1024xf32, #tpu.memory_space<vmem>>
    %dma_start3A_458 = tpu.memref_squeeze %dma_start3A_457 : memref<1x32x1024xf32, #tpu.memory_space<vmem>> -> memref<32x1024xf32, #tpu.memory_space<vmem>>
    %dma_start3A_459 = arith.constant 0 : i32
    %dma_start3A_460 = tpu.memref_slice %arg7[%dma_start3A_454, %dma_start3A_459] : memref<2x32xi32, #tpu.memory_space<vmem>> -> memref<1x32xi32, #tpu.memory_space<vmem>>
    %dma_start3A_461 = tpu.memref_squeeze %dma_start3A_460 : memref<1x32xi32, #tpu.memory_space<vmem>> -> memref<32xi32, #tpu.memory_space<vmem>>
    %dma_start3A_462 = arith.constant 0 : i32
    %dma_start3A_463 = arith.constant 0 : i32
    %dma_start3A_464 = tpu.memref_slice %arg5[%dma_start3A_462, %dma_start3A_463] : memref<9216x1024xf32, #tpu.memory_space<hbm>> -> memref<9216x1024xf32, #tpu.memory_space<hbm>>
    tpu.enqueue_indirect_dma source(%dma_start3A_458 : memref<32x1024xf32, #tpu.memory_space<vmem>>) target(%dma_start3A_464 : memref<9216x1024xf32, #tpu.memory_space<hbm>>) offsets(%dma_start3A_461 : memref<32xi32, #tpu.memory_space<vmem>>) semaphore(%arg10 : memref<!tpu.dma_semaphore, #tpu.memory_space<semaphore_mem>>)
    %dma_wait3A_465 = arith.constant 0 : i32
    %dma_wait3A_466 = arith.constant 0 : i32
    %dma_wait3A_467 = arith.constant 0 : i32
    %dma_wait3A_468 = arith.constant 0 : i32
    %dma_wait3A_469 = tpu.memref_slice %arg8[%dma_wait3A_465, %dma_wait3A_467, %dma_wait3A_468] : memref<2x32x1024xf32, #tpu.memory_space<vmem>> -> memref<1x32x1024xf32, #tpu.memory_space<vmem>>
    %dma_wait3A_470 = tpu.memref_squeeze %dma_wait3A_469 : memref<1x32x1024xf32, #tpu.memory_space<vmem>> -> memref<32x1024xf32, #tpu.memory_space<vmem>>
    %dma_wait3A_471 = arith.constant 0 : i32
    %dma_wait3A_472 = tpu.memref_slice %arg6[%dma_wait3A_466, %dma_wait3A_471] : memref<2x32xi32, #tpu.memory_space<vmem>> -> memref<1x32xi32, #tpu.memory_space<vmem>>
    %dma_wait3A_473 = tpu.memref_squeeze %dma_wait3A_472 : memref<1x32xi32, #tpu.memory_space<vmem>> -> memref<32xi32, #tpu.memory_space<vmem>>
    %dma_wait3A_474 = arith.constant 0 : i32
    %dma_wait3A_475 = arith.constant 0 : i32
    %dma_wait3A_476 = tpu.memref_slice %arg5[%dma_wait3A_474, %dma_wait3A_475] : memref<9216x1024xf32, #tpu.memory_space<hbm>> -> memref<9216x1024xf32, #tpu.memory_space<hbm>>
    tpu.wait_indirect_dma semaphore(%arg10 : memref<!tpu.dma_semaphore, #tpu.memory_space<semaphore_mem>>) src(%dma_wait3A_470 : memref<32x1024xf32, #tpu.memory_space<vmem>>) dst(%dma_wait3A_476 : memref<9216x1024xf32, #tpu.memory_space<hbm>>)
    %dma_wait3A_477 = arith.constant 0 : i32
    %dma_wait3A_478 = arith.constant 0 : i32
    %dma_wait3A_479 = arith.constant 0 : i32
    %dma_wait3A_480 = arith.constant 0 : i32
    %dma_wait3A_481 = tpu.memref_slice %arg8[%dma_wait3A_477, %dma_wait3A_479, %dma_wait3A_480] : memref<2x32x1024xf32, #tpu.memory_space<vmem>> -> memref<1x32x1024xf32, #tpu.memory_space<vmem>>
    %dma_wait3A_482 = tpu.memref_squeeze %dma_wait3A_481 : memref<1x32x1024xf32, #tpu.memory_space<vmem>> -> memref<32x1024xf32, #tpu.memory_space<vmem>>
    %dma_wait3A_483 = arith.constant 0 : i32
    %dma_wait3A_484 = tpu.memref_slice %arg7[%dma_wait3A_478, %dma_wait3A_483] : memref<2x32xi32, #tpu.memory_space<vmem>> -> memref<1x32xi32, #tpu.memory_space<vmem>>
    %dma_wait3A_485 = tpu.memref_squeeze %dma_wait3A_484 : memref<1x32xi32, #tpu.memory_space<vmem>> -> memref<32xi32, #tpu.memory_space<vmem>>
    %dma_wait3A_486 = arith.constant 0 : i32
    %dma_wait3A_487 = arith.constant 0 : i32
    %dma_wait3A_488 = tpu.memref_slice %arg5[%dma_wait3A_486, %dma_wait3A_487] : memref<9216x1024xf32, #tpu.memory_space<hbm>> -> memref<9216x1024xf32, #tpu.memory_space<hbm>>
    tpu.wait_indirect_dma semaphore(%arg10 : memref<!tpu.dma_semaphore, #tpu.memory_space<semaphore_mem>>) src(%dma_wait3A_482 : memref<32x1024xf32, #tpu.memory_space<vmem>>) dst(%dma_wait3A_488 : memref<9216x1024xf32, #tpu.memory_space<hbm>>)
    %dma_wait3A_489 = arith.constant 1 : i32
    %dma_wait3A_490 = arith.constant 1 : i32
    %dma_wait3A_491 = arith.constant 0 : i32
    %dma_wait3A_492 = arith.constant 0 : i32
    %dma_wait3A_493 = tpu.memref_slice %arg8[%dma_wait3A_489, %dma_wait3A_491, %dma_wait3A_492] : memref<2x32x1024xf32, #tpu.memory_space<vmem>> -> memref<1x32x1024xf32, #tpu.memory_space<vmem>>
    %dma_wait3A_494 = tpu.memref_squeeze %dma_wait3A_493 : memref<1x32x1024xf32, #tpu.memory_space<vmem>> -> memref<32x1024xf32, #tpu.memory_space<vmem>>
    %dma_wait3A_495 = arith.constant 0 : i32
    %dma_wait3A_496 = tpu.memref_slice %arg6[%dma_wait3A_490, %dma_wait3A_495] : memref<2x32xi32, #tpu.memory_space<vmem>> -> memref<1x32xi32, #tpu.memory_space<vmem>>
    %dma_wait3A_497 = tpu.memref_squeeze %dma_wait3A_496 : memref<1x32xi32, #tpu.memory_space<vmem>> -> memref<32xi32, #tpu.memory_space<vmem>>
    %dma_wait3A_498 = arith.constant 0 : i32
    %dma_wait3A_499 = arith.constant 0 : i32
    %dma_wait3A_500 = tpu.memref_slice %arg5[%dma_wait3A_498, %dma_wait3A_499] : memref<9216x1024xf32, #tpu.memory_space<hbm>> -> memref<9216x1024xf32, #tpu.memory_space<hbm>>
    tpu.wait_indirect_dma semaphore(%arg10 : memref<!tpu.dma_semaphore, #tpu.memory_space<semaphore_mem>>) src(%dma_wait3A_494 : memref<32x1024xf32, #tpu.memory_space<vmem>>) dst(%dma_wait3A_500 : memref<9216x1024xf32, #tpu.memory_space<hbm>>)
    %dma_wait3A_501 = arith.constant 1 : i32
    %dma_wait3A_502 = arith.constant 1 : i32
    %dma_wait3A_503 = arith.constant 0 : i32
    %dma_wait3A_504 = arith.constant 0 : i32
    %dma_wait3A_505 = tpu.memref_slice %arg8[%dma_wait3A_501, %dma_wait3A_503, %dma_wait3A_504] : memref<2x32x1024xf32, #tpu.memory_space<vmem>> -> memref<1x32x1024xf32, #tpu.memory_space<vmem>>
    %dma_wait3A_506 = tpu.memref_squeeze %dma_wait3A_505 : memref<1x32x1024xf32, #tpu.memory_space<vmem>> -> memref<32x1024xf32, #tpu.memory_space<vmem>>
    %dma_wait3A_507 = arith.constant 0 : i32
    %dma_wait3A_508 = tpu.memref_slice %arg7[%dma_wait3A_502, %dma_wait3A_507] : memref<2x32xi32, #tpu.memory_space<vmem>> -> memref<1x32xi32, #tpu.memory_space<vmem>>
    %dma_wait3A_509 = tpu.memref_squeeze %dma_wait3A_508 : memref<1x32xi32, #tpu.memory_space<vmem>> -> memref<32xi32, #tpu.memory_space<vmem>>
    %dma_wait3A_510 = arith.constant 0 : i32
    %dma_wait3A_511 = arith.constant 0 : i32
    %dma_wait3A_512 = tpu.memref_slice %arg5[%dma_wait3A_510, %dma_wait3A_511] : memref<9216x1024xf32, #tpu.memory_space<hbm>> -> memref<9216x1024xf32, #tpu.memory_space<hbm>>
    tpu.wait_indirect_dma semaphore(%arg10 : memref<!tpu.dma_semaphore, #tpu.memory_space<semaphore_mem>>) src(%dma_wait3A_506 : memref<32x1024xf32, #tpu.memory_space<vmem>>) dst(%dma_wait3A_512 : memref<9216x1024xf32, #tpu.memory_space<hbm>>)
    return
  }
}

#map = affine_map<(d0, d1) -> (0, 0)>
module attributes {stable_mosaic.version = 14 : i64} {
  func.func @_combine_body(%arg0: i32, %arg1: i32, %arg2: memref<9216x1024xf32, #tpu.memory_space<hbm>>, %arg3: memref<32x128xi32, #tpu.memory_space<hbm>>, %arg4: memref<32x128xi32, #tpu.memory_space<hbm>>, %arg5: memref<4096x16xf32, #tpu.memory_space<hbm>>, %arg6: memref<4096x16xf32, #tpu.memory_space<hbm>>, %arg7: memref<4096x1024xf32, #tpu.memory_space<hbm>>, %arg8: memref<128xi32, #tpu.memory_space<vmem>>, %arg9: memref<128xi32, #tpu.memory_space<vmem>>, %arg10: memref<2x16x16xf32, #tpu.memory_space<vmem>>, %arg11: memref<2x16x16xf32, #tpu.memory_space<vmem>>, %arg12: memref<2x16x1024xf32, #tpu.memory_space<vmem>>, %arg13: memref<2x16x1024xf32, #tpu.memory_space<vmem>>, %arg14: memref<2x16x1024xf32, #tpu.memory_space<vmem>>, %arg15: memref<!tpu.dma_semaphore, #tpu.memory_space<semaphore_mem>>, %arg16: memref<!tpu.dma_semaphore, #tpu.memory_space<semaphore_mem>>, %arg17: memref<!tpu.dma_semaphore, #tpu.memory_space<semaphore_mem>>) attributes {dimension_semantics = [#tpu.dimension_semantics<core_parallel>, #tpu.dimension_semantics<subcore_parallel>], iteration_bounds = array<i64: 2, 16>, scalar_prefetch = 0 : i64, scratch_operands = 10 : i64, tpu.core_type = #tpu.core_type<sc_vector_subcore>, window_params = [{transform_indices = #map}, {transform_indices = #map}, {transform_indices = #map}, {transform_indices = #map}, {transform_indices = #map}, {transform_indices = #map}]} {
    %mul3A = arith.constant 2 : i32
    %mul3A_0 = arith.muli %arg1, %mul3A : i32
    %add3A = arith.addi %mul3A_0, %arg0 : i32
    %mul3A_1 = arith.constant 128 : i32
    %mul3A_2 = arith.muli %add3A, %mul3A_1 : i32
    %dma_start3A = arith.constant 0 : i32
    %dma_start3A_3 = tpu.memref_slice %arg3[%add3A, %dma_start3A] : memref<32x128xi32, #tpu.memory_space<hbm>> -> memref<1x128xi32, #tpu.memory_space<hbm>>
    %dma_start3A_4 = tpu.memref_squeeze %dma_start3A_3 : memref<1x128xi32, #tpu.memory_space<hbm>> -> memref<128xi32, #tpu.memory_space<hbm>>
    %dma_start3A_5 = arith.constant 0 : i32
    %dma_start3A_6 = tpu.memref_slice %arg3[%add3A, %dma_start3A_5] : memref<32x128xi32, #tpu.memory_space<hbm>> -> memref<1x128xi32, #tpu.memory_space<hbm>>
    %dma_start3A_7 = tpu.memref_squeeze %dma_start3A_6 : memref<1x128xi32, #tpu.memory_space<hbm>> -> memref<128xi32, #tpu.memory_space<hbm>>
    tpu.enqueue_dma source(%dma_start3A_7 : memref<128xi32, #tpu.memory_space<hbm>>) target(%arg8 : memref<128xi32, #tpu.memory_space<vmem>>) target_semaphore(%arg15 : memref<!tpu.dma_semaphore, #tpu.memory_space<semaphore_mem>>)
    %dma_wait3A = arith.constant 0 : i32
    %dma_wait3A_8 = tpu.memref_slice %arg3[%add3A, %dma_wait3A] : memref<32x128xi32, #tpu.memory_space<hbm>> -> memref<1x128xi32, #tpu.memory_space<hbm>>
    %dma_wait3A_9 = tpu.memref_squeeze %dma_wait3A_8 : memref<1x128xi32, #tpu.memory_space<hbm>> -> memref<128xi32, #tpu.memory_space<hbm>>
    %dma_wait3A_10 = arith.constant 0 : i32
    %dma_wait3A_11 = tpu.memref_slice %arg3[%add3A, %dma_wait3A_10] : memref<32x128xi32, #tpu.memory_space<hbm>> -> memref<1x128xi32, #tpu.memory_space<hbm>>
    %dma_wait3A_12 = tpu.memref_squeeze %dma_wait3A_11 : memref<1x128xi32, #tpu.memory_space<hbm>> -> memref<128xi32, #tpu.memory_space<hbm>>
    tpu.wait_dma2 semaphore(%arg15 : memref<!tpu.dma_semaphore, #tpu.memory_space<semaphore_mem>>) src(%dma_wait3A_12 : memref<128xi32, #tpu.memory_space<hbm>>) dst(%arg8 : memref<128xi32, #tpu.memory_space<vmem>>)
    %dma_start3A_13 = arith.constant 0 : i32
    %dma_start3A_14 = tpu.memref_slice %arg4[%add3A, %dma_start3A_13] : memref<32x128xi32, #tpu.memory_space<hbm>> -> memref<1x128xi32, #tpu.memory_space<hbm>>
    %dma_start3A_15 = tpu.memref_squeeze %dma_start3A_14 : memref<1x128xi32, #tpu.memory_space<hbm>> -> memref<128xi32, #tpu.memory_space<hbm>>
    %dma_start3A_16 = arith.constant 0 : i32
    %dma_start3A_17 = tpu.memref_slice %arg4[%add3A, %dma_start3A_16] : memref<32x128xi32, #tpu.memory_space<hbm>> -> memref<1x128xi32, #tpu.memory_space<hbm>>
    %dma_start3A_18 = tpu.memref_squeeze %dma_start3A_17 : memref<1x128xi32, #tpu.memory_space<hbm>> -> memref<128xi32, #tpu.memory_space<hbm>>
    tpu.enqueue_dma source(%dma_start3A_18 : memref<128xi32, #tpu.memory_space<hbm>>) target(%arg9 : memref<128xi32, #tpu.memory_space<vmem>>) target_semaphore(%arg15 : memref<!tpu.dma_semaphore, #tpu.memory_space<semaphore_mem>>)
    %dma_wait3A_19 = arith.constant 0 : i32
    %dma_wait3A_20 = tpu.memref_slice %arg4[%add3A, %dma_wait3A_19] : memref<32x128xi32, #tpu.memory_space<hbm>> -> memref<1x128xi32, #tpu.memory_space<hbm>>
    %dma_wait3A_21 = tpu.memref_squeeze %dma_wait3A_20 : memref<1x128xi32, #tpu.memory_space<hbm>> -> memref<128xi32, #tpu.memory_space<hbm>>
    %dma_wait3A_22 = arith.constant 0 : i32
    %dma_wait3A_23 = tpu.memref_slice %arg4[%add3A, %dma_wait3A_22] : memref<32x128xi32, #tpu.memory_space<hbm>> -> memref<1x128xi32, #tpu.memory_space<hbm>>
    %dma_wait3A_24 = tpu.memref_squeeze %dma_wait3A_23 : memref<1x128xi32, #tpu.memory_space<hbm>> -> memref<128xi32, #tpu.memory_space<hbm>>
    tpu.wait_dma2 semaphore(%arg15 : memref<!tpu.dma_semaphore, #tpu.memory_space<semaphore_mem>>) src(%dma_wait3A_24 : memref<128xi32, #tpu.memory_space<hbm>>) dst(%arg9 : memref<128xi32, #tpu.memory_space<vmem>>)
    %add3A_25 = arith.constant 0 : i32
    %add3A_26 = arith.addi %mul3A_2, %add3A_25 : i32
    %dma_start3A_27 = arith.constant 0 : i32
    %dma_start3A_28 = arith.constant 0 : i32
    %dma_start3A_29 = arith.constant 0 : i32
    %dma_start3A_30 = tpu.memref_slice %arg12[%dma_start3A_27, %dma_start3A_28, %dma_start3A_29] : memref<2x16x1024xf32, #tpu.memory_space<vmem>> -> memref<1x16x1024xf32, #tpu.memory_space<vmem>>
    %dma_start3A_31 = tpu.memref_squeeze %dma_start3A_30 : memref<1x16x1024xf32, #tpu.memory_space<vmem>> -> memref<16x1024xf32, #tpu.memory_space<vmem>>
    %dma_start3A_32 = arith.constant 0 : i32
    %dma_start3A_33 = tpu.memref_slice %arg8[%dma_start3A_32] : memref<128xi32, #tpu.memory_space<vmem>> -> memref<16xi32, #tpu.memory_space<vmem>>
    %dma_start3A_34 = arith.constant 0 : i32
    %dma_start3A_35 = arith.constant 0 : i32
    %dma_start3A_36 = tpu.memref_slice %arg2[%dma_start3A_34, %dma_start3A_35] : memref<9216x1024xf32, #tpu.memory_space<hbm>> -> memref<9216x1024xf32, #tpu.memory_space<hbm>>
    tpu.enqueue_indirect_dma source(%dma_start3A_36 : memref<9216x1024xf32, #tpu.memory_space<hbm>>) target(%dma_start3A_31 : memref<16x1024xf32, #tpu.memory_space<vmem>>) offsets(%dma_start3A_33 : memref<16xi32, #tpu.memory_space<vmem>>) semaphore(%arg16 : memref<!tpu.dma_semaphore, #tpu.memory_space<semaphore_mem>>)
    %dma_start3A_37 = arith.constant 0 : i32
    %dma_start3A_38 = arith.constant 0 : i32
    %dma_start3A_39 = arith.constant 0 : i32
    %dma_start3A_40 = tpu.memref_slice %arg13[%dma_start3A_37, %dma_start3A_38, %dma_start3A_39] : memref<2x16x1024xf32, #tpu.memory_space<vmem>> -> memref<1x16x1024xf32, #tpu.memory_space<vmem>>
    %dma_start3A_41 = tpu.memref_squeeze %dma_start3A_40 : memref<1x16x1024xf32, #tpu.memory_space<vmem>> -> memref<16x1024xf32, #tpu.memory_space<vmem>>
    %dma_start3A_42 = arith.constant 0 : i32
    %dma_start3A_43 = tpu.memref_slice %arg9[%dma_start3A_42] : memref<128xi32, #tpu.memory_space<vmem>> -> memref<16xi32, #tpu.memory_space<vmem>>
    %dma_start3A_44 = arith.constant 0 : i32
    %dma_start3A_45 = arith.constant 0 : i32
    %dma_start3A_46 = tpu.memref_slice %arg2[%dma_start3A_44, %dma_start3A_45] : memref<9216x1024xf32, #tpu.memory_space<hbm>> -> memref<9216x1024xf32, #tpu.memory_space<hbm>>
    tpu.enqueue_indirect_dma source(%dma_start3A_46 : memref<9216x1024xf32, #tpu.memory_space<hbm>>) target(%dma_start3A_41 : memref<16x1024xf32, #tpu.memory_space<vmem>>) offsets(%dma_start3A_43 : memref<16xi32, #tpu.memory_space<vmem>>) semaphore(%arg16 : memref<!tpu.dma_semaphore, #tpu.memory_space<semaphore_mem>>)
    %dma_start3A_47 = arith.constant 0 : i32
    %dma_start3A_48 = arith.constant 0 : i32
    %dma_start3A_49 = arith.constant 0 : i32
    %dma_start3A_50 = tpu.memref_slice %arg10[%dma_start3A_47, %dma_start3A_48, %dma_start3A_49] : memref<2x16x16xf32, #tpu.memory_space<vmem>> -> memref<1x16x16xf32, #tpu.memory_space<vmem>>
    %dma_start3A_51 = tpu.memref_squeeze %dma_start3A_50 : memref<1x16x16xf32, #tpu.memory_space<vmem>> -> memref<16x16xf32, #tpu.memory_space<vmem>>
    %dma_start3A_52 = arith.constant 0 : i32
    %dma_start3A_53 = tpu.memref_slice %arg5[%add3A_26, %dma_start3A_52] : memref<4096x16xf32, #tpu.memory_space<hbm>> -> memref<16x16xf32, #tpu.memory_space<hbm>>
    %dma_start3A_54 = arith.constant 0 : i32
    %dma_start3A_55 = arith.constant 0 : i32
    %dma_start3A_56 = tpu.memref_slice %arg10[%dma_start3A_47, %dma_start3A_54, %dma_start3A_55] : memref<2x16x16xf32, #tpu.memory_space<vmem>> -> memref<1x16x16xf32, #tpu.memory_space<vmem>>
    %dma_start3A_57 = tpu.memref_squeeze %dma_start3A_56 : memref<1x16x16xf32, #tpu.memory_space<vmem>> -> memref<16x16xf32, #tpu.memory_space<vmem>>
    %dma_start3A_58 = arith.constant 0 : i32
    %dma_start3A_59 = tpu.memref_slice %arg5[%add3A_26, %dma_start3A_58] : memref<4096x16xf32, #tpu.memory_space<hbm>> -> memref<16x16xf32, #tpu.memory_space<hbm>>
    tpu.enqueue_dma source(%dma_start3A_59 : memref<16x16xf32, #tpu.memory_space<hbm>>) target(%dma_start3A_57 : memref<16x16xf32, #tpu.memory_space<vmem>>) target_semaphore(%arg16 : memref<!tpu.dma_semaphore, #tpu.memory_space<semaphore_mem>>)
    %dma_start3A_60 = arith.constant 0 : i32
    %dma_start3A_61 = arith.constant 0 : i32
    %dma_start3A_62 = arith.constant 0 : i32
    %dma_start3A_63 = tpu.memref_slice %arg11[%dma_start3A_60, %dma_start3A_61, %dma_start3A_62] : memref<2x16x16xf32, #tpu.memory_space<vmem>> -> memref<1x16x16xf32, #tpu.memory_space<vmem>>
    %dma_start3A_64 = tpu.memref_squeeze %dma_start3A_63 : memref<1x16x16xf32, #tpu.memory_space<vmem>> -> memref<16x16xf32, #tpu.memory_space<vmem>>
    %dma_start3A_65 = arith.constant 0 : i32
    %dma_start3A_66 = tpu.memref_slice %arg6[%add3A_26, %dma_start3A_65] : memref<4096x16xf32, #tpu.memory_space<hbm>> -> memref<16x16xf32, #tpu.memory_space<hbm>>
    %dma_start3A_67 = arith.constant 0 : i32
    %dma_start3A_68 = arith.constant 0 : i32
    %dma_start3A_69 = tpu.memref_slice %arg11[%dma_start3A_60, %dma_start3A_67, %dma_start3A_68] : memref<2x16x16xf32, #tpu.memory_space<vmem>> -> memref<1x16x16xf32, #tpu.memory_space<vmem>>
    %dma_start3A_70 = tpu.memref_squeeze %dma_start3A_69 : memref<1x16x16xf32, #tpu.memory_space<vmem>> -> memref<16x16xf32, #tpu.memory_space<vmem>>
    %dma_start3A_71 = arith.constant 0 : i32
    %dma_start3A_72 = tpu.memref_slice %arg6[%add3A_26, %dma_start3A_71] : memref<4096x16xf32, #tpu.memory_space<hbm>> -> memref<16x16xf32, #tpu.memory_space<hbm>>
    tpu.enqueue_dma source(%dma_start3A_72 : memref<16x16xf32, #tpu.memory_space<hbm>>) target(%dma_start3A_70 : memref<16x16xf32, #tpu.memory_space<vmem>>) target_semaphore(%arg16 : memref<!tpu.dma_semaphore, #tpu.memory_space<semaphore_mem>>)
    %add3A_73 = arith.constant 16 : i32
    %add3A_74 = arith.addi %mul3A_2, %add3A_73 : i32
    %dma_start3A_75 = arith.constant 1 : i32
    %dma_start3A_76 = arith.constant 0 : i32
    %dma_start3A_77 = arith.constant 0 : i32
    %dma_start3A_78 = tpu.memref_slice %arg12[%dma_start3A_75, %dma_start3A_76, %dma_start3A_77] : memref<2x16x1024xf32, #tpu.memory_space<vmem>> -> memref<1x16x1024xf32, #tpu.memory_space<vmem>>
    %dma_start3A_79 = tpu.memref_squeeze %dma_start3A_78 : memref<1x16x1024xf32, #tpu.memory_space<vmem>> -> memref<16x1024xf32, #tpu.memory_space<vmem>>
    %dma_start3A_80 = arith.constant 16 : i32
    %dma_start3A_81 = tpu.memref_slice %arg8[%dma_start3A_80] : memref<128xi32, #tpu.memory_space<vmem>> -> memref<16xi32, #tpu.memory_space<vmem>>
    %dma_start3A_82 = arith.constant 0 : i32
    %dma_start3A_83 = arith.constant 0 : i32
    %dma_start3A_84 = tpu.memref_slice %arg2[%dma_start3A_82, %dma_start3A_83] : memref<9216x1024xf32, #tpu.memory_space<hbm>> -> memref<9216x1024xf32, #tpu.memory_space<hbm>>
    tpu.enqueue_indirect_dma source(%dma_start3A_84 : memref<9216x1024xf32, #tpu.memory_space<hbm>>) target(%dma_start3A_79 : memref<16x1024xf32, #tpu.memory_space<vmem>>) offsets(%dma_start3A_81 : memref<16xi32, #tpu.memory_space<vmem>>) semaphore(%arg16 : memref<!tpu.dma_semaphore, #tpu.memory_space<semaphore_mem>>)
    %dma_start3A_85 = arith.constant 1 : i32
    %dma_start3A_86 = arith.constant 0 : i32
    %dma_start3A_87 = arith.constant 0 : i32
    %dma_start3A_88 = tpu.memref_slice %arg13[%dma_start3A_85, %dma_start3A_86, %dma_start3A_87] : memref<2x16x1024xf32, #tpu.memory_space<vmem>> -> memref<1x16x1024xf32, #tpu.memory_space<vmem>>
    %dma_start3A_89 = tpu.memref_squeeze %dma_start3A_88 : memref<1x16x1024xf32, #tpu.memory_space<vmem>> -> memref<16x1024xf32, #tpu.memory_space<vmem>>
    %dma_start3A_90 = arith.constant 16 : i32
    %dma_start3A_91 = tpu.memref_slice %arg9[%dma_start3A_90] : memref<128xi32, #tpu.memory_space<vmem>> -> memref<16xi32, #tpu.memory_space<vmem>>
    %dma_start3A_92 = arith.constant 0 : i32
    %dma_start3A_93 = arith.constant 0 : i32
    %dma_start3A_94 = tpu.memref_slice %arg2[%dma_start3A_92, %dma_start3A_93] : memref<9216x1024xf32, #tpu.memory_space<hbm>> -> memref<9216x1024xf32, #tpu.memory_space<hbm>>
    tpu.enqueue_indirect_dma source(%dma_start3A_94 : memref<9216x1024xf32, #tpu.memory_space<hbm>>) target(%dma_start3A_89 : memref<16x1024xf32, #tpu.memory_space<vmem>>) offsets(%dma_start3A_91 : memref<16xi32, #tpu.memory_space<vmem>>) semaphore(%arg16 : memref<!tpu.dma_semaphore, #tpu.memory_space<semaphore_mem>>)
    %dma_start3A_95 = arith.constant 1 : i32
    %dma_start3A_96 = arith.constant 0 : i32
    %dma_start3A_97 = arith.constant 0 : i32
    %dma_start3A_98 = tpu.memref_slice %arg10[%dma_start3A_95, %dma_start3A_96, %dma_start3A_97] : memref<2x16x16xf32, #tpu.memory_space<vmem>> -> memref<1x16x16xf32, #tpu.memory_space<vmem>>
    %dma_start3A_99 = tpu.memref_squeeze %dma_start3A_98 : memref<1x16x16xf32, #tpu.memory_space<vmem>> -> memref<16x16xf32, #tpu.memory_space<vmem>>
    %dma_start3A_100 = arith.constant 0 : i32
    %dma_start3A_101 = tpu.memref_slice %arg5[%add3A_74, %dma_start3A_100] : memref<4096x16xf32, #tpu.memory_space<hbm>> -> memref<16x16xf32, #tpu.memory_space<hbm>>
    %dma_start3A_102 = arith.constant 0 : i32
    %dma_start3A_103 = arith.constant 0 : i32
    %dma_start3A_104 = tpu.memref_slice %arg10[%dma_start3A_95, %dma_start3A_102, %dma_start3A_103] : memref<2x16x16xf32, #tpu.memory_space<vmem>> -> memref<1x16x16xf32, #tpu.memory_space<vmem>>
    %dma_start3A_105 = tpu.memref_squeeze %dma_start3A_104 : memref<1x16x16xf32, #tpu.memory_space<vmem>> -> memref<16x16xf32, #tpu.memory_space<vmem>>
    %dma_start3A_106 = arith.constant 0 : i32
    %dma_start3A_107 = tpu.memref_slice %arg5[%add3A_74, %dma_start3A_106] : memref<4096x16xf32, #tpu.memory_space<hbm>> -> memref<16x16xf32, #tpu.memory_space<hbm>>
    tpu.enqueue_dma source(%dma_start3A_107 : memref<16x16xf32, #tpu.memory_space<hbm>>) target(%dma_start3A_105 : memref<16x16xf32, #tpu.memory_space<vmem>>) target_semaphore(%arg16 : memref<!tpu.dma_semaphore, #tpu.memory_space<semaphore_mem>>)
    %dma_start3A_108 = arith.constant 1 : i32
    %dma_start3A_109 = arith.constant 0 : i32
    %dma_start3A_110 = arith.constant 0 : i32
    %dma_start3A_111 = tpu.memref_slice %arg11[%dma_start3A_108, %dma_start3A_109, %dma_start3A_110] : memref<2x16x16xf32, #tpu.memory_space<vmem>> -> memref<1x16x16xf32, #tpu.memory_space<vmem>>
    %dma_start3A_112 = tpu.memref_squeeze %dma_start3A_111 : memref<1x16x16xf32, #tpu.memory_space<vmem>> -> memref<16x16xf32, #tpu.memory_space<vmem>>
    %dma_start3A_113 = arith.constant 0 : i32
    %dma_start3A_114 = tpu.memref_slice %arg6[%add3A_74, %dma_start3A_113] : memref<4096x16xf32, #tpu.memory_space<hbm>> -> memref<16x16xf32, #tpu.memory_space<hbm>>
    %dma_start3A_115 = arith.constant 0 : i32
    %dma_start3A_116 = arith.constant 0 : i32
    %dma_start3A_117 = tpu.memref_slice %arg11[%dma_start3A_108, %dma_start3A_115, %dma_start3A_116] : memref<2x16x16xf32, #tpu.memory_space<vmem>> -> memref<1x16x16xf32, #tpu.memory_space<vmem>>
    %dma_start3A_118 = tpu.memref_squeeze %dma_start3A_117 : memref<1x16x16xf32, #tpu.memory_space<vmem>> -> memref<16x16xf32, #tpu.memory_space<vmem>>
    %dma_start3A_119 = arith.constant 0 : i32
    %dma_start3A_120 = tpu.memref_slice %arg6[%add3A_74, %dma_start3A_119] : memref<4096x16xf32, #tpu.memory_space<hbm>> -> memref<16x16xf32, #tpu.memory_space<hbm>>
    tpu.enqueue_dma source(%dma_start3A_120 : memref<16x16xf32, #tpu.memory_space<hbm>>) target(%dma_start3A_118 : memref<16x16xf32, #tpu.memory_space<vmem>>) target_semaphore(%arg16 : memref<!tpu.dma_semaphore, #tpu.memory_space<semaphore_mem>>)
    %dma_wait3A_121 = arith.constant 0 : i32
    %dma_wait3A_122 = arith.constant 0 : i32
    %dma_wait3A_123 = arith.constant 0 : i32
    %dma_wait3A_124 = tpu.memref_slice %arg12[%dma_wait3A_121, %dma_wait3A_122, %dma_wait3A_123] : memref<2x16x1024xf32, #tpu.memory_space<vmem>> -> memref<1x16x1024xf32, #tpu.memory_space<vmem>>
    %dma_wait3A_125 = tpu.memref_squeeze %dma_wait3A_124 : memref<1x16x1024xf32, #tpu.memory_space<vmem>> -> memref<16x1024xf32, #tpu.memory_space<vmem>>
    %dma_wait3A_126 = arith.constant 0 : i32
    %dma_wait3A_127 = tpu.memref_slice %arg8[%dma_wait3A_126] : memref<128xi32, #tpu.memory_space<vmem>> -> memref<16xi32, #tpu.memory_space<vmem>>
    %dma_wait3A_128 = arith.constant 0 : i32
    %dma_wait3A_129 = arith.constant 0 : i32
    %dma_wait3A_130 = tpu.memref_slice %arg2[%dma_wait3A_128, %dma_wait3A_129] : memref<9216x1024xf32, #tpu.memory_space<hbm>> -> memref<9216x1024xf32, #tpu.memory_space<hbm>>
    tpu.wait_indirect_dma semaphore(%arg16 : memref<!tpu.dma_semaphore, #tpu.memory_space<semaphore_mem>>) src(%dma_wait3A_130 : memref<9216x1024xf32, #tpu.memory_space<hbm>>) dst(%dma_wait3A_125 : memref<16x1024xf32, #tpu.memory_space<vmem>>)
    %dma_wait3A_131 = arith.constant 0 : i32
    %dma_wait3A_132 = arith.constant 0 : i32
    %dma_wait3A_133 = arith.constant 0 : i32
    %dma_wait3A_134 = tpu.memref_slice %arg13[%dma_wait3A_131, %dma_wait3A_132, %dma_wait3A_133] : memref<2x16x1024xf32, #tpu.memory_space<vmem>> -> memref<1x16x1024xf32, #tpu.memory_space<vmem>>
    %dma_wait3A_135 = tpu.memref_squeeze %dma_wait3A_134 : memref<1x16x1024xf32, #tpu.memory_space<vmem>> -> memref<16x1024xf32, #tpu.memory_space<vmem>>
    %dma_wait3A_136 = arith.constant 0 : i32
    %dma_wait3A_137 = tpu.memref_slice %arg9[%dma_wait3A_136] : memref<128xi32, #tpu.memory_space<vmem>> -> memref<16xi32, #tpu.memory_space<vmem>>
    %dma_wait3A_138 = arith.constant 0 : i32
    %dma_wait3A_139 = arith.constant 0 : i32
    %dma_wait3A_140 = tpu.memref_slice %arg2[%dma_wait3A_138, %dma_wait3A_139] : memref<9216x1024xf32, #tpu.memory_space<hbm>> -> memref<9216x1024xf32, #tpu.memory_space<hbm>>
    tpu.wait_indirect_dma semaphore(%arg16 : memref<!tpu.dma_semaphore, #tpu.memory_space<semaphore_mem>>) src(%dma_wait3A_140 : memref<9216x1024xf32, #tpu.memory_space<hbm>>) dst(%dma_wait3A_135 : memref<16x1024xf32, #tpu.memory_space<vmem>>)
    %dma_wait3A_141 = arith.constant 0 : i32
    %dma_wait3A_142 = arith.constant 0 : i32
    %dma_wait3A_143 = arith.constant 0 : i32
    %dma_wait3A_144 = tpu.memref_slice %arg10[%dma_wait3A_141, %dma_wait3A_142, %dma_wait3A_143] : memref<2x16x16xf32, #tpu.memory_space<vmem>> -> memref<1x16x16xf32, #tpu.memory_space<vmem>>
    %dma_wait3A_145 = tpu.memref_squeeze %dma_wait3A_144 : memref<1x16x16xf32, #tpu.memory_space<vmem>> -> memref<16x16xf32, #tpu.memory_space<vmem>>
    %dma_wait3A_146 = arith.constant 0 : i32
    %dma_wait3A_147 = tpu.memref_slice %arg5[%add3A_26, %dma_wait3A_146] : memref<4096x16xf32, #tpu.memory_space<hbm>> -> memref<16x16xf32, #tpu.memory_space<hbm>>
    %dma_wait3A_148 = arith.constant 0 : i32
    %dma_wait3A_149 = arith.constant 0 : i32
    %dma_wait3A_150 = tpu.memref_slice %arg10[%dma_wait3A_141, %dma_wait3A_148, %dma_wait3A_149] : memref<2x16x16xf32, #tpu.memory_space<vmem>> -> memref<1x16x16xf32, #tpu.memory_space<vmem>>
    %dma_wait3A_151 = tpu.memref_squeeze %dma_wait3A_150 : memref<1x16x16xf32, #tpu.memory_space<vmem>> -> memref<16x16xf32, #tpu.memory_space<vmem>>
    %dma_wait3A_152 = arith.constant 0 : i32
    %dma_wait3A_153 = tpu.memref_slice %arg5[%add3A_26, %dma_wait3A_152] : memref<4096x16xf32, #tpu.memory_space<hbm>> -> memref<16x16xf32, #tpu.memory_space<hbm>>
    tpu.wait_dma2 semaphore(%arg16 : memref<!tpu.dma_semaphore, #tpu.memory_space<semaphore_mem>>) src(%dma_wait3A_153 : memref<16x16xf32, #tpu.memory_space<hbm>>) dst(%dma_wait3A_151 : memref<16x16xf32, #tpu.memory_space<vmem>>)
    %dma_wait3A_154 = arith.constant 0 : i32
    %dma_wait3A_155 = arith.constant 0 : i32
    %dma_wait3A_156 = arith.constant 0 : i32
    %dma_wait3A_157 = tpu.memref_slice %arg11[%dma_wait3A_154, %dma_wait3A_155, %dma_wait3A_156] : memref<2x16x16xf32, #tpu.memory_space<vmem>> -> memref<1x16x16xf32, #tpu.memory_space<vmem>>
    %dma_wait3A_158 = tpu.memref_squeeze %dma_wait3A_157 : memref<1x16x16xf32, #tpu.memory_space<vmem>> -> memref<16x16xf32, #tpu.memory_space<vmem>>
    %dma_wait3A_159 = arith.constant 0 : i32
    %dma_wait3A_160 = tpu.memref_slice %arg6[%add3A_26, %dma_wait3A_159] : memref<4096x16xf32, #tpu.memory_space<hbm>> -> memref<16x16xf32, #tpu.memory_space<hbm>>
    %dma_wait3A_161 = arith.constant 0 : i32
    %dma_wait3A_162 = arith.constant 0 : i32
    %dma_wait3A_163 = tpu.memref_slice %arg11[%dma_wait3A_154, %dma_wait3A_161, %dma_wait3A_162] : memref<2x16x16xf32, #tpu.memory_space<vmem>> -> memref<1x16x16xf32, #tpu.memory_space<vmem>>
    %dma_wait3A_164 = tpu.memref_squeeze %dma_wait3A_163 : memref<1x16x16xf32, #tpu.memory_space<vmem>> -> memref<16x16xf32, #tpu.memory_space<vmem>>
    %dma_wait3A_165 = arith.constant 0 : i32
    %dma_wait3A_166 = tpu.memref_slice %arg6[%add3A_26, %dma_wait3A_165] : memref<4096x16xf32, #tpu.memory_space<hbm>> -> memref<16x16xf32, #tpu.memory_space<hbm>>
    tpu.wait_dma2 semaphore(%arg16 : memref<!tpu.dma_semaphore, #tpu.memory_space<semaphore_mem>>) src(%dma_wait3A_166 : memref<16x16xf32, #tpu.memory_space<hbm>>) dst(%dma_wait3A_164 : memref<16x16xf32, #tpu.memory_space<vmem>>)
    %scan3A = arith.constant 0 : i32
    %scan3A_167 = arith.constant 0 : i32
    %scan3A_168 = arith.constant 16 : i32
    %scan3A_169 = arith.addi %scan3A_167, %scan3A_168 : i32
    %scan3A_170 = arith.constant 1 : i32
    %scan3A_171 = scf.for %scan3A_1056 = %scan3A_167 to %scan3A_169 step %scan3A_170 iter_args(%scan3A_1057 = %scan3A) -> (i32)  : i32 {
      %get3A = arith.constant 0 : i32
      %get3A_1058 = arith.index_cast %get3A : i32 to index
      %get3A_1059 = arith.index_cast %scan3A_1056 : i32 to index
      %get3A_1060 = arith.constant 0 : index
      %get3A_1061 = tpu.vector_load %arg10[%get3A_1058, %get3A_1059, %get3A_1060] {strides = array<i32>} : memref<2x16x16xf32, #tpu.memory_space<vmem>>, vector<1x1x16xf32>,
      %get3A_1062 = vector.shape_cast %get3A_1061 : vector<1x1x16xf32> to vector<16xf32>
      %get3A_1063 = arith.constant 0 : i32
      %get3A_1064 = arith.index_cast %get3A_1063 : i32 to index
      %get3A_1065 = arith.index_cast %scan3A_1056 : i32 to index
      %get3A_1066 = arith.constant 0 : index
      %get3A_1067 = tpu.vector_load %arg11[%get3A_1064, %get3A_1065, %get3A_1066] {strides = array<i32>} : memref<2x16x16xf32, #tpu.memory_space<vmem>>, vector<1x1x16xf32>,
      %get3A_1068 = vector.shape_cast %get3A_1067 : vector<1x1x16xf32> to vector<16xf32>
      %scan3A_1069 = arith.constant 0 : i32
      %scan3A_1070 = arith.constant 0 : i32
      %scan3A_1071 = arith.constant 16 : i32
      %scan3A_1072 = arith.addi %scan3A_1070, %scan3A_1071 : i32
      %scan3A_1073 = arith.constant 1 : i32
      %scan3A_1074 = scf.for %scan3A_1077 = %scan3A_1070 to %scan3A_1072 step %scan3A_1073 iter_args(%scan3A_1078 = %scan3A_1069) -> (i32)  : i32 {
        %mul3A_1079 = arith.constant 4 : i32
        %mul3A_1080 = arith.muli %scan3A_1077, %mul3A_1079 : i32
        %add3A_1081 = arith.constant 0 : i32
        %add3A_1082 = arith.addi %mul3A_1080, %add3A_1081 : i32
        %mul3A_1083 = arith.constant 16 : i32
        %mul3A_1084 = arith.muli %add3A_1082, %mul3A_1083 : i32
        %get3A_1085 = arith.constant 0 : i32
        %get3A_1086 = arith.index_cast %get3A_1085 : i32 to index
        %get3A_1087 = arith.index_cast %scan3A_1056 : i32 to index
        %get3A_1088 = arith.index_cast %mul3A_1084 : i32 to index
        %get3A_1089 = tpu.vector_load %arg12[%get3A_1086, %get3A_1087, %get3A_1088] {strides = array<i32>} : memref<2x16x1024xf32, #tpu.memory_space<vmem>>, vector<1x1x16xf32>,
        %get3A_1090 = vector.shape_cast %get3A_1089 : vector<1x1x16xf32> to vector<16xf32>
        %mul3A_1091 = arith.mulf %get3A_1090, %get3A_1062 : vector<16xf32>
        %get3A_1092 = arith.constant 0 : i32
        %get3A_1093 = arith.index_cast %get3A_1092 : i32 to index
        %get3A_1094 = arith.index_cast %scan3A_1056 : i32 to index
        %get3A_1095 = arith.index_cast %mul3A_1084 : i32 to index
        %get3A_1096 = tpu.vector_load %arg13[%get3A_1093, %get3A_1094, %get3A_1095] {strides = array<i32>} : memref<2x16x1024xf32, #tpu.memory_space<vmem>>, vector<1x1x16xf32>,
        %get3A_1097 = vector.shape_cast %get3A_1096 : vector<1x1x16xf32> to vector<16xf32>
        %mul3A_1098 = arith.mulf %get3A_1097, %get3A_1068 : vector<16xf32>
        %add3A_1099 = arith.addf %mul3A_1091, %mul3A_1098 : vector<16xf32>
        %swap3A = arith.constant 0 : i32
        %swap3A_1100 = arith.index_cast %swap3A : i32 to index
        %swap3A_1101 = arith.index_cast %scan3A_1056 : i32 to index
        %swap3A_1102 = arith.index_cast %mul3A_1084 : i32 to index
        %swap3A_1103 = tpu.vector_load %arg14[%swap3A_1100, %swap3A_1101, %swap3A_1102] {strides = array<i32>} : memref<2x16x1024xf32, #tpu.memory_space<vmem>>, vector<1x1x16xf32>,
        %swap3A_1104 = vector.shape_cast %swap3A_1103 : vector<1x1x16xf32> to vector<16xf32>
        %swap3A_1105 = vector.shape_cast %add3A_1099 : vector<16xf32> to vector<1x1x16xf32>
        tpu.vector_store %arg14[%swap3A_1100, %swap3A_1101, %swap3A_1102], %swap3A_1105 {strides = array<i32>} : memref<2x16x1024xf32, #tpu.memory_space<vmem>>, vector<1x1x16xf32>,
        %mul3A_1106 = arith.constant 4 : i32
        %mul3A_1107 = arith.muli %scan3A_1077, %mul3A_1106 : i32
        %add3A_1108 = arith.constant 1 : i32
        %add3A_1109 = arith.addi %mul3A_1107, %add3A_1108 : i32
        %mul3A_1110 = arith.constant 16 : i32
        %mul3A_1111 = arith.muli %add3A_1109, %mul3A_1110 : i32
        %get3A_1112 = arith.constant 0 : i32
        %get3A_1113 = arith.index_cast %get3A_1112 : i32 to index
        %get3A_1114 = arith.index_cast %scan3A_1056 : i32 to index
        %get3A_1115 = arith.index_cast %mul3A_1111 : i32 to index
        %get3A_1116 = tpu.vector_load %arg12[%get3A_1113, %get3A_1114, %get3A_1115] {strides = array<i32>} : memref<2x16x1024xf32, #tpu.memory_space<vmem>>, vector<1x1x16xf32>,
        %get3A_1117 = vector.shape_cast %get3A_1116 : vector<1x1x16xf32> to vector<16xf32>
        %mul3A_1118 = arith.mulf %get3A_1117, %get3A_1062 : vector<16xf32>
        %get3A_1119 = arith.constant 0 : i32
        %get3A_1120 = arith.index_cast %get3A_1119 : i32 to index
        %get3A_1121 = arith.index_cast %scan3A_1056 : i32 to index
        %get3A_1122 = arith.index_cast %mul3A_1111 : i32 to index
        %get3A_1123 = tpu.vector_load %arg13[%get3A_1120, %get3A_1121, %get3A_1122] {strides = array<i32>} : memref<2x16x1024xf32, #tpu.memory_space<vmem>>, vector<1x1x16xf32>,
        %get3A_1124 = vector.shape_cast %get3A_1123 : vector<1x1x16xf32> to vector<16xf32>
        %mul3A_1125 = arith.mulf %get3A_1124, %get3A_1068 : vector<16xf32>
        %add3A_1126 = arith.addf %mul3A_1118, %mul3A_1125 : vector<16xf32>
        %swap3A_1127 = arith.constant 0 : i32
        %swap3A_1128 = arith.index_cast %swap3A_1127 : i32 to index
        %swap3A_1129 = arith.index_cast %scan3A_1056 : i32 to index
        %swap3A_1130 = arith.index_cast %mul3A_1111 : i32 to index
        %swap3A_1131 = tpu.vector_load %arg14[%swap3A_1128, %swap3A_1129, %swap3A_1130] {strides = array<i32>} : memref<2x16x1024xf32, #tpu.memory_space<vmem>>, vector<1x1x16xf32>,
        %swap3A_1132 = vector.shape_cast %swap3A_1131 : vector<1x1x16xf32> to vector<16xf32>
        %swap3A_1133 = vector.shape_cast %add3A_1126 : vector<16xf32> to vector<1x1x16xf32>
        tpu.vector_store %arg14[%swap3A_1128, %swap3A_1129, %swap3A_1130], %swap3A_1133 {strides = array<i32>} : memref<2x16x1024xf32, #tpu.memory_space<vmem>>, vector<1x1x16xf32>,
        %mul3A_1134 = arith.constant 4 : i32
        %mul3A_1135 = arith.muli %scan3A_1077, %mul3A_1134 : i32
        %add3A_1136 = arith.constant 2 : i32
        %add3A_1137 = arith.addi %mul3A_1135, %add3A_1136 : i32
        %mul3A_1138 = arith.constant 16 : i32
        %mul3A_1139 = arith.muli %add3A_1137, %mul3A_1138 : i32
        %get3A_1140 = arith.constant 0 : i32
        %get3A_1141 = arith.index_cast %get3A_1140 : i32 to index
        %get3A_1142 = arith.index_cast %scan3A_1056 : i32 to index
        %get3A_1143 = arith.index_cast %mul3A_1139 : i32 to index
        %get3A_1144 = tpu.vector_load %arg12[%get3A_1141, %get3A_1142, %get3A_1143] {strides = array<i32>} : memref<2x16x1024xf32, #tpu.memory_space<vmem>>, vector<1x1x16xf32>,
        %get3A_1145 = vector.shape_cast %get3A_1144 : vector<1x1x16xf32> to vector<16xf32>
        %mul3A_1146 = arith.mulf %get3A_1145, %get3A_1062 : vector<16xf32>
        %get3A_1147 = arith.constant 0 : i32
        %get3A_1148 = arith.index_cast %get3A_1147 : i32 to index
        %get3A_1149 = arith.index_cast %scan3A_1056 : i32 to index
        %get3A_1150 = arith.index_cast %mul3A_1139 : i32 to index
        %get3A_1151 = tpu.vector_load %arg13[%get3A_1148, %get3A_1149, %get3A_1150] {strides = array<i32>} : memref<2x16x1024xf32, #tpu.memory_space<vmem>>, vector<1x1x16xf32>,
        %get3A_1152 = vector.shape_cast %get3A_1151 : vector<1x1x16xf32> to vector<16xf32>
        %mul3A_1153 = arith.mulf %get3A_1152, %get3A_1068 : vector<16xf32>
        %add3A_1154 = arith.addf %mul3A_1146, %mul3A_1153 : vector<16xf32>
        %swap3A_1155 = arith.constant 0 : i32
        %swap3A_1156 = arith.index_cast %swap3A_1155 : i32 to index
        %swap3A_1157 = arith.index_cast %scan3A_1056 : i32 to index
        %swap3A_1158 = arith.index_cast %mul3A_1139 : i32 to index
        %swap3A_1159 = tpu.vector_load %arg14[%swap3A_1156, %swap3A_1157, %swap3A_1158] {strides = array<i32>} : memref<2x16x1024xf32, #tpu.memory_space<vmem>>, vector<1x1x16xf32>,
        %swap3A_1160 = vector.shape_cast %swap3A_1159 : vector<1x1x16xf32> to vector<16xf32>
        %swap3A_1161 = vector.shape_cast %add3A_1154 : vector<16xf32> to vector<1x1x16xf32>
        tpu.vector_store %arg14[%swap3A_1156, %swap3A_1157, %swap3A_1158], %swap3A_1161 {strides = array<i32>} : memref<2x16x1024xf32, #tpu.memory_space<vmem>>, vector<1x1x16xf32>,
        %mul3A_1162 = arith.constant 4 : i32
        %mul3A_1163 = arith.muli %scan3A_1077, %mul3A_1162 : i32
        %add3A_1164 = arith.constant 3 : i32
        %add3A_1165 = arith.addi %mul3A_1163, %add3A_1164 : i32
        %mul3A_1166 = arith.constant 16 : i32
        %mul3A_1167 = arith.muli %add3A_1165, %mul3A_1166 : i32
        %get3A_1168 = arith.constant 0 : i32
        %get3A_1169 = arith.index_cast %get3A_1168 : i32 to index
        %get3A_1170 = arith.index_cast %scan3A_1056 : i32 to index
        %get3A_1171 = arith.index_cast %mul3A_1167 : i32 to index
        %get3A_1172 = tpu.vector_load %arg12[%get3A_1169, %get3A_1170, %get3A_1171] {strides = array<i32>} : memref<2x16x1024xf32, #tpu.memory_space<vmem>>, vector<1x1x16xf32>,
        %get3A_1173 = vector.shape_cast %get3A_1172 : vector<1x1x16xf32> to vector<16xf32>
        %mul3A_1174 = arith.mulf %get3A_1173, %get3A_1062 : vector<16xf32>
        %get3A_1175 = arith.constant 0 : i32
        %get3A_1176 = arith.index_cast %get3A_1175 : i32 to index
        %get3A_1177 = arith.index_cast %scan3A_1056 : i32 to index
        %get3A_1178 = arith.index_cast %mul3A_1167 : i32 to index
        %get3A_1179 = tpu.vector_load %arg13[%get3A_1176, %get3A_1177, %get3A_1178] {strides = array<i32>} : memref<2x16x1024xf32, #tpu.memory_space<vmem>>, vector<1x1x16xf32>,
        %get3A_1180 = vector.shape_cast %get3A_1179 : vector<1x1x16xf32> to vector<16xf32>
        %mul3A_1181 = arith.mulf %get3A_1180, %get3A_1068 : vector<16xf32>
        %add3A_1182 = arith.addf %mul3A_1174, %mul3A_1181 : vector<16xf32>
        %swap3A_1183 = arith.constant 0 : i32
        %swap3A_1184 = arith.index_cast %swap3A_1183 : i32 to index
        %swap3A_1185 = arith.index_cast %scan3A_1056 : i32 to index
        %swap3A_1186 = arith.index_cast %mul3A_1167 : i32 to index
        %swap3A_1187 = tpu.vector_load %arg14[%swap3A_1184, %swap3A_1185, %swap3A_1186] {strides = array<i32>} : memref<2x16x1024xf32, #tpu.memory_space<vmem>>, vector<1x1x16xf32>,
        %swap3A_1188 = vector.shape_cast %swap3A_1187 : vector<1x1x16xf32> to vector<16xf32>
        %swap3A_1189 = vector.shape_cast %add3A_1182 : vector<16xf32> to vector<1x1x16xf32>
        tpu.vector_store %arg14[%swap3A_1184, %swap3A_1185, %swap3A_1186], %swap3A_1189 {strides = array<i32>} : memref<2x16x1024xf32, #tpu.memory_space<vmem>>, vector<1x1x16xf32>,
        %scan3A_1190 = arith.constant 0 : i32
        scf.yield %scan3A_1190 : i32
      }
      %scan3A_1075 = arith.constant 16 : i32
      %scan3A_1076 = arith.constant 0 : i32
      scf.yield %scan3A_1076 : i32
    }
    %scan3A_172 = arith.constant 16 : i32
    %add3A_173 = arith.constant 0 : i32
    %add3A_174 = arith.addi %mul3A_2, %add3A_173 : i32
    %dma_start3A_175 = arith.constant 0 : i32
    %dma_start3A_176 = arith.constant 0 : i32
    %dma_start3A_177 = arith.constant 0 : i32
    %dma_start3A_178 = tpu.memref_slice %arg14[%dma_start3A_175, %dma_start3A_176, %dma_start3A_177] : memref<2x16x1024xf32, #tpu.memory_space<vmem>> -> memref<1x16x1024xf32, #tpu.memory_space<vmem>>
    %dma_start3A_179 = tpu.memref_squeeze %dma_start3A_178 : memref<1x16x1024xf32, #tpu.memory_space<vmem>> -> memref<16x1024xf32, #tpu.memory_space<vmem>>
    %dma_start3A_180 = arith.constant 0 : i32
    %dma_start3A_181 = tpu.memref_slice %arg7[%add3A_174, %dma_start3A_180] : memref<4096x1024xf32, #tpu.memory_space<hbm>> -> memref<16x1024xf32, #tpu.memory_space<hbm>>
    %dma_start3A_182 = arith.constant 0 : i32
    %dma_start3A_183 = tpu.memref_slice %arg7[%add3A_174, %dma_start3A_182] : memref<4096x1024xf32, #tpu.memory_space<hbm>> -> memref<16x1024xf32, #tpu.memory_space<hbm>>
    %dma_start3A_184 = arith.constant 0 : i32
    %dma_start3A_185 = arith.constant 0 : i32
    %dma_start3A_186 = tpu.memref_slice %arg14[%dma_start3A_175, %dma_start3A_184, %dma_start3A_185] : memref<2x16x1024xf32, #tpu.memory_space<vmem>> -> memref<1x16x1024xf32, #tpu.memory_space<vmem>>
    %dma_start3A_187 = tpu.memref_squeeze %dma_start3A_186 : memref<1x16x1024xf32, #tpu.memory_space<vmem>> -> memref<16x1024xf32, #tpu.memory_space<vmem>>
    tpu.enqueue_dma source(%dma_start3A_187 : memref<16x1024xf32, #tpu.memory_space<vmem>>) target(%dma_start3A_183 : memref<16x1024xf32, #tpu.memory_space<hbm>>) target_semaphore(%arg17 : memref<!tpu.dma_semaphore, #tpu.memory_space<semaphore_mem>>)
    %add3A_188 = arith.constant 32 : i32
    %add3A_189 = arith.addi %mul3A_2, %add3A_188 : i32
    %dma_start3A_190 = arith.constant 0 : i32
    %dma_start3A_191 = arith.constant 0 : i32
    %dma_start3A_192 = arith.constant 0 : i32
    %dma_start3A_193 = tpu.memref_slice %arg12[%dma_start3A_190, %dma_start3A_191, %dma_start3A_192] : memref<2x16x1024xf32, #tpu.memory_space<vmem>> -> memref<1x16x1024xf32, #tpu.memory_space<vmem>>
    %dma_start3A_194 = tpu.memref_squeeze %dma_start3A_193 : memref<1x16x1024xf32, #tpu.memory_space<vmem>> -> memref<16x1024xf32, #tpu.memory_space<vmem>>
    %dma_start3A_195 = arith.constant 32 : i32
    %dma_start3A_196 = tpu.memref_slice %arg8[%dma_start3A_195] : memref<128xi32, #tpu.memory_space<vmem>> -> memref<16xi32, #tpu.memory_space<vmem>>
    %dma_start3A_197 = arith.constant 0 : i32
    %dma_start3A_198 = arith.constant 0 : i32
    %dma_start3A_199 = tpu.memref_slice %arg2[%dma_start3A_197, %dma_start3A_198] : memref<9216x1024xf32, #tpu.memory_space<hbm>> -> memref<9216x1024xf32, #tpu.memory_space<hbm>>
    tpu.enqueue_indirect_dma source(%dma_start3A_199 : memref<9216x1024xf32, #tpu.memory_space<hbm>>) target(%dma_start3A_194 : memref<16x1024xf32, #tpu.memory_space<vmem>>) offsets(%dma_start3A_196 : memref<16xi32, #tpu.memory_space<vmem>>) semaphore(%arg16 : memref<!tpu.dma_semaphore, #tpu.memory_space<semaphore_mem>>)
    %dma_start3A_200 = arith.constant 0 : i32
    %dma_start3A_201 = arith.constant 0 : i32
    %dma_start3A_202 = arith.constant 0 : i32
    %dma_start3A_203 = tpu.memref_slice %arg13[%dma_start3A_200, %dma_start3A_201, %dma_start3A_202] : memref<2x16x1024xf32, #tpu.memory_space<vmem>> -> memref<1x16x1024xf32, #tpu.memory_space<vmem>>
    %dma_start3A_204 = tpu.memref_squeeze %dma_start3A_203 : memref<1x16x1024xf32, #tpu.memory_space<vmem>> -> memref<16x1024xf32, #tpu.memory_space<vmem>>
    %dma_start3A_205 = arith.constant 32 : i32
    %dma_start3A_206 = tpu.memref_slice %arg9[%dma_start3A_205] : memref<128xi32, #tpu.memory_space<vmem>> -> memref<16xi32, #tpu.memory_space<vmem>>
    %dma_start3A_207 = arith.constant 0 : i32
    %dma_start3A_208 = arith.constant 0 : i32
    %dma_start3A_209 = tpu.memref_slice %arg2[%dma_start3A_207, %dma_start3A_208] : memref<9216x1024xf32, #tpu.memory_space<hbm>> -> memref<9216x1024xf32, #tpu.memory_space<hbm>>
    tpu.enqueue_indirect_dma source(%dma_start3A_209 : memref<9216x1024xf32, #tpu.memory_space<hbm>>) target(%dma_start3A_204 : memref<16x1024xf32, #tpu.memory_space<vmem>>) offsets(%dma_start3A_206 : memref<16xi32, #tpu.memory_space<vmem>>) semaphore(%arg16 : memref<!tpu.dma_semaphore, #tpu.memory_space<semaphore_mem>>)
    %dma_start3A_210 = arith.constant 0 : i32
    %dma_start3A_211 = arith.constant 0 : i32
    %dma_start3A_212 = arith.constant 0 : i32
    %dma_start3A_213 = tpu.memref_slice %arg10[%dma_start3A_210, %dma_start3A_211, %dma_start3A_212] : memref<2x16x16xf32, #tpu.memory_space<vmem>> -> memref<1x16x16xf32, #tpu.memory_space<vmem>>
    %dma_start3A_214 = tpu.memref_squeeze %dma_start3A_213 : memref<1x16x16xf32, #tpu.memory_space<vmem>> -> memref<16x16xf32, #tpu.memory_space<vmem>>
    %dma_start3A_215 = arith.constant 0 : i32
    %dma_start3A_216 = tpu.memref_slice %arg5[%add3A_189, %dma_start3A_215] : memref<4096x16xf32, #tpu.memory_space<hbm>> -> memref<16x16xf32, #tpu.memory_space<hbm>>
    %dma_start3A_217 = arith.constant 0 : i32
    %dma_start3A_218 = arith.constant 0 : i32
    %dma_start3A_219 = tpu.memref_slice %arg10[%dma_start3A_210, %dma_start3A_217, %dma_start3A_218] : memref<2x16x16xf32, #tpu.memory_space<vmem>> -> memref<1x16x16xf32, #tpu.memory_space<vmem>>
    %dma_start3A_220 = tpu.memref_squeeze %dma_start3A_219 : memref<1x16x16xf32, #tpu.memory_space<vmem>> -> memref<16x16xf32, #tpu.memory_space<vmem>>
    %dma_start3A_221 = arith.constant 0 : i32
    %dma_start3A_222 = tpu.memref_slice %arg5[%add3A_189, %dma_start3A_221] : memref<4096x16xf32, #tpu.memory_space<hbm>> -> memref<16x16xf32, #tpu.memory_space<hbm>>
    tpu.enqueue_dma source(%dma_start3A_222 : memref<16x16xf32, #tpu.memory_space<hbm>>) target(%dma_start3A_220 : memref<16x16xf32, #tpu.memory_space<vmem>>) target_semaphore(%arg16 : memref<!tpu.dma_semaphore, #tpu.memory_space<semaphore_mem>>)
    %dma_start3A_223 = arith.constant 0 : i32
    %dma_start3A_224 = arith.constant 0 : i32
    %dma_start3A_225 = arith.constant 0 : i32
    %dma_start3A_226 = tpu.memref_slice %arg11[%dma_start3A_223, %dma_start3A_224, %dma_start3A_225] : memref<2x16x16xf32, #tpu.memory_space<vmem>> -> memref<1x16x16xf32, #tpu.memory_space<vmem>>
    %dma_start3A_227 = tpu.memref_squeeze %dma_start3A_226 : memref<1x16x16xf32, #tpu.memory_space<vmem>> -> memref<16x16xf32, #tpu.memory_space<vmem>>
    %dma_start3A_228 = arith.constant 0 : i32
    %dma_start3A_229 = tpu.memref_slice %arg6[%add3A_189, %dma_start3A_228] : memref<4096x16xf32, #tpu.memory_space<hbm>> -> memref<16x16xf32, #tpu.memory_space<hbm>>
    %dma_start3A_230 = arith.constant 0 : i32
    %dma_start3A_231 = arith.constant 0 : i32
    %dma_start3A_232 = tpu.memref_slice %arg11[%dma_start3A_223, %dma_start3A_230, %dma_start3A_231] : memref<2x16x16xf32, #tpu.memory_space<vmem>> -> memref<1x16x16xf32, #tpu.memory_space<vmem>>
    %dma_start3A_233 = tpu.memref_squeeze %dma_start3A_232 : memref<1x16x16xf32, #tpu.memory_space<vmem>> -> memref<16x16xf32, #tpu.memory_space<vmem>>
    %dma_start3A_234 = arith.constant 0 : i32
    %dma_start3A_235 = tpu.memref_slice %arg6[%add3A_189, %dma_start3A_234] : memref<4096x16xf32, #tpu.memory_space<hbm>> -> memref<16x16xf32, #tpu.memory_space<hbm>>
    tpu.enqueue_dma source(%dma_start3A_235 : memref<16x16xf32, #tpu.memory_space<hbm>>) target(%dma_start3A_233 : memref<16x16xf32, #tpu.memory_space<vmem>>) target_semaphore(%arg16 : memref<!tpu.dma_semaphore, #tpu.memory_space<semaphore_mem>>)
    %dma_wait3A_236 = arith.constant 1 : i32
    %dma_wait3A_237 = arith.constant 0 : i32
    %dma_wait3A_238 = arith.constant 0 : i32
    %dma_wait3A_239 = tpu.memref_slice %arg12[%dma_wait3A_236, %dma_wait3A_237, %dma_wait3A_238] : memref<2x16x1024xf32, #tpu.memory_space<vmem>> -> memref<1x16x1024xf32, #tpu.memory_space<vmem>>
    %dma_wait3A_240 = tpu.memref_squeeze %dma_wait3A_239 : memref<1x16x1024xf32, #tpu.memory_space<vmem>> -> memref<16x1024xf32, #tpu.memory_space<vmem>>
    %dma_wait3A_241 = arith.constant 16 : i32
    %dma_wait3A_242 = tpu.memref_slice %arg8[%dma_wait3A_241] : memref<128xi32, #tpu.memory_space<vmem>> -> memref<16xi32, #tpu.memory_space<vmem>>
    %dma_wait3A_243 = arith.constant 0 : i32
    %dma_wait3A_244 = arith.constant 0 : i32
    %dma_wait3A_245 = tpu.memref_slice %arg2[%dma_wait3A_243, %dma_wait3A_244] : memref<9216x1024xf32, #tpu.memory_space<hbm>> -> memref<9216x1024xf32, #tpu.memory_space<hbm>>
    tpu.wait_indirect_dma semaphore(%arg16 : memref<!tpu.dma_semaphore, #tpu.memory_space<semaphore_mem>>) src(%dma_wait3A_245 : memref<9216x1024xf32, #tpu.memory_space<hbm>>) dst(%dma_wait3A_240 : memref<16x1024xf32, #tpu.memory_space<vmem>>)
    %dma_wait3A_246 = arith.constant 1 : i32
    %dma_wait3A_247 = arith.constant 0 : i32
    %dma_wait3A_248 = arith.constant 0 : i32
    %dma_wait3A_249 = tpu.memref_slice %arg13[%dma_wait3A_246, %dma_wait3A_247, %dma_wait3A_248] : memref<2x16x1024xf32, #tpu.memory_space<vmem>> -> memref<1x16x1024xf32, #tpu.memory_space<vmem>>
    %dma_wait3A_250 = tpu.memref_squeeze %dma_wait3A_249 : memref<1x16x1024xf32, #tpu.memory_space<vmem>> -> memref<16x1024xf32, #tpu.memory_space<vmem>>
    %dma_wait3A_251 = arith.constant 16 : i32
    %dma_wait3A_252 = tpu.memref_slice %arg9[%dma_wait3A_251] : memref<128xi32, #tpu.memory_space<vmem>> -> memref<16xi32, #tpu.memory_space<vmem>>
    %dma_wait3A_253 = arith.constant 0 : i32
    %dma_wait3A_254 = arith.constant 0 : i32
    %dma_wait3A_255 = tpu.memref_slice %arg2[%dma_wait3A_253, %dma_wait3A_254] : memref<9216x1024xf32, #tpu.memory_space<hbm>> -> memref<9216x1024xf32, #tpu.memory_space<hbm>>
    tpu.wait_indirect_dma semaphore(%arg16 : memref<!tpu.dma_semaphore, #tpu.memory_space<semaphore_mem>>) src(%dma_wait3A_255 : memref<9216x1024xf32, #tpu.memory_space<hbm>>) dst(%dma_wait3A_250 : memref<16x1024xf32, #tpu.memory_space<vmem>>)
    %dma_wait3A_256 = arith.constant 1 : i32
    %dma_wait3A_257 = arith.constant 0 : i32
    %dma_wait3A_258 = arith.constant 0 : i32
    %dma_wait3A_259 = tpu.memref_slice %arg10[%dma_wait3A_256, %dma_wait3A_257, %dma_wait3A_258] : memref<2x16x16xf32, #tpu.memory_space<vmem>> -> memref<1x16x16xf32, #tpu.memory_space<vmem>>
    %dma_wait3A_260 = tpu.memref_squeeze %dma_wait3A_259 : memref<1x16x16xf32, #tpu.memory_space<vmem>> -> memref<16x16xf32, #tpu.memory_space<vmem>>
    %dma_wait3A_261 = arith.constant 0 : i32
    %dma_wait3A_262 = tpu.memref_slice %arg5[%add3A_74, %dma_wait3A_261] : memref<4096x16xf32, #tpu.memory_space<hbm>> -> memref<16x16xf32, #tpu.memory_space<hbm>>
    %dma_wait3A_263 = arith.constant 0 : i32
    %dma_wait3A_264 = arith.constant 0 : i32
    %dma_wait3A_265 = tpu.memref_slice %arg10[%dma_wait3A_256, %dma_wait3A_263, %dma_wait3A_264] : memref<2x16x16xf32, #tpu.memory_space<vmem>> -> memref<1x16x16xf32, #tpu.memory_space<vmem>>
    %dma_wait3A_266 = tpu.memref_squeeze %dma_wait3A_265 : memref<1x16x16xf32, #tpu.memory_space<vmem>> -> memref<16x16xf32, #tpu.memory_space<vmem>>
    %dma_wait3A_267 = arith.constant 0 : i32
    %dma_wait3A_268 = tpu.memref_slice %arg5[%add3A_74, %dma_wait3A_267] : memref<4096x16xf32, #tpu.memory_space<hbm>> -> memref<16x16xf32, #tpu.memory_space<hbm>>
    tpu.wait_dma2 semaphore(%arg16 : memref<!tpu.dma_semaphore, #tpu.memory_space<semaphore_mem>>) src(%dma_wait3A_268 : memref<16x16xf32, #tpu.memory_space<hbm>>) dst(%dma_wait3A_266 : memref<16x16xf32, #tpu.memory_space<vmem>>)
    %dma_wait3A_269 = arith.constant 1 : i32
    %dma_wait3A_270 = arith.constant 0 : i32
    %dma_wait3A_271 = arith.constant 0 : i32
    %dma_wait3A_272 = tpu.memref_slice %arg11[%dma_wait3A_269, %dma_wait3A_270, %dma_wait3A_271] : memref<2x16x16xf32, #tpu.memory_space<vmem>> -> memref<1x16x16xf32, #tpu.memory_space<vmem>>
    %dma_wait3A_273 = tpu.memref_squeeze %dma_wait3A_272 : memref<1x16x16xf32, #tpu.memory_space<vmem>> -> memref<16x16xf32, #tpu.memory_space<vmem>>
    %dma_wait3A_274 = arith.constant 0 : i32
    %dma_wait3A_275 = tpu.memref_slice %arg6[%add3A_74, %dma_wait3A_274] : memref<4096x16xf32, #tpu.memory_space<hbm>> -> memref<16x16xf32, #tpu.memory_space<hbm>>
    %dma_wait3A_276 = arith.constant 0 : i32
    %dma_wait3A_277 = arith.constant 0 : i32
    %dma_wait3A_278 = tpu.memref_slice %arg11[%dma_wait3A_269, %dma_wait3A_276, %dma_wait3A_277] : memref<2x16x16xf32, #tpu.memory_space<vmem>> -> memref<1x16x16xf32, #tpu.memory_space<vmem>>
    %dma_wait3A_279 = tpu.memref_squeeze %dma_wait3A_278 : memref<1x16x16xf32, #tpu.memory_space<vmem>> -> memref<16x16xf32, #tpu.memory_space<vmem>>
    %dma_wait3A_280 = arith.constant 0 : i32
    %dma_wait3A_281 = tpu.memref_slice %arg6[%add3A_74, %dma_wait3A_280] : memref<4096x16xf32, #tpu.memory_space<hbm>> -> memref<16x16xf32, #tpu.memory_space<hbm>>
    tpu.wait_dma2 semaphore(%arg16 : memref<!tpu.dma_semaphore, #tpu.memory_space<semaphore_mem>>) src(%dma_wait3A_281 : memref<16x16xf32, #tpu.memory_space<hbm>>) dst(%dma_wait3A_279 : memref<16x16xf32, #tpu.memory_space<vmem>>)
    %scan3A_282 = arith.constant 0 : i32
    %scan3A_283 = arith.constant 0 : i32
    %scan3A_284 = arith.constant 16 : i32
    %scan3A_285 = arith.addi %scan3A_283, %scan3A_284 : i32
    %scan3A_286 = arith.constant 1 : i32
    %scan3A_287 = scf.for %scan3A_1056 = %scan3A_283 to %scan3A_285 step %scan3A_286 iter_args(%scan3A_1057 = %scan3A_282) -> (i32)  : i32 {
      %get3A = arith.constant 1 : i32
      %get3A_1058 = arith.index_cast %get3A : i32 to index
      %get3A_1059 = arith.index_cast %scan3A_1056 : i32 to index
      %get3A_1060 = arith.constant 0 : index
      %get3A_1061 = tpu.vector_load %arg10[%get3A_1058, %get3A_1059, %get3A_1060] {strides = array<i32>} : memref<2x16x16xf32, #tpu.memory_space<vmem>>, vector<1x1x16xf32>,
      %get3A_1062 = vector.shape_cast %get3A_1061 : vector<1x1x16xf32> to vector<16xf32>
      %get3A_1063 = arith.constant 1 : i32
      %get3A_1064 = arith.index_cast %get3A_1063 : i32 to index
      %get3A_1065 = arith.index_cast %scan3A_1056 : i32 to index
      %get3A_1066 = arith.constant 0 : index
      %get3A_1067 = tpu.vector_load %arg11[%get3A_1064, %get3A_1065, %get3A_1066] {strides = array<i32>} : memref<2x16x16xf32, #tpu.memory_space<vmem>>, vector<1x1x16xf32>,
      %get3A_1068 = vector.shape_cast %get3A_1067 : vector<1x1x16xf32> to vector<16xf32>
      %scan3A_1069 = arith.constant 0 : i32
      %scan3A_1070 = arith.constant 0 : i32
      %scan3A_1071 = arith.constant 16 : i32
      %scan3A_1072 = arith.addi %scan3A_1070, %scan3A_1071 : i32
      %scan3A_1073 = arith.constant 1 : i32
      %scan3A_1074 = scf.for %scan3A_1077 = %scan3A_1070 to %scan3A_1072 step %scan3A_1073 iter_args(%scan3A_1078 = %scan3A_1069) -> (i32)  : i32 {
        %mul3A_1079 = arith.constant 4 : i32
        %mul3A_1080 = arith.muli %scan3A_1077, %mul3A_1079 : i32
        %add3A_1081 = arith.constant 0 : i32
        %add3A_1082 = arith.addi %mul3A_1080, %add3A_1081 : i32
        %mul3A_1083 = arith.constant 16 : i32
        %mul3A_1084 = arith.muli %add3A_1082, %mul3A_1083 : i32
        %get3A_1085 = arith.constant 1 : i32
        %get3A_1086 = arith.index_cast %get3A_1085 : i32 to index
        %get3A_1087 = arith.index_cast %scan3A_1056 : i32 to index
        %get3A_1088 = arith.index_cast %mul3A_1084 : i32 to index
        %get3A_1089 = tpu.vector_load %arg12[%get3A_1086, %get3A_1087, %get3A_1088] {strides = array<i32>} : memref<2x16x1024xf32, #tpu.memory_space<vmem>>, vector<1x1x16xf32>,
        %get3A_1090 = vector.shape_cast %get3A_1089 : vector<1x1x16xf32> to vector<16xf32>
        %mul3A_1091 = arith.mulf %get3A_1090, %get3A_1062 : vector<16xf32>
        %get3A_1092 = arith.constant 1 : i32
        %get3A_1093 = arith.index_cast %get3A_1092 : i32 to index
        %get3A_1094 = arith.index_cast %scan3A_1056 : i32 to index
        %get3A_1095 = arith.index_cast %mul3A_1084 : i32 to index
        %get3A_1096 = tpu.vector_load %arg13[%get3A_1093, %get3A_1094, %get3A_1095] {strides = array<i32>} : memref<2x16x1024xf32, #tpu.memory_space<vmem>>, vector<1x1x16xf32>,
        %get3A_1097 = vector.shape_cast %get3A_1096 : vector<1x1x16xf32> to vector<16xf32>
        %mul3A_1098 = arith.mulf %get3A_1097, %get3A_1068 : vector<16xf32>
        %add3A_1099 = arith.addf %mul3A_1091, %mul3A_1098 : vector<16xf32>
        %swap3A = arith.constant 1 : i32
        %swap3A_1100 = arith.index_cast %swap3A : i32 to index
        %swap3A_1101 = arith.index_cast %scan3A_1056 : i32 to index
        %swap3A_1102 = arith.index_cast %mul3A_1084 : i32 to index
        %swap3A_1103 = tpu.vector_load %arg14[%swap3A_1100, %swap3A_1101, %swap3A_1102] {strides = array<i32>} : memref<2x16x1024xf32, #tpu.memory_space<vmem>>, vector<1x1x16xf32>,
        %swap3A_1104 = vector.shape_cast %swap3A_1103 : vector<1x1x16xf32> to vector<16xf32>
        %swap3A_1105 = vector.shape_cast %add3A_1099 : vector<16xf32> to vector<1x1x16xf32>
        tpu.vector_store %arg14[%swap3A_1100, %swap3A_1101, %swap3A_1102], %swap3A_1105 {strides = array<i32>} : memref<2x16x1024xf32, #tpu.memory_space<vmem>>, vector<1x1x16xf32>,
        %mul3A_1106 = arith.constant 4 : i32
        %mul3A_1107 = arith.muli %scan3A_1077, %mul3A_1106 : i32
        %add3A_1108 = arith.constant 1 : i32
        %add3A_1109 = arith.addi %mul3A_1107, %add3A_1108 : i32
        %mul3A_1110 = arith.constant 16 : i32
        %mul3A_1111 = arith.muli %add3A_1109, %mul3A_1110 : i32
        %get3A_1112 = arith.constant 1 : i32
        %get3A_1113 = arith.index_cast %get3A_1112 : i32 to index
        %get3A_1114 = arith.index_cast %scan3A_1056 : i32 to index
        %get3A_1115 = arith.index_cast %mul3A_1111 : i32 to index
        %get3A_1116 = tpu.vector_load %arg12[%get3A_1113, %get3A_1114, %get3A_1115] {strides = array<i32>} : memref<2x16x1024xf32, #tpu.memory_space<vmem>>, vector<1x1x16xf32>,
        %get3A_1117 = vector.shape_cast %get3A_1116 : vector<1x1x16xf32> to vector<16xf32>
        %mul3A_1118 = arith.mulf %get3A_1117, %get3A_1062 : vector<16xf32>
        %get3A_1119 = arith.constant 1 : i32
        %get3A_1120 = arith.index_cast %get3A_1119 : i32 to index
        %get3A_1121 = arith.index_cast %scan3A_1056 : i32 to index
        %get3A_1122 = arith.index_cast %mul3A_1111 : i32 to index
        %get3A_1123 = tpu.vector_load %arg13[%get3A_1120, %get3A_1121, %get3A_1122] {strides = array<i32>} : memref<2x16x1024xf32, #tpu.memory_space<vmem>>, vector<1x1x16xf32>,
        %get3A_1124 = vector.shape_cast %get3A_1123 : vector<1x1x16xf32> to vector<16xf32>
        %mul3A_1125 = arith.mulf %get3A_1124, %get3A_1068 : vector<16xf32>
        %add3A_1126 = arith.addf %mul3A_1118, %mul3A_1125 : vector<16xf32>
        %swap3A_1127 = arith.constant 1 : i32
        %swap3A_1128 = arith.index_cast %swap3A_1127 : i32 to index
        %swap3A_1129 = arith.index_cast %scan3A_1056 : i32 to index
        %swap3A_1130 = arith.index_cast %mul3A_1111 : i32 to index
        %swap3A_1131 = tpu.vector_load %arg14[%swap3A_1128, %swap3A_1129, %swap3A_1130] {strides = array<i32>} : memref<2x16x1024xf32, #tpu.memory_space<vmem>>, vector<1x1x16xf32>,
        %swap3A_1132 = vector.shape_cast %swap3A_1131 : vector<1x1x16xf32> to vector<16xf32>
        %swap3A_1133 = vector.shape_cast %add3A_1126 : vector<16xf32> to vector<1x1x16xf32>
        tpu.vector_store %arg14[%swap3A_1128, %swap3A_1129, %swap3A_1130], %swap3A_1133 {strides = array<i32>} : memref<2x16x1024xf32, #tpu.memory_space<vmem>>, vector<1x1x16xf32>,
        %mul3A_1134 = arith.constant 4 : i32
        %mul3A_1135 = arith.muli %scan3A_1077, %mul3A_1134 : i32
        %add3A_1136 = arith.constant 2 : i32
        %add3A_1137 = arith.addi %mul3A_1135, %add3A_1136 : i32
        %mul3A_1138 = arith.constant 16 : i32
        %mul3A_1139 = arith.muli %add3A_1137, %mul3A_1138 : i32
        %get3A_1140 = arith.constant 1 : i32
        %get3A_1141 = arith.index_cast %get3A_1140 : i32 to index
        %get3A_1142 = arith.index_cast %scan3A_1056 : i32 to index
        %get3A_1143 = arith.index_cast %mul3A_1139 : i32 to index
        %get3A_1144 = tpu.vector_load %arg12[%get3A_1141, %get3A_1142, %get3A_1143] {strides = array<i32>} : memref<2x16x1024xf32, #tpu.memory_space<vmem>>, vector<1x1x16xf32>,
        %get3A_1145 = vector.shape_cast %get3A_1144 : vector<1x1x16xf32> to vector<16xf32>
        %mul3A_1146 = arith.mulf %get3A_1145, %get3A_1062 : vector<16xf32>
        %get3A_1147 = arith.constant 1 : i32
        %get3A_1148 = arith.index_cast %get3A_1147 : i32 to index
        %get3A_1149 = arith.index_cast %scan3A_1056 : i32 to index
        %get3A_1150 = arith.index_cast %mul3A_1139 : i32 to index
        %get3A_1151 = tpu.vector_load %arg13[%get3A_1148, %get3A_1149, %get3A_1150] {strides = array<i32>} : memref<2x16x1024xf32, #tpu.memory_space<vmem>>, vector<1x1x16xf32>,
        %get3A_1152 = vector.shape_cast %get3A_1151 : vector<1x1x16xf32> to vector<16xf32>
        %mul3A_1153 = arith.mulf %get3A_1152, %get3A_1068 : vector<16xf32>
        %add3A_1154 = arith.addf %mul3A_1146, %mul3A_1153 : vector<16xf32>
        %swap3A_1155 = arith.constant 1 : i32
        %swap3A_1156 = arith.index_cast %swap3A_1155 : i32 to index
        %swap3A_1157 = arith.index_cast %scan3A_1056 : i32 to index
        %swap3A_1158 = arith.index_cast %mul3A_1139 : i32 to index
        %swap3A_1159 = tpu.vector_load %arg14[%swap3A_1156, %swap3A_1157, %swap3A_1158] {strides = array<i32>} : memref<2x16x1024xf32, #tpu.memory_space<vmem>>, vector<1x1x16xf32>,
        %swap3A_1160 = vector.shape_cast %swap3A_1159 : vector<1x1x16xf32> to vector<16xf32>
        %swap3A_1161 = vector.shape_cast %add3A_1154 : vector<16xf32> to vector<1x1x16xf32>
        tpu.vector_store %arg14[%swap3A_1156, %swap3A_1157, %swap3A_1158], %swap3A_1161 {strides = array<i32>} : memref<2x16x1024xf32, #tpu.memory_space<vmem>>, vector<1x1x16xf32>,
        %mul3A_1162 = arith.constant 4 : i32
        %mul3A_1163 = arith.muli %scan3A_1077, %mul3A_1162 : i32
        %add3A_1164 = arith.constant 3 : i32
        %add3A_1165 = arith.addi %mul3A_1163, %add3A_1164 : i32
        %mul3A_1166 = arith.constant 16 : i32
        %mul3A_1167 = arith.muli %add3A_1165, %mul3A_1166 : i32
        %get3A_1168 = arith.constant 1 : i32
        %get3A_1169 = arith.index_cast %get3A_1168 : i32 to index
        %get3A_1170 = arith.index_cast %scan3A_1056 : i32 to index
        %get3A_1171 = arith.index_cast %mul3A_1167 : i32 to index
        %get3A_1172 = tpu.vector_load %arg12[%get3A_1169, %get3A_1170, %get3A_1171] {strides = array<i32>} : memref<2x16x1024xf32, #tpu.memory_space<vmem>>, vector<1x1x16xf32>,
        %get3A_1173 = vector.shape_cast %get3A_1172 : vector<1x1x16xf32> to vector<16xf32>
        %mul3A_1174 = arith.mulf %get3A_1173, %get3A_1062 : vector<16xf32>
        %get3A_1175 = arith.constant 1 : i32
        %get3A_1176 = arith.index_cast %get3A_1175 : i32 to index
        %get3A_1177 = arith.index_cast %scan3A_1056 : i32 to index
        %get3A_1178 = arith.index_cast %mul3A_1167 : i32 to index
        %get3A_1179 = tpu.vector_load %arg13[%get3A_1176, %get3A_1177, %get3A_1178] {strides = array<i32>} : memref<2x16x1024xf32, #tpu.memory_space<vmem>>, vector<1x1x16xf32>,
        %get3A_1180 = vector.shape_cast %get3A_1179 : vector<1x1x16xf32> to vector<16xf32>
        %mul3A_1181 = arith.mulf %get3A_1180, %get3A_1068 : vector<16xf32>
        %add3A_1182 = arith.addf %mul3A_1174, %mul3A_1181 : vector<16xf32>
        %swap3A_1183 = arith.constant 1 : i32
        %swap3A_1184 = arith.index_cast %swap3A_1183 : i32 to index
        %swap3A_1185 = arith.index_cast %scan3A_1056 : i32 to index
        %swap3A_1186 = arith.index_cast %mul3A_1167 : i32 to index
        %swap3A_1187 = tpu.vector_load %arg14[%swap3A_1184, %swap3A_1185, %swap3A_1186] {strides = array<i32>} : memref<2x16x1024xf32, #tpu.memory_space<vmem>>, vector<1x1x16xf32>,
        %swap3A_1188 = vector.shape_cast %swap3A_1187 : vector<1x1x16xf32> to vector<16xf32>
        %swap3A_1189 = vector.shape_cast %add3A_1182 : vector<16xf32> to vector<1x1x16xf32>
        tpu.vector_store %arg14[%swap3A_1184, %swap3A_1185, %swap3A_1186], %swap3A_1189 {strides = array<i32>} : memref<2x16x1024xf32, #tpu.memory_space<vmem>>, vector<1x1x16xf32>,
        %scan3A_1190 = arith.constant 0 : i32
        scf.yield %scan3A_1190 : i32
      }
      %scan3A_1075 = arith.constant 16 : i32
      %scan3A_1076 = arith.constant 0 : i32
      scf.yield %scan3A_1076 : i32
    }
    %scan3A_288 = arith.constant 16 : i32
    %add3A_289 = arith.constant 16 : i32
    %add3A_290 = arith.addi %mul3A_2, %add3A_289 : i32
    %dma_start3A_291 = arith.constant 1 : i32
    %dma_start3A_292 = arith.constant 0 : i32
    %dma_start3A_293 = arith.constant 0 : i32
    %dma_start3A_294 = tpu.memref_slice %arg14[%dma_start3A_291, %dma_start3A_292, %dma_start3A_293] : memref<2x16x1024xf32, #tpu.memory_space<vmem>> -> memref<1x16x1024xf32, #tpu.memory_space<vmem>>
    %dma_start3A_295 = tpu.memref_squeeze %dma_start3A_294 : memref<1x16x1024xf32, #tpu.memory_space<vmem>> -> memref<16x1024xf32, #tpu.memory_space<vmem>>
    %dma_start3A_296 = arith.constant 0 : i32
    %dma_start3A_297 = tpu.memref_slice %arg7[%add3A_290, %dma_start3A_296] : memref<4096x1024xf32, #tpu.memory_space<hbm>> -> memref<16x1024xf32, #tpu.memory_space<hbm>>
    %dma_start3A_298 = arith.constant 0 : i32
    %dma_start3A_299 = tpu.memref_slice %arg7[%add3A_290, %dma_start3A_298] : memref<4096x1024xf32, #tpu.memory_space<hbm>> -> memref<16x1024xf32, #tpu.memory_space<hbm>>
    %dma_start3A_300 = arith.constant 0 : i32
    %dma_start3A_301 = arith.constant 0 : i32
    %dma_start3A_302 = tpu.memref_slice %arg14[%dma_start3A_291, %dma_start3A_300, %dma_start3A_301] : memref<2x16x1024xf32, #tpu.memory_space<vmem>> -> memref<1x16x1024xf32, #tpu.memory_space<vmem>>
    %dma_start3A_303 = tpu.memref_squeeze %dma_start3A_302 : memref<1x16x1024xf32, #tpu.memory_space<vmem>> -> memref<16x1024xf32, #tpu.memory_space<vmem>>
    tpu.enqueue_dma source(%dma_start3A_303 : memref<16x1024xf32, #tpu.memory_space<vmem>>) target(%dma_start3A_299 : memref<16x1024xf32, #tpu.memory_space<hbm>>) target_semaphore(%arg17 : memref<!tpu.dma_semaphore, #tpu.memory_space<semaphore_mem>>)
    %add3A_304 = arith.constant 48 : i32
    %add3A_305 = arith.addi %mul3A_2, %add3A_304 : i32
    %dma_start3A_306 = arith.constant 1 : i32
    %dma_start3A_307 = arith.constant 0 : i32
    %dma_start3A_308 = arith.constant 0 : i32
    %dma_start3A_309 = tpu.memref_slice %arg12[%dma_start3A_306, %dma_start3A_307, %dma_start3A_308] : memref<2x16x1024xf32, #tpu.memory_space<vmem>> -> memref<1x16x1024xf32, #tpu.memory_space<vmem>>
    %dma_start3A_310 = tpu.memref_squeeze %dma_start3A_309 : memref<1x16x1024xf32, #tpu.memory_space<vmem>> -> memref<16x1024xf32, #tpu.memory_space<vmem>>
    %dma_start3A_311 = arith.constant 48 : i32
    %dma_start3A_312 = tpu.memref_slice %arg8[%dma_start3A_311] : memref<128xi32, #tpu.memory_space<vmem>> -> memref<16xi32, #tpu.memory_space<vmem>>
    %dma_start3A_313 = arith.constant 0 : i32
    %dma_start3A_314 = arith.constant 0 : i32
    %dma_start3A_315 = tpu.memref_slice %arg2[%dma_start3A_313, %dma_start3A_314] : memref<9216x1024xf32, #tpu.memory_space<hbm>> -> memref<9216x1024xf32, #tpu.memory_space<hbm>>
    tpu.enqueue_indirect_dma source(%dma_start3A_315 : memref<9216x1024xf32, #tpu.memory_space<hbm>>) target(%dma_start3A_310 : memref<16x1024xf32, #tpu.memory_space<vmem>>) offsets(%dma_start3A_312 : memref<16xi32, #tpu.memory_space<vmem>>) semaphore(%arg16 : memref<!tpu.dma_semaphore, #tpu.memory_space<semaphore_mem>>)
    %dma_start3A_316 = arith.constant 1 : i32
    %dma_start3A_317 = arith.constant 0 : i32
    %dma_start3A_318 = arith.constant 0 : i32
    %dma_start3A_319 = tpu.memref_slice %arg13[%dma_start3A_316, %dma_start3A_317, %dma_start3A_318] : memref<2x16x1024xf32, #tpu.memory_space<vmem>> -> memref<1x16x1024xf32, #tpu.memory_space<vmem>>
    %dma_start3A_320 = tpu.memref_squeeze %dma_start3A_319 : memref<1x16x1024xf32, #tpu.memory_space<vmem>> -> memref<16x1024xf32, #tpu.memory_space<vmem>>
    %dma_start3A_321 = arith.constant 48 : i32
    %dma_start3A_322 = tpu.memref_slice %arg9[%dma_start3A_321] : memref<128xi32, #tpu.memory_space<vmem>> -> memref<16xi32, #tpu.memory_space<vmem>>
    %dma_start3A_323 = arith.constant 0 : i32
    %dma_start3A_324 = arith.constant 0 : i32
    %dma_start3A_325 = tpu.memref_slice %arg2[%dma_start3A_323, %dma_start3A_324] : memref<9216x1024xf32, #tpu.memory_space<hbm>> -> memref<9216x1024xf32, #tpu.memory_space<hbm>>
    tpu.enqueue_indirect_dma source(%dma_start3A_325 : memref<9216x1024xf32, #tpu.memory_space<hbm>>) target(%dma_start3A_320 : memref<16x1024xf32, #tpu.memory_space<vmem>>) offsets(%dma_start3A_322 : memref<16xi32, #tpu.memory_space<vmem>>) semaphore(%arg16 : memref<!tpu.dma_semaphore, #tpu.memory_space<semaphore_mem>>)
    %dma_start3A_326 = arith.constant 1 : i32
    %dma_start3A_327 = arith.constant 0 : i32
    %dma_start3A_328 = arith.constant 0 : i32
    %dma_start3A_329 = tpu.memref_slice %arg10[%dma_start3A_326, %dma_start3A_327, %dma_start3A_328] : memref<2x16x16xf32, #tpu.memory_space<vmem>> -> memref<1x16x16xf32, #tpu.memory_space<vmem>>
    %dma_start3A_330 = tpu.memref_squeeze %dma_start3A_329 : memref<1x16x16xf32, #tpu.memory_space<vmem>> -> memref<16x16xf32, #tpu.memory_space<vmem>>
    %dma_start3A_331 = arith.constant 0 : i32
    %dma_start3A_332 = tpu.memref_slice %arg5[%add3A_305, %dma_start3A_331] : memref<4096x16xf32, #tpu.memory_space<hbm>> -> memref<16x16xf32, #tpu.memory_space<hbm>>
    %dma_start3A_333 = arith.constant 0 : i32
    %dma_start3A_334 = arith.constant 0 : i32
    %dma_start3A_335 = tpu.memref_slice %arg10[%dma_start3A_326, %dma_start3A_333, %dma_start3A_334] : memref<2x16x16xf32, #tpu.memory_space<vmem>> -> memref<1x16x16xf32, #tpu.memory_space<vmem>>
    %dma_start3A_336 = tpu.memref_squeeze %dma_start3A_335 : memref<1x16x16xf32, #tpu.memory_space<vmem>> -> memref<16x16xf32, #tpu.memory_space<vmem>>
    %dma_start3A_337 = arith.constant 0 : i32
    %dma_start3A_338 = tpu.memref_slice %arg5[%add3A_305, %dma_start3A_337] : memref<4096x16xf32, #tpu.memory_space<hbm>> -> memref<16x16xf32, #tpu.memory_space<hbm>>
    tpu.enqueue_dma source(%dma_start3A_338 : memref<16x16xf32, #tpu.memory_space<hbm>>) target(%dma_start3A_336 : memref<16x16xf32, #tpu.memory_space<vmem>>) target_semaphore(%arg16 : memref<!tpu.dma_semaphore, #tpu.memory_space<semaphore_mem>>)
    %dma_start3A_339 = arith.constant 1 : i32
    %dma_start3A_340 = arith.constant 0 : i32
    %dma_start3A_341 = arith.constant 0 : i32
    %dma_start3A_342 = tpu.memref_slice %arg11[%dma_start3A_339, %dma_start3A_340, %dma_start3A_341] : memref<2x16x16xf32, #tpu.memory_space<vmem>> -> memref<1x16x16xf32, #tpu.memory_space<vmem>>
    %dma_start3A_343 = tpu.memref_squeeze %dma_start3A_342 : memref<1x16x16xf32, #tpu.memory_space<vmem>> -> memref<16x16xf32, #tpu.memory_space<vmem>>
    %dma_start3A_344 = arith.constant 0 : i32
    %dma_start3A_345 = tpu.memref_slice %arg6[%add3A_305, %dma_start3A_344] : memref<4096x16xf32, #tpu.memory_space<hbm>> -> memref<16x16xf32, #tpu.memory_space<hbm>>
    %dma_start3A_346 = arith.constant 0 : i32
    %dma_start3A_347 = arith.constant 0 : i32
    %dma_start3A_348 = tpu.memref_slice %arg11[%dma_start3A_339, %dma_start3A_346, %dma_start3A_347] : memref<2x16x16xf32, #tpu.memory_space<vmem>> -> memref<1x16x16xf32, #tpu.memory_space<vmem>>
    %dma_start3A_349 = tpu.memref_squeeze %dma_start3A_348 : memref<1x16x16xf32, #tpu.memory_space<vmem>> -> memref<16x16xf32, #tpu.memory_space<vmem>>
    %dma_start3A_350 = arith.constant 0 : i32
    %dma_start3A_351 = tpu.memref_slice %arg6[%add3A_305, %dma_start3A_350] : memref<4096x16xf32, #tpu.memory_space<hbm>> -> memref<16x16xf32, #tpu.memory_space<hbm>>
    tpu.enqueue_dma source(%dma_start3A_351 : memref<16x16xf32, #tpu.memory_space<hbm>>) target(%dma_start3A_349 : memref<16x16xf32, #tpu.memory_space<vmem>>) target_semaphore(%arg16 : memref<!tpu.dma_semaphore, #tpu.memory_space<semaphore_mem>>)
    %dma_wait3A_352 = arith.constant 0 : i32
    %dma_wait3A_353 = arith.constant 0 : i32
    %dma_wait3A_354 = arith.constant 0 : i32
    %dma_wait3A_355 = tpu.memref_slice %arg12[%dma_wait3A_352, %dma_wait3A_353, %dma_wait3A_354] : memref<2x16x1024xf32, #tpu.memory_space<vmem>> -> memref<1x16x1024xf32, #tpu.memory_space<vmem>>
    %dma_wait3A_356 = tpu.memref_squeeze %dma_wait3A_355 : memref<1x16x1024xf32, #tpu.memory_space<vmem>> -> memref<16x1024xf32, #tpu.memory_space<vmem>>
    %dma_wait3A_357 = arith.constant 32 : i32
    %dma_wait3A_358 = tpu.memref_slice %arg8[%dma_wait3A_357] : memref<128xi32, #tpu.memory_space<vmem>> -> memref<16xi32, #tpu.memory_space<vmem>>
    %dma_wait3A_359 = arith.constant 0 : i32
    %dma_wait3A_360 = arith.constant 0 : i32
    %dma_wait3A_361 = tpu.memref_slice %arg2[%dma_wait3A_359, %dma_wait3A_360] : memref<9216x1024xf32, #tpu.memory_space<hbm>> -> memref<9216x1024xf32, #tpu.memory_space<hbm>>
    tpu.wait_indirect_dma semaphore(%arg16 : memref<!tpu.dma_semaphore, #tpu.memory_space<semaphore_mem>>) src(%dma_wait3A_361 : memref<9216x1024xf32, #tpu.memory_space<hbm>>) dst(%dma_wait3A_356 : memref<16x1024xf32, #tpu.memory_space<vmem>>)
    %dma_wait3A_362 = arith.constant 0 : i32
    %dma_wait3A_363 = arith.constant 0 : i32
    %dma_wait3A_364 = arith.constant 0 : i32
    %dma_wait3A_365 = tpu.memref_slice %arg13[%dma_wait3A_362, %dma_wait3A_363, %dma_wait3A_364] : memref<2x16x1024xf32, #tpu.memory_space<vmem>> -> memref<1x16x1024xf32, #tpu.memory_space<vmem>>
    %dma_wait3A_366 = tpu.memref_squeeze %dma_wait3A_365 : memref<1x16x1024xf32, #tpu.memory_space<vmem>> -> memref<16x1024xf32, #tpu.memory_space<vmem>>
    %dma_wait3A_367 = arith.constant 32 : i32
    %dma_wait3A_368 = tpu.memref_slice %arg9[%dma_wait3A_367] : memref<128xi32, #tpu.memory_space<vmem>> -> memref<16xi32, #tpu.memory_space<vmem>>
    %dma_wait3A_369 = arith.constant 0 : i32
    %dma_wait3A_370 = arith.constant 0 : i32
    %dma_wait3A_371 = tpu.memref_slice %arg2[%dma_wait3A_369, %dma_wait3A_370] : memref<9216x1024xf32, #tpu.memory_space<hbm>> -> memref<9216x1024xf32, #tpu.memory_space<hbm>>
    tpu.wait_indirect_dma semaphore(%arg16 : memref<!tpu.dma_semaphore, #tpu.memory_space<semaphore_mem>>) src(%dma_wait3A_371 : memref<9216x1024xf32, #tpu.memory_space<hbm>>) dst(%dma_wait3A_366 : memref<16x1024xf32, #tpu.memory_space<vmem>>)
    %dma_wait3A_372 = arith.constant 0 : i32
    %dma_wait3A_373 = arith.constant 0 : i32
    %dma_wait3A_374 = arith.constant 0 : i32
    %dma_wait3A_375 = tpu.memref_slice %arg10[%dma_wait3A_372, %dma_wait3A_373, %dma_wait3A_374] : memref<2x16x16xf32, #tpu.memory_space<vmem>> -> memref<1x16x16xf32, #tpu.memory_space<vmem>>
    %dma_wait3A_376 = tpu.memref_squeeze %dma_wait3A_375 : memref<1x16x16xf32, #tpu.memory_space<vmem>> -> memref<16x16xf32, #tpu.memory_space<vmem>>
    %dma_wait3A_377 = arith.constant 0 : i32
    %dma_wait3A_378 = tpu.memref_slice %arg5[%add3A_189, %dma_wait3A_377] : memref<4096x16xf32, #tpu.memory_space<hbm>> -> memref<16x16xf32, #tpu.memory_space<hbm>>
    %dma_wait3A_379 = arith.constant 0 : i32
    %dma_wait3A_380 = arith.constant 0 : i32
    %dma_wait3A_381 = tpu.memref_slice %arg10[%dma_wait3A_372, %dma_wait3A_379, %dma_wait3A_380] : memref<2x16x16xf32, #tpu.memory_space<vmem>> -> memref<1x16x16xf32, #tpu.memory_space<vmem>>
    %dma_wait3A_382 = tpu.memref_squeeze %dma_wait3A_381 : memref<1x16x16xf32, #tpu.memory_space<vmem>> -> memref<16x16xf32, #tpu.memory_space<vmem>>
    %dma_wait3A_383 = arith.constant 0 : i32
    %dma_wait3A_384 = tpu.memref_slice %arg5[%add3A_189, %dma_wait3A_383] : memref<4096x16xf32, #tpu.memory_space<hbm>> -> memref<16x16xf32, #tpu.memory_space<hbm>>
    tpu.wait_dma2 semaphore(%arg16 : memref<!tpu.dma_semaphore, #tpu.memory_space<semaphore_mem>>) src(%dma_wait3A_384 : memref<16x16xf32, #tpu.memory_space<hbm>>) dst(%dma_wait3A_382 : memref<16x16xf32, #tpu.memory_space<vmem>>)
    %dma_wait3A_385 = arith.constant 0 : i32
    %dma_wait3A_386 = arith.constant 0 : i32
    %dma_wait3A_387 = arith.constant 0 : i32
    %dma_wait3A_388 = tpu.memref_slice %arg11[%dma_wait3A_385, %dma_wait3A_386, %dma_wait3A_387] : memref<2x16x16xf32, #tpu.memory_space<vmem>> -> memref<1x16x16xf32, #tpu.memory_space<vmem>>
    %dma_wait3A_389 = tpu.memref_squeeze %dma_wait3A_388 : memref<1x16x16xf32, #tpu.memory_space<vmem>> -> memref<16x16xf32, #tpu.memory_space<vmem>>
    %dma_wait3A_390 = arith.constant 0 : i32
    %dma_wait3A_391 = tpu.memref_slice %arg6[%add3A_189, %dma_wait3A_390] : memref<4096x16xf32, #tpu.memory_space<hbm>> -> memref<16x16xf32, #tpu.memory_space<hbm>>
    %dma_wait3A_392 = arith.constant 0 : i32
    %dma_wait3A_393 = arith.constant 0 : i32
    %dma_wait3A_394 = tpu.memref_slice %arg11[%dma_wait3A_385, %dma_wait3A_392, %dma_wait3A_393] : memref<2x16x16xf32, #tpu.memory_space<vmem>> -> memref<1x16x16xf32, #tpu.memory_space<vmem>>
    %dma_wait3A_395 = tpu.memref_squeeze %dma_wait3A_394 : memref<1x16x16xf32, #tpu.memory_space<vmem>> -> memref<16x16xf32, #tpu.memory_space<vmem>>
    %dma_wait3A_396 = arith.constant 0 : i32
    %dma_wait3A_397 = tpu.memref_slice %arg6[%add3A_189, %dma_wait3A_396] : memref<4096x16xf32, #tpu.memory_space<hbm>> -> memref<16x16xf32, #tpu.memory_space<hbm>>
    tpu.wait_dma2 semaphore(%arg16 : memref<!tpu.dma_semaphore, #tpu.memory_space<semaphore_mem>>) src(%dma_wait3A_397 : memref<16x16xf32, #tpu.memory_space<hbm>>) dst(%dma_wait3A_395 : memref<16x16xf32, #tpu.memory_space<vmem>>)
    %dma_wait3A_398 = arith.constant 0 : i32
    %dma_wait3A_399 = arith.constant 0 : i32
    %dma_wait3A_400 = arith.constant 0 : i32
    %dma_wait3A_401 = tpu.memref_slice %arg14[%dma_wait3A_398, %dma_wait3A_399, %dma_wait3A_400] : memref<2x16x1024xf32, #tpu.memory_space<vmem>> -> memref<1x16x1024xf32, #tpu.memory_space<vmem>>
    %dma_wait3A_402 = tpu.memref_squeeze %dma_wait3A_401 : memref<1x16x1024xf32, #tpu.memory_space<vmem>> -> memref<16x1024xf32, #tpu.memory_space<vmem>>
    %dma_wait3A_403 = arith.constant 0 : i32
    %dma_wait3A_404 = tpu.memref_slice %arg7[%add3A_174, %dma_wait3A_403] : memref<4096x1024xf32, #tpu.memory_space<hbm>> -> memref<16x1024xf32, #tpu.memory_space<hbm>>
    %dma_wait3A_405 = arith.constant 0 : i32
    %dma_wait3A_406 = tpu.memref_slice %arg7[%add3A_174, %dma_wait3A_405] : memref<4096x1024xf32, #tpu.memory_space<hbm>> -> memref<16x1024xf32, #tpu.memory_space<hbm>>
    %dma_wait3A_407 = arith.constant 0 : i32
    %dma_wait3A_408 = arith.constant 0 : i32
    %dma_wait3A_409 = tpu.memref_slice %arg14[%dma_wait3A_398, %dma_wait3A_407, %dma_wait3A_408] : memref<2x16x1024xf32, #tpu.memory_space<vmem>> -> memref<1x16x1024xf32, #tpu.memory_space<vmem>>
    %dma_wait3A_410 = tpu.memref_squeeze %dma_wait3A_409 : memref<1x16x1024xf32, #tpu.memory_space<vmem>> -> memref<16x1024xf32, #tpu.memory_space<vmem>>
    tpu.wait_dma2 semaphore(%arg17 : memref<!tpu.dma_semaphore, #tpu.memory_space<semaphore_mem>>) src(%dma_wait3A_410 : memref<16x1024xf32, #tpu.memory_space<vmem>>) dst(%dma_wait3A_406 : memref<16x1024xf32, #tpu.memory_space<hbm>>)
    %scan3A_411 = arith.constant 0 : i32
    %scan3A_412 = arith.constant 0 : i32
    %scan3A_413 = arith.constant 16 : i32
    %scan3A_414 = arith.addi %scan3A_412, %scan3A_413 : i32
    %scan3A_415 = arith.constant 1 : i32
    %scan3A_416 = scf.for %scan3A_1056 = %scan3A_412 to %scan3A_414 step %scan3A_415 iter_args(%scan3A_1057 = %scan3A_411) -> (i32)  : i32 {
      %get3A = arith.constant 0 : i32
      %get3A_1058 = arith.index_cast %get3A : i32 to index
      %get3A_1059 = arith.index_cast %scan3A_1056 : i32 to index
      %get3A_1060 = arith.constant 0 : index
      %get3A_1061 = tpu.vector_load %arg10[%get3A_1058, %get3A_1059, %get3A_1060] {strides = array<i32>} : memref<2x16x16xf32, #tpu.memory_space<vmem>>, vector<1x1x16xf32>,
      %get3A_1062 = vector.shape_cast %get3A_1061 : vector<1x1x16xf32> to vector<16xf32>
      %get3A_1063 = arith.constant 0 : i32
      %get3A_1064 = arith.index_cast %get3A_1063 : i32 to index
      %get3A_1065 = arith.index_cast %scan3A_1056 : i32 to index
      %get3A_1066 = arith.constant 0 : index
      %get3A_1067 = tpu.vector_load %arg11[%get3A_1064, %get3A_1065, %get3A_1066] {strides = array<i32>} : memref<2x16x16xf32, #tpu.memory_space<vmem>>, vector<1x1x16xf32>,
      %get3A_1068 = vector.shape_cast %get3A_1067 : vector<1x1x16xf32> to vector<16xf32>
      %scan3A_1069 = arith.constant 0 : i32
      %scan3A_1070 = arith.constant 0 : i32
      %scan3A_1071 = arith.constant 16 : i32
      %scan3A_1072 = arith.addi %scan3A_1070, %scan3A_1071 : i32
      %scan3A_1073 = arith.constant 1 : i32
      %scan3A_1074 = scf.for %scan3A_1077 = %scan3A_1070 to %scan3A_1072 step %scan3A_1073 iter_args(%scan3A_1078 = %scan3A_1069) -> (i32)  : i32 {
        %mul3A_1079 = arith.constant 4 : i32
        %mul3A_1080 = arith.muli %scan3A_1077, %mul3A_1079 : i32
        %add3A_1081 = arith.constant 0 : i32
        %add3A_1082 = arith.addi %mul3A_1080, %add3A_1081 : i32
        %mul3A_1083 = arith.constant 16 : i32
        %mul3A_1084 = arith.muli %add3A_1082, %mul3A_1083 : i32
        %get3A_1085 = arith.constant 0 : i32
        %get3A_1086 = arith.index_cast %get3A_1085 : i32 to index
        %get3A_1087 = arith.index_cast %scan3A_1056 : i32 to index
        %get3A_1088 = arith.index_cast %mul3A_1084 : i32 to index
        %get3A_1089 = tpu.vector_load %arg12[%get3A_1086, %get3A_1087, %get3A_1088] {strides = array<i32>} : memref<2x16x1024xf32, #tpu.memory_space<vmem>>, vector<1x1x16xf32>,
        %get3A_1090 = vector.shape_cast %get3A_1089 : vector<1x1x16xf32> to vector<16xf32>
        %mul3A_1091 = arith.mulf %get3A_1090, %get3A_1062 : vector<16xf32>
        %get3A_1092 = arith.constant 0 : i32
        %get3A_1093 = arith.index_cast %get3A_1092 : i32 to index
        %get3A_1094 = arith.index_cast %scan3A_1056 : i32 to index
        %get3A_1095 = arith.index_cast %mul3A_1084 : i32 to index
        %get3A_1096 = tpu.vector_load %arg13[%get3A_1093, %get3A_1094, %get3A_1095] {strides = array<i32>} : memref<2x16x1024xf32, #tpu.memory_space<vmem>>, vector<1x1x16xf32>,
        %get3A_1097 = vector.shape_cast %get3A_1096 : vector<1x1x16xf32> to vector<16xf32>
        %mul3A_1098 = arith.mulf %get3A_1097, %get3A_1068 : vector<16xf32>
        %add3A_1099 = arith.addf %mul3A_1091, %mul3A_1098 : vector<16xf32>
        %swap3A = arith.constant 0 : i32
        %swap3A_1100 = arith.index_cast %swap3A : i32 to index
        %swap3A_1101 = arith.index_cast %scan3A_1056 : i32 to index
        %swap3A_1102 = arith.index_cast %mul3A_1084 : i32 to index
        %swap3A_1103 = tpu.vector_load %arg14[%swap3A_1100, %swap3A_1101, %swap3A_1102] {strides = array<i32>} : memref<2x16x1024xf32, #tpu.memory_space<vmem>>, vector<1x1x16xf32>,
        %swap3A_1104 = vector.shape_cast %swap3A_1103 : vector<1x1x16xf32> to vector<16xf32>
        %swap3A_1105 = vector.shape_cast %add3A_1099 : vector<16xf32> to vector<1x1x16xf32>
        tpu.vector_store %arg14[%swap3A_1100, %swap3A_1101, %swap3A_1102], %swap3A_1105 {strides = array<i32>} : memref<2x16x1024xf32, #tpu.memory_space<vmem>>, vector<1x1x16xf32>,
        %mul3A_1106 = arith.constant 4 : i32
        %mul3A_1107 = arith.muli %scan3A_1077, %mul3A_1106 : i32
        %add3A_1108 = arith.constant 1 : i32
        %add3A_1109 = arith.addi %mul3A_1107, %add3A_1108 : i32
        %mul3A_1110 = arith.constant 16 : i32
        %mul3A_1111 = arith.muli %add3A_1109, %mul3A_1110 : i32
        %get3A_1112 = arith.constant 0 : i32
        %get3A_1113 = arith.index_cast %get3A_1112 : i32 to index
        %get3A_1114 = arith.index_cast %scan3A_1056 : i32 to index
        %get3A_1115 = arith.index_cast %mul3A_1111 : i32 to index
        %get3A_1116 = tpu.vector_load %arg12[%get3A_1113, %get3A_1114, %get3A_1115] {strides = array<i32>} : memref<2x16x1024xf32, #tpu.memory_space<vmem>>, vector<1x1x16xf32>,
        %get3A_1117 = vector.shape_cast %get3A_1116 : vector<1x1x16xf32> to vector<16xf32>
        %mul3A_1118 = arith.mulf %get3A_1117, %get3A_1062 : vector<16xf32>
        %get3A_1119 = arith.constant 0 : i32
        %get3A_1120 = arith.index_cast %get3A_1119 : i32 to index
        %get3A_1121 = arith.index_cast %scan3A_1056 : i32 to index
        %get3A_1122 = arith.index_cast %mul3A_1111 : i32 to index
        %get3A_1123 = tpu.vector_load %arg13[%get3A_1120, %get3A_1121, %get3A_1122] {strides = array<i32>} : memref<2x16x1024xf32, #tpu.memory_space<vmem>>, vector<1x1x16xf32>,
        %get3A_1124 = vector.shape_cast %get3A_1123 : vector<1x1x16xf32> to vector<16xf32>
        %mul3A_1125 = arith.mulf %get3A_1124, %get3A_1068 : vector<16xf32>
        %add3A_1126 = arith.addf %mul3A_1118, %mul3A_1125 : vector<16xf32>
        %swap3A_1127 = arith.constant 0 : i32
        %swap3A_1128 = arith.index_cast %swap3A_1127 : i32 to index
        %swap3A_1129 = arith.index_cast %scan3A_1056 : i32 to index
        %swap3A_1130 = arith.index_cast %mul3A_1111 : i32 to index
        %swap3A_1131 = tpu.vector_load %arg14[%swap3A_1128, %swap3A_1129, %swap3A_1130] {strides = array<i32>} : memref<2x16x1024xf32, #tpu.memory_space<vmem>>, vector<1x1x16xf32>,
        %swap3A_1132 = vector.shape_cast %swap3A_1131 : vector<1x1x16xf32> to vector<16xf32>
        %swap3A_1133 = vector.shape_cast %add3A_1126 : vector<16xf32> to vector<1x1x16xf32>
        tpu.vector_store %arg14[%swap3A_1128, %swap3A_1129, %swap3A_1130], %swap3A_1133 {strides = array<i32>} : memref<2x16x1024xf32, #tpu.memory_space<vmem>>, vector<1x1x16xf32>,
        %mul3A_1134 = arith.constant 4 : i32
        %mul3A_1135 = arith.muli %scan3A_1077, %mul3A_1134 : i32
        %add3A_1136 = arith.constant 2 : i32
        %add3A_1137 = arith.addi %mul3A_1135, %add3A_1136 : i32
        %mul3A_1138 = arith.constant 16 : i32
        %mul3A_1139 = arith.muli %add3A_1137, %mul3A_1138 : i32
        %get3A_1140 = arith.constant 0 : i32
        %get3A_1141 = arith.index_cast %get3A_1140 : i32 to index
        %get3A_1142 = arith.index_cast %scan3A_1056 : i32 to index
        %get3A_1143 = arith.index_cast %mul3A_1139 : i32 to index
        %get3A_1144 = tpu.vector_load %arg12[%get3A_1141, %get3A_1142, %get3A_1143] {strides = array<i32>} : memref<2x16x1024xf32, #tpu.memory_space<vmem>>, vector<1x1x16xf32>,
        %get3A_1145 = vector.shape_cast %get3A_1144 : vector<1x1x16xf32> to vector<16xf32>
        %mul3A_1146 = arith.mulf %get3A_1145, %get3A_1062 : vector<16xf32>
        %get3A_1147 = arith.constant 0 : i32
        %get3A_1148 = arith.index_cast %get3A_1147 : i32 to index
        %get3A_1149 = arith.index_cast %scan3A_1056 : i32 to index
        %get3A_1150 = arith.index_cast %mul3A_1139 : i32 to index
        %get3A_1151 = tpu.vector_load %arg13[%get3A_1148, %get3A_1149, %get3A_1150] {strides = array<i32>} : memref<2x16x1024xf32, #tpu.memory_space<vmem>>, vector<1x1x16xf32>,
        %get3A_1152 = vector.shape_cast %get3A_1151 : vector<1x1x16xf32> to vector<16xf32>
        %mul3A_1153 = arith.mulf %get3A_1152, %get3A_1068 : vector<16xf32>
        %add3A_1154 = arith.addf %mul3A_1146, %mul3A_1153 : vector<16xf32>
        %swap3A_1155 = arith.constant 0 : i32
        %swap3A_1156 = arith.index_cast %swap3A_1155 : i32 to index
        %swap3A_1157 = arith.index_cast %scan3A_1056 : i32 to index
        %swap3A_1158 = arith.index_cast %mul3A_1139 : i32 to index
        %swap3A_1159 = tpu.vector_load %arg14[%swap3A_1156, %swap3A_1157, %swap3A_1158] {strides = array<i32>} : memref<2x16x1024xf32, #tpu.memory_space<vmem>>, vector<1x1x16xf32>,
        %swap3A_1160 = vector.shape_cast %swap3A_1159 : vector<1x1x16xf32> to vector<16xf32>
        %swap3A_1161 = vector.shape_cast %add3A_1154 : vector<16xf32> to vector<1x1x16xf32>
        tpu.vector_store %arg14[%swap3A_1156, %swap3A_1157, %swap3A_1158], %swap3A_1161 {strides = array<i32>} : memref<2x16x1024xf32, #tpu.memory_space<vmem>>, vector<1x1x16xf32>,
        %mul3A_1162 = arith.constant 4 : i32
        %mul3A_1163 = arith.muli %scan3A_1077, %mul3A_1162 : i32
        %add3A_1164 = arith.constant 3 : i32
        %add3A_1165 = arith.addi %mul3A_1163, %add3A_1164 : i32
        %mul3A_1166 = arith.constant 16 : i32
        %mul3A_1167 = arith.muli %add3A_1165, %mul3A_1166 : i32
        %get3A_1168 = arith.constant 0 : i32
        %get3A_1169 = arith.index_cast %get3A_1168 : i32 to index
        %get3A_1170 = arith.index_cast %scan3A_1056 : i32 to index
        %get3A_1171 = arith.index_cast %mul3A_1167 : i32 to index
        %get3A_1172 = tpu.vector_load %arg12[%get3A_1169, %get3A_1170, %get3A_1171] {strides = array<i32>} : memref<2x16x1024xf32, #tpu.memory_space<vmem>>, vector<1x1x16xf32>,
        %get3A_1173 = vector.shape_cast %get3A_1172 : vector<1x1x16xf32> to vector<16xf32>
        %mul3A_1174 = arith.mulf %get3A_1173, %get3A_1062 : vector<16xf32>
        %get3A_1175 = arith.constant 0 : i32
        %get3A_1176 = arith.index_cast %get3A_1175 : i32 to index
        %get3A_1177 = arith.index_cast %scan3A_1056 : i32 to index
        %get3A_1178 = arith.index_cast %mul3A_1167 : i32 to index
        %get3A_1179 = tpu.vector_load %arg13[%get3A_1176, %get3A_1177, %get3A_1178] {strides = array<i32>} : memref<2x16x1024xf32, #tpu.memory_space<vmem>>, vector<1x1x16xf32>,
        %get3A_1180 = vector.shape_cast %get3A_1179 : vector<1x1x16xf32> to vector<16xf32>
        %mul3A_1181 = arith.mulf %get3A_1180, %get3A_1068 : vector<16xf32>
        %add3A_1182 = arith.addf %mul3A_1174, %mul3A_1181 : vector<16xf32>
        %swap3A_1183 = arith.constant 0 : i32
        %swap3A_1184 = arith.index_cast %swap3A_1183 : i32 to index
        %swap3A_1185 = arith.index_cast %scan3A_1056 : i32 to index
        %swap3A_1186 = arith.index_cast %mul3A_1167 : i32 to index
        %swap3A_1187 = tpu.vector_load %arg14[%swap3A_1184, %swap3A_1185, %swap3A_1186] {strides = array<i32>} : memref<2x16x1024xf32, #tpu.memory_space<vmem>>, vector<1x1x16xf32>,
        %swap3A_1188 = vector.shape_cast %swap3A_1187 : vector<1x1x16xf32> to vector<16xf32>
        %swap3A_1189 = vector.shape_cast %add3A_1182 : vector<16xf32> to vector<1x1x16xf32>
        tpu.vector_store %arg14[%swap3A_1184, %swap3A_1185, %swap3A_1186], %swap3A_1189 {strides = array<i32>} : memref<2x16x1024xf32, #tpu.memory_space<vmem>>, vector<1x1x16xf32>,
        %scan3A_1190 = arith.constant 0 : i32
        scf.yield %scan3A_1190 : i32
      }
      %scan3A_1075 = arith.constant 16 : i32
      %scan3A_1076 = arith.constant 0 : i32
      scf.yield %scan3A_1076 : i32
    }
    %scan3A_417 = arith.constant 16 : i32
    %add3A_418 = arith.constant 32 : i32
    %add3A_419 = arith.addi %mul3A_2, %add3A_418 : i32
    %dma_start3A_420 = arith.constant 0 : i32
    %dma_start3A_421 = arith.constant 0 : i32
    %dma_start3A_422 = arith.constant 0 : i32
    %dma_start3A_423 = tpu.memref_slice %arg14[%dma_start3A_420, %dma_start3A_421, %dma_start3A_422] : memref<2x16x1024xf32, #tpu.memory_space<vmem>> -> memref<1x16x1024xf32, #tpu.memory_space<vmem>>
    %dma_start3A_424 = tpu.memref_squeeze %dma_start3A_423 : memref<1x16x1024xf32, #tpu.memory_space<vmem>> -> memref<16x1024xf32, #tpu.memory_space<vmem>>
    %dma_start3A_425 = arith.constant 0 : i32
    %dma_start3A_426 = tpu.memref_slice %arg7[%add3A_419, %dma_start3A_425] : memref<4096x1024xf32, #tpu.memory_space<hbm>> -> memref<16x1024xf32, #tpu.memory_space<hbm>>
    %dma_start3A_427 = arith.constant 0 : i32
    %dma_start3A_428 = tpu.memref_slice %arg7[%add3A_419, %dma_start3A_427] : memref<4096x1024xf32, #tpu.memory_space<hbm>> -> memref<16x1024xf32, #tpu.memory_space<hbm>>
    %dma_start3A_429 = arith.constant 0 : i32
    %dma_start3A_430 = arith.constant 0 : i32
    %dma_start3A_431 = tpu.memref_slice %arg14[%dma_start3A_420, %dma_start3A_429, %dma_start3A_430] : memref<2x16x1024xf32, #tpu.memory_space<vmem>> -> memref<1x16x1024xf32, #tpu.memory_space<vmem>>
    %dma_start3A_432 = tpu.memref_squeeze %dma_start3A_431 : memref<1x16x1024xf32, #tpu.memory_space<vmem>> -> memref<16x1024xf32, #tpu.memory_space<vmem>>
    tpu.enqueue_dma source(%dma_start3A_432 : memref<16x1024xf32, #tpu.memory_space<vmem>>) target(%dma_start3A_428 : memref<16x1024xf32, #tpu.memory_space<hbm>>) target_semaphore(%arg17 : memref<!tpu.dma_semaphore, #tpu.memory_space<semaphore_mem>>)
    %add3A_433 = arith.constant 64 : i32
    %add3A_434 = arith.addi %mul3A_2, %add3A_433 : i32
    %dma_start3A_435 = arith.constant 0 : i32
    %dma_start3A_436 = arith.constant 0 : i32
    %dma_start3A_437 = arith.constant 0 : i32
    %dma_start3A_438 = tpu.memref_slice %arg12[%dma_start3A_435, %dma_start3A_436, %dma_start3A_437] : memref<2x16x1024xf32, #tpu.memory_space<vmem>> -> memref<1x16x1024xf32, #tpu.memory_space<vmem>>
    %dma_start3A_439 = tpu.memref_squeeze %dma_start3A_438 : memref<1x16x1024xf32, #tpu.memory_space<vmem>> -> memref<16x1024xf32, #tpu.memory_space<vmem>>
    %dma_start3A_440 = arith.constant 64 : i32
    %dma_start3A_441 = tpu.memref_slice %arg8[%dma_start3A_440] : memref<128xi32, #tpu.memory_space<vmem>> -> memref<16xi32, #tpu.memory_space<vmem>>
    %dma_start3A_442 = arith.constant 0 : i32
    %dma_start3A_443 = arith.constant 0 : i32
    %dma_start3A_444 = tpu.memref_slice %arg2[%dma_start3A_442, %dma_start3A_443] : memref<9216x1024xf32, #tpu.memory_space<hbm>> -> memref<9216x1024xf32, #tpu.memory_space<hbm>>
    tpu.enqueue_indirect_dma source(%dma_start3A_444 : memref<9216x1024xf32, #tpu.memory_space<hbm>>) target(%dma_start3A_439 : memref<16x1024xf32, #tpu.memory_space<vmem>>) offsets(%dma_start3A_441 : memref<16xi32, #tpu.memory_space<vmem>>) semaphore(%arg16 : memref<!tpu.dma_semaphore, #tpu.memory_space<semaphore_mem>>)
    %dma_start3A_445 = arith.constant 0 : i32
    %dma_start3A_446 = arith.constant 0 : i32
    %dma_start3A_447 = arith.constant 0 : i32
    %dma_start3A_448 = tpu.memref_slice %arg13[%dma_start3A_445, %dma_start3A_446, %dma_start3A_447] : memref<2x16x1024xf32, #tpu.memory_space<vmem>> -> memref<1x16x1024xf32, #tpu.memory_space<vmem>>
    %dma_start3A_449 = tpu.memref_squeeze %dma_start3A_448 : memref<1x16x1024xf32, #tpu.memory_space<vmem>> -> memref<16x1024xf32, #tpu.memory_space<vmem>>
    %dma_start3A_450 = arith.constant 64 : i32
    %dma_start3A_451 = tpu.memref_slice %arg9[%dma_start3A_450] : memref<128xi32, #tpu.memory_space<vmem>> -> memref<16xi32, #tpu.memory_space<vmem>>
    %dma_start3A_452 = arith.constant 0 : i32
    %dma_start3A_453 = arith.constant 0 : i32
    %dma_start3A_454 = tpu.memref_slice %arg2[%dma_start3A_452, %dma_start3A_453] : memref<9216x1024xf32, #tpu.memory_space<hbm>> -> memref<9216x1024xf32, #tpu.memory_space<hbm>>
    tpu.enqueue_indirect_dma source(%dma_start3A_454 : memref<9216x1024xf32, #tpu.memory_space<hbm>>) target(%dma_start3A_449 : memref<16x1024xf32, #tpu.memory_space<vmem>>) offsets(%dma_start3A_451 : memref<16xi32, #tpu.memory_space<vmem>>) semaphore(%arg16 : memref<!tpu.dma_semaphore, #tpu.memory_space<semaphore_mem>>)
    %dma_start3A_455 = arith.constant 0 : i32
    %dma_start3A_456 = arith.constant 0 : i32
    %dma_start3A_457 = arith.constant 0 : i32
    %dma_start3A_458 = tpu.memref_slice %arg10[%dma_start3A_455, %dma_start3A_456, %dma_start3A_457] : memref<2x16x16xf32, #tpu.memory_space<vmem>> -> memref<1x16x16xf32, #tpu.memory_space<vmem>>
    %dma_start3A_459 = tpu.memref_squeeze %dma_start3A_458 : memref<1x16x16xf32, #tpu.memory_space<vmem>> -> memref<16x16xf32, #tpu.memory_space<vmem>>
    %dma_start3A_460 = arith.constant 0 : i32
    %dma_start3A_461 = tpu.memref_slice %arg5[%add3A_434, %dma_start3A_460] : memref<4096x16xf32, #tpu.memory_space<hbm>> -> memref<16x16xf32, #tpu.memory_space<hbm>>
    %dma_start3A_462 = arith.constant 0 : i32
    %dma_start3A_463 = arith.constant 0 : i32
    %dma_start3A_464 = tpu.memref_slice %arg10[%dma_start3A_455, %dma_start3A_462, %dma_start3A_463] : memref<2x16x16xf32, #tpu.memory_space<vmem>> -> memref<1x16x16xf32, #tpu.memory_space<vmem>>
    %dma_start3A_465 = tpu.memref_squeeze %dma_start3A_464 : memref<1x16x16xf32, #tpu.memory_space<vmem>> -> memref<16x16xf32, #tpu.memory_space<vmem>>
    %dma_start3A_466 = arith.constant 0 : i32
    %dma_start3A_467 = tpu.memref_slice %arg5[%add3A_434, %dma_start3A_466] : memref<4096x16xf32, #tpu.memory_space<hbm>> -> memref<16x16xf32, #tpu.memory_space<hbm>>
    tpu.enqueue_dma source(%dma_start3A_467 : memref<16x16xf32, #tpu.memory_space<hbm>>) target(%dma_start3A_465 : memref<16x16xf32, #tpu.memory_space<vmem>>) target_semaphore(%arg16 : memref<!tpu.dma_semaphore, #tpu.memory_space<semaphore_mem>>)
    %dma_start3A_468 = arith.constant 0 : i32
    %dma_start3A_469 = arith.constant 0 : i32
    %dma_start3A_470 = arith.constant 0 : i32
    %dma_start3A_471 = tpu.memref_slice %arg11[%dma_start3A_468, %dma_start3A_469, %dma_start3A_470] : memref<2x16x16xf32, #tpu.memory_space<vmem>> -> memref<1x16x16xf32, #tpu.memory_space<vmem>>
    %dma_start3A_472 = tpu.memref_squeeze %dma_start3A_471 : memref<1x16x16xf32, #tpu.memory_space<vmem>> -> memref<16x16xf32, #tpu.memory_space<vmem>>
    %dma_start3A_473 = arith.constant 0 : i32
    %dma_start3A_474 = tpu.memref_slice %arg6[%add3A_434, %dma_start3A_473] : memref<4096x16xf32, #tpu.memory_space<hbm>> -> memref<16x16xf32, #tpu.memory_space<hbm>>
    %dma_start3A_475 = arith.constant 0 : i32
    %dma_start3A_476 = arith.constant 0 : i32
    %dma_start3A_477 = tpu.memref_slice %arg11[%dma_start3A_468, %dma_start3A_475, %dma_start3A_476] : memref<2x16x16xf32, #tpu.memory_space<vmem>> -> memref<1x16x16xf32, #tpu.memory_space<vmem>>
    %dma_start3A_478 = tpu.memref_squeeze %dma_start3A_477 : memref<1x16x16xf32, #tpu.memory_space<vmem>> -> memref<16x16xf32, #tpu.memory_space<vmem>>
    %dma_start3A_479 = arith.constant 0 : i32
    %dma_start3A_480 = tpu.memref_slice %arg6[%add3A_434, %dma_start3A_479] : memref<4096x16xf32, #tpu.memory_space<hbm>> -> memref<16x16xf32, #tpu.memory_space<hbm>>
    tpu.enqueue_dma source(%dma_start3A_480 : memref<16x16xf32, #tpu.memory_space<hbm>>) target(%dma_start3A_478 : memref<16x16xf32, #tpu.memory_space<vmem>>) target_semaphore(%arg16 : memref<!tpu.dma_semaphore, #tpu.memory_space<semaphore_mem>>)
    %dma_wait3A_481 = arith.constant 1 : i32
    %dma_wait3A_482 = arith.constant 0 : i32
    %dma_wait3A_483 = arith.constant 0 : i32
    %dma_wait3A_484 = tpu.memref_slice %arg12[%dma_wait3A_481, %dma_wait3A_482, %dma_wait3A_483] : memref<2x16x1024xf32, #tpu.memory_space<vmem>> -> memref<1x16x1024xf32, #tpu.memory_space<vmem>>
    %dma_wait3A_485 = tpu.memref_squeeze %dma_wait3A_484 : memref<1x16x1024xf32, #tpu.memory_space<vmem>> -> memref<16x1024xf32, #tpu.memory_space<vmem>>
    %dma_wait3A_486 = arith.constant 48 : i32
    %dma_wait3A_487 = tpu.memref_slice %arg8[%dma_wait3A_486] : memref<128xi32, #tpu.memory_space<vmem>> -> memref<16xi32, #tpu.memory_space<vmem>>
    %dma_wait3A_488 = arith.constant 0 : i32
    %dma_wait3A_489 = arith.constant 0 : i32
    %dma_wait3A_490 = tpu.memref_slice %arg2[%dma_wait3A_488, %dma_wait3A_489] : memref<9216x1024xf32, #tpu.memory_space<hbm>> -> memref<9216x1024xf32, #tpu.memory_space<hbm>>
    tpu.wait_indirect_dma semaphore(%arg16 : memref<!tpu.dma_semaphore, #tpu.memory_space<semaphore_mem>>) src(%dma_wait3A_490 : memref<9216x1024xf32, #tpu.memory_space<hbm>>) dst(%dma_wait3A_485 : memref<16x1024xf32, #tpu.memory_space<vmem>>)
    %dma_wait3A_491 = arith.constant 1 : i32
    %dma_wait3A_492 = arith.constant 0 : i32
    %dma_wait3A_493 = arith.constant 0 : i32
    %dma_wait3A_494 = tpu.memref_slice %arg13[%dma_wait3A_491, %dma_wait3A_492, %dma_wait3A_493] : memref<2x16x1024xf32, #tpu.memory_space<vmem>> -> memref<1x16x1024xf32, #tpu.memory_space<vmem>>
    %dma_wait3A_495 = tpu.memref_squeeze %dma_wait3A_494 : memref<1x16x1024xf32, #tpu.memory_space<vmem>> -> memref<16x1024xf32, #tpu.memory_space<vmem>>
    %dma_wait3A_496 = arith.constant 48 : i32
    %dma_wait3A_497 = tpu.memref_slice %arg9[%dma_wait3A_496] : memref<128xi32, #tpu.memory_space<vmem>> -> memref<16xi32, #tpu.memory_space<vmem>>
    %dma_wait3A_498 = arith.constant 0 : i32
    %dma_wait3A_499 = arith.constant 0 : i32
    %dma_wait3A_500 = tpu.memref_slice %arg2[%dma_wait3A_498, %dma_wait3A_499] : memref<9216x1024xf32, #tpu.memory_space<hbm>> -> memref<9216x1024xf32, #tpu.memory_space<hbm>>
    tpu.wait_indirect_dma semaphore(%arg16 : memref<!tpu.dma_semaphore, #tpu.memory_space<semaphore_mem>>) src(%dma_wait3A_500 : memref<9216x1024xf32, #tpu.memory_space<hbm>>) dst(%dma_wait3A_495 : memref<16x1024xf32, #tpu.memory_space<vmem>>)
    %dma_wait3A_501 = arith.constant 1 : i32
    %dma_wait3A_502 = arith.constant 0 : i32
    %dma_wait3A_503 = arith.constant 0 : i32
    %dma_wait3A_504 = tpu.memref_slice %arg10[%dma_wait3A_501, %dma_wait3A_502, %dma_wait3A_503] : memref<2x16x16xf32, #tpu.memory_space<vmem>> -> memref<1x16x16xf32, #tpu.memory_space<vmem>>
    %dma_wait3A_505 = tpu.memref_squeeze %dma_wait3A_504 : memref<1x16x16xf32, #tpu.memory_space<vmem>> -> memref<16x16xf32, #tpu.memory_space<vmem>>
    %dma_wait3A_506 = arith.constant 0 : i32
    %dma_wait3A_507 = tpu.memref_slice %arg5[%add3A_305, %dma_wait3A_506] : memref<4096x16xf32, #tpu.memory_space<hbm>> -> memref<16x16xf32, #tpu.memory_space<hbm>>
    %dma_wait3A_508 = arith.constant 0 : i32
    %dma_wait3A_509 = arith.constant 0 : i32
    %dma_wait3A_510 = tpu.memref_slice %arg10[%dma_wait3A_501, %dma_wait3A_508, %dma_wait3A_509] : memref<2x16x16xf32, #tpu.memory_space<vmem>> -> memref<1x16x16xf32, #tpu.memory_space<vmem>>
    %dma_wait3A_511 = tpu.memref_squeeze %dma_wait3A_510 : memref<1x16x16xf32, #tpu.memory_space<vmem>> -> memref<16x16xf32, #tpu.memory_space<vmem>>
    %dma_wait3A_512 = arith.constant 0 : i32
    %dma_wait3A_513 = tpu.memref_slice %arg5[%add3A_305, %dma_wait3A_512] : memref<4096x16xf32, #tpu.memory_space<hbm>> -> memref<16x16xf32, #tpu.memory_space<hbm>>
    tpu.wait_dma2 semaphore(%arg16 : memref<!tpu.dma_semaphore, #tpu.memory_space<semaphore_mem>>) src(%dma_wait3A_513 : memref<16x16xf32, #tpu.memory_space<hbm>>) dst(%dma_wait3A_511 : memref<16x16xf32, #tpu.memory_space<vmem>>)
    %dma_wait3A_514 = arith.constant 1 : i32
    %dma_wait3A_515 = arith.constant 0 : i32
    %dma_wait3A_516 = arith.constant 0 : i32
    %dma_wait3A_517 = tpu.memref_slice %arg11[%dma_wait3A_514, %dma_wait3A_515, %dma_wait3A_516] : memref<2x16x16xf32, #tpu.memory_space<vmem>> -> memref<1x16x16xf32, #tpu.memory_space<vmem>>
    %dma_wait3A_518 = tpu.memref_squeeze %dma_wait3A_517 : memref<1x16x16xf32, #tpu.memory_space<vmem>> -> memref<16x16xf32, #tpu.memory_space<vmem>>
    %dma_wait3A_519 = arith.constant 0 : i32
    %dma_wait3A_520 = tpu.memref_slice %arg6[%add3A_305, %dma_wait3A_519] : memref<4096x16xf32, #tpu.memory_space<hbm>> -> memref<16x16xf32, #tpu.memory_space<hbm>>
    %dma_wait3A_521 = arith.constant 0 : i32
    %dma_wait3A_522 = arith.constant 0 : i32
    %dma_wait3A_523 = tpu.memref_slice %arg11[%dma_wait3A_514, %dma_wait3A_521, %dma_wait3A_522] : memref<2x16x16xf32, #tpu.memory_space<vmem>> -> memref<1x16x16xf32, #tpu.memory_space<vmem>>
    %dma_wait3A_524 = tpu.memref_squeeze %dma_wait3A_523 : memref<1x16x16xf32, #tpu.memory_space<vmem>> -> memref<16x16xf32, #tpu.memory_space<vmem>>
    %dma_wait3A_525 = arith.constant 0 : i32
    %dma_wait3A_526 = tpu.memref_slice %arg6[%add3A_305, %dma_wait3A_525] : memref<4096x16xf32, #tpu.memory_space<hbm>> -> memref<16x16xf32, #tpu.memory_space<hbm>>
    tpu.wait_dma2 semaphore(%arg16 : memref<!tpu.dma_semaphore, #tpu.memory_space<semaphore_mem>>) src(%dma_wait3A_526 : memref<16x16xf32, #tpu.memory_space<hbm>>) dst(%dma_wait3A_524 : memref<16x16xf32, #tpu.memory_space<vmem>>)
    %dma_wait3A_527 = arith.constant 1 : i32
    %dma_wait3A_528 = arith.constant 0 : i32
    %dma_wait3A_529 = arith.constant 0 : i32
    %dma_wait3A_530 = tpu.memref_slice %arg14[%dma_wait3A_527, %dma_wait3A_528, %dma_wait3A_529] : memref<2x16x1024xf32, #tpu.memory_space<vmem>> -> memref<1x16x1024xf32, #tpu.memory_space<vmem>>
    %dma_wait3A_531 = tpu.memref_squeeze %dma_wait3A_530 : memref<1x16x1024xf32, #tpu.memory_space<vmem>> -> memref<16x1024xf32, #tpu.memory_space<vmem>>
    %dma_wait3A_532 = arith.constant 0 : i32
    %dma_wait3A_533 = tpu.memref_slice %arg7[%add3A_290, %dma_wait3A_532] : memref<4096x1024xf32, #tpu.memory_space<hbm>> -> memref<16x1024xf32, #tpu.memory_space<hbm>>
    %dma_wait3A_534 = arith.constant 0 : i32
    %dma_wait3A_535 = tpu.memref_slice %arg7[%add3A_290, %dma_wait3A_534] : memref<4096x1024xf32, #tpu.memory_space<hbm>> -> memref<16x1024xf32, #tpu.memory_space<hbm>>
    %dma_wait3A_536 = arith.constant 0 : i32
    %dma_wait3A_537 = arith.constant 0 : i32
    %dma_wait3A_538 = tpu.memref_slice %arg14[%dma_wait3A_527, %dma_wait3A_536, %dma_wait3A_537] : memref<2x16x1024xf32, #tpu.memory_space<vmem>> -> memref<1x16x1024xf32, #tpu.memory_space<vmem>>
    %dma_wait3A_539 = tpu.memref_squeeze %dma_wait3A_538 : memref<1x16x1024xf32, #tpu.memory_space<vmem>> -> memref<16x1024xf32, #tpu.memory_space<vmem>>
    tpu.wait_dma2 semaphore(%arg17 : memref<!tpu.dma_semaphore, #tpu.memory_space<semaphore_mem>>) src(%dma_wait3A_539 : memref<16x1024xf32, #tpu.memory_space<vmem>>) dst(%dma_wait3A_535 : memref<16x1024xf32, #tpu.memory_space<hbm>>)
    %scan3A_540 = arith.constant 0 : i32
    %scan3A_541 = arith.constant 0 : i32
    %scan3A_542 = arith.constant 16 : i32
    %scan3A_543 = arith.addi %scan3A_541, %scan3A_542 : i32
    %scan3A_544 = arith.constant 1 : i32
    %scan3A_545 = scf.for %scan3A_1056 = %scan3A_541 to %scan3A_543 step %scan3A_544 iter_args(%scan3A_1057 = %scan3A_540) -> (i32)  : i32 {
      %get3A = arith.constant 1 : i32
      %get3A_1058 = arith.index_cast %get3A : i32 to index
      %get3A_1059 = arith.index_cast %scan3A_1056 : i32 to index
      %get3A_1060 = arith.constant 0 : index
      %get3A_1061 = tpu.vector_load %arg10[%get3A_1058, %get3A_1059, %get3A_1060] {strides = array<i32>} : memref<2x16x16xf32, #tpu.memory_space<vmem>>, vector<1x1x16xf32>,
      %get3A_1062 = vector.shape_cast %get3A_1061 : vector<1x1x16xf32> to vector<16xf32>
      %get3A_1063 = arith.constant 1 : i32
      %get3A_1064 = arith.index_cast %get3A_1063 : i32 to index
      %get3A_1065 = arith.index_cast %scan3A_1056 : i32 to index
      %get3A_1066 = arith.constant 0 : index
      %get3A_1067 = tpu.vector_load %arg11[%get3A_1064, %get3A_1065, %get3A_1066] {strides = array<i32>} : memref<2x16x16xf32, #tpu.memory_space<vmem>>, vector<1x1x16xf32>,
      %get3A_1068 = vector.shape_cast %get3A_1067 : vector<1x1x16xf32> to vector<16xf32>
      %scan3A_1069 = arith.constant 0 : i32
      %scan3A_1070 = arith.constant 0 : i32
      %scan3A_1071 = arith.constant 16 : i32
      %scan3A_1072 = arith.addi %scan3A_1070, %scan3A_1071 : i32
      %scan3A_1073 = arith.constant 1 : i32
      %scan3A_1074 = scf.for %scan3A_1077 = %scan3A_1070 to %scan3A_1072 step %scan3A_1073 iter_args(%scan3A_1078 = %scan3A_1069) -> (i32)  : i32 {
        %mul3A_1079 = arith.constant 4 : i32
        %mul3A_1080 = arith.muli %scan3A_1077, %mul3A_1079 : i32
        %add3A_1081 = arith.constant 0 : i32
        %add3A_1082 = arith.addi %mul3A_1080, %add3A_1081 : i32
        %mul3A_1083 = arith.constant 16 : i32
        %mul3A_1084 = arith.muli %add3A_1082, %mul3A_1083 : i32
        %get3A_1085 = arith.constant 1 : i32
        %get3A_1086 = arith.index_cast %get3A_1085 : i32 to index
        %get3A_1087 = arith.index_cast %scan3A_1056 : i32 to index
        %get3A_1088 = arith.index_cast %mul3A_1084 : i32 to index
        %get3A_1089 = tpu.vector_load %arg12[%get3A_1086, %get3A_1087, %get3A_1088] {strides = array<i32>} : memref<2x16x1024xf32, #tpu.memory_space<vmem>>, vector<1x1x16xf32>,
        %get3A_1090 = vector.shape_cast %get3A_1089 : vector<1x1x16xf32> to vector<16xf32>
        %mul3A_1091 = arith.mulf %get3A_1090, %get3A_1062 : vector<16xf32>
        %get3A_1092 = arith.constant 1 : i32
        %get3A_1093 = arith.index_cast %get3A_1092 : i32 to index
        %get3A_1094 = arith.index_cast %scan3A_1056 : i32 to index
        %get3A_1095 = arith.index_cast %mul3A_1084 : i32 to index
        %get3A_1096 = tpu.vector_load %arg13[%get3A_1093, %get3A_1094, %get3A_1095] {strides = array<i32>} : memref<2x16x1024xf32, #tpu.memory_space<vmem>>, vector<1x1x16xf32>,
        %get3A_1097 = vector.shape_cast %get3A_1096 : vector<1x1x16xf32> to vector<16xf32>
        %mul3A_1098 = arith.mulf %get3A_1097, %get3A_1068 : vector<16xf32>
        %add3A_1099 = arith.addf %mul3A_1091, %mul3A_1098 : vector<16xf32>
        %swap3A = arith.constant 1 : i32
        %swap3A_1100 = arith.index_cast %swap3A : i32 to index
        %swap3A_1101 = arith.index_cast %scan3A_1056 : i32 to index
        %swap3A_1102 = arith.index_cast %mul3A_1084 : i32 to index
        %swap3A_1103 = tpu.vector_load %arg14[%swap3A_1100, %swap3A_1101, %swap3A_1102] {strides = array<i32>} : memref<2x16x1024xf32, #tpu.memory_space<vmem>>, vector<1x1x16xf32>,
        %swap3A_1104 = vector.shape_cast %swap3A_1103 : vector<1x1x16xf32> to vector<16xf32>
        %swap3A_1105 = vector.shape_cast %add3A_1099 : vector<16xf32> to vector<1x1x16xf32>
        tpu.vector_store %arg14[%swap3A_1100, %swap3A_1101, %swap3A_1102], %swap3A_1105 {strides = array<i32>} : memref<2x16x1024xf32, #tpu.memory_space<vmem>>, vector<1x1x16xf32>,
        %mul3A_1106 = arith.constant 4 : i32
        %mul3A_1107 = arith.muli %scan3A_1077, %mul3A_1106 : i32
        %add3A_1108 = arith.constant 1 : i32
        %add3A_1109 = arith.addi %mul3A_1107, %add3A_1108 : i32
        %mul3A_1110 = arith.constant 16 : i32
        %mul3A_1111 = arith.muli %add3A_1109, %mul3A_1110 : i32
        %get3A_1112 = arith.constant 1 : i32
        %get3A_1113 = arith.index_cast %get3A_1112 : i32 to index
        %get3A_1114 = arith.index_cast %scan3A_1056 : i32 to index
        %get3A_1115 = arith.index_cast %mul3A_1111 : i32 to index
        %get3A_1116 = tpu.vector_load %arg12[%get3A_1113, %get3A_1114, %get3A_1115] {strides = array<i32>} : memref<2x16x1024xf32, #tpu.memory_space<vmem>>, vector<1x1x16xf32>,
        %get3A_1117 = vector.shape_cast %get3A_1116 : vector<1x1x16xf32> to vector<16xf32>
        %mul3A_1118 = arith.mulf %get3A_1117, %get3A_1062 : vector<16xf32>
        %get3A_1119 = arith.constant 1 : i32
        %get3A_1120 = arith.index_cast %get3A_1119 : i32 to index
        %get3A_1121 = arith.index_cast %scan3A_1056 : i32 to index
        %get3A_1122 = arith.index_cast %mul3A_1111 : i32 to index
        %get3A_1123 = tpu.vector_load %arg13[%get3A_1120, %get3A_1121, %get3A_1122] {strides = array<i32>} : memref<2x16x1024xf32, #tpu.memory_space<vmem>>, vector<1x1x16xf32>,
        %get3A_1124 = vector.shape_cast %get3A_1123 : vector<1x1x16xf32> to vector<16xf32>
        %mul3A_1125 = arith.mulf %get3A_1124, %get3A_1068 : vector<16xf32>
        %add3A_1126 = arith.addf %mul3A_1118, %mul3A_1125 : vector<16xf32>
        %swap3A_1127 = arith.constant 1 : i32
        %swap3A_1128 = arith.index_cast %swap3A_1127 : i32 to index
        %swap3A_1129 = arith.index_cast %scan3A_1056 : i32 to index
        %swap3A_1130 = arith.index_cast %mul3A_1111 : i32 to index
        %swap3A_1131 = tpu.vector_load %arg14[%swap3A_1128, %swap3A_1129, %swap3A_1130] {strides = array<i32>} : memref<2x16x1024xf32, #tpu.memory_space<vmem>>, vector<1x1x16xf32>,
        %swap3A_1132 = vector.shape_cast %swap3A_1131 : vector<1x1x16xf32> to vector<16xf32>
        %swap3A_1133 = vector.shape_cast %add3A_1126 : vector<16xf32> to vector<1x1x16xf32>
        tpu.vector_store %arg14[%swap3A_1128, %swap3A_1129, %swap3A_1130], %swap3A_1133 {strides = array<i32>} : memref<2x16x1024xf32, #tpu.memory_space<vmem>>, vector<1x1x16xf32>,
        %mul3A_1134 = arith.constant 4 : i32
        %mul3A_1135 = arith.muli %scan3A_1077, %mul3A_1134 : i32
        %add3A_1136 = arith.constant 2 : i32
        %add3A_1137 = arith.addi %mul3A_1135, %add3A_1136 : i32
        %mul3A_1138 = arith.constant 16 : i32
        %mul3A_1139 = arith.muli %add3A_1137, %mul3A_1138 : i32
        %get3A_1140 = arith.constant 1 : i32
        %get3A_1141 = arith.index_cast %get3A_1140 : i32 to index
        %get3A_1142 = arith.index_cast %scan3A_1056 : i32 to index
        %get3A_1143 = arith.index_cast %mul3A_1139 : i32 to index
        %get3A_1144 = tpu.vector_load %arg12[%get3A_1141, %get3A_1142, %get3A_1143] {strides = array<i32>} : memref<2x16x1024xf32, #tpu.memory_space<vmem>>, vector<1x1x16xf32>,
        %get3A_1145 = vector.shape_cast %get3A_1144 : vector<1x1x16xf32> to vector<16xf32>
        %mul3A_1146 = arith.mulf %get3A_1145, %get3A_1062 : vector<16xf32>
        %get3A_1147 = arith.constant 1 : i32
        %get3A_1148 = arith.index_cast %get3A_1147 : i32 to index
        %get3A_1149 = arith.index_cast %scan3A_1056 : i32 to index
        %get3A_1150 = arith.index_cast %mul3A_1139 : i32 to index
        %get3A_1151 = tpu.vector_load %arg13[%get3A_1148, %get3A_1149, %get3A_1150] {strides = array<i32>} : memref<2x16x1024xf32, #tpu.memory_space<vmem>>, vector<1x1x16xf32>,
        %get3A_1152 = vector.shape_cast %get3A_1151 : vector<1x1x16xf32> to vector<16xf32>
        %mul3A_1153 = arith.mulf %get3A_1152, %get3A_1068 : vector<16xf32>
        %add3A_1154 = arith.addf %mul3A_1146, %mul3A_1153 : vector<16xf32>
        %swap3A_1155 = arith.constant 1 : i32
        %swap3A_1156 = arith.index_cast %swap3A_1155 : i32 to index
        %swap3A_1157 = arith.index_cast %scan3A_1056 : i32 to index
        %swap3A_1158 = arith.index_cast %mul3A_1139 : i32 to index
        %swap3A_1159 = tpu.vector_load %arg14[%swap3A_1156, %swap3A_1157, %swap3A_1158] {strides = array<i32>} : memref<2x16x1024xf32, #tpu.memory_space<vmem>>, vector<1x1x16xf32>,
        %swap3A_1160 = vector.shape_cast %swap3A_1159 : vector<1x1x16xf32> to vector<16xf32>
        %swap3A_1161 = vector.shape_cast %add3A_1154 : vector<16xf32> to vector<1x1x16xf32>
        tpu.vector_store %arg14[%swap3A_1156, %swap3A_1157, %swap3A_1158], %swap3A_1161 {strides = array<i32>} : memref<2x16x1024xf32, #tpu.memory_space<vmem>>, vector<1x1x16xf32>,
        %mul3A_1162 = arith.constant 4 : i32
        %mul3A_1163 = arith.muli %scan3A_1077, %mul3A_1162 : i32
        %add3A_1164 = arith.constant 3 : i32
        %add3A_1165 = arith.addi %mul3A_1163, %add3A_1164 : i32
        %mul3A_1166 = arith.constant 16 : i32
        %mul3A_1167 = arith.muli %add3A_1165, %mul3A_1166 : i32
        %get3A_1168 = arith.constant 1 : i32
        %get3A_1169 = arith.index_cast %get3A_1168 : i32 to index
        %get3A_1170 = arith.index_cast %scan3A_1056 : i32 to index
        %get3A_1171 = arith.index_cast %mul3A_1167 : i32 to index
        %get3A_1172 = tpu.vector_load %arg12[%get3A_1169, %get3A_1170, %get3A_1171] {strides = array<i32>} : memref<2x16x1024xf32, #tpu.memory_space<vmem>>, vector<1x1x16xf32>,
        %get3A_1173 = vector.shape_cast %get3A_1172 : vector<1x1x16xf32> to vector<16xf32>
        %mul3A_1174 = arith.mulf %get3A_1173, %get3A_1062 : vector<16xf32>
        %get3A_1175 = arith.constant 1 : i32
        %get3A_1176 = arith.index_cast %get3A_1175 : i32 to index
        %get3A_1177 = arith.index_cast %scan3A_1056 : i32 to index
        %get3A_1178 = arith.index_cast %mul3A_1167 : i32 to index
        %get3A_1179 = tpu.vector_load %arg13[%get3A_1176, %get3A_1177, %get3A_1178] {strides = array<i32>} : memref<2x16x1024xf32, #tpu.memory_space<vmem>>, vector<1x1x16xf32>,
        %get3A_1180 = vector.shape_cast %get3A_1179 : vector<1x1x16xf32> to vector<16xf32>
        %mul3A_1181 = arith.mulf %get3A_1180, %get3A_1068 : vector<16xf32>
        %add3A_1182 = arith.addf %mul3A_1174, %mul3A_1181 : vector<16xf32>
        %swap3A_1183 = arith.constant 1 : i32
        %swap3A_1184 = arith.index_cast %swap3A_1183 : i32 to index
        %swap3A_1185 = arith.index_cast %scan3A_1056 : i32 to index
        %swap3A_1186 = arith.index_cast %mul3A_1167 : i32 to index
        %swap3A_1187 = tpu.vector_load %arg14[%swap3A_1184, %swap3A_1185, %swap3A_1186] {strides = array<i32>} : memref<2x16x1024xf32, #tpu.memory_space<vmem>>, vector<1x1x16xf32>,
        %swap3A_1188 = vector.shape_cast %swap3A_1187 : vector<1x1x16xf32> to vector<16xf32>
        %swap3A_1189 = vector.shape_cast %add3A_1182 : vector<16xf32> to vector<1x1x16xf32>
        tpu.vector_store %arg14[%swap3A_1184, %swap3A_1185, %swap3A_1186], %swap3A_1189 {strides = array<i32>} : memref<2x16x1024xf32, #tpu.memory_space<vmem>>, vector<1x1x16xf32>,
        %scan3A_1190 = arith.constant 0 : i32
        scf.yield %scan3A_1190 : i32
      }
      %scan3A_1075 = arith.constant 16 : i32
      %scan3A_1076 = arith.constant 0 : i32
      scf.yield %scan3A_1076 : i32
    }
    %scan3A_546 = arith.constant 16 : i32
    %add3A_547 = arith.constant 48 : i32
    %add3A_548 = arith.addi %mul3A_2, %add3A_547 : i32
    %dma_start3A_549 = arith.constant 1 : i32
    %dma_start3A_550 = arith.constant 0 : i32
    %dma_start3A_551 = arith.constant 0 : i32
    %dma_start3A_552 = tpu.memref_slice %arg14[%dma_start3A_549, %dma_start3A_550, %dma_start3A_551] : memref<2x16x1024xf32, #tpu.memory_space<vmem>> -> memref<1x16x1024xf32, #tpu.memory_space<vmem>>
    %dma_start3A_553 = tpu.memref_squeeze %dma_start3A_552 : memref<1x16x1024xf32, #tpu.memory_space<vmem>> -> memref<16x1024xf32, #tpu.memory_space<vmem>>
    %dma_start3A_554 = arith.constant 0 : i32
    %dma_start3A_555 = tpu.memref_slice %arg7[%add3A_548, %dma_start3A_554] : memref<4096x1024xf32, #tpu.memory_space<hbm>> -> memref<16x1024xf32, #tpu.memory_space<hbm>>
    %dma_start3A_556 = arith.constant 0 : i32
    %dma_start3A_557 = tpu.memref_slice %arg7[%add3A_548, %dma_start3A_556] : memref<4096x1024xf32, #tpu.memory_space<hbm>> -> memref<16x1024xf32, #tpu.memory_space<hbm>>
    %dma_start3A_558 = arith.constant 0 : i32
    %dma_start3A_559 = arith.constant 0 : i32
    %dma_start3A_560 = tpu.memref_slice %arg14[%dma_start3A_549, %dma_start3A_558, %dma_start3A_559] : memref<2x16x1024xf32, #tpu.memory_space<vmem>> -> memref<1x16x1024xf32, #tpu.memory_space<vmem>>
    %dma_start3A_561 = tpu.memref_squeeze %dma_start3A_560 : memref<1x16x1024xf32, #tpu.memory_space<vmem>> -> memref<16x1024xf32, #tpu.memory_space<vmem>>
    tpu.enqueue_dma source(%dma_start3A_561 : memref<16x1024xf32, #tpu.memory_space<vmem>>) target(%dma_start3A_557 : memref<16x1024xf32, #tpu.memory_space<hbm>>) target_semaphore(%arg17 : memref<!tpu.dma_semaphore, #tpu.memory_space<semaphore_mem>>)
    %add3A_562 = arith.constant 80 : i32
    %add3A_563 = arith.addi %mul3A_2, %add3A_562 : i32
    %dma_start3A_564 = arith.constant 1 : i32
    %dma_start3A_565 = arith.constant 0 : i32
    %dma_start3A_566 = arith.constant 0 : i32
    %dma_start3A_567 = tpu.memref_slice %arg12[%dma_start3A_564, %dma_start3A_565, %dma_start3A_566] : memref<2x16x1024xf32, #tpu.memory_space<vmem>> -> memref<1x16x1024xf32, #tpu.memory_space<vmem>>
    %dma_start3A_568 = tpu.memref_squeeze %dma_start3A_567 : memref<1x16x1024xf32, #tpu.memory_space<vmem>> -> memref<16x1024xf32, #tpu.memory_space<vmem>>
    %dma_start3A_569 = arith.constant 80 : i32
    %dma_start3A_570 = tpu.memref_slice %arg8[%dma_start3A_569] : memref<128xi32, #tpu.memory_space<vmem>> -> memref<16xi32, #tpu.memory_space<vmem>>
    %dma_start3A_571 = arith.constant 0 : i32
    %dma_start3A_572 = arith.constant 0 : i32
    %dma_start3A_573 = tpu.memref_slice %arg2[%dma_start3A_571, %dma_start3A_572] : memref<9216x1024xf32, #tpu.memory_space<hbm>> -> memref<9216x1024xf32, #tpu.memory_space<hbm>>
    tpu.enqueue_indirect_dma source(%dma_start3A_573 : memref<9216x1024xf32, #tpu.memory_space<hbm>>) target(%dma_start3A_568 : memref<16x1024xf32, #tpu.memory_space<vmem>>) offsets(%dma_start3A_570 : memref<16xi32, #tpu.memory_space<vmem>>) semaphore(%arg16 : memref<!tpu.dma_semaphore, #tpu.memory_space<semaphore_mem>>)
    %dma_start3A_574 = arith.constant 1 : i32
    %dma_start3A_575 = arith.constant 0 : i32
    %dma_start3A_576 = arith.constant 0 : i32
    %dma_start3A_577 = tpu.memref_slice %arg13[%dma_start3A_574, %dma_start3A_575, %dma_start3A_576] : memref<2x16x1024xf32, #tpu.memory_space<vmem>> -> memref<1x16x1024xf32, #tpu.memory_space<vmem>>
    %dma_start3A_578 = tpu.memref_squeeze %dma_start3A_577 : memref<1x16x1024xf32, #tpu.memory_space<vmem>> -> memref<16x1024xf32, #tpu.memory_space<vmem>>
    %dma_start3A_579 = arith.constant 80 : i32
    %dma_start3A_580 = tpu.memref_slice %arg9[%dma_start3A_579] : memref<128xi32, #tpu.memory_space<vmem>> -> memref<16xi32, #tpu.memory_space<vmem>>
    %dma_start3A_581 = arith.constant 0 : i32
    %dma_start3A_582 = arith.constant 0 : i32
    %dma_start3A_583 = tpu.memref_slice %arg2[%dma_start3A_581, %dma_start3A_582] : memref<9216x1024xf32, #tpu.memory_space<hbm>> -> memref<9216x1024xf32, #tpu.memory_space<hbm>>
    tpu.enqueue_indirect_dma source(%dma_start3A_583 : memref<9216x1024xf32, #tpu.memory_space<hbm>>) target(%dma_start3A_578 : memref<16x1024xf32, #tpu.memory_space<vmem>>) offsets(%dma_start3A_580 : memref<16xi32, #tpu.memory_space<vmem>>) semaphore(%arg16 : memref<!tpu.dma_semaphore, #tpu.memory_space<semaphore_mem>>)
    %dma_start3A_584 = arith.constant 1 : i32
    %dma_start3A_585 = arith.constant 0 : i32
    %dma_start3A_586 = arith.constant 0 : i32
    %dma_start3A_587 = tpu.memref_slice %arg10[%dma_start3A_584, %dma_start3A_585, %dma_start3A_586] : memref<2x16x16xf32, #tpu.memory_space<vmem>> -> memref<1x16x16xf32, #tpu.memory_space<vmem>>
    %dma_start3A_588 = tpu.memref_squeeze %dma_start3A_587 : memref<1x16x16xf32, #tpu.memory_space<vmem>> -> memref<16x16xf32, #tpu.memory_space<vmem>>
    %dma_start3A_589 = arith.constant 0 : i32
    %dma_start3A_590 = tpu.memref_slice %arg5[%add3A_563, %dma_start3A_589] : memref<4096x16xf32, #tpu.memory_space<hbm>> -> memref<16x16xf32, #tpu.memory_space<hbm>>
    %dma_start3A_591 = arith.constant 0 : i32
    %dma_start3A_592 = arith.constant 0 : i32
    %dma_start3A_593 = tpu.memref_slice %arg10[%dma_start3A_584, %dma_start3A_591, %dma_start3A_592] : memref<2x16x16xf32, #tpu.memory_space<vmem>> -> memref<1x16x16xf32, #tpu.memory_space<vmem>>
    %dma_start3A_594 = tpu.memref_squeeze %dma_start3A_593 : memref<1x16x16xf32, #tpu.memory_space<vmem>> -> memref<16x16xf32, #tpu.memory_space<vmem>>
    %dma_start3A_595 = arith.constant 0 : i32
    %dma_start3A_596 = tpu.memref_slice %arg5[%add3A_563, %dma_start3A_595] : memref<4096x16xf32, #tpu.memory_space<hbm>> -> memref<16x16xf32, #tpu.memory_space<hbm>>
    tpu.enqueue_dma source(%dma_start3A_596 : memref<16x16xf32, #tpu.memory_space<hbm>>) target(%dma_start3A_594 : memref<16x16xf32, #tpu.memory_space<vmem>>) target_semaphore(%arg16 : memref<!tpu.dma_semaphore, #tpu.memory_space<semaphore_mem>>)
    %dma_start3A_597 = arith.constant 1 : i32
    %dma_start3A_598 = arith.constant 0 : i32
    %dma_start3A_599 = arith.constant 0 : i32
    %dma_start3A_600 = tpu.memref_slice %arg11[%dma_start3A_597, %dma_start3A_598, %dma_start3A_599] : memref<2x16x16xf32, #tpu.memory_space<vmem>> -> memref<1x16x16xf32, #tpu.memory_space<vmem>>
    %dma_start3A_601 = tpu.memref_squeeze %dma_start3A_600 : memref<1x16x16xf32, #tpu.memory_space<vmem>> -> memref<16x16xf32, #tpu.memory_space<vmem>>
    %dma_start3A_602 = arith.constant 0 : i32
    %dma_start3A_603 = tpu.memref_slice %arg6[%add3A_563, %dma_start3A_602] : memref<4096x16xf32, #tpu.memory_space<hbm>> -> memref<16x16xf32, #tpu.memory_space<hbm>>
    %dma_start3A_604 = arith.constant 0 : i32
    %dma_start3A_605 = arith.constant 0 : i32
    %dma_start3A_606 = tpu.memref_slice %arg11[%dma_start3A_597, %dma_start3A_604, %dma_start3A_605] : memref<2x16x16xf32, #tpu.memory_space<vmem>> -> memref<1x16x16xf32, #tpu.memory_space<vmem>>
    %dma_start3A_607 = tpu.memref_squeeze %dma_start3A_606 : memref<1x16x16xf32, #tpu.memory_space<vmem>> -> memref<16x16xf32, #tpu.memory_space<vmem>>
    %dma_start3A_608 = arith.constant 0 : i32
    %dma_start3A_609 = tpu.memref_slice %arg6[%add3A_563, %dma_start3A_608] : memref<4096x16xf32, #tpu.memory_space<hbm>> -> memref<16x16xf32, #tpu.memory_space<hbm>>
    tpu.enqueue_dma source(%dma_start3A_609 : memref<16x16xf32, #tpu.memory_space<hbm>>) target(%dma_start3A_607 : memref<16x16xf32, #tpu.memory_space<vmem>>) target_semaphore(%arg16 : memref<!tpu.dma_semaphore, #tpu.memory_space<semaphore_mem>>)
    %dma_wait3A_610 = arith.constant 0 : i32
    %dma_wait3A_611 = arith.constant 0 : i32
    %dma_wait3A_612 = arith.constant 0 : i32
    %dma_wait3A_613 = tpu.memref_slice %arg12[%dma_wait3A_610, %dma_wait3A_611, %dma_wait3A_612] : memref<2x16x1024xf32, #tpu.memory_space<vmem>> -> memref<1x16x1024xf32, #tpu.memory_space<vmem>>
    %dma_wait3A_614 = tpu.memref_squeeze %dma_wait3A_613 : memref<1x16x1024xf32, #tpu.memory_space<vmem>> -> memref<16x1024xf32, #tpu.memory_space<vmem>>
    %dma_wait3A_615 = arith.constant 64 : i32
    %dma_wait3A_616 = tpu.memref_slice %arg8[%dma_wait3A_615] : memref<128xi32, #tpu.memory_space<vmem>> -> memref<16xi32, #tpu.memory_space<vmem>>
    %dma_wait3A_617 = arith.constant 0 : i32
    %dma_wait3A_618 = arith.constant 0 : i32
    %dma_wait3A_619 = tpu.memref_slice %arg2[%dma_wait3A_617, %dma_wait3A_618] : memref<9216x1024xf32, #tpu.memory_space<hbm>> -> memref<9216x1024xf32, #tpu.memory_space<hbm>>
    tpu.wait_indirect_dma semaphore(%arg16 : memref<!tpu.dma_semaphore, #tpu.memory_space<semaphore_mem>>) src(%dma_wait3A_619 : memref<9216x1024xf32, #tpu.memory_space<hbm>>) dst(%dma_wait3A_614 : memref<16x1024xf32, #tpu.memory_space<vmem>>)
    %dma_wait3A_620 = arith.constant 0 : i32
    %dma_wait3A_621 = arith.constant 0 : i32
    %dma_wait3A_622 = arith.constant 0 : i32
    %dma_wait3A_623 = tpu.memref_slice %arg13[%dma_wait3A_620, %dma_wait3A_621, %dma_wait3A_622] : memref<2x16x1024xf32, #tpu.memory_space<vmem>> -> memref<1x16x1024xf32, #tpu.memory_space<vmem>>
    %dma_wait3A_624 = tpu.memref_squeeze %dma_wait3A_623 : memref<1x16x1024xf32, #tpu.memory_space<vmem>> -> memref<16x1024xf32, #tpu.memory_space<vmem>>
    %dma_wait3A_625 = arith.constant 64 : i32
    %dma_wait3A_626 = tpu.memref_slice %arg9[%dma_wait3A_625] : memref<128xi32, #tpu.memory_space<vmem>> -> memref<16xi32, #tpu.memory_space<vmem>>
    %dma_wait3A_627 = arith.constant 0 : i32
    %dma_wait3A_628 = arith.constant 0 : i32
    %dma_wait3A_629 = tpu.memref_slice %arg2[%dma_wait3A_627, %dma_wait3A_628] : memref<9216x1024xf32, #tpu.memory_space<hbm>> -> memref<9216x1024xf32, #tpu.memory_space<hbm>>
    tpu.wait_indirect_dma semaphore(%arg16 : memref<!tpu.dma_semaphore, #tpu.memory_space<semaphore_mem>>) src(%dma_wait3A_629 : memref<9216x1024xf32, #tpu.memory_space<hbm>>) dst(%dma_wait3A_624 : memref<16x1024xf32, #tpu.memory_space<vmem>>)
    %dma_wait3A_630 = arith.constant 0 : i32
    %dma_wait3A_631 = arith.constant 0 : i32
    %dma_wait3A_632 = arith.constant 0 : i32
    %dma_wait3A_633 = tpu.memref_slice %arg10[%dma_wait3A_630, %dma_wait3A_631, %dma_wait3A_632] : memref<2x16x16xf32, #tpu.memory_space<vmem>> -> memref<1x16x16xf32, #tpu.memory_space<vmem>>
    %dma_wait3A_634 = tpu.memref_squeeze %dma_wait3A_633 : memref<1x16x16xf32, #tpu.memory_space<vmem>> -> memref<16x16xf32, #tpu.memory_space<vmem>>
    %dma_wait3A_635 = arith.constant 0 : i32
    %dma_wait3A_636 = tpu.memref_slice %arg5[%add3A_434, %dma_wait3A_635] : memref<4096x16xf32, #tpu.memory_space<hbm>> -> memref<16x16xf32, #tpu.memory_space<hbm>>
    %dma_wait3A_637 = arith.constant 0 : i32
    %dma_wait3A_638 = arith.constant 0 : i32
    %dma_wait3A_639 = tpu.memref_slice %arg10[%dma_wait3A_630, %dma_wait3A_637, %dma_wait3A_638] : memref<2x16x16xf32, #tpu.memory_space<vmem>> -> memref<1x16x16xf32, #tpu.memory_space<vmem>>
    %dma_wait3A_640 = tpu.memref_squeeze %dma_wait3A_639 : memref<1x16x16xf32, #tpu.memory_space<vmem>> -> memref<16x16xf32, #tpu.memory_space<vmem>>
    %dma_wait3A_641 = arith.constant 0 : i32
    %dma_wait3A_642 = tpu.memref_slice %arg5[%add3A_434, %dma_wait3A_641] : memref<4096x16xf32, #tpu.memory_space<hbm>> -> memref<16x16xf32, #tpu.memory_space<hbm>>
    tpu.wait_dma2 semaphore(%arg16 : memref<!tpu.dma_semaphore, #tpu.memory_space<semaphore_mem>>) src(%dma_wait3A_642 : memref<16x16xf32, #tpu.memory_space<hbm>>) dst(%dma_wait3A_640 : memref<16x16xf32, #tpu.memory_space<vmem>>)
    %dma_wait3A_643 = arith.constant 0 : i32
    %dma_wait3A_644 = arith.constant 0 : i32
    %dma_wait3A_645 = arith.constant 0 : i32
    %dma_wait3A_646 = tpu.memref_slice %arg11[%dma_wait3A_643, %dma_wait3A_644, %dma_wait3A_645] : memref<2x16x16xf32, #tpu.memory_space<vmem>> -> memref<1x16x16xf32, #tpu.memory_space<vmem>>
    %dma_wait3A_647 = tpu.memref_squeeze %dma_wait3A_646 : memref<1x16x16xf32, #tpu.memory_space<vmem>> -> memref<16x16xf32, #tpu.memory_space<vmem>>
    %dma_wait3A_648 = arith.constant 0 : i32
    %dma_wait3A_649 = tpu.memref_slice %arg6[%add3A_434, %dma_wait3A_648] : memref<4096x16xf32, #tpu.memory_space<hbm>> -> memref<16x16xf32, #tpu.memory_space<hbm>>
    %dma_wait3A_650 = arith.constant 0 : i32
    %dma_wait3A_651 = arith.constant 0 : i32
    %dma_wait3A_652 = tpu.memref_slice %arg11[%dma_wait3A_643, %dma_wait3A_650, %dma_wait3A_651] : memref<2x16x16xf32, #tpu.memory_space<vmem>> -> memref<1x16x16xf32, #tpu.memory_space<vmem>>
    %dma_wait3A_653 = tpu.memref_squeeze %dma_wait3A_652 : memref<1x16x16xf32, #tpu.memory_space<vmem>> -> memref<16x16xf32, #tpu.memory_space<vmem>>
    %dma_wait3A_654 = arith.constant 0 : i32
    %dma_wait3A_655 = tpu.memref_slice %arg6[%add3A_434, %dma_wait3A_654] : memref<4096x16xf32, #tpu.memory_space<hbm>> -> memref<16x16xf32, #tpu.memory_space<hbm>>
    tpu.wait_dma2 semaphore(%arg16 : memref<!tpu.dma_semaphore, #tpu.memory_space<semaphore_mem>>) src(%dma_wait3A_655 : memref<16x16xf32, #tpu.memory_space<hbm>>) dst(%dma_wait3A_653 : memref<16x16xf32, #tpu.memory_space<vmem>>)
    %dma_wait3A_656 = arith.constant 0 : i32
    %dma_wait3A_657 = arith.constant 0 : i32
    %dma_wait3A_658 = arith.constant 0 : i32
    %dma_wait3A_659 = tpu.memref_slice %arg14[%dma_wait3A_656, %dma_wait3A_657, %dma_wait3A_658] : memref<2x16x1024xf32, #tpu.memory_space<vmem>> -> memref<1x16x1024xf32, #tpu.memory_space<vmem>>
    %dma_wait3A_660 = tpu.memref_squeeze %dma_wait3A_659 : memref<1x16x1024xf32, #tpu.memory_space<vmem>> -> memref<16x1024xf32, #tpu.memory_space<vmem>>
    %dma_wait3A_661 = arith.constant 0 : i32
    %dma_wait3A_662 = tpu.memref_slice %arg7[%add3A_419, %dma_wait3A_661] : memref<4096x1024xf32, #tpu.memory_space<hbm>> -> memref<16x1024xf32, #tpu.memory_space<hbm>>
    %dma_wait3A_663 = arith.constant 0 : i32
    %dma_wait3A_664 = tpu.memref_slice %arg7[%add3A_419, %dma_wait3A_663] : memref<4096x1024xf32, #tpu.memory_space<hbm>> -> memref<16x1024xf32, #tpu.memory_space<hbm>>
    %dma_wait3A_665 = arith.constant 0 : i32
    %dma_wait3A_666 = arith.constant 0 : i32
    %dma_wait3A_667 = tpu.memref_slice %arg14[%dma_wait3A_656, %dma_wait3A_665, %dma_wait3A_666] : memref<2x16x1024xf32, #tpu.memory_space<vmem>> -> memref<1x16x1024xf32, #tpu.memory_space<vmem>>
    %dma_wait3A_668 = tpu.memref_squeeze %dma_wait3A_667 : memref<1x16x1024xf32, #tpu.memory_space<vmem>> -> memref<16x1024xf32, #tpu.memory_space<vmem>>
    tpu.wait_dma2 semaphore(%arg17 : memref<!tpu.dma_semaphore, #tpu.memory_space<semaphore_mem>>) src(%dma_wait3A_668 : memref<16x1024xf32, #tpu.memory_space<vmem>>) dst(%dma_wait3A_664 : memref<16x1024xf32, #tpu.memory_space<hbm>>)
    %scan3A_669 = arith.constant 0 : i32
    %scan3A_670 = arith.constant 0 : i32
    %scan3A_671 = arith.constant 16 : i32
    %scan3A_672 = arith.addi %scan3A_670, %scan3A_671 : i32
    %scan3A_673 = arith.constant 1 : i32
    %scan3A_674 = scf.for %scan3A_1056 = %scan3A_670 to %scan3A_672 step %scan3A_673 iter_args(%scan3A_1057 = %scan3A_669) -> (i32)  : i32 {
      %get3A = arith.constant 0 : i32
      %get3A_1058 = arith.index_cast %get3A : i32 to index
      %get3A_1059 = arith.index_cast %scan3A_1056 : i32 to index
      %get3A_1060 = arith.constant 0 : index
      %get3A_1061 = tpu.vector_load %arg10[%get3A_1058, %get3A_1059, %get3A_1060] {strides = array<i32>} : memref<2x16x16xf32, #tpu.memory_space<vmem>>, vector<1x1x16xf32>,
      %get3A_1062 = vector.shape_cast %get3A_1061 : vector<1x1x16xf32> to vector<16xf32>
      %get3A_1063 = arith.constant 0 : i32
      %get3A_1064 = arith.index_cast %get3A_1063 : i32 to index
      %get3A_1065 = arith.index_cast %scan3A_1056 : i32 to index
      %get3A_1066 = arith.constant 0 : index
      %get3A_1067 = tpu.vector_load %arg11[%get3A_1064, %get3A_1065, %get3A_1066] {strides = array<i32>} : memref<2x16x16xf32, #tpu.memory_space<vmem>>, vector<1x1x16xf32>,
      %get3A_1068 = vector.shape_cast %get3A_1067 : vector<1x1x16xf32> to vector<16xf32>
      %scan3A_1069 = arith.constant 0 : i32
      %scan3A_1070 = arith.constant 0 : i32
      %scan3A_1071 = arith.constant 16 : i32
      %scan3A_1072 = arith.addi %scan3A_1070, %scan3A_1071 : i32
      %scan3A_1073 = arith.constant 1 : i32
      %scan3A_1074 = scf.for %scan3A_1077 = %scan3A_1070 to %scan3A_1072 step %scan3A_1073 iter_args(%scan3A_1078 = %scan3A_1069) -> (i32)  : i32 {
        %mul3A_1079 = arith.constant 4 : i32
        %mul3A_1080 = arith.muli %scan3A_1077, %mul3A_1079 : i32
        %add3A_1081 = arith.constant 0 : i32
        %add3A_1082 = arith.addi %mul3A_1080, %add3A_1081 : i32
        %mul3A_1083 = arith.constant 16 : i32
        %mul3A_1084 = arith.muli %add3A_1082, %mul3A_1083 : i32
        %get3A_1085 = arith.constant 0 : i32
        %get3A_1086 = arith.index_cast %get3A_1085 : i32 to index
        %get3A_1087 = arith.index_cast %scan3A_1056 : i32 to index
        %get3A_1088 = arith.index_cast %mul3A_1084 : i32 to index
        %get3A_1089 = tpu.vector_load %arg12[%get3A_1086, %get3A_1087, %get3A_1088] {strides = array<i32>} : memref<2x16x1024xf32, #tpu.memory_space<vmem>>, vector<1x1x16xf32>,
        %get3A_1090 = vector.shape_cast %get3A_1089 : vector<1x1x16xf32> to vector<16xf32>
        %mul3A_1091 = arith.mulf %get3A_1090, %get3A_1062 : vector<16xf32>
        %get3A_1092 = arith.constant 0 : i32
        %get3A_1093 = arith.index_cast %get3A_1092 : i32 to index
        %get3A_1094 = arith.index_cast %scan3A_1056 : i32 to index
        %get3A_1095 = arith.index_cast %mul3A_1084 : i32 to index
        %get3A_1096 = tpu.vector_load %arg13[%get3A_1093, %get3A_1094, %get3A_1095] {strides = array<i32>} : memref<2x16x1024xf32, #tpu.memory_space<vmem>>, vector<1x1x16xf32>,
        %get3A_1097 = vector.shape_cast %get3A_1096 : vector<1x1x16xf32> to vector<16xf32>
        %mul3A_1098 = arith.mulf %get3A_1097, %get3A_1068 : vector<16xf32>
        %add3A_1099 = arith.addf %mul3A_1091, %mul3A_1098 : vector<16xf32>
        %swap3A = arith.constant 0 : i32
        %swap3A_1100 = arith.index_cast %swap3A : i32 to index
        %swap3A_1101 = arith.index_cast %scan3A_1056 : i32 to index
        %swap3A_1102 = arith.index_cast %mul3A_1084 : i32 to index
        %swap3A_1103 = tpu.vector_load %arg14[%swap3A_1100, %swap3A_1101, %swap3A_1102] {strides = array<i32>} : memref<2x16x1024xf32, #tpu.memory_space<vmem>>, vector<1x1x16xf32>,
        %swap3A_1104 = vector.shape_cast %swap3A_1103 : vector<1x1x16xf32> to vector<16xf32>
        %swap3A_1105 = vector.shape_cast %add3A_1099 : vector<16xf32> to vector<1x1x16xf32>
        tpu.vector_store %arg14[%swap3A_1100, %swap3A_1101, %swap3A_1102], %swap3A_1105 {strides = array<i32>} : memref<2x16x1024xf32, #tpu.memory_space<vmem>>, vector<1x1x16xf32>,
        %mul3A_1106 = arith.constant 4 : i32
        %mul3A_1107 = arith.muli %scan3A_1077, %mul3A_1106 : i32
        %add3A_1108 = arith.constant 1 : i32
        %add3A_1109 = arith.addi %mul3A_1107, %add3A_1108 : i32
        %mul3A_1110 = arith.constant 16 : i32
        %mul3A_1111 = arith.muli %add3A_1109, %mul3A_1110 : i32
        %get3A_1112 = arith.constant 0 : i32
        %get3A_1113 = arith.index_cast %get3A_1112 : i32 to index
        %get3A_1114 = arith.index_cast %scan3A_1056 : i32 to index
        %get3A_1115 = arith.index_cast %mul3A_1111 : i32 to index
        %get3A_1116 = tpu.vector_load %arg12[%get3A_1113, %get3A_1114, %get3A_1115] {strides = array<i32>} : memref<2x16x1024xf32, #tpu.memory_space<vmem>>, vector<1x1x16xf32>,
        %get3A_1117 = vector.shape_cast %get3A_1116 : vector<1x1x16xf32> to vector<16xf32>
        %mul3A_1118 = arith.mulf %get3A_1117, %get3A_1062 : vector<16xf32>
        %get3A_1119 = arith.constant 0 : i32
        %get3A_1120 = arith.index_cast %get3A_1119 : i32 to index
        %get3A_1121 = arith.index_cast %scan3A_1056 : i32 to index
        %get3A_1122 = arith.index_cast %mul3A_1111 : i32 to index
        %get3A_1123 = tpu.vector_load %arg13[%get3A_1120, %get3A_1121, %get3A_1122] {strides = array<i32>} : memref<2x16x1024xf32, #tpu.memory_space<vmem>>, vector<1x1x16xf32>,
        %get3A_1124 = vector.shape_cast %get3A_1123 : vector<1x1x16xf32> to vector<16xf32>
        %mul3A_1125 = arith.mulf %get3A_1124, %get3A_1068 : vector<16xf32>
        %add3A_1126 = arith.addf %mul3A_1118, %mul3A_1125 : vector<16xf32>
        %swap3A_1127 = arith.constant 0 : i32
        %swap3A_1128 = arith.index_cast %swap3A_1127 : i32 to index
        %swap3A_1129 = arith.index_cast %scan3A_1056 : i32 to index
        %swap3A_1130 = arith.index_cast %mul3A_1111 : i32 to index
        %swap3A_1131 = tpu.vector_load %arg14[%swap3A_1128, %swap3A_1129, %swap3A_1130] {strides = array<i32>} : memref<2x16x1024xf32, #tpu.memory_space<vmem>>, vector<1x1x16xf32>,
        %swap3A_1132 = vector.shape_cast %swap3A_1131 : vector<1x1x16xf32> to vector<16xf32>
        %swap3A_1133 = vector.shape_cast %add3A_1126 : vector<16xf32> to vector<1x1x16xf32>
        tpu.vector_store %arg14[%swap3A_1128, %swap3A_1129, %swap3A_1130], %swap3A_1133 {strides = array<i32>} : memref<2x16x1024xf32, #tpu.memory_space<vmem>>, vector<1x1x16xf32>,
        %mul3A_1134 = arith.constant 4 : i32
        %mul3A_1135 = arith.muli %scan3A_1077, %mul3A_1134 : i32
        %add3A_1136 = arith.constant 2 : i32
        %add3A_1137 = arith.addi %mul3A_1135, %add3A_1136 : i32
        %mul3A_1138 = arith.constant 16 : i32
        %mul3A_1139 = arith.muli %add3A_1137, %mul3A_1138 : i32
        %get3A_1140 = arith.constant 0 : i32
        %get3A_1141 = arith.index_cast %get3A_1140 : i32 to index
        %get3A_1142 = arith.index_cast %scan3A_1056 : i32 to index
        %get3A_1143 = arith.index_cast %mul3A_1139 : i32 to index
        %get3A_1144 = tpu.vector_load %arg12[%get3A_1141, %get3A_1142, %get3A_1143] {strides = array<i32>} : memref<2x16x1024xf32, #tpu.memory_space<vmem>>, vector<1x1x16xf32>,
        %get3A_1145 = vector.shape_cast %get3A_1144 : vector<1x1x16xf32> to vector<16xf32>
        %mul3A_1146 = arith.mulf %get3A_1145, %get3A_1062 : vector<16xf32>
        %get3A_1147 = arith.constant 0 : i32
        %get3A_1148 = arith.index_cast %get3A_1147 : i32 to index
        %get3A_1149 = arith.index_cast %scan3A_1056 : i32 to index
        %get3A_1150 = arith.index_cast %mul3A_1139 : i32 to index
        %get3A_1151 = tpu.vector_load %arg13[%get3A_1148, %get3A_1149, %get3A_1150] {strides = array<i32>} : memref<2x16x1024xf32, #tpu.memory_space<vmem>>, vector<1x1x16xf32>,
        %get3A_1152 = vector.shape_cast %get3A_1151 : vector<1x1x16xf32> to vector<16xf32>
        %mul3A_1153 = arith.mulf %get3A_1152, %get3A_1068 : vector<16xf32>
        %add3A_1154 = arith.addf %mul3A_1146, %mul3A_1153 : vector<16xf32>
        %swap3A_1155 = arith.constant 0 : i32
        %swap3A_1156 = arith.index_cast %swap3A_1155 : i32 to index
        %swap3A_1157 = arith.index_cast %scan3A_1056 : i32 to index
        %swap3A_1158 = arith.index_cast %mul3A_1139 : i32 to index
        %swap3A_1159 = tpu.vector_load %arg14[%swap3A_1156, %swap3A_1157, %swap3A_1158] {strides = array<i32>} : memref<2x16x1024xf32, #tpu.memory_space<vmem>>, vector<1x1x16xf32>,
        %swap3A_1160 = vector.shape_cast %swap3A_1159 : vector<1x1x16xf32> to vector<16xf32>
        %swap3A_1161 = vector.shape_cast %add3A_1154 : vector<16xf32> to vector<1x1x16xf32>
        tpu.vector_store %arg14[%swap3A_1156, %swap3A_1157, %swap3A_1158], %swap3A_1161 {strides = array<i32>} : memref<2x16x1024xf32, #tpu.memory_space<vmem>>, vector<1x1x16xf32>,
        %mul3A_1162 = arith.constant 4 : i32
        %mul3A_1163 = arith.muli %scan3A_1077, %mul3A_1162 : i32
        %add3A_1164 = arith.constant 3 : i32
        %add3A_1165 = arith.addi %mul3A_1163, %add3A_1164 : i32
        %mul3A_1166 = arith.constant 16 : i32
        %mul3A_1167 = arith.muli %add3A_1165, %mul3A_1166 : i32
        %get3A_1168 = arith.constant 0 : i32
        %get3A_1169 = arith.index_cast %get3A_1168 : i32 to index
        %get3A_1170 = arith.index_cast %scan3A_1056 : i32 to index
        %get3A_1171 = arith.index_cast %mul3A_1167 : i32 to index
        %get3A_1172 = tpu.vector_load %arg12[%get3A_1169, %get3A_1170, %get3A_1171] {strides = array<i32>} : memref<2x16x1024xf32, #tpu.memory_space<vmem>>, vector<1x1x16xf32>,
        %get3A_1173 = vector.shape_cast %get3A_1172 : vector<1x1x16xf32> to vector<16xf32>
        %mul3A_1174 = arith.mulf %get3A_1173, %get3A_1062 : vector<16xf32>
        %get3A_1175 = arith.constant 0 : i32
        %get3A_1176 = arith.index_cast %get3A_1175 : i32 to index
        %get3A_1177 = arith.index_cast %scan3A_1056 : i32 to index
        %get3A_1178 = arith.index_cast %mul3A_1167 : i32 to index
        %get3A_1179 = tpu.vector_load %arg13[%get3A_1176, %get3A_1177, %get3A_1178] {strides = array<i32>} : memref<2x16x1024xf32, #tpu.memory_space<vmem>>, vector<1x1x16xf32>,
        %get3A_1180 = vector.shape_cast %get3A_1179 : vector<1x1x16xf32> to vector<16xf32>
        %mul3A_1181 = arith.mulf %get3A_1180, %get3A_1068 : vector<16xf32>
        %add3A_1182 = arith.addf %mul3A_1174, %mul3A_1181 : vector<16xf32>
        %swap3A_1183 = arith.constant 0 : i32
        %swap3A_1184 = arith.index_cast %swap3A_1183 : i32 to index
        %swap3A_1185 = arith.index_cast %scan3A_1056 : i32 to index
        %swap3A_1186 = arith.index_cast %mul3A_1167 : i32 to index
        %swap3A_1187 = tpu.vector_load %arg14[%swap3A_1184, %swap3A_1185, %swap3A_1186] {strides = array<i32>} : memref<2x16x1024xf32, #tpu.memory_space<vmem>>, vector<1x1x16xf32>,
        %swap3A_1188 = vector.shape_cast %swap3A_1187 : vector<1x1x16xf32> to vector<16xf32>
        %swap3A_1189 = vector.shape_cast %add3A_1182 : vector<16xf32> to vector<1x1x16xf32>
        tpu.vector_store %arg14[%swap3A_1184, %swap3A_1185, %swap3A_1186], %swap3A_1189 {strides = array<i32>} : memref<2x16x1024xf32, #tpu.memory_space<vmem>>, vector<1x1x16xf32>,
        %scan3A_1190 = arith.constant 0 : i32
        scf.yield %scan3A_1190 : i32
      }
      %scan3A_1075 = arith.constant 16 : i32
      %scan3A_1076 = arith.constant 0 : i32
      scf.yield %scan3A_1076 : i32
    }
    %scan3A_675 = arith.constant 16 : i32
    %add3A_676 = arith.constant 64 : i32
    %add3A_677 = arith.addi %mul3A_2, %add3A_676 : i32
    %dma_start3A_678 = arith.constant 0 : i32
    %dma_start3A_679 = arith.constant 0 : i32
    %dma_start3A_680 = arith.constant 0 : i32
    %dma_start3A_681 = tpu.memref_slice %arg14[%dma_start3A_678, %dma_start3A_679, %dma_start3A_680] : memref<2x16x1024xf32, #tpu.memory_space<vmem>> -> memref<1x16x1024xf32, #tpu.memory_space<vmem>>
    %dma_start3A_682 = tpu.memref_squeeze %dma_start3A_681 : memref<1x16x1024xf32, #tpu.memory_space<vmem>> -> memref<16x1024xf32, #tpu.memory_space<vmem>>
    %dma_start3A_683 = arith.constant 0 : i32
    %dma_start3A_684 = tpu.memref_slice %arg7[%add3A_677, %dma_start3A_683] : memref<4096x1024xf32, #tpu.memory_space<hbm>> -> memref<16x1024xf32, #tpu.memory_space<hbm>>
    %dma_start3A_685 = arith.constant 0 : i32
    %dma_start3A_686 = tpu.memref_slice %arg7[%add3A_677, %dma_start3A_685] : memref<4096x1024xf32, #tpu.memory_space<hbm>> -> memref<16x1024xf32, #tpu.memory_space<hbm>>
    %dma_start3A_687 = arith.constant 0 : i32
    %dma_start3A_688 = arith.constant 0 : i32
    %dma_start3A_689 = tpu.memref_slice %arg14[%dma_start3A_678, %dma_start3A_687, %dma_start3A_688] : memref<2x16x1024xf32, #tpu.memory_space<vmem>> -> memref<1x16x1024xf32, #tpu.memory_space<vmem>>
    %dma_start3A_690 = tpu.memref_squeeze %dma_start3A_689 : memref<1x16x1024xf32, #tpu.memory_space<vmem>> -> memref<16x1024xf32, #tpu.memory_space<vmem>>
    tpu.enqueue_dma source(%dma_start3A_690 : memref<16x1024xf32, #tpu.memory_space<vmem>>) target(%dma_start3A_686 : memref<16x1024xf32, #tpu.memory_space<hbm>>) target_semaphore(%arg17 : memref<!tpu.dma_semaphore, #tpu.memory_space<semaphore_mem>>)
    %add3A_691 = arith.constant 96 : i32
    %add3A_692 = arith.addi %mul3A_2, %add3A_691 : i32
    %dma_start3A_693 = arith.constant 0 : i32
    %dma_start3A_694 = arith.constant 0 : i32
    %dma_start3A_695 = arith.constant 0 : i32
    %dma_start3A_696 = tpu.memref_slice %arg12[%dma_start3A_693, %dma_start3A_694, %dma_start3A_695] : memref<2x16x1024xf32, #tpu.memory_space<vmem>> -> memref<1x16x1024xf32, #tpu.memory_space<vmem>>
    %dma_start3A_697 = tpu.memref_squeeze %dma_start3A_696 : memref<1x16x1024xf32, #tpu.memory_space<vmem>> -> memref<16x1024xf32, #tpu.memory_space<vmem>>
    %dma_start3A_698 = arith.constant 96 : i32
    %dma_start3A_699 = tpu.memref_slice %arg8[%dma_start3A_698] : memref<128xi32, #tpu.memory_space<vmem>> -> memref<16xi32, #tpu.memory_space<vmem>>
    %dma_start3A_700 = arith.constant 0 : i32
    %dma_start3A_701 = arith.constant 0 : i32
    %dma_start3A_702 = tpu.memref_slice %arg2[%dma_start3A_700, %dma_start3A_701] : memref<9216x1024xf32, #tpu.memory_space<hbm>> -> memref<9216x1024xf32, #tpu.memory_space<hbm>>
    tpu.enqueue_indirect_dma source(%dma_start3A_702 : memref<9216x1024xf32, #tpu.memory_space<hbm>>) target(%dma_start3A_697 : memref<16x1024xf32, #tpu.memory_space<vmem>>) offsets(%dma_start3A_699 : memref<16xi32, #tpu.memory_space<vmem>>) semaphore(%arg16 : memref<!tpu.dma_semaphore, #tpu.memory_space<semaphore_mem>>)
    %dma_start3A_703 = arith.constant 0 : i32
    %dma_start3A_704 = arith.constant 0 : i32
    %dma_start3A_705 = arith.constant 0 : i32
    %dma_start3A_706 = tpu.memref_slice %arg13[%dma_start3A_703, %dma_start3A_704, %dma_start3A_705] : memref<2x16x1024xf32, #tpu.memory_space<vmem>> -> memref<1x16x1024xf32, #tpu.memory_space<vmem>>
    %dma_start3A_707 = tpu.memref_squeeze %dma_start3A_706 : memref<1x16x1024xf32, #tpu.memory_space<vmem>> -> memref<16x1024xf32, #tpu.memory_space<vmem>>
    %dma_start3A_708 = arith.constant 96 : i32
    %dma_start3A_709 = tpu.memref_slice %arg9[%dma_start3A_708] : memref<128xi32, #tpu.memory_space<vmem>> -> memref<16xi32, #tpu.memory_space<vmem>>
    %dma_start3A_710 = arith.constant 0 : i32
    %dma_start3A_711 = arith.constant 0 : i32
    %dma_start3A_712 = tpu.memref_slice %arg2[%dma_start3A_710, %dma_start3A_711] : memref<9216x1024xf32, #tpu.memory_space<hbm>> -> memref<9216x1024xf32, #tpu.memory_space<hbm>>
    tpu.enqueue_indirect_dma source(%dma_start3A_712 : memref<9216x1024xf32, #tpu.memory_space<hbm>>) target(%dma_start3A_707 : memref<16x1024xf32, #tpu.memory_space<vmem>>) offsets(%dma_start3A_709 : memref<16xi32, #tpu.memory_space<vmem>>) semaphore(%arg16 : memref<!tpu.dma_semaphore, #tpu.memory_space<semaphore_mem>>)
    %dma_start3A_713 = arith.constant 0 : i32
    %dma_start3A_714 = arith.constant 0 : i32
    %dma_start3A_715 = arith.constant 0 : i32
    %dma_start3A_716 = tpu.memref_slice %arg10[%dma_start3A_713, %dma_start3A_714, %dma_start3A_715] : memref<2x16x16xf32, #tpu.memory_space<vmem>> -> memref<1x16x16xf32, #tpu.memory_space<vmem>>
    %dma_start3A_717 = tpu.memref_squeeze %dma_start3A_716 : memref<1x16x16xf32, #tpu.memory_space<vmem>> -> memref<16x16xf32, #tpu.memory_space<vmem>>
    %dma_start3A_718 = arith.constant 0 : i32
    %dma_start3A_719 = tpu.memref_slice %arg5[%add3A_692, %dma_start3A_718] : memref<4096x16xf32, #tpu.memory_space<hbm>> -> memref<16x16xf32, #tpu.memory_space<hbm>>
    %dma_start3A_720 = arith.constant 0 : i32
    %dma_start3A_721 = arith.constant 0 : i32
    %dma_start3A_722 = tpu.memref_slice %arg10[%dma_start3A_713, %dma_start3A_720, %dma_start3A_721] : memref<2x16x16xf32, #tpu.memory_space<vmem>> -> memref<1x16x16xf32, #tpu.memory_space<vmem>>
    %dma_start3A_723 = tpu.memref_squeeze %dma_start3A_722 : memref<1x16x16xf32, #tpu.memory_space<vmem>> -> memref<16x16xf32, #tpu.memory_space<vmem>>
    %dma_start3A_724 = arith.constant 0 : i32
    %dma_start3A_725 = tpu.memref_slice %arg5[%add3A_692, %dma_start3A_724] : memref<4096x16xf32, #tpu.memory_space<hbm>> -> memref<16x16xf32, #tpu.memory_space<hbm>>
    tpu.enqueue_dma source(%dma_start3A_725 : memref<16x16xf32, #tpu.memory_space<hbm>>) target(%dma_start3A_723 : memref<16x16xf32, #tpu.memory_space<vmem>>) target_semaphore(%arg16 : memref<!tpu.dma_semaphore, #tpu.memory_space<semaphore_mem>>)
    %dma_start3A_726 = arith.constant 0 : i32
    %dma_start3A_727 = arith.constant 0 : i32
    %dma_start3A_728 = arith.constant 0 : i32
    %dma_start3A_729 = tpu.memref_slice %arg11[%dma_start3A_726, %dma_start3A_727, %dma_start3A_728] : memref<2x16x16xf32, #tpu.memory_space<vmem>> -> memref<1x16x16xf32, #tpu.memory_space<vmem>>
    %dma_start3A_730 = tpu.memref_squeeze %dma_start3A_729 : memref<1x16x16xf32, #tpu.memory_space<vmem>> -> memref<16x16xf32, #tpu.memory_space<vmem>>
    %dma_start3A_731 = arith.constant 0 : i32
    %dma_start3A_732 = tpu.memref_slice %arg6[%add3A_692, %dma_start3A_731] : memref<4096x16xf32, #tpu.memory_space<hbm>> -> memref<16x16xf32, #tpu.memory_space<hbm>>
    %dma_start3A_733 = arith.constant 0 : i32
    %dma_start3A_734 = arith.constant 0 : i32
    %dma_start3A_735 = tpu.memref_slice %arg11[%dma_start3A_726, %dma_start3A_733, %dma_start3A_734] : memref<2x16x16xf32, #tpu.memory_space<vmem>> -> memref<1x16x16xf32, #tpu.memory_space<vmem>>
    %dma_start3A_736 = tpu.memref_squeeze %dma_start3A_735 : memref<1x16x16xf32, #tpu.memory_space<vmem>> -> memref<16x16xf32, #tpu.memory_space<vmem>>
    %dma_start3A_737 = arith.constant 0 : i32
    %dma_start3A_738 = tpu.memref_slice %arg6[%add3A_692, %dma_start3A_737] : memref<4096x16xf32, #tpu.memory_space<hbm>> -> memref<16x16xf32, #tpu.memory_space<hbm>>
    tpu.enqueue_dma source(%dma_start3A_738 : memref<16x16xf32, #tpu.memory_space<hbm>>) target(%dma_start3A_736 : memref<16x16xf32, #tpu.memory_space<vmem>>) target_semaphore(%arg16 : memref<!tpu.dma_semaphore, #tpu.memory_space<semaphore_mem>>)
    %dma_wait3A_739 = arith.constant 1 : i32
    %dma_wait3A_740 = arith.constant 0 : i32
    %dma_wait3A_741 = arith.constant 0 : i32
    %dma_wait3A_742 = tpu.memref_slice %arg12[%dma_wait3A_739, %dma_wait3A_740, %dma_wait3A_741] : memref<2x16x1024xf32, #tpu.memory_space<vmem>> -> memref<1x16x1024xf32, #tpu.memory_space<vmem>>
    %dma_wait3A_743 = tpu.memref_squeeze %dma_wait3A_742 : memref<1x16x1024xf32, #tpu.memory_space<vmem>> -> memref<16x1024xf32, #tpu.memory_space<vmem>>
    %dma_wait3A_744 = arith.constant 80 : i32
    %dma_wait3A_745 = tpu.memref_slice %arg8[%dma_wait3A_744] : memref<128xi32, #tpu.memory_space<vmem>> -> memref<16xi32, #tpu.memory_space<vmem>>
    %dma_wait3A_746 = arith.constant 0 : i32
    %dma_wait3A_747 = arith.constant 0 : i32
    %dma_wait3A_748 = tpu.memref_slice %arg2[%dma_wait3A_746, %dma_wait3A_747] : memref<9216x1024xf32, #tpu.memory_space<hbm>> -> memref<9216x1024xf32, #tpu.memory_space<hbm>>
    tpu.wait_indirect_dma semaphore(%arg16 : memref<!tpu.dma_semaphore, #tpu.memory_space<semaphore_mem>>) src(%dma_wait3A_748 : memref<9216x1024xf32, #tpu.memory_space<hbm>>) dst(%dma_wait3A_743 : memref<16x1024xf32, #tpu.memory_space<vmem>>)
    %dma_wait3A_749 = arith.constant 1 : i32
    %dma_wait3A_750 = arith.constant 0 : i32
    %dma_wait3A_751 = arith.constant 0 : i32
    %dma_wait3A_752 = tpu.memref_slice %arg13[%dma_wait3A_749, %dma_wait3A_750, %dma_wait3A_751] : memref<2x16x1024xf32, #tpu.memory_space<vmem>> -> memref<1x16x1024xf32, #tpu.memory_space<vmem>>
    %dma_wait3A_753 = tpu.memref_squeeze %dma_wait3A_752 : memref<1x16x1024xf32, #tpu.memory_space<vmem>> -> memref<16x1024xf32, #tpu.memory_space<vmem>>
    %dma_wait3A_754 = arith.constant 80 : i32
    %dma_wait3A_755 = tpu.memref_slice %arg9[%dma_wait3A_754] : memref<128xi32, #tpu.memory_space<vmem>> -> memref<16xi32, #tpu.memory_space<vmem>>
    %dma_wait3A_756 = arith.constant 0 : i32
    %dma_wait3A_757 = arith.constant 0 : i32
    %dma_wait3A_758 = tpu.memref_slice %arg2[%dma_wait3A_756, %dma_wait3A_757] : memref<9216x1024xf32, #tpu.memory_space<hbm>> -> memref<9216x1024xf32, #tpu.memory_space<hbm>>
    tpu.wait_indirect_dma semaphore(%arg16 : memref<!tpu.dma_semaphore, #tpu.memory_space<semaphore_mem>>) src(%dma_wait3A_758 : memref<9216x1024xf32, #tpu.memory_space<hbm>>) dst(%dma_wait3A_753 : memref<16x1024xf32, #tpu.memory_space<vmem>>)
    %dma_wait3A_759 = arith.constant 1 : i32
    %dma_wait3A_760 = arith.constant 0 : i32
    %dma_wait3A_761 = arith.constant 0 : i32
    %dma_wait3A_762 = tpu.memref_slice %arg10[%dma_wait3A_759, %dma_wait3A_760, %dma_wait3A_761] : memref<2x16x16xf32, #tpu.memory_space<vmem>> -> memref<1x16x16xf32, #tpu.memory_space<vmem>>
    %dma_wait3A_763 = tpu.memref_squeeze %dma_wait3A_762 : memref<1x16x16xf32, #tpu.memory_space<vmem>> -> memref<16x16xf32, #tpu.memory_space<vmem>>
    %dma_wait3A_764 = arith.constant 0 : i32
    %dma_wait3A_765 = tpu.memref_slice %arg5[%add3A_563, %dma_wait3A_764] : memref<4096x16xf32, #tpu.memory_space<hbm>> -> memref<16x16xf32, #tpu.memory_space<hbm>>
    %dma_wait3A_766 = arith.constant 0 : i32
    %dma_wait3A_767 = arith.constant 0 : i32
    %dma_wait3A_768 = tpu.memref_slice %arg10[%dma_wait3A_759, %dma_wait3A_766, %dma_wait3A_767] : memref<2x16x16xf32, #tpu.memory_space<vmem>> -> memref<1x16x16xf32, #tpu.memory_space<vmem>>
    %dma_wait3A_769 = tpu.memref_squeeze %dma_wait3A_768 : memref<1x16x16xf32, #tpu.memory_space<vmem>> -> memref<16x16xf32, #tpu.memory_space<vmem>>
    %dma_wait3A_770 = arith.constant 0 : i32
    %dma_wait3A_771 = tpu.memref_slice %arg5[%add3A_563, %dma_wait3A_770] : memref<4096x16xf32, #tpu.memory_space<hbm>> -> memref<16x16xf32, #tpu.memory_space<hbm>>
    tpu.wait_dma2 semaphore(%arg16 : memref<!tpu.dma_semaphore, #tpu.memory_space<semaphore_mem>>) src(%dma_wait3A_771 : memref<16x16xf32, #tpu.memory_space<hbm>>) dst(%dma_wait3A_769 : memref<16x16xf32, #tpu.memory_space<vmem>>)
    %dma_wait3A_772 = arith.constant 1 : i32
    %dma_wait3A_773 = arith.constant 0 : i32
    %dma_wait3A_774 = arith.constant 0 : i32
    %dma_wait3A_775 = tpu.memref_slice %arg11[%dma_wait3A_772, %dma_wait3A_773, %dma_wait3A_774] : memref<2x16x16xf32, #tpu.memory_space<vmem>> -> memref<1x16x16xf32, #tpu.memory_space<vmem>>
    %dma_wait3A_776 = tpu.memref_squeeze %dma_wait3A_775 : memref<1x16x16xf32, #tpu.memory_space<vmem>> -> memref<16x16xf32, #tpu.memory_space<vmem>>
    %dma_wait3A_777 = arith.constant 0 : i32
    %dma_wait3A_778 = tpu.memref_slice %arg6[%add3A_563, %dma_wait3A_777] : memref<4096x16xf32, #tpu.memory_space<hbm>> -> memref<16x16xf32, #tpu.memory_space<hbm>>
    %dma_wait3A_779 = arith.constant 0 : i32
    %dma_wait3A_780 = arith.constant 0 : i32
    %dma_wait3A_781 = tpu.memref_slice %arg11[%dma_wait3A_772, %dma_wait3A_779, %dma_wait3A_780] : memref<2x16x16xf32, #tpu.memory_space<vmem>> -> memref<1x16x16xf32, #tpu.memory_space<vmem>>
    %dma_wait3A_782 = tpu.memref_squeeze %dma_wait3A_781 : memref<1x16x16xf32, #tpu.memory_space<vmem>> -> memref<16x16xf32, #tpu.memory_space<vmem>>
    %dma_wait3A_783 = arith.constant 0 : i32
    %dma_wait3A_784 = tpu.memref_slice %arg6[%add3A_563, %dma_wait3A_783] : memref<4096x16xf32, #tpu.memory_space<hbm>> -> memref<16x16xf32, #tpu.memory_space<hbm>>
    tpu.wait_dma2 semaphore(%arg16 : memref<!tpu.dma_semaphore, #tpu.memory_space<semaphore_mem>>) src(%dma_wait3A_784 : memref<16x16xf32, #tpu.memory_space<hbm>>) dst(%dma_wait3A_782 : memref<16x16xf32, #tpu.memory_space<vmem>>)
    %dma_wait3A_785 = arith.constant 1 : i32
    %dma_wait3A_786 = arith.constant 0 : i32
    %dma_wait3A_787 = arith.constant 0 : i32
    %dma_wait3A_788 = tpu.memref_slice %arg14[%dma_wait3A_785, %dma_wait3A_786, %dma_wait3A_787] : memref<2x16x1024xf32, #tpu.memory_space<vmem>> -> memref<1x16x1024xf32, #tpu.memory_space<vmem>>
    %dma_wait3A_789 = tpu.memref_squeeze %dma_wait3A_788 : memref<1x16x1024xf32, #tpu.memory_space<vmem>> -> memref<16x1024xf32, #tpu.memory_space<vmem>>
    %dma_wait3A_790 = arith.constant 0 : i32
    %dma_wait3A_791 = tpu.memref_slice %arg7[%add3A_548, %dma_wait3A_790] : memref<4096x1024xf32, #tpu.memory_space<hbm>> -> memref<16x1024xf32, #tpu.memory_space<hbm>>
    %dma_wait3A_792 = arith.constant 0 : i32
    %dma_wait3A_793 = tpu.memref_slice %arg7[%add3A_548, %dma_wait3A_792] : memref<4096x1024xf32, #tpu.memory_space<hbm>> -> memref<16x1024xf32, #tpu.memory_space<hbm>>
    %dma_wait3A_794 = arith.constant 0 : i32
    %dma_wait3A_795 = arith.constant 0 : i32
    %dma_wait3A_796 = tpu.memref_slice %arg14[%dma_wait3A_785, %dma_wait3A_794, %dma_wait3A_795] : memref<2x16x1024xf32, #tpu.memory_space<vmem>> -> memref<1x16x1024xf32, #tpu.memory_space<vmem>>
    %dma_wait3A_797 = tpu.memref_squeeze %dma_wait3A_796 : memref<1x16x1024xf32, #tpu.memory_space<vmem>> -> memref<16x1024xf32, #tpu.memory_space<vmem>>
    tpu.wait_dma2 semaphore(%arg17 : memref<!tpu.dma_semaphore, #tpu.memory_space<semaphore_mem>>) src(%dma_wait3A_797 : memref<16x1024xf32, #tpu.memory_space<vmem>>) dst(%dma_wait3A_793 : memref<16x1024xf32, #tpu.memory_space<hbm>>)
    %scan3A_798 = arith.constant 0 : i32
    %scan3A_799 = arith.constant 0 : i32
    %scan3A_800 = arith.constant 16 : i32
    %scan3A_801 = arith.addi %scan3A_799, %scan3A_800 : i32
    %scan3A_802 = arith.constant 1 : i32
    %scan3A_803 = scf.for %scan3A_1056 = %scan3A_799 to %scan3A_801 step %scan3A_802 iter_args(%scan3A_1057 = %scan3A_798) -> (i32)  : i32 {
      %get3A = arith.constant 1 : i32
      %get3A_1058 = arith.index_cast %get3A : i32 to index
      %get3A_1059 = arith.index_cast %scan3A_1056 : i32 to index
      %get3A_1060 = arith.constant 0 : index
      %get3A_1061 = tpu.vector_load %arg10[%get3A_1058, %get3A_1059, %get3A_1060] {strides = array<i32>} : memref<2x16x16xf32, #tpu.memory_space<vmem>>, vector<1x1x16xf32>,
      %get3A_1062 = vector.shape_cast %get3A_1061 : vector<1x1x16xf32> to vector<16xf32>
      %get3A_1063 = arith.constant 1 : i32
      %get3A_1064 = arith.index_cast %get3A_1063 : i32 to index
      %get3A_1065 = arith.index_cast %scan3A_1056 : i32 to index
      %get3A_1066 = arith.constant 0 : index
      %get3A_1067 = tpu.vector_load %arg11[%get3A_1064, %get3A_1065, %get3A_1066] {strides = array<i32>} : memref<2x16x16xf32, #tpu.memory_space<vmem>>, vector<1x1x16xf32>,
      %get3A_1068 = vector.shape_cast %get3A_1067 : vector<1x1x16xf32> to vector<16xf32>
      %scan3A_1069 = arith.constant 0 : i32
      %scan3A_1070 = arith.constant 0 : i32
      %scan3A_1071 = arith.constant 16 : i32
      %scan3A_1072 = arith.addi %scan3A_1070, %scan3A_1071 : i32
      %scan3A_1073 = arith.constant 1 : i32
      %scan3A_1074 = scf.for %scan3A_1077 = %scan3A_1070 to %scan3A_1072 step %scan3A_1073 iter_args(%scan3A_1078 = %scan3A_1069) -> (i32)  : i32 {
        %mul3A_1079 = arith.constant 4 : i32
        %mul3A_1080 = arith.muli %scan3A_1077, %mul3A_1079 : i32
        %add3A_1081 = arith.constant 0 : i32
        %add3A_1082 = arith.addi %mul3A_1080, %add3A_1081 : i32
        %mul3A_1083 = arith.constant 16 : i32
        %mul3A_1084 = arith.muli %add3A_1082, %mul3A_1083 : i32
        %get3A_1085 = arith.constant 1 : i32
        %get3A_1086 = arith.index_cast %get3A_1085 : i32 to index
        %get3A_1087 = arith.index_cast %scan3A_1056 : i32 to index
        %get3A_1088 = arith.index_cast %mul3A_1084 : i32 to index
        %get3A_1089 = tpu.vector_load %arg12[%get3A_1086, %get3A_1087, %get3A_1088] {strides = array<i32>} : memref<2x16x1024xf32, #tpu.memory_space<vmem>>, vector<1x1x16xf32>,
        %get3A_1090 = vector.shape_cast %get3A_1089 : vector<1x1x16xf32> to vector<16xf32>
        %mul3A_1091 = arith.mulf %get3A_1090, %get3A_1062 : vector<16xf32>
        %get3A_1092 = arith.constant 1 : i32
        %get3A_1093 = arith.index_cast %get3A_1092 : i32 to index
        %get3A_1094 = arith.index_cast %scan3A_1056 : i32 to index
        %get3A_1095 = arith.index_cast %mul3A_1084 : i32 to index
        %get3A_1096 = tpu.vector_load %arg13[%get3A_1093, %get3A_1094, %get3A_1095] {strides = array<i32>} : memref<2x16x1024xf32, #tpu.memory_space<vmem>>, vector<1x1x16xf32>,
        %get3A_1097 = vector.shape_cast %get3A_1096 : vector<1x1x16xf32> to vector<16xf32>
        %mul3A_1098 = arith.mulf %get3A_1097, %get3A_1068 : vector<16xf32>
        %add3A_1099 = arith.addf %mul3A_1091, %mul3A_1098 : vector<16xf32>
        %swap3A = arith.constant 1 : i32
        %swap3A_1100 = arith.index_cast %swap3A : i32 to index
        %swap3A_1101 = arith.index_cast %scan3A_1056 : i32 to index
        %swap3A_1102 = arith.index_cast %mul3A_1084 : i32 to index
        %swap3A_1103 = tpu.vector_load %arg14[%swap3A_1100, %swap3A_1101, %swap3A_1102] {strides = array<i32>} : memref<2x16x1024xf32, #tpu.memory_space<vmem>>, vector<1x1x16xf32>,
        %swap3A_1104 = vector.shape_cast %swap3A_1103 : vector<1x1x16xf32> to vector<16xf32>
        %swap3A_1105 = vector.shape_cast %add3A_1099 : vector<16xf32> to vector<1x1x16xf32>
        tpu.vector_store %arg14[%swap3A_1100, %swap3A_1101, %swap3A_1102], %swap3A_1105 {strides = array<i32>} : memref<2x16x1024xf32, #tpu.memory_space<vmem>>, vector<1x1x16xf32>,
        %mul3A_1106 = arith.constant 4 : i32
        %mul3A_1107 = arith.muli %scan3A_1077, %mul3A_1106 : i32
        %add3A_1108 = arith.constant 1 : i32
        %add3A_1109 = arith.addi %mul3A_1107, %add3A_1108 : i32
        %mul3A_1110 = arith.constant 16 : i32
        %mul3A_1111 = arith.muli %add3A_1109, %mul3A_1110 : i32
        %get3A_1112 = arith.constant 1 : i32
        %get3A_1113 = arith.index_cast %get3A_1112 : i32 to index
        %get3A_1114 = arith.index_cast %scan3A_1056 : i32 to index
        %get3A_1115 = arith.index_cast %mul3A_1111 : i32 to index
        %get3A_1116 = tpu.vector_load %arg12[%get3A_1113, %get3A_1114, %get3A_1115] {strides = array<i32>} : memref<2x16x1024xf32, #tpu.memory_space<vmem>>, vector<1x1x16xf32>,
        %get3A_1117 = vector.shape_cast %get3A_1116 : vector<1x1x16xf32> to vector<16xf32>
        %mul3A_1118 = arith.mulf %get3A_1117, %get3A_1062 : vector<16xf32>
        %get3A_1119 = arith.constant 1 : i32
        %get3A_1120 = arith.index_cast %get3A_1119 : i32 to index
        %get3A_1121 = arith.index_cast %scan3A_1056 : i32 to index
        %get3A_1122 = arith.index_cast %mul3A_1111 : i32 to index
        %get3A_1123 = tpu.vector_load %arg13[%get3A_1120, %get3A_1121, %get3A_1122] {strides = array<i32>} : memref<2x16x1024xf32, #tpu.memory_space<vmem>>, vector<1x1x16xf32>,
        %get3A_1124 = vector.shape_cast %get3A_1123 : vector<1x1x16xf32> to vector<16xf32>
        %mul3A_1125 = arith.mulf %get3A_1124, %get3A_1068 : vector<16xf32>
        %add3A_1126 = arith.addf %mul3A_1118, %mul3A_1125 : vector<16xf32>
        %swap3A_1127 = arith.constant 1 : i32
        %swap3A_1128 = arith.index_cast %swap3A_1127 : i32 to index
        %swap3A_1129 = arith.index_cast %scan3A_1056 : i32 to index
        %swap3A_1130 = arith.index_cast %mul3A_1111 : i32 to index
        %swap3A_1131 = tpu.vector_load %arg14[%swap3A_1128, %swap3A_1129, %swap3A_1130] {strides = array<i32>} : memref<2x16x1024xf32, #tpu.memory_space<vmem>>, vector<1x1x16xf32>,
        %swap3A_1132 = vector.shape_cast %swap3A_1131 : vector<1x1x16xf32> to vector<16xf32>
        %swap3A_1133 = vector.shape_cast %add3A_1126 : vector<16xf32> to vector<1x1x16xf32>
        tpu.vector_store %arg14[%swap3A_1128, %swap3A_1129, %swap3A_1130], %swap3A_1133 {strides = array<i32>} : memref<2x16x1024xf32, #tpu.memory_space<vmem>>, vector<1x1x16xf32>,
        %mul3A_1134 = arith.constant 4 : i32
        %mul3A_1135 = arith.muli %scan3A_1077, %mul3A_1134 : i32
        %add3A_1136 = arith.constant 2 : i32
        %add3A_1137 = arith.addi %mul3A_1135, %add3A_1136 : i32
        %mul3A_1138 = arith.constant 16 : i32
        %mul3A_1139 = arith.muli %add3A_1137, %mul3A_1138 : i32
        %get3A_1140 = arith.constant 1 : i32
        %get3A_1141 = arith.index_cast %get3A_1140 : i32 to index
        %get3A_1142 = arith.index_cast %scan3A_1056 : i32 to index
        %get3A_1143 = arith.index_cast %mul3A_1139 : i32 to index
        %get3A_1144 = tpu.vector_load %arg12[%get3A_1141, %get3A_1142, %get3A_1143] {strides = array<i32>} : memref<2x16x1024xf32, #tpu.memory_space<vmem>>, vector<1x1x16xf32>,
        %get3A_1145 = vector.shape_cast %get3A_1144 : vector<1x1x16xf32> to vector<16xf32>
        %mul3A_1146 = arith.mulf %get3A_1145, %get3A_1062 : vector<16xf32>
        %get3A_1147 = arith.constant 1 : i32
        %get3A_1148 = arith.index_cast %get3A_1147 : i32 to index
        %get3A_1149 = arith.index_cast %scan3A_1056 : i32 to index
        %get3A_1150 = arith.index_cast %mul3A_1139 : i32 to index
        %get3A_1151 = tpu.vector_load %arg13[%get3A_1148, %get3A_1149, %get3A_1150] {strides = array<i32>} : memref<2x16x1024xf32, #tpu.memory_space<vmem>>, vector<1x1x16xf32>,
        %get3A_1152 = vector.shape_cast %get3A_1151 : vector<1x1x16xf32> to vector<16xf32>
        %mul3A_1153 = arith.mulf %get3A_1152, %get3A_1068 : vector<16xf32>
        %add3A_1154 = arith.addf %mul3A_1146, %mul3A_1153 : vector<16xf32>
        %swap3A_1155 = arith.constant 1 : i32
        %swap3A_1156 = arith.index_cast %swap3A_1155 : i32 to index
        %swap3A_1157 = arith.index_cast %scan3A_1056 : i32 to index
        %swap3A_1158 = arith.index_cast %mul3A_1139 : i32 to index
        %swap3A_1159 = tpu.vector_load %arg14[%swap3A_1156, %swap3A_1157, %swap3A_1158] {strides = array<i32>} : memref<2x16x1024xf32, #tpu.memory_space<vmem>>, vector<1x1x16xf32>,
        %swap3A_1160 = vector.shape_cast %swap3A_1159 : vector<1x1x16xf32> to vector<16xf32>
        %swap3A_1161 = vector.shape_cast %add3A_1154 : vector<16xf32> to vector<1x1x16xf32>
        tpu.vector_store %arg14[%swap3A_1156, %swap3A_1157, %swap3A_1158], %swap3A_1161 {strides = array<i32>} : memref<2x16x1024xf32, #tpu.memory_space<vmem>>, vector<1x1x16xf32>,
        %mul3A_1162 = arith.constant 4 : i32
        %mul3A_1163 = arith.muli %scan3A_1077, %mul3A_1162 : i32
        %add3A_1164 = arith.constant 3 : i32
        %add3A_1165 = arith.addi %mul3A_1163, %add3A_1164 : i32
        %mul3A_1166 = arith.constant 16 : i32
        %mul3A_1167 = arith.muli %add3A_1165, %mul3A_1166 : i32
        %get3A_1168 = arith.constant 1 : i32
        %get3A_1169 = arith.index_cast %get3A_1168 : i32 to index
        %get3A_1170 = arith.index_cast %scan3A_1056 : i32 to index
        %get3A_1171 = arith.index_cast %mul3A_1167 : i32 to index
        %get3A_1172 = tpu.vector_load %arg12[%get3A_1169, %get3A_1170, %get3A_1171] {strides = array<i32>} : memref<2x16x1024xf32, #tpu.memory_space<vmem>>, vector<1x1x16xf32>,
        %get3A_1173 = vector.shape_cast %get3A_1172 : vector<1x1x16xf32> to vector<16xf32>
        %mul3A_1174 = arith.mulf %get3A_1173, %get3A_1062 : vector<16xf32>
        %get3A_1175 = arith.constant 1 : i32
        %get3A_1176 = arith.index_cast %get3A_1175 : i32 to index
        %get3A_1177 = arith.index_cast %scan3A_1056 : i32 to index
        %get3A_1178 = arith.index_cast %mul3A_1167 : i32 to index
        %get3A_1179 = tpu.vector_load %arg13[%get3A_1176, %get3A_1177, %get3A_1178] {strides = array<i32>} : memref<2x16x1024xf32, #tpu.memory_space<vmem>>, vector<1x1x16xf32>,
        %get3A_1180 = vector.shape_cast %get3A_1179 : vector<1x1x16xf32> to vector<16xf32>
        %mul3A_1181 = arith.mulf %get3A_1180, %get3A_1068 : vector<16xf32>
        %add3A_1182 = arith.addf %mul3A_1174, %mul3A_1181 : vector<16xf32>
        %swap3A_1183 = arith.constant 1 : i32
        %swap3A_1184 = arith.index_cast %swap3A_1183 : i32 to index
        %swap3A_1185 = arith.index_cast %scan3A_1056 : i32 to index
        %swap3A_1186 = arith.index_cast %mul3A_1167 : i32 to index
        %swap3A_1187 = tpu.vector_load %arg14[%swap3A_1184, %swap3A_1185, %swap3A_1186] {strides = array<i32>} : memref<2x16x1024xf32, #tpu.memory_space<vmem>>, vector<1x1x16xf32>,
        %swap3A_1188 = vector.shape_cast %swap3A_1187 : vector<1x1x16xf32> to vector<16xf32>
        %swap3A_1189 = vector.shape_cast %add3A_1182 : vector<16xf32> to vector<1x1x16xf32>
        tpu.vector_store %arg14[%swap3A_1184, %swap3A_1185, %swap3A_1186], %swap3A_1189 {strides = array<i32>} : memref<2x16x1024xf32, #tpu.memory_space<vmem>>, vector<1x1x16xf32>,
        %scan3A_1190 = arith.constant 0 : i32
        scf.yield %scan3A_1190 : i32
      }
      %scan3A_1075 = arith.constant 16 : i32
      %scan3A_1076 = arith.constant 0 : i32
      scf.yield %scan3A_1076 : i32
    }
    %scan3A_804 = arith.constant 16 : i32
    %add3A_805 = arith.constant 80 : i32
    %add3A_806 = arith.addi %mul3A_2, %add3A_805 : i32
    %dma_start3A_807 = arith.constant 1 : i32
    %dma_start3A_808 = arith.constant 0 : i32
    %dma_start3A_809 = arith.constant 0 : i32
    %dma_start3A_810 = tpu.memref_slice %arg14[%dma_start3A_807, %dma_start3A_808, %dma_start3A_809] : memref<2x16x1024xf32, #tpu.memory_space<vmem>> -> memref<1x16x1024xf32, #tpu.memory_space<vmem>>
    %dma_start3A_811 = tpu.memref_squeeze %dma_start3A_810 : memref<1x16x1024xf32, #tpu.memory_space<vmem>> -> memref<16x1024xf32, #tpu.memory_space<vmem>>
    %dma_start3A_812 = arith.constant 0 : i32
    %dma_start3A_813 = tpu.memref_slice %arg7[%add3A_806, %dma_start3A_812] : memref<4096x1024xf32, #tpu.memory_space<hbm>> -> memref<16x1024xf32, #tpu.memory_space<hbm>>
    %dma_start3A_814 = arith.constant 0 : i32
    %dma_start3A_815 = tpu.memref_slice %arg7[%add3A_806, %dma_start3A_814] : memref<4096x1024xf32, #tpu.memory_space<hbm>> -> memref<16x1024xf32, #tpu.memory_space<hbm>>
    %dma_start3A_816 = arith.constant 0 : i32
    %dma_start3A_817 = arith.constant 0 : i32
    %dma_start3A_818 = tpu.memref_slice %arg14[%dma_start3A_807, %dma_start3A_816, %dma_start3A_817] : memref<2x16x1024xf32, #tpu.memory_space<vmem>> -> memref<1x16x1024xf32, #tpu.memory_space<vmem>>
    %dma_start3A_819 = tpu.memref_squeeze %dma_start3A_818 : memref<1x16x1024xf32, #tpu.memory_space<vmem>> -> memref<16x1024xf32, #tpu.memory_space<vmem>>
    tpu.enqueue_dma source(%dma_start3A_819 : memref<16x1024xf32, #tpu.memory_space<vmem>>) target(%dma_start3A_815 : memref<16x1024xf32, #tpu.memory_space<hbm>>) target_semaphore(%arg17 : memref<!tpu.dma_semaphore, #tpu.memory_space<semaphore_mem>>)
    %add3A_820 = arith.constant 112 : i32
    %add3A_821 = arith.addi %mul3A_2, %add3A_820 : i32
    %dma_start3A_822 = arith.constant 1 : i32
    %dma_start3A_823 = arith.constant 0 : i32
    %dma_start3A_824 = arith.constant 0 : i32
    %dma_start3A_825 = tpu.memref_slice %arg12[%dma_start3A_822, %dma_start3A_823, %dma_start3A_824] : memref<2x16x1024xf32, #tpu.memory_space<vmem>> -> memref<1x16x1024xf32, #tpu.memory_space<vmem>>
    %dma_start3A_826 = tpu.memref_squeeze %dma_start3A_825 : memref<1x16x1024xf32, #tpu.memory_space<vmem>> -> memref<16x1024xf32, #tpu.memory_space<vmem>>
    %dma_start3A_827 = arith.constant 112 : i32
    %dma_start3A_828 = tpu.memref_slice %arg8[%dma_start3A_827] : memref<128xi32, #tpu.memory_space<vmem>> -> memref<16xi32, #tpu.memory_space<vmem>>
    %dma_start3A_829 = arith.constant 0 : i32
    %dma_start3A_830 = arith.constant 0 : i32
    %dma_start3A_831 = tpu.memref_slice %arg2[%dma_start3A_829, %dma_start3A_830] : memref<9216x1024xf32, #tpu.memory_space<hbm>> -> memref<9216x1024xf32, #tpu.memory_space<hbm>>
    tpu.enqueue_indirect_dma source(%dma_start3A_831 : memref<9216x1024xf32, #tpu.memory_space<hbm>>) target(%dma_start3A_826 : memref<16x1024xf32, #tpu.memory_space<vmem>>) offsets(%dma_start3A_828 : memref<16xi32, #tpu.memory_space<vmem>>) semaphore(%arg16 : memref<!tpu.dma_semaphore, #tpu.memory_space<semaphore_mem>>)
    %dma_start3A_832 = arith.constant 1 : i32
    %dma_start3A_833 = arith.constant 0 : i32
    %dma_start3A_834 = arith.constant 0 : i32
    %dma_start3A_835 = tpu.memref_slice %arg13[%dma_start3A_832, %dma_start3A_833, %dma_start3A_834] : memref<2x16x1024xf32, #tpu.memory_space<vmem>> -> memref<1x16x1024xf32, #tpu.memory_space<vmem>>
    %dma_start3A_836 = tpu.memref_squeeze %dma_start3A_835 : memref<1x16x1024xf32, #tpu.memory_space<vmem>> -> memref<16x1024xf32, #tpu.memory_space<vmem>>
    %dma_start3A_837 = arith.constant 112 : i32
    %dma_start3A_838 = tpu.memref_slice %arg9[%dma_start3A_837] : memref<128xi32, #tpu.memory_space<vmem>> -> memref<16xi32, #tpu.memory_space<vmem>>
    %dma_start3A_839 = arith.constant 0 : i32
    %dma_start3A_840 = arith.constant 0 : i32
    %dma_start3A_841 = tpu.memref_slice %arg2[%dma_start3A_839, %dma_start3A_840] : memref<9216x1024xf32, #tpu.memory_space<hbm>> -> memref<9216x1024xf32, #tpu.memory_space<hbm>>
    tpu.enqueue_indirect_dma source(%dma_start3A_841 : memref<9216x1024xf32, #tpu.memory_space<hbm>>) target(%dma_start3A_836 : memref<16x1024xf32, #tpu.memory_space<vmem>>) offsets(%dma_start3A_838 : memref<16xi32, #tpu.memory_space<vmem>>) semaphore(%arg16 : memref<!tpu.dma_semaphore, #tpu.memory_space<semaphore_mem>>)
    %dma_start3A_842 = arith.constant 1 : i32
    %dma_start3A_843 = arith.constant 0 : i32
    %dma_start3A_844 = arith.constant 0 : i32
    %dma_start3A_845 = tpu.memref_slice %arg10[%dma_start3A_842, %dma_start3A_843, %dma_start3A_844] : memref<2x16x16xf32, #tpu.memory_space<vmem>> -> memref<1x16x16xf32, #tpu.memory_space<vmem>>
    %dma_start3A_846 = tpu.memref_squeeze %dma_start3A_845 : memref<1x16x16xf32, #tpu.memory_space<vmem>> -> memref<16x16xf32, #tpu.memory_space<vmem>>
    %dma_start3A_847 = arith.constant 0 : i32
    %dma_start3A_848 = tpu.memref_slice %arg5[%add3A_821, %dma_start3A_847] : memref<4096x16xf32, #tpu.memory_space<hbm>> -> memref<16x16xf32, #tpu.memory_space<hbm>>
    %dma_start3A_849 = arith.constant 0 : i32
    %dma_start3A_850 = arith.constant 0 : i32
    %dma_start3A_851 = tpu.memref_slice %arg10[%dma_start3A_842, %dma_start3A_849, %dma_start3A_850] : memref<2x16x16xf32, #tpu.memory_space<vmem>> -> memref<1x16x16xf32, #tpu.memory_space<vmem>>
    %dma_start3A_852 = tpu.memref_squeeze %dma_start3A_851 : memref<1x16x16xf32, #tpu.memory_space<vmem>> -> memref<16x16xf32, #tpu.memory_space<vmem>>
    %dma_start3A_853 = arith.constant 0 : i32
    %dma_start3A_854 = tpu.memref_slice %arg5[%add3A_821, %dma_start3A_853] : memref<4096x16xf32, #tpu.memory_space<hbm>> -> memref<16x16xf32, #tpu.memory_space<hbm>>
    tpu.enqueue_dma source(%dma_start3A_854 : memref<16x16xf32, #tpu.memory_space<hbm>>) target(%dma_start3A_852 : memref<16x16xf32, #tpu.memory_space<vmem>>) target_semaphore(%arg16 : memref<!tpu.dma_semaphore, #tpu.memory_space<semaphore_mem>>)
    %dma_start3A_855 = arith.constant 1 : i32
    %dma_start3A_856 = arith.constant 0 : i32
    %dma_start3A_857 = arith.constant 0 : i32
    %dma_start3A_858 = tpu.memref_slice %arg11[%dma_start3A_855, %dma_start3A_856, %dma_start3A_857] : memref<2x16x16xf32, #tpu.memory_space<vmem>> -> memref<1x16x16xf32, #tpu.memory_space<vmem>>
    %dma_start3A_859 = tpu.memref_squeeze %dma_start3A_858 : memref<1x16x16xf32, #tpu.memory_space<vmem>> -> memref<16x16xf32, #tpu.memory_space<vmem>>
    %dma_start3A_860 = arith.constant 0 : i32
    %dma_start3A_861 = tpu.memref_slice %arg6[%add3A_821, %dma_start3A_860] : memref<4096x16xf32, #tpu.memory_space<hbm>> -> memref<16x16xf32, #tpu.memory_space<hbm>>
    %dma_start3A_862 = arith.constant 0 : i32
    %dma_start3A_863 = arith.constant 0 : i32
    %dma_start3A_864 = tpu.memref_slice %arg11[%dma_start3A_855, %dma_start3A_862, %dma_start3A_863] : memref<2x16x16xf32, #tpu.memory_space<vmem>> -> memref<1x16x16xf32, #tpu.memory_space<vmem>>
    %dma_start3A_865 = tpu.memref_squeeze %dma_start3A_864 : memref<1x16x16xf32, #tpu.memory_space<vmem>> -> memref<16x16xf32, #tpu.memory_space<vmem>>
    %dma_start3A_866 = arith.constant 0 : i32
    %dma_start3A_867 = tpu.memref_slice %arg6[%add3A_821, %dma_start3A_866] : memref<4096x16xf32, #tpu.memory_space<hbm>> -> memref<16x16xf32, #tpu.memory_space<hbm>>
    tpu.enqueue_dma source(%dma_start3A_867 : memref<16x16xf32, #tpu.memory_space<hbm>>) target(%dma_start3A_865 : memref<16x16xf32, #tpu.memory_space<vmem>>) target_semaphore(%arg16 : memref<!tpu.dma_semaphore, #tpu.memory_space<semaphore_mem>>)
    %dma_wait3A_868 = arith.constant 0 : i32
    %dma_wait3A_869 = arith.constant 0 : i32
    %dma_wait3A_870 = arith.constant 0 : i32
    %dma_wait3A_871 = tpu.memref_slice %arg12[%dma_wait3A_868, %dma_wait3A_869, %dma_wait3A_870] : memref<2x16x1024xf32, #tpu.memory_space<vmem>> -> memref<1x16x1024xf32, #tpu.memory_space<vmem>>
    %dma_wait3A_872 = tpu.memref_squeeze %dma_wait3A_871 : memref<1x16x1024xf32, #tpu.memory_space<vmem>> -> memref<16x1024xf32, #tpu.memory_space<vmem>>
    %dma_wait3A_873 = arith.constant 96 : i32
    %dma_wait3A_874 = tpu.memref_slice %arg8[%dma_wait3A_873] : memref<128xi32, #tpu.memory_space<vmem>> -> memref<16xi32, #tpu.memory_space<vmem>>
    %dma_wait3A_875 = arith.constant 0 : i32
    %dma_wait3A_876 = arith.constant 0 : i32
    %dma_wait3A_877 = tpu.memref_slice %arg2[%dma_wait3A_875, %dma_wait3A_876] : memref<9216x1024xf32, #tpu.memory_space<hbm>> -> memref<9216x1024xf32, #tpu.memory_space<hbm>>
    tpu.wait_indirect_dma semaphore(%arg16 : memref<!tpu.dma_semaphore, #tpu.memory_space<semaphore_mem>>) src(%dma_wait3A_877 : memref<9216x1024xf32, #tpu.memory_space<hbm>>) dst(%dma_wait3A_872 : memref<16x1024xf32, #tpu.memory_space<vmem>>)
    %dma_wait3A_878 = arith.constant 0 : i32
    %dma_wait3A_879 = arith.constant 0 : i32
    %dma_wait3A_880 = arith.constant 0 : i32
    %dma_wait3A_881 = tpu.memref_slice %arg13[%dma_wait3A_878, %dma_wait3A_879, %dma_wait3A_880] : memref<2x16x1024xf32, #tpu.memory_space<vmem>> -> memref<1x16x1024xf32, #tpu.memory_space<vmem>>
    %dma_wait3A_882 = tpu.memref_squeeze %dma_wait3A_881 : memref<1x16x1024xf32, #tpu.memory_space<vmem>> -> memref<16x1024xf32, #tpu.memory_space<vmem>>
    %dma_wait3A_883 = arith.constant 96 : i32
    %dma_wait3A_884 = tpu.memref_slice %arg9[%dma_wait3A_883] : memref<128xi32, #tpu.memory_space<vmem>> -> memref<16xi32, #tpu.memory_space<vmem>>
    %dma_wait3A_885 = arith.constant 0 : i32
    %dma_wait3A_886 = arith.constant 0 : i32
    %dma_wait3A_887 = tpu.memref_slice %arg2[%dma_wait3A_885, %dma_wait3A_886] : memref<9216x1024xf32, #tpu.memory_space<hbm>> -> memref<9216x1024xf32, #tpu.memory_space<hbm>>
    tpu.wait_indirect_dma semaphore(%arg16 : memref<!tpu.dma_semaphore, #tpu.memory_space<semaphore_mem>>) src(%dma_wait3A_887 : memref<9216x1024xf32, #tpu.memory_space<hbm>>) dst(%dma_wait3A_882 : memref<16x1024xf32, #tpu.memory_space<vmem>>)
    %dma_wait3A_888 = arith.constant 0 : i32
    %dma_wait3A_889 = arith.constant 0 : i32
    %dma_wait3A_890 = arith.constant 0 : i32
    %dma_wait3A_891 = tpu.memref_slice %arg10[%dma_wait3A_888, %dma_wait3A_889, %dma_wait3A_890] : memref<2x16x16xf32, #tpu.memory_space<vmem>> -> memref<1x16x16xf32, #tpu.memory_space<vmem>>
    %dma_wait3A_892 = tpu.memref_squeeze %dma_wait3A_891 : memref<1x16x16xf32, #tpu.memory_space<vmem>> -> memref<16x16xf32, #tpu.memory_space<vmem>>
    %dma_wait3A_893 = arith.constant 0 : i32
    %dma_wait3A_894 = tpu.memref_slice %arg5[%add3A_692, %dma_wait3A_893] : memref<4096x16xf32, #tpu.memory_space<hbm>> -> memref<16x16xf32, #tpu.memory_space<hbm>>
    %dma_wait3A_895 = arith.constant 0 : i32
    %dma_wait3A_896 = arith.constant 0 : i32
    %dma_wait3A_897 = tpu.memref_slice %arg10[%dma_wait3A_888, %dma_wait3A_895, %dma_wait3A_896] : memref<2x16x16xf32, #tpu.memory_space<vmem>> -> memref<1x16x16xf32, #tpu.memory_space<vmem>>
    %dma_wait3A_898 = tpu.memref_squeeze %dma_wait3A_897 : memref<1x16x16xf32, #tpu.memory_space<vmem>> -> memref<16x16xf32, #tpu.memory_space<vmem>>
    %dma_wait3A_899 = arith.constant 0 : i32
    %dma_wait3A_900 = tpu.memref_slice %arg5[%add3A_692, %dma_wait3A_899] : memref<4096x16xf32, #tpu.memory_space<hbm>> -> memref<16x16xf32, #tpu.memory_space<hbm>>
    tpu.wait_dma2 semaphore(%arg16 : memref<!tpu.dma_semaphore, #tpu.memory_space<semaphore_mem>>) src(%dma_wait3A_900 : memref<16x16xf32, #tpu.memory_space<hbm>>) dst(%dma_wait3A_898 : memref<16x16xf32, #tpu.memory_space<vmem>>)
    %dma_wait3A_901 = arith.constant 0 : i32
    %dma_wait3A_902 = arith.constant 0 : i32
    %dma_wait3A_903 = arith.constant 0 : i32
    %dma_wait3A_904 = tpu.memref_slice %arg11[%dma_wait3A_901, %dma_wait3A_902, %dma_wait3A_903] : memref<2x16x16xf32, #tpu.memory_space<vmem>> -> memref<1x16x16xf32, #tpu.memory_space<vmem>>
    %dma_wait3A_905 = tpu.memref_squeeze %dma_wait3A_904 : memref<1x16x16xf32, #tpu.memory_space<vmem>> -> memref<16x16xf32, #tpu.memory_space<vmem>>
    %dma_wait3A_906 = arith.constant 0 : i32
    %dma_wait3A_907 = tpu.memref_slice %arg6[%add3A_692, %dma_wait3A_906] : memref<4096x16xf32, #tpu.memory_space<hbm>> -> memref<16x16xf32, #tpu.memory_space<hbm>>
    %dma_wait3A_908 = arith.constant 0 : i32
    %dma_wait3A_909 = arith.constant 0 : i32
    %dma_wait3A_910 = tpu.memref_slice %arg11[%dma_wait3A_901, %dma_wait3A_908, %dma_wait3A_909] : memref<2x16x16xf32, #tpu.memory_space<vmem>> -> memref<1x16x16xf32, #tpu.memory_space<vmem>>
    %dma_wait3A_911 = tpu.memref_squeeze %dma_wait3A_910 : memref<1x16x16xf32, #tpu.memory_space<vmem>> -> memref<16x16xf32, #tpu.memory_space<vmem>>
    %dma_wait3A_912 = arith.constant 0 : i32
    %dma_wait3A_913 = tpu.memref_slice %arg6[%add3A_692, %dma_wait3A_912] : memref<4096x16xf32, #tpu.memory_space<hbm>> -> memref<16x16xf32, #tpu.memory_space<hbm>>
    tpu.wait_dma2 semaphore(%arg16 : memref<!tpu.dma_semaphore, #tpu.memory_space<semaphore_mem>>) src(%dma_wait3A_913 : memref<16x16xf32, #tpu.memory_space<hbm>>) dst(%dma_wait3A_911 : memref<16x16xf32, #tpu.memory_space<vmem>>)
    %dma_wait3A_914 = arith.constant 0 : i32
    %dma_wait3A_915 = arith.constant 0 : i32
    %dma_wait3A_916 = arith.constant 0 : i32
    %dma_wait3A_917 = tpu.memref_slice %arg14[%dma_wait3A_914, %dma_wait3A_915, %dma_wait3A_916] : memref<2x16x1024xf32, #tpu.memory_space<vmem>> -> memref<1x16x1024xf32, #tpu.memory_space<vmem>>
    %dma_wait3A_918 = tpu.memref_squeeze %dma_wait3A_917 : memref<1x16x1024xf32, #tpu.memory_space<vmem>> -> memref<16x1024xf32, #tpu.memory_space<vmem>>
    %dma_wait3A_919 = arith.constant 0 : i32
    %dma_wait3A_920 = tpu.memref_slice %arg7[%add3A_677, %dma_wait3A_919] : memref<4096x1024xf32, #tpu.memory_space<hbm>> -> memref<16x1024xf32, #tpu.memory_space<hbm>>
    %dma_wait3A_921 = arith.constant 0 : i32
    %dma_wait3A_922 = tpu.memref_slice %arg7[%add3A_677, %dma_wait3A_921] : memref<4096x1024xf32, #tpu.memory_space<hbm>> -> memref<16x1024xf32, #tpu.memory_space<hbm>>
    %dma_wait3A_923 = arith.constant 0 : i32
    %dma_wait3A_924 = arith.constant 0 : i32
    %dma_wait3A_925 = tpu.memref_slice %arg14[%dma_wait3A_914, %dma_wait3A_923, %dma_wait3A_924] : memref<2x16x1024xf32, #tpu.memory_space<vmem>> -> memref<1x16x1024xf32, #tpu.memory_space<vmem>>
    %dma_wait3A_926 = tpu.memref_squeeze %dma_wait3A_925 : memref<1x16x1024xf32, #tpu.memory_space<vmem>> -> memref<16x1024xf32, #tpu.memory_space<vmem>>
    tpu.wait_dma2 semaphore(%arg17 : memref<!tpu.dma_semaphore, #tpu.memory_space<semaphore_mem>>) src(%dma_wait3A_926 : memref<16x1024xf32, #tpu.memory_space<vmem>>) dst(%dma_wait3A_922 : memref<16x1024xf32, #tpu.memory_space<hbm>>)
    %scan3A_927 = arith.constant 0 : i32
    %scan3A_928 = arith.constant 0 : i32
    %scan3A_929 = arith.constant 16 : i32
    %scan3A_930 = arith.addi %scan3A_928, %scan3A_929 : i32
    %scan3A_931 = arith.constant 1 : i32
    %scan3A_932 = scf.for %scan3A_1056 = %scan3A_928 to %scan3A_930 step %scan3A_931 iter_args(%scan3A_1057 = %scan3A_927) -> (i32)  : i32 {
      %get3A = arith.constant 0 : i32
      %get3A_1058 = arith.index_cast %get3A : i32 to index
      %get3A_1059 = arith.index_cast %scan3A_1056 : i32 to index
      %get3A_1060 = arith.constant 0 : index
      %get3A_1061 = tpu.vector_load %arg10[%get3A_1058, %get3A_1059, %get3A_1060] {strides = array<i32>} : memref<2x16x16xf32, #tpu.memory_space<vmem>>, vector<1x1x16xf32>,
      %get3A_1062 = vector.shape_cast %get3A_1061 : vector<1x1x16xf32> to vector<16xf32>
      %get3A_1063 = arith.constant 0 : i32
      %get3A_1064 = arith.index_cast %get3A_1063 : i32 to index
      %get3A_1065 = arith.index_cast %scan3A_1056 : i32 to index
      %get3A_1066 = arith.constant 0 : index
      %get3A_1067 = tpu.vector_load %arg11[%get3A_1064, %get3A_1065, %get3A_1066] {strides = array<i32>} : memref<2x16x16xf32, #tpu.memory_space<vmem>>, vector<1x1x16xf32>,
      %get3A_1068 = vector.shape_cast %get3A_1067 : vector<1x1x16xf32> to vector<16xf32>
      %scan3A_1069 = arith.constant 0 : i32
      %scan3A_1070 = arith.constant 0 : i32
      %scan3A_1071 = arith.constant 16 : i32
      %scan3A_1072 = arith.addi %scan3A_1070, %scan3A_1071 : i32
      %scan3A_1073 = arith.constant 1 : i32
      %scan3A_1074 = scf.for %scan3A_1077 = %scan3A_1070 to %scan3A_1072 step %scan3A_1073 iter_args(%scan3A_1078 = %scan3A_1069) -> (i32)  : i32 {
        %mul3A_1079 = arith.constant 4 : i32
        %mul3A_1080 = arith.muli %scan3A_1077, %mul3A_1079 : i32
        %add3A_1081 = arith.constant 0 : i32
        %add3A_1082 = arith.addi %mul3A_1080, %add3A_1081 : i32
        %mul3A_1083 = arith.constant 16 : i32
        %mul3A_1084 = arith.muli %add3A_1082, %mul3A_1083 : i32
        %get3A_1085 = arith.constant 0 : i32
        %get3A_1086 = arith.index_cast %get3A_1085 : i32 to index
        %get3A_1087 = arith.index_cast %scan3A_1056 : i32 to index
        %get3A_1088 = arith.index_cast %mul3A_1084 : i32 to index
        %get3A_1089 = tpu.vector_load %arg12[%get3A_1086, %get3A_1087, %get3A_1088] {strides = array<i32>} : memref<2x16x1024xf32, #tpu.memory_space<vmem>>, vector<1x1x16xf32>,
        %get3A_1090 = vector.shape_cast %get3A_1089 : vector<1x1x16xf32> to vector<16xf32>
        %mul3A_1091 = arith.mulf %get3A_1090, %get3A_1062 : vector<16xf32>
        %get3A_1092 = arith.constant 0 : i32
        %get3A_1093 = arith.index_cast %get3A_1092 : i32 to index
        %get3A_1094 = arith.index_cast %scan3A_1056 : i32 to index
        %get3A_1095 = arith.index_cast %mul3A_1084 : i32 to index
        %get3A_1096 = tpu.vector_load %arg13[%get3A_1093, %get3A_1094, %get3A_1095] {strides = array<i32>} : memref<2x16x1024xf32, #tpu.memory_space<vmem>>, vector<1x1x16xf32>,
        %get3A_1097 = vector.shape_cast %get3A_1096 : vector<1x1x16xf32> to vector<16xf32>
        %mul3A_1098 = arith.mulf %get3A_1097, %get3A_1068 : vector<16xf32>
        %add3A_1099 = arith.addf %mul3A_1091, %mul3A_1098 : vector<16xf32>
        %swap3A = arith.constant 0 : i32
        %swap3A_1100 = arith.index_cast %swap3A : i32 to index
        %swap3A_1101 = arith.index_cast %scan3A_1056 : i32 to index
        %swap3A_1102 = arith.index_cast %mul3A_1084 : i32 to index
        %swap3A_1103 = tpu.vector_load %arg14[%swap3A_1100, %swap3A_1101, %swap3A_1102] {strides = array<i32>} : memref<2x16x1024xf32, #tpu.memory_space<vmem>>, vector<1x1x16xf32>,
        %swap3A_1104 = vector.shape_cast %swap3A_1103 : vector<1x1x16xf32> to vector<16xf32>
        %swap3A_1105 = vector.shape_cast %add3A_1099 : vector<16xf32> to vector<1x1x16xf32>
        tpu.vector_store %arg14[%swap3A_1100, %swap3A_1101, %swap3A_1102], %swap3A_1105 {strides = array<i32>} : memref<2x16x1024xf32, #tpu.memory_space<vmem>>, vector<1x1x16xf32>,
        %mul3A_1106 = arith.constant 4 : i32
        %mul3A_1107 = arith.muli %scan3A_1077, %mul3A_1106 : i32
        %add3A_1108 = arith.constant 1 : i32
        %add3A_1109 = arith.addi %mul3A_1107, %add3A_1108 : i32
        %mul3A_1110 = arith.constant 16 : i32
        %mul3A_1111 = arith.muli %add3A_1109, %mul3A_1110 : i32
        %get3A_1112 = arith.constant 0 : i32
        %get3A_1113 = arith.index_cast %get3A_1112 : i32 to index
        %get3A_1114 = arith.index_cast %scan3A_1056 : i32 to index
        %get3A_1115 = arith.index_cast %mul3A_1111 : i32 to index
        %get3A_1116 = tpu.vector_load %arg12[%get3A_1113, %get3A_1114, %get3A_1115] {strides = array<i32>} : memref<2x16x1024xf32, #tpu.memory_space<vmem>>, vector<1x1x16xf32>,
        %get3A_1117 = vector.shape_cast %get3A_1116 : vector<1x1x16xf32> to vector<16xf32>
        %mul3A_1118 = arith.mulf %get3A_1117, %get3A_1062 : vector<16xf32>
        %get3A_1119 = arith.constant 0 : i32
        %get3A_1120 = arith.index_cast %get3A_1119 : i32 to index
        %get3A_1121 = arith.index_cast %scan3A_1056 : i32 to index
        %get3A_1122 = arith.index_cast %mul3A_1111 : i32 to index
        %get3A_1123 = tpu.vector_load %arg13[%get3A_1120, %get3A_1121, %get3A_1122] {strides = array<i32>} : memref<2x16x1024xf32, #tpu.memory_space<vmem>>, vector<1x1x16xf32>,
        %get3A_1124 = vector.shape_cast %get3A_1123 : vector<1x1x16xf32> to vector<16xf32>
        %mul3A_1125 = arith.mulf %get3A_1124, %get3A_1068 : vector<16xf32>
        %add3A_1126 = arith.addf %mul3A_1118, %mul3A_1125 : vector<16xf32>
        %swap3A_1127 = arith.constant 0 : i32
        %swap3A_1128 = arith.index_cast %swap3A_1127 : i32 to index
        %swap3A_1129 = arith.index_cast %scan3A_1056 : i32 to index
        %swap3A_1130 = arith.index_cast %mul3A_1111 : i32 to index
        %swap3A_1131 = tpu.vector_load %arg14[%swap3A_1128, %swap3A_1129, %swap3A_1130] {strides = array<i32>} : memref<2x16x1024xf32, #tpu.memory_space<vmem>>, vector<1x1x16xf32>,
        %swap3A_1132 = vector.shape_cast %swap3A_1131 : vector<1x1x16xf32> to vector<16xf32>
        %swap3A_1133 = vector.shape_cast %add3A_1126 : vector<16xf32> to vector<1x1x16xf32>
        tpu.vector_store %arg14[%swap3A_1128, %swap3A_1129, %swap3A_1130], %swap3A_1133 {strides = array<i32>} : memref<2x16x1024xf32, #tpu.memory_space<vmem>>, vector<1x1x16xf32>,
        %mul3A_1134 = arith.constant 4 : i32
        %mul3A_1135 = arith.muli %scan3A_1077, %mul3A_1134 : i32
        %add3A_1136 = arith.constant 2 : i32
        %add3A_1137 = arith.addi %mul3A_1135, %add3A_1136 : i32
        %mul3A_1138 = arith.constant 16 : i32
        %mul3A_1139 = arith.muli %add3A_1137, %mul3A_1138 : i32
        %get3A_1140 = arith.constant 0 : i32
        %get3A_1141 = arith.index_cast %get3A_1140 : i32 to index
        %get3A_1142 = arith.index_cast %scan3A_1056 : i32 to index
        %get3A_1143 = arith.index_cast %mul3A_1139 : i32 to index
        %get3A_1144 = tpu.vector_load %arg12[%get3A_1141, %get3A_1142, %get3A_1143] {strides = array<i32>} : memref<2x16x1024xf32, #tpu.memory_space<vmem>>, vector<1x1x16xf32>,
        %get3A_1145 = vector.shape_cast %get3A_1144 : vector<1x1x16xf32> to vector<16xf32>
        %mul3A_1146 = arith.mulf %get3A_1145, %get3A_1062 : vector<16xf32>
        %get3A_1147 = arith.constant 0 : i32
        %get3A_1148 = arith.index_cast %get3A_1147 : i32 to index
        %get3A_1149 = arith.index_cast %scan3A_1056 : i32 to index
        %get3A_1150 = arith.index_cast %mul3A_1139 : i32 to index
        %get3A_1151 = tpu.vector_load %arg13[%get3A_1148, %get3A_1149, %get3A_1150] {strides = array<i32>} : memref<2x16x1024xf32, #tpu.memory_space<vmem>>, vector<1x1x16xf32>,
        %get3A_1152 = vector.shape_cast %get3A_1151 : vector<1x1x16xf32> to vector<16xf32>
        %mul3A_1153 = arith.mulf %get3A_1152, %get3A_1068 : vector<16xf32>
        %add3A_1154 = arith.addf %mul3A_1146, %mul3A_1153 : vector<16xf32>
        %swap3A_1155 = arith.constant 0 : i32
        %swap3A_1156 = arith.index_cast %swap3A_1155 : i32 to index
        %swap3A_1157 = arith.index_cast %scan3A_1056 : i32 to index
        %swap3A_1158 = arith.index_cast %mul3A_1139 : i32 to index
        %swap3A_1159 = tpu.vector_load %arg14[%swap3A_1156, %swap3A_1157, %swap3A_1158] {strides = array<i32>} : memref<2x16x1024xf32, #tpu.memory_space<vmem>>, vector<1x1x16xf32>,
        %swap3A_1160 = vector.shape_cast %swap3A_1159 : vector<1x1x16xf32> to vector<16xf32>
        %swap3A_1161 = vector.shape_cast %add3A_1154 : vector<16xf32> to vector<1x1x16xf32>
        tpu.vector_store %arg14[%swap3A_1156, %swap3A_1157, %swap3A_1158], %swap3A_1161 {strides = array<i32>} : memref<2x16x1024xf32, #tpu.memory_space<vmem>>, vector<1x1x16xf32>,
        %mul3A_1162 = arith.constant 4 : i32
        %mul3A_1163 = arith.muli %scan3A_1077, %mul3A_1162 : i32
        %add3A_1164 = arith.constant 3 : i32
        %add3A_1165 = arith.addi %mul3A_1163, %add3A_1164 : i32
        %mul3A_1166 = arith.constant 16 : i32
        %mul3A_1167 = arith.muli %add3A_1165, %mul3A_1166 : i32
        %get3A_1168 = arith.constant 0 : i32
        %get3A_1169 = arith.index_cast %get3A_1168 : i32 to index
        %get3A_1170 = arith.index_cast %scan3A_1056 : i32 to index
        %get3A_1171 = arith.index_cast %mul3A_1167 : i32 to index
        %get3A_1172 = tpu.vector_load %arg12[%get3A_1169, %get3A_1170, %get3A_1171] {strides = array<i32>} : memref<2x16x1024xf32, #tpu.memory_space<vmem>>, vector<1x1x16xf32>,
        %get3A_1173 = vector.shape_cast %get3A_1172 : vector<1x1x16xf32> to vector<16xf32>
        %mul3A_1174 = arith.mulf %get3A_1173, %get3A_1062 : vector<16xf32>
        %get3A_1175 = arith.constant 0 : i32
        %get3A_1176 = arith.index_cast %get3A_1175 : i32 to index
        %get3A_1177 = arith.index_cast %scan3A_1056 : i32 to index
        %get3A_1178 = arith.index_cast %mul3A_1167 : i32 to index
        %get3A_1179 = tpu.vector_load %arg13[%get3A_1176, %get3A_1177, %get3A_1178] {strides = array<i32>} : memref<2x16x1024xf32, #tpu.memory_space<vmem>>, vector<1x1x16xf32>,
        %get3A_1180 = vector.shape_cast %get3A_1179 : vector<1x1x16xf32> to vector<16xf32>
        %mul3A_1181 = arith.mulf %get3A_1180, %get3A_1068 : vector<16xf32>
        %add3A_1182 = arith.addf %mul3A_1174, %mul3A_1181 : vector<16xf32>
        %swap3A_1183 = arith.constant 0 : i32
        %swap3A_1184 = arith.index_cast %swap3A_1183 : i32 to index
        %swap3A_1185 = arith.index_cast %scan3A_1056 : i32 to index
        %swap3A_1186 = arith.index_cast %mul3A_1167 : i32 to index
        %swap3A_1187 = tpu.vector_load %arg14[%swap3A_1184, %swap3A_1185, %swap3A_1186] {strides = array<i32>} : memref<2x16x1024xf32, #tpu.memory_space<vmem>>, vector<1x1x16xf32>,
        %swap3A_1188 = vector.shape_cast %swap3A_1187 : vector<1x1x16xf32> to vector<16xf32>
        %swap3A_1189 = vector.shape_cast %add3A_1182 : vector<16xf32> to vector<1x1x16xf32>
        tpu.vector_store %arg14[%swap3A_1184, %swap3A_1185, %swap3A_1186], %swap3A_1189 {strides = array<i32>} : memref<2x16x1024xf32, #tpu.memory_space<vmem>>, vector<1x1x16xf32>,
        %scan3A_1190 = arith.constant 0 : i32
        scf.yield %scan3A_1190 : i32
      }
      %scan3A_1075 = arith.constant 16 : i32
      %scan3A_1076 = arith.constant 0 : i32
      scf.yield %scan3A_1076 : i32
    }
    %scan3A_933 = arith.constant 16 : i32
    %add3A_934 = arith.constant 96 : i32
    %add3A_935 = arith.addi %mul3A_2, %add3A_934 : i32
    %dma_start3A_936 = arith.constant 0 : i32
    %dma_start3A_937 = arith.constant 0 : i32
    %dma_start3A_938 = arith.constant 0 : i32
    %dma_start3A_939 = tpu.memref_slice %arg14[%dma_start3A_936, %dma_start3A_937, %dma_start3A_938] : memref<2x16x1024xf32, #tpu.memory_space<vmem>> -> memref<1x16x1024xf32, #tpu.memory_space<vmem>>
    %dma_start3A_940 = tpu.memref_squeeze %dma_start3A_939 : memref<1x16x1024xf32, #tpu.memory_space<vmem>> -> memref<16x1024xf32, #tpu.memory_space<vmem>>
    %dma_start3A_941 = arith.constant 0 : i32
    %dma_start3A_942 = tpu.memref_slice %arg7[%add3A_935, %dma_start3A_941] : memref<4096x1024xf32, #tpu.memory_space<hbm>> -> memref<16x1024xf32, #tpu.memory_space<hbm>>
    %dma_start3A_943 = arith.constant 0 : i32
    %dma_start3A_944 = tpu.memref_slice %arg7[%add3A_935, %dma_start3A_943] : memref<4096x1024xf32, #tpu.memory_space<hbm>> -> memref<16x1024xf32, #tpu.memory_space<hbm>>
    %dma_start3A_945 = arith.constant 0 : i32
    %dma_start3A_946 = arith.constant 0 : i32
    %dma_start3A_947 = tpu.memref_slice %arg14[%dma_start3A_936, %dma_start3A_945, %dma_start3A_946] : memref<2x16x1024xf32, #tpu.memory_space<vmem>> -> memref<1x16x1024xf32, #tpu.memory_space<vmem>>
    %dma_start3A_948 = tpu.memref_squeeze %dma_start3A_947 : memref<1x16x1024xf32, #tpu.memory_space<vmem>> -> memref<16x1024xf32, #tpu.memory_space<vmem>>
    tpu.enqueue_dma source(%dma_start3A_948 : memref<16x1024xf32, #tpu.memory_space<vmem>>) target(%dma_start3A_944 : memref<16x1024xf32, #tpu.memory_space<hbm>>) target_semaphore(%arg17 : memref<!tpu.dma_semaphore, #tpu.memory_space<semaphore_mem>>)
    %dma_wait3A_949 = arith.constant 1 : i32
    %dma_wait3A_950 = arith.constant 0 : i32
    %dma_wait3A_951 = arith.constant 0 : i32
    %dma_wait3A_952 = tpu.memref_slice %arg12[%dma_wait3A_949, %dma_wait3A_950, %dma_wait3A_951] : memref<2x16x1024xf32, #tpu.memory_space<vmem>> -> memref<1x16x1024xf32, #tpu.memory_space<vmem>>
    %dma_wait3A_953 = tpu.memref_squeeze %dma_wait3A_952 : memref<1x16x1024xf32, #tpu.memory_space<vmem>> -> memref<16x1024xf32, #tpu.memory_space<vmem>>
    %dma_wait3A_954 = arith.constant 112 : i32
    %dma_wait3A_955 = tpu.memref_slice %arg8[%dma_wait3A_954] : memref<128xi32, #tpu.memory_space<vmem>> -> memref<16xi32, #tpu.memory_space<vmem>>
    %dma_wait3A_956 = arith.constant 0 : i32
    %dma_wait3A_957 = arith.constant 0 : i32
    %dma_wait3A_958 = tpu.memref_slice %arg2[%dma_wait3A_956, %dma_wait3A_957] : memref<9216x1024xf32, #tpu.memory_space<hbm>> -> memref<9216x1024xf32, #tpu.memory_space<hbm>>
    tpu.wait_indirect_dma semaphore(%arg16 : memref<!tpu.dma_semaphore, #tpu.memory_space<semaphore_mem>>) src(%dma_wait3A_958 : memref<9216x1024xf32, #tpu.memory_space<hbm>>) dst(%dma_wait3A_953 : memref<16x1024xf32, #tpu.memory_space<vmem>>)
    %dma_wait3A_959 = arith.constant 1 : i32
    %dma_wait3A_960 = arith.constant 0 : i32
    %dma_wait3A_961 = arith.constant 0 : i32
    %dma_wait3A_962 = tpu.memref_slice %arg13[%dma_wait3A_959, %dma_wait3A_960, %dma_wait3A_961] : memref<2x16x1024xf32, #tpu.memory_space<vmem>> -> memref<1x16x1024xf32, #tpu.memory_space<vmem>>
    %dma_wait3A_963 = tpu.memref_squeeze %dma_wait3A_962 : memref<1x16x1024xf32, #tpu.memory_space<vmem>> -> memref<16x1024xf32, #tpu.memory_space<vmem>>
    %dma_wait3A_964 = arith.constant 112 : i32
    %dma_wait3A_965 = tpu.memref_slice %arg9[%dma_wait3A_964] : memref<128xi32, #tpu.memory_space<vmem>> -> memref<16xi32, #tpu.memory_space<vmem>>
    %dma_wait3A_966 = arith.constant 0 : i32
    %dma_wait3A_967 = arith.constant 0 : i32
    %dma_wait3A_968 = tpu.memref_slice %arg2[%dma_wait3A_966, %dma_wait3A_967] : memref<9216x1024xf32, #tpu.memory_space<hbm>> -> memref<9216x1024xf32, #tpu.memory_space<hbm>>
    tpu.wait_indirect_dma semaphore(%arg16 : memref<!tpu.dma_semaphore, #tpu.memory_space<semaphore_mem>>) src(%dma_wait3A_968 : memref<9216x1024xf32, #tpu.memory_space<hbm>>) dst(%dma_wait3A_963 : memref<16x1024xf32, #tpu.memory_space<vmem>>)
    %dma_wait3A_969 = arith.constant 1 : i32
    %dma_wait3A_970 = arith.constant 0 : i32
    %dma_wait3A_971 = arith.constant 0 : i32
    %dma_wait3A_972 = tpu.memref_slice %arg10[%dma_wait3A_969, %dma_wait3A_970, %dma_wait3A_971] : memref<2x16x16xf32, #tpu.memory_space<vmem>> -> memref<1x16x16xf32, #tpu.memory_space<vmem>>
    %dma_wait3A_973 = tpu.memref_squeeze %dma_wait3A_972 : memref<1x16x16xf32, #tpu.memory_space<vmem>> -> memref<16x16xf32, #tpu.memory_space<vmem>>
    %dma_wait3A_974 = arith.constant 0 : i32
    %dma_wait3A_975 = tpu.memref_slice %arg5[%add3A_821, %dma_wait3A_974] : memref<4096x16xf32, #tpu.memory_space<hbm>> -> memref<16x16xf32, #tpu.memory_space<hbm>>
    %dma_wait3A_976 = arith.constant 0 : i32
    %dma_wait3A_977 = arith.constant 0 : i32
    %dma_wait3A_978 = tpu.memref_slice %arg10[%dma_wait3A_969, %dma_wait3A_976, %dma_wait3A_977] : memref<2x16x16xf32, #tpu.memory_space<vmem>> -> memref<1x16x16xf32, #tpu.memory_space<vmem>>
    %dma_wait3A_979 = tpu.memref_squeeze %dma_wait3A_978 : memref<1x16x16xf32, #tpu.memory_space<vmem>> -> memref<16x16xf32, #tpu.memory_space<vmem>>
    %dma_wait3A_980 = arith.constant 0 : i32
    %dma_wait3A_981 = tpu.memref_slice %arg5[%add3A_821, %dma_wait3A_980] : memref<4096x16xf32, #tpu.memory_space<hbm>> -> memref<16x16xf32, #tpu.memory_space<hbm>>
    tpu.wait_dma2 semaphore(%arg16 : memref<!tpu.dma_semaphore, #tpu.memory_space<semaphore_mem>>) src(%dma_wait3A_981 : memref<16x16xf32, #tpu.memory_space<hbm>>) dst(%dma_wait3A_979 : memref<16x16xf32, #tpu.memory_space<vmem>>)
    %dma_wait3A_982 = arith.constant 1 : i32
    %dma_wait3A_983 = arith.constant 0 : i32
    %dma_wait3A_984 = arith.constant 0 : i32
    %dma_wait3A_985 = tpu.memref_slice %arg11[%dma_wait3A_982, %dma_wait3A_983, %dma_wait3A_984] : memref<2x16x16xf32, #tpu.memory_space<vmem>> -> memref<1x16x16xf32, #tpu.memory_space<vmem>>
    %dma_wait3A_986 = tpu.memref_squeeze %dma_wait3A_985 : memref<1x16x16xf32, #tpu.memory_space<vmem>> -> memref<16x16xf32, #tpu.memory_space<vmem>>
    %dma_wait3A_987 = arith.constant 0 : i32
    %dma_wait3A_988 = tpu.memref_slice %arg6[%add3A_821, %dma_wait3A_987] : memref<4096x16xf32, #tpu.memory_space<hbm>> -> memref<16x16xf32, #tpu.memory_space<hbm>>
    %dma_wait3A_989 = arith.constant 0 : i32
    %dma_wait3A_990 = arith.constant 0 : i32
    %dma_wait3A_991 = tpu.memref_slice %arg11[%dma_wait3A_982, %dma_wait3A_989, %dma_wait3A_990] : memref<2x16x16xf32, #tpu.memory_space<vmem>> -> memref<1x16x16xf32, #tpu.memory_space<vmem>>
    %dma_wait3A_992 = tpu.memref_squeeze %dma_wait3A_991 : memref<1x16x16xf32, #tpu.memory_space<vmem>> -> memref<16x16xf32, #tpu.memory_space<vmem>>
    %dma_wait3A_993 = arith.constant 0 : i32
    %dma_wait3A_994 = tpu.memref_slice %arg6[%add3A_821, %dma_wait3A_993] : memref<4096x16xf32, #tpu.memory_space<hbm>> -> memref<16x16xf32, #tpu.memory_space<hbm>>
    tpu.wait_dma2 semaphore(%arg16 : memref<!tpu.dma_semaphore, #tpu.memory_space<semaphore_mem>>) src(%dma_wait3A_994 : memref<16x16xf32, #tpu.memory_space<hbm>>) dst(%dma_wait3A_992 : memref<16x16xf32, #tpu.memory_space<vmem>>)
    %dma_wait3A_995 = arith.constant 1 : i32
    %dma_wait3A_996 = arith.constant 0 : i32
    %dma_wait3A_997 = arith.constant 0 : i32
    %dma_wait3A_998 = tpu.memref_slice %arg14[%dma_wait3A_995, %dma_wait3A_996, %dma_wait3A_997] : memref<2x16x1024xf32, #tpu.memory_space<vmem>> -> memref<1x16x1024xf32, #tpu.memory_space<vmem>>
    %dma_wait3A_999 = tpu.memref_squeeze %dma_wait3A_998 : memref<1x16x1024xf32, #tpu.memory_space<vmem>> -> memref<16x1024xf32, #tpu.memory_space<vmem>>
    %dma_wait3A_1000 = arith.constant 0 : i32
    %dma_wait3A_1001 = tpu.memref_slice %arg7[%add3A_806, %dma_wait3A_1000] : memref<4096x1024xf32, #tpu.memory_space<hbm>> -> memref<16x1024xf32, #tpu.memory_space<hbm>>
    %dma_wait3A_1002 = arith.constant 0 : i32
    %dma_wait3A_1003 = tpu.memref_slice %arg7[%add3A_806, %dma_wait3A_1002] : memref<4096x1024xf32, #tpu.memory_space<hbm>> -> memref<16x1024xf32, #tpu.memory_space<hbm>>
    %dma_wait3A_1004 = arith.constant 0 : i32
    %dma_wait3A_1005 = arith.constant 0 : i32
    %dma_wait3A_1006 = tpu.memref_slice %arg14[%dma_wait3A_995, %dma_wait3A_1004, %dma_wait3A_1005] : memref<2x16x1024xf32, #tpu.memory_space<vmem>> -> memref<1x16x1024xf32, #tpu.memory_space<vmem>>
    %dma_wait3A_1007 = tpu.memref_squeeze %dma_wait3A_1006 : memref<1x16x1024xf32, #tpu.memory_space<vmem>> -> memref<16x1024xf32, #tpu.memory_space<vmem>>
    tpu.wait_dma2 semaphore(%arg17 : memref<!tpu.dma_semaphore, #tpu.memory_space<semaphore_mem>>) src(%dma_wait3A_1007 : memref<16x1024xf32, #tpu.memory_space<vmem>>) dst(%dma_wait3A_1003 : memref<16x1024xf32, #tpu.memory_space<hbm>>)
    %scan3A_1008 = arith.constant 0 : i32
    %scan3A_1009 = arith.constant 0 : i32
    %scan3A_1010 = arith.constant 16 : i32
    %scan3A_1011 = arith.addi %scan3A_1009, %scan3A_1010 : i32
    %scan3A_1012 = arith.constant 1 : i32
    %scan3A_1013 = scf.for %scan3A_1056 = %scan3A_1009 to %scan3A_1011 step %scan3A_1012 iter_args(%scan3A_1057 = %scan3A_1008) -> (i32)  : i32 {
      %get3A = arith.constant 1 : i32
      %get3A_1058 = arith.index_cast %get3A : i32 to index
      %get3A_1059 = arith.index_cast %scan3A_1056 : i32 to index
      %get3A_1060 = arith.constant 0 : index
      %get3A_1061 = tpu.vector_load %arg10[%get3A_1058, %get3A_1059, %get3A_1060] {strides = array<i32>} : memref<2x16x16xf32, #tpu.memory_space<vmem>>, vector<1x1x16xf32>,
      %get3A_1062 = vector.shape_cast %get3A_1061 : vector<1x1x16xf32> to vector<16xf32>
      %get3A_1063 = arith.constant 1 : i32
      %get3A_1064 = arith.index_cast %get3A_1063 : i32 to index
      %get3A_1065 = arith.index_cast %scan3A_1056 : i32 to index
      %get3A_1066 = arith.constant 0 : index
      %get3A_1067 = tpu.vector_load %arg11[%get3A_1064, %get3A_1065, %get3A_1066] {strides = array<i32>} : memref<2x16x16xf32, #tpu.memory_space<vmem>>, vector<1x1x16xf32>,
      %get3A_1068 = vector.shape_cast %get3A_1067 : vector<1x1x16xf32> to vector<16xf32>
      %scan3A_1069 = arith.constant 0 : i32
      %scan3A_1070 = arith.constant 0 : i32
      %scan3A_1071 = arith.constant 16 : i32
      %scan3A_1072 = arith.addi %scan3A_1070, %scan3A_1071 : i32
      %scan3A_1073 = arith.constant 1 : i32
      %scan3A_1074 = scf.for %scan3A_1077 = %scan3A_1070 to %scan3A_1072 step %scan3A_1073 iter_args(%scan3A_1078 = %scan3A_1069) -> (i32)  : i32 {
        %mul3A_1079 = arith.constant 4 : i32
        %mul3A_1080 = arith.muli %scan3A_1077, %mul3A_1079 : i32
        %add3A_1081 = arith.constant 0 : i32
        %add3A_1082 = arith.addi %mul3A_1080, %add3A_1081 : i32
        %mul3A_1083 = arith.constant 16 : i32
        %mul3A_1084 = arith.muli %add3A_1082, %mul3A_1083 : i32
        %get3A_1085 = arith.constant 1 : i32
        %get3A_1086 = arith.index_cast %get3A_1085 : i32 to index
        %get3A_1087 = arith.index_cast %scan3A_1056 : i32 to index
        %get3A_1088 = arith.index_cast %mul3A_1084 : i32 to index
        %get3A_1089 = tpu.vector_load %arg12[%get3A_1086, %get3A_1087, %get3A_1088] {strides = array<i32>} : memref<2x16x1024xf32, #tpu.memory_space<vmem>>, vector<1x1x16xf32>,
        %get3A_1090 = vector.shape_cast %get3A_1089 : vector<1x1x16xf32> to vector<16xf32>
        %mul3A_1091 = arith.mulf %get3A_1090, %get3A_1062 : vector<16xf32>
        %get3A_1092 = arith.constant 1 : i32
        %get3A_1093 = arith.index_cast %get3A_1092 : i32 to index
        %get3A_1094 = arith.index_cast %scan3A_1056 : i32 to index
        %get3A_1095 = arith.index_cast %mul3A_1084 : i32 to index
        %get3A_1096 = tpu.vector_load %arg13[%get3A_1093, %get3A_1094, %get3A_1095] {strides = array<i32>} : memref<2x16x1024xf32, #tpu.memory_space<vmem>>, vector<1x1x16xf32>,
        %get3A_1097 = vector.shape_cast %get3A_1096 : vector<1x1x16xf32> to vector<16xf32>
        %mul3A_1098 = arith.mulf %get3A_1097, %get3A_1068 : vector<16xf32>
        %add3A_1099 = arith.addf %mul3A_1091, %mul3A_1098 : vector<16xf32>
        %swap3A = arith.constant 1 : i32
        %swap3A_1100 = arith.index_cast %swap3A : i32 to index
        %swap3A_1101 = arith.index_cast %scan3A_1056 : i32 to index
        %swap3A_1102 = arith.index_cast %mul3A_1084 : i32 to index
        %swap3A_1103 = tpu.vector_load %arg14[%swap3A_1100, %swap3A_1101, %swap3A_1102] {strides = array<i32>} : memref<2x16x1024xf32, #tpu.memory_space<vmem>>, vector<1x1x16xf32>,
        %swap3A_1104 = vector.shape_cast %swap3A_1103 : vector<1x1x16xf32> to vector<16xf32>
        %swap3A_1105 = vector.shape_cast %add3A_1099 : vector<16xf32> to vector<1x1x16xf32>
        tpu.vector_store %arg14[%swap3A_1100, %swap3A_1101, %swap3A_1102], %swap3A_1105 {strides = array<i32>} : memref<2x16x1024xf32, #tpu.memory_space<vmem>>, vector<1x1x16xf32>,
        %mul3A_1106 = arith.constant 4 : i32
        %mul3A_1107 = arith.muli %scan3A_1077, %mul3A_1106 : i32
        %add3A_1108 = arith.constant 1 : i32
        %add3A_1109 = arith.addi %mul3A_1107, %add3A_1108 : i32
        %mul3A_1110 = arith.constant 16 : i32
        %mul3A_1111 = arith.muli %add3A_1109, %mul3A_1110 : i32
        %get3A_1112 = arith.constant 1 : i32
        %get3A_1113 = arith.index_cast %get3A_1112 : i32 to index
        %get3A_1114 = arith.index_cast %scan3A_1056 : i32 to index
        %get3A_1115 = arith.index_cast %mul3A_1111 : i32 to index
        %get3A_1116 = tpu.vector_load %arg12[%get3A_1113, %get3A_1114, %get3A_1115] {strides = array<i32>} : memref<2x16x1024xf32, #tpu.memory_space<vmem>>, vector<1x1x16xf32>,
        %get3A_1117 = vector.shape_cast %get3A_1116 : vector<1x1x16xf32> to vector<16xf32>
        %mul3A_1118 = arith.mulf %get3A_1117, %get3A_1062 : vector<16xf32>
        %get3A_1119 = arith.constant 1 : i32
        %get3A_1120 = arith.index_cast %get3A_1119 : i32 to index
        %get3A_1121 = arith.index_cast %scan3A_1056 : i32 to index
        %get3A_1122 = arith.index_cast %mul3A_1111 : i32 to index
        %get3A_1123 = tpu.vector_load %arg13[%get3A_1120, %get3A_1121, %get3A_1122] {strides = array<i32>} : memref<2x16x1024xf32, #tpu.memory_space<vmem>>, vector<1x1x16xf32>,
        %get3A_1124 = vector.shape_cast %get3A_1123 : vector<1x1x16xf32> to vector<16xf32>
        %mul3A_1125 = arith.mulf %get3A_1124, %get3A_1068 : vector<16xf32>
        %add3A_1126 = arith.addf %mul3A_1118, %mul3A_1125 : vector<16xf32>
        %swap3A_1127 = arith.constant 1 : i32
        %swap3A_1128 = arith.index_cast %swap3A_1127 : i32 to index
        %swap3A_1129 = arith.index_cast %scan3A_1056 : i32 to index
        %swap3A_1130 = arith.index_cast %mul3A_1111 : i32 to index
        %swap3A_1131 = tpu.vector_load %arg14[%swap3A_1128, %swap3A_1129, %swap3A_1130] {strides = array<i32>} : memref<2x16x1024xf32, #tpu.memory_space<vmem>>, vector<1x1x16xf32>,
        %swap3A_1132 = vector.shape_cast %swap3A_1131 : vector<1x1x16xf32> to vector<16xf32>
        %swap3A_1133 = vector.shape_cast %add3A_1126 : vector<16xf32> to vector<1x1x16xf32>
        tpu.vector_store %arg14[%swap3A_1128, %swap3A_1129, %swap3A_1130], %swap3A_1133 {strides = array<i32>} : memref<2x16x1024xf32, #tpu.memory_space<vmem>>, vector<1x1x16xf32>,
        %mul3A_1134 = arith.constant 4 : i32
        %mul3A_1135 = arith.muli %scan3A_1077, %mul3A_1134 : i32
        %add3A_1136 = arith.constant 2 : i32
        %add3A_1137 = arith.addi %mul3A_1135, %add3A_1136 : i32
        %mul3A_1138 = arith.constant 16 : i32
        %mul3A_1139 = arith.muli %add3A_1137, %mul3A_1138 : i32
        %get3A_1140 = arith.constant 1 : i32
        %get3A_1141 = arith.index_cast %get3A_1140 : i32 to index
        %get3A_1142 = arith.index_cast %scan3A_1056 : i32 to index
        %get3A_1143 = arith.index_cast %mul3A_1139 : i32 to index
        %get3A_1144 = tpu.vector_load %arg12[%get3A_1141, %get3A_1142, %get3A_1143] {strides = array<i32>} : memref<2x16x1024xf32, #tpu.memory_space<vmem>>, vector<1x1x16xf32>,
        %get3A_1145 = vector.shape_cast %get3A_1144 : vector<1x1x16xf32> to vector<16xf32>
        %mul3A_1146 = arith.mulf %get3A_1145, %get3A_1062 : vector<16xf32>
        %get3A_1147 = arith.constant 1 : i32
        %get3A_1148 = arith.index_cast %get3A_1147 : i32 to index
        %get3A_1149 = arith.index_cast %scan3A_1056 : i32 to index
        %get3A_1150 = arith.index_cast %mul3A_1139 : i32 to index
        %get3A_1151 = tpu.vector_load %arg13[%get3A_1148, %get3A_1149, %get3A_1150] {strides = array<i32>} : memref<2x16x1024xf32, #tpu.memory_space<vmem>>, vector<1x1x16xf32>,
        %get3A_1152 = vector.shape_cast %get3A_1151 : vector<1x1x16xf32> to vector<16xf32>
        %mul3A_1153 = arith.mulf %get3A_1152, %get3A_1068 : vector<16xf32>
        %add3A_1154 = arith.addf %mul3A_1146, %mul3A_1153 : vector<16xf32>
        %swap3A_1155 = arith.constant 1 : i32
        %swap3A_1156 = arith.index_cast %swap3A_1155 : i32 to index
        %swap3A_1157 = arith.index_cast %scan3A_1056 : i32 to index
        %swap3A_1158 = arith.index_cast %mul3A_1139 : i32 to index
        %swap3A_1159 = tpu.vector_load %arg14[%swap3A_1156, %swap3A_1157, %swap3A_1158] {strides = array<i32>} : memref<2x16x1024xf32, #tpu.memory_space<vmem>>, vector<1x1x16xf32>,
        %swap3A_1160 = vector.shape_cast %swap3A_1159 : vector<1x1x16xf32> to vector<16xf32>
        %swap3A_1161 = vector.shape_cast %add3A_1154 : vector<16xf32> to vector<1x1x16xf32>
        tpu.vector_store %arg14[%swap3A_1156, %swap3A_1157, %swap3A_1158], %swap3A_1161 {strides = array<i32>} : memref<2x16x1024xf32, #tpu.memory_space<vmem>>, vector<1x1x16xf32>,
        %mul3A_1162 = arith.constant 4 : i32
        %mul3A_1163 = arith.muli %scan3A_1077, %mul3A_1162 : i32
        %add3A_1164 = arith.constant 3 : i32
        %add3A_1165 = arith.addi %mul3A_1163, %add3A_1164 : i32
        %mul3A_1166 = arith.constant 16 : i32
        %mul3A_1167 = arith.muli %add3A_1165, %mul3A_1166 : i32
        %get3A_1168 = arith.constant 1 : i32
        %get3A_1169 = arith.index_cast %get3A_1168 : i32 to index
        %get3A_1170 = arith.index_cast %scan3A_1056 : i32 to index
        %get3A_1171 = arith.index_cast %mul3A_1167 : i32 to index
        %get3A_1172 = tpu.vector_load %arg12[%get3A_1169, %get3A_1170, %get3A_1171] {strides = array<i32>} : memref<2x16x1024xf32, #tpu.memory_space<vmem>>, vector<1x1x16xf32>,
        %get3A_1173 = vector.shape_cast %get3A_1172 : vector<1x1x16xf32> to vector<16xf32>
        %mul3A_1174 = arith.mulf %get3A_1173, %get3A_1062 : vector<16xf32>
        %get3A_1175 = arith.constant 1 : i32
        %get3A_1176 = arith.index_cast %get3A_1175 : i32 to index
        %get3A_1177 = arith.index_cast %scan3A_1056 : i32 to index
        %get3A_1178 = arith.index_cast %mul3A_1167 : i32 to index
        %get3A_1179 = tpu.vector_load %arg13[%get3A_1176, %get3A_1177, %get3A_1178] {strides = array<i32>} : memref<2x16x1024xf32, #tpu.memory_space<vmem>>, vector<1x1x16xf32>,
        %get3A_1180 = vector.shape_cast %get3A_1179 : vector<1x1x16xf32> to vector<16xf32>
        %mul3A_1181 = arith.mulf %get3A_1180, %get3A_1068 : vector<16xf32>
        %add3A_1182 = arith.addf %mul3A_1174, %mul3A_1181 : vector<16xf32>
        %swap3A_1183 = arith.constant 1 : i32
        %swap3A_1184 = arith.index_cast %swap3A_1183 : i32 to index
        %swap3A_1185 = arith.index_cast %scan3A_1056 : i32 to index
        %swap3A_1186 = arith.index_cast %mul3A_1167 : i32 to index
        %swap3A_1187 = tpu.vector_load %arg14[%swap3A_1184, %swap3A_1185, %swap3A_1186] {strides = array<i32>} : memref<2x16x1024xf32, #tpu.memory_space<vmem>>, vector<1x1x16xf32>,
        %swap3A_1188 = vector.shape_cast %swap3A_1187 : vector<1x1x16xf32> to vector<16xf32>
        %swap3A_1189 = vector.shape_cast %add3A_1182 : vector<16xf32> to vector<1x1x16xf32>
        tpu.vector_store %arg14[%swap3A_1184, %swap3A_1185, %swap3A_1186], %swap3A_1189 {strides = array<i32>} : memref<2x16x1024xf32, #tpu.memory_space<vmem>>, vector<1x1x16xf32>,
        %scan3A_1190 = arith.constant 0 : i32
        scf.yield %scan3A_1190 : i32
      }
      %scan3A_1075 = arith.constant 16 : i32
      %scan3A_1076 = arith.constant 0 : i32
      scf.yield %scan3A_1076 : i32
    }
    %scan3A_1014 = arith.constant 16 : i32
    %add3A_1015 = arith.constant 112 : i32
    %add3A_1016 = arith.addi %mul3A_2, %add3A_1015 : i32
    %dma_start3A_1017 = arith.constant 1 : i32
    %dma_start3A_1018 = arith.constant 0 : i32
    %dma_start3A_1019 = arith.constant 0 : i32
    %dma_start3A_1020 = tpu.memref_slice %arg14[%dma_start3A_1017, %dma_start3A_1018, %dma_start3A_1019] : memref<2x16x1024xf32, #tpu.memory_space<vmem>> -> memref<1x16x1024xf32, #tpu.memory_space<vmem>>
    %dma_start3A_1021 = tpu.memref_squeeze %dma_start3A_1020 : memref<1x16x1024xf32, #tpu.memory_space<vmem>> -> memref<16x1024xf32, #tpu.memory_space<vmem>>
    %dma_start3A_1022 = arith.constant 0 : i32
    %dma_start3A_1023 = tpu.memref_slice %arg7[%add3A_1016, %dma_start3A_1022] : memref<4096x1024xf32, #tpu.memory_space<hbm>> -> memref<16x1024xf32, #tpu.memory_space<hbm>>
    %dma_start3A_1024 = arith.constant 0 : i32
    %dma_start3A_1025 = tpu.memref_slice %arg7[%add3A_1016, %dma_start3A_1024] : memref<4096x1024xf32, #tpu.memory_space<hbm>> -> memref<16x1024xf32, #tpu.memory_space<hbm>>
    %dma_start3A_1026 = arith.constant 0 : i32
    %dma_start3A_1027 = arith.constant 0 : i32
    %dma_start3A_1028 = tpu.memref_slice %arg14[%dma_start3A_1017, %dma_start3A_1026, %dma_start3A_1027] : memref<2x16x1024xf32, #tpu.memory_space<vmem>> -> memref<1x16x1024xf32, #tpu.memory_space<vmem>>
    %dma_start3A_1029 = tpu.memref_squeeze %dma_start3A_1028 : memref<1x16x1024xf32, #tpu.memory_space<vmem>> -> memref<16x1024xf32, #tpu.memory_space<vmem>>
    tpu.enqueue_dma source(%dma_start3A_1029 : memref<16x1024xf32, #tpu.memory_space<vmem>>) target(%dma_start3A_1025 : memref<16x1024xf32, #tpu.memory_space<hbm>>) target_semaphore(%arg17 : memref<!tpu.dma_semaphore, #tpu.memory_space<semaphore_mem>>)
    %dma_wait3A_1030 = arith.constant 0 : i32
    %dma_wait3A_1031 = arith.constant 0 : i32
    %dma_wait3A_1032 = arith.constant 0 : i32
    %dma_wait3A_1033 = tpu.memref_slice %arg14[%dma_wait3A_1030, %dma_wait3A_1031, %dma_wait3A_1032] : memref<2x16x1024xf32, #tpu.memory_space<vmem>> -> memref<1x16x1024xf32, #tpu.memory_space<vmem>>
    %dma_wait3A_1034 = tpu.memref_squeeze %dma_wait3A_1033 : memref<1x16x1024xf32, #tpu.memory_space<vmem>> -> memref<16x1024xf32, #tpu.memory_space<vmem>>
    %dma_wait3A_1035 = arith.constant 0 : i32
    %dma_wait3A_1036 = tpu.memref_slice %arg7[%add3A_935, %dma_wait3A_1035] : memref<4096x1024xf32, #tpu.memory_space<hbm>> -> memref<16x1024xf32, #tpu.memory_space<hbm>>
    %dma_wait3A_1037 = arith.constant 0 : i32
    %dma_wait3A_1038 = tpu.memref_slice %arg7[%add3A_935, %dma_wait3A_1037] : memref<4096x1024xf32, #tpu.memory_space<hbm>> -> memref<16x1024xf32, #tpu.memory_space<hbm>>
    %dma_wait3A_1039 = arith.constant 0 : i32
    %dma_wait3A_1040 = arith.constant 0 : i32
    %dma_wait3A_1041 = tpu.memref_slice %arg14[%dma_wait3A_1030, %dma_wait3A_1039, %dma_wait3A_1040] : memref<2x16x1024xf32, #tpu.memory_space<vmem>> -> memref<1x16x1024xf32, #tpu.memory_space<vmem>>
    %dma_wait3A_1042 = tpu.memref_squeeze %dma_wait3A_1041 : memref<1x16x1024xf32, #tpu.memory_space<vmem>> -> memref<16x1024xf32, #tpu.memory_space<vmem>>
    tpu.wait_dma2 semaphore(%arg17 : memref<!tpu.dma_semaphore, #tpu.memory_space<semaphore_mem>>) src(%dma_wait3A_1042 : memref<16x1024xf32, #tpu.memory_space<vmem>>) dst(%dma_wait3A_1038 : memref<16x1024xf32, #tpu.memory_space<hbm>>)
    %dma_wait3A_1043 = arith.constant 1 : i32
    %dma_wait3A_1044 = arith.constant 0 : i32
    %dma_wait3A_1045 = arith.constant 0 : i32
    %dma_wait3A_1046 = tpu.memref_slice %arg14[%dma_wait3A_1043, %dma_wait3A_1044, %dma_wait3A_1045] : memref<2x16x1024xf32, #tpu.memory_space<vmem>> -> memref<1x16x1024xf32, #tpu.memory_space<vmem>>
    %dma_wait3A_1047 = tpu.memref_squeeze %dma_wait3A_1046 : memref<1x16x1024xf32, #tpu.memory_space<vmem>> -> memref<16x1024xf32, #tpu.memory_space<vmem>>
    %dma_wait3A_1048 = arith.constant 0 : i32
    %dma_wait3A_1049 = tpu.memref_slice %arg7[%add3A_1016, %dma_wait3A_1048] : memref<4096x1024xf32, #tpu.memory_space<hbm>> -> memref<16x1024xf32, #tpu.memory_space<hbm>>
    %dma_wait3A_1050 = arith.constant 0 : i32
    %dma_wait3A_1051 = tpu.memref_slice %arg7[%add3A_1016, %dma_wait3A_1050] : memref<4096x1024xf32, #tpu.memory_space<hbm>> -> memref<16x1024xf32, #tpu.memory_space<hbm>>
    %dma_wait3A_1052 = arith.constant 0 : i32
    %dma_wait3A_1053 = arith.constant 0 : i32
    %dma_wait3A_1054 = tpu.memref_slice %arg14[%dma_wait3A_1043, %dma_wait3A_1052, %dma_wait3A_1053] : memref<2x16x1024xf32, #tpu.memory_space<vmem>> -> memref<1x16x1024xf32, #tpu.memory_space<vmem>>
    %dma_wait3A_1055 = tpu.memref_squeeze %dma_wait3A_1054 : memref<1x16x1024xf32, #tpu.memory_space<vmem>> -> memref<16x1024xf32, #tpu.memory_space<vmem>>
    tpu.wait_dma2 semaphore(%arg17 : memref<!tpu.dma_semaphore, #tpu.memory_space<semaphore_mem>>) src(%dma_wait3A_1055 : memref<16x1024xf32, #tpu.memory_space<vmem>>) dst(%dma_wait3A_1051 : memref<16x1024xf32, #tpu.memory_space<hbm>>)
    return
  }
}

module attributes {stable_mosaic.version = 14 : i64} {
  func.func @_gmm_body(%arg0: i32, %arg1: memref<72xi32, #tpu.memory_space<smem>>, %arg2: memref<72xi32, #tpu.memory_space<smem>>, %arg3: memref<128x1024xf32, #tpu.memory_space<vmem>>, %arg4: memref<1x1024x1024xf32, #tpu.memory_space<vmem>>, %arg5: memref<1x1x1024xf32, #tpu.memory_space<vmem>>, %arg6: memref<128x1024xf32, #tpu.memory_space<vmem>>) attributes {dimension_semantics = [#tpu.dimension_semantics<arbitrary>], iteration_bounds = array<i64: 72>, scalar_prefetch = 2 : i64, scratch_operands = 0 : i64, tpu.core_type = #tpu.core_type<tc>, window_params = [{transform_indices = @transform_0, window_bounds = array<i64: 128, 1024>}, {transform_indices = @transform_1, window_bounds = array<i64: 1, 1024, 1024>}, {transform_indices = @transform_2, window_bounds = array<i64: 1, 1, 1024>}, {transform_indices = @transform_3, window_bounds = array<i64: 128, 1024>}]} {
    %get3A = arith.index_cast %arg0 : i32 to index
    %get3A_0 = memref.load %arg2[%get3A] : memref<72xi32, #tpu.memory_space<smem>>
    %ne3A = arith.constant 0 : i32
    %ne3A_1 = arith.cmpi ne, %get3A_0, %ne3A : i32
    %convert_element_type3A = arith.extui %ne3A_1 : i1 to i32
    %cond3A = arith.constant 0 : i32
    %cond3A_2 = arith.cmpi ne, %convert_element_type3A, %cond3A : i32
    scf.if %cond3A_2 {
      %get3A_3 = arith.constant 0 : index
      %get3A_4 = arith.constant 0 : index
      %get3A_5 = vector.load %arg3[%get3A_3, %get3A_4] : memref<128x1024xf32, #tpu.memory_space<vmem>>, vector<128x1024xf32>
      %convert_element_type3A_6 = arith.truncf %get3A_5 : vector<128x1024xf32> to vector<128x1024xbf16>
      %get3A_7 = arith.constant 0 : index
      %get3A_8 = arith.constant 0 : index
      %get3A_9 = arith.constant 0 : index
      %get3A_10 = vector.load %arg4[%get3A_7, %get3A_8, %get3A_9] : memref<1x1024x1024xf32, #tpu.memory_space<vmem>>, vector<1x1024x1024xf32>
      %get3A_11 = vector.shape_cast %get3A_10 : vector<1x1024x1024xf32> to vector<1024x1024xf32>
      %convert_element_type3A_12 = arith.truncf %get3A_11 : vector<1024x1024xf32> to vector<1024x1024xbf16>
      %dot_general3A = arith.constant dense<0.000000e+00> : vector<128x1024xf32>
      %dot_general3A_13 = tpu.matmul %convert_element_type3A_6, %convert_element_type3A_12, %dot_general3A {dimension_numbers = #tpu.dot_dimension_numbers<[1], [0], [0], [1], [0, 0, 1, 1], [], []>, transpose_lhs_hint = false} : vector<128x1024xbf16>, vector<1024x1024xbf16>, vector<128x1024xf32> -> vector<128x1024xf32>
      %get3A_14 = arith.constant 0 : index
      %get3A_15 = arith.constant 0 : index
      %get3A_16 = arith.constant 0 : index
      %get3A_17 = vector.load %arg5[%get3A_14, %get3A_15, %get3A_16] : memref<1x1x1024xf32, #tpu.memory_space<vmem>>, vector<1x1x1024xf32>
      %get3A_18 = vector.shape_cast %get3A_17 : vector<1x1x1024xf32> to vector<1x1024xf32>
      %add3A = vector.broadcast %get3A_18 : vector<1x1024xf32> to vector<128x1024xf32>
      %add3A_19 = arith.addf %dot_general3A_13, %add3A : vector<128x1024xf32>
      %swap3A = arith.constant 0 : index
      %swap3A_20 = arith.constant 0 : index
      %swap3A_21 = vector.load %arg6[%swap3A, %swap3A_20] : memref<128x1024xf32, #tpu.memory_space<vmem>>, vector<128x1024xf32>
      tpu.vector_store %arg6[%swap3A, %swap3A_20], %add3A_19 {strides = array<i32>} : memref<128x1024xf32, #tpu.memory_space<vmem>>, vector<128x1024xf32>,
    } else {
    }
    return
  }
  func.func @transform_0(%arg0: i32, %arg1: memref<72xi32, #tpu.memory_space<smem>>, %arg2: memref<72xi32, #tpu.memory_space<smem>>) -> (i32, i32) {
    %c0_i32 = arith.constant 0 : i32
    %c0_i32_0 = arith.constant 0 : i32
    return %arg0, %c0_i32 : i32, i32
  }
  func.func @transform_1(%arg0: i32, %arg1: memref<72xi32, #tpu.memory_space<smem>>, %arg2: memref<72xi32, #tpu.memory_space<smem>>) -> (i32, i32, i32) {
    %get3A = arith.index_cast %arg0 : i32 to index
    %get3A_0 = memref.load %arg1[%get3A] : memref<72xi32, #tpu.memory_space<smem>>
    %c0_i32 = arith.constant 0 : i32
    %c0_i32_1 = arith.constant 0 : i32
    %c0_i32_2 = arith.constant 0 : i32
    return %get3A_0, %c0_i32, %c0_i32_1 : i32, i32, i32
  }
  func.func @transform_2(%arg0: i32, %arg1: memref<72xi32, #tpu.memory_space<smem>>, %arg2: memref<72xi32, #tpu.memory_space<smem>>) -> (i32, i32, i32) {
    %get3A = arith.index_cast %arg0 : i32 to index
    %get3A_0 = memref.load %arg1[%get3A] : memref<72xi32, #tpu.memory_space<smem>>
    %c0_i32 = arith.constant 0 : i32
    %c0_i32_1 = arith.constant 0 : i32
    %c0_i32_2 = arith.constant 0 : i32
    return %get3A_0, %c0_i32, %c0_i32_1 : i32, i32, i32
  }
  func.func @transform_3(%arg0: i32, %arg1: memref<72xi32, #tpu.memory_space<smem>>, %arg2: memref<72xi32, #tpu.memory_space<smem>>) -> (i32, i32) {
    %c0_i32 = arith.constant 0 : i32
    %c0_i32_0 = arith.constant 0 : i32
    return %arg0, %c0_i32 : i32, i32
  }
}

module attributes {stable_mosaic.version = 14 : i64} {
  func.func @_route_sched_body(%arg0: i32, %arg1: memref<4096x1024xf32, #tpu.memory_space<vmem>>, %arg2: memref<1024x8xf32, #tpu.memory_space<vmem>>, %arg3: memref<1x8xf32, #tpu.memory_space<vmem>>, %arg4: memref<32x128xi32, #tpu.memory_space<vmem>>, %arg5: memref<32x128xi32, #tpu.memory_space<vmem>>, %arg6: memref<4096x16xf32, #tpu.memory_space<vmem>>, %arg7: memref<4096x16xf32, #tpu.memory_space<vmem>>, %arg8: memref<72x1xi32, #tpu.memory_space<vmem>>, %arg9: memref<72x1xi32, #tpu.memory_space<vmem>>) attributes {dimension_semantics = [#tpu.dimension_semantics<arbitrary>], iteration_bounds = array<i64: 1>, scalar_prefetch = 0 : i64, scratch_operands = 0 : i64, tpu.core_type = #tpu.core_type<tc>, window_params = [{pipeline_mode = #tpu.pipeline_mode<synchronous>, transform_indices = @transform_0, window_bounds = array<i64: 4096, 1024>}, {pipeline_mode = #tpu.pipeline_mode<synchronous>, transform_indices = @transform_1, window_bounds = array<i64: 1024, 8>}, {pipeline_mode = #tpu.pipeline_mode<synchronous>, transform_indices = @transform_2, window_bounds = array<i64: 1, 8>}, {pipeline_mode = #tpu.pipeline_mode<synchronous>, transform_indices = @transform_3, window_bounds = array<i64: 32, 128>}, {pipeline_mode = #tpu.pipeline_mode<synchronous>, transform_indices = @transform_4, window_bounds = array<i64: 32, 128>}, {pipeline_mode = #tpu.pipeline_mode<synchronous>, transform_indices = @transform_5, window_bounds = array<i64: 4096, 16>}, {pipeline_mode = #tpu.pipeline_mode<synchronous>, transform_indices = @transform_6, window_bounds = array<i64: 4096, 16>}, {pipeline_mode = #tpu.pipeline_mode<synchronous>, transform_indices = @transform_7, window_bounds = array<i64: 72, 1>}, {pipeline_mode = #tpu.pipeline_mode<synchronous>, transform_indices = @transform_8, window_bounds = array<i64: 72, 1>}]} {
    %get3A = arith.constant 0 : index
    %get3A_0 = arith.constant 0 : index
    %get3A_1 = vector.load %arg1[%get3A, %get3A_0] : memref<4096x1024xf32, #tpu.memory_space<vmem>>, vector<4096x1024xf32>
    %get3A_2 = arith.constant 0 : index
    %get3A_3 = arith.constant 0 : index
    %get3A_4 = vector.load %arg2[%get3A_2, %get3A_3] : memref<1024x8xf32, #tpu.memory_space<vmem>>, vector<1024x8xf32>
    %dot_general3A = arith.constant dense<0.000000e+00> : vector<4096x8xf32>
    %dot_general3A_5 = tpu.matmul %get3A_1, %get3A_4, %dot_general3A {dimension_numbers = #tpu.dot_dimension_numbers<[1], [0], [0], [1], [0, 0, 1, 1], [], []>, transpose_lhs_hint = false} : vector<4096x1024xf32>, vector<1024x8xf32>, vector<4096x8xf32> -> vector<4096x8xf32>
    %get3A_6 = arith.constant 0 : index
    %get3A_7 = arith.constant 0 : index
    %get3A_8 = vector.load %arg3[%get3A_6, %get3A_7] : memref<1x8xf32, #tpu.memory_space<vmem>>, vector<1x8xf32>
    %add3A = vector.broadcast %get3A_8 : vector<1x8xf32> to vector<4096x8xf32>
    %add3A_9 = arith.addf %dot_general3A_5, %add3A : vector<4096x8xf32>
    %iota3A = tpu.iota {dimensions = array<i32: 1>} : vector<4096x8xi32>
    %reduce_max3A = arith.constant dense<0xFF800000> : vector<4096xf32>
    %reduce_max3A_10 = vector.multi_reduction <maximumf>, %add3A_9, %reduce_max3A [1] : vector<4096x8xf32> to vector<4096xf32>
    %broadcast_in_dim3A = vector.shape_cast %reduce_max3A_10 : vector<4096xf32> to vector<4096x1xf32>
    %eq3A = vector.broadcast %broadcast_in_dim3A : vector<4096x1xf32> to vector<4096x8xf32>
    %eq3A_11 = arith.cmpf oeq, %add3A_9, %eq3A : vector<4096x8xf32>
    %jit3A = arith.constant 8 : i32
    %broadcast_in_dim3A_12 = vector.broadcast %jit3A : i32 to vector<4096x8xi32>
    %select_n3A = arith.select %eq3A_11, %iota3A, %broadcast_in_dim3A_12 : vector<4096x8xi1>, vector<4096x8xi32>
    %reduce_min3A = arith.constant dense<2147483647> : vector<4096xi32>
    %reduce_min3A_13 = vector.multi_reduction <minsi>, %select_n3A, %reduce_min3A [1] : vector<4096x8xi32> to vector<4096xi32>
    %broadcast_in_dim3A_14 = vector.shape_cast %reduce_min3A_13 : vector<4096xi32> to vector<4096x1xi32>
    %eq3A_15 = vector.broadcast %broadcast_in_dim3A_14 : vector<4096x1xi32> to vector<4096x8xi32>
    %eq3A_16 = arith.cmpi eq, %iota3A, %eq3A_15 : vector<4096x8xi32>
    %jit3A_17 = arith.constant 0xFF800000 : f32
    %broadcast_in_dim3A_18 = vector.broadcast %jit3A_17 : f32 to vector<4096x8xf32>
    %select_n3A_19 = arith.select %eq3A_16, %broadcast_in_dim3A_18, %add3A_9 : vector<4096x8xi1>, vector<4096x8xf32>
    %reduce_max3A_20 = arith.constant dense<0xFF800000> : vector<4096xf32>
    %reduce_max3A_21 = vector.multi_reduction <maximumf>, %select_n3A_19, %reduce_max3A_20 [1] : vector<4096x8xf32> to vector<4096xf32>
    %broadcast_in_dim3A_22 = vector.shape_cast %reduce_max3A_21 : vector<4096xf32> to vector<4096x1xf32>
    %eq3A_23 = vector.broadcast %broadcast_in_dim3A_22 : vector<4096x1xf32> to vector<4096x8xf32>
    %eq3A_24 = arith.cmpf oeq, %select_n3A_19, %eq3A_23 : vector<4096x8xf32>
    %jit3A_25 = arith.constant 8 : i32
    %broadcast_in_dim3A_26 = vector.broadcast %jit3A_25 : i32 to vector<4096x8xi32>
    %select_n3A_27 = arith.select %eq3A_24, %iota3A, %broadcast_in_dim3A_26 : vector<4096x8xi1>, vector<4096x8xi32>
    %reduce_min3A_28 = arith.constant dense<2147483647> : vector<4096xi32>
    %reduce_min3A_29 = vector.multi_reduction <minsi>, %select_n3A_27, %reduce_min3A_28 [1] : vector<4096x8xi32> to vector<4096xi32>
    %broadcast_in_dim3A_30 = vector.shape_cast %reduce_min3A_29 : vector<4096xi32> to vector<4096x1xi32>
    %sub3A = arith.subf %broadcast_in_dim3A_22, %broadcast_in_dim3A : vector<4096x1xf32>
    %exp3A = math.exp %sub3A : vector<4096x1xf32>
    %add3A_31 = arith.constant 1.000000e+00 : f32
    %add3A_32 = vector.broadcast %add3A_31 : f32 to vector<4096x1xf32>
    %add3A_33 = arith.addf %add3A_32, %exp3A : vector<4096x1xf32>
    %div3A = arith.constant 1.000000e+00 : f32
    %div3A_34 = vector.broadcast %div3A : f32 to vector<4096x1xf32>
    %div3A_35 = arith.divf %div3A_34, %add3A_33 : vector<4096x1xf32>
    %broadcast_in_dim3A_36 = vector.shape_cast %div3A_35 : vector<4096x1xf32> to vector<4096x1xf32>
    %broadcast_in_dim3A_37 = vector.broadcast %broadcast_in_dim3A_36 : vector<4096x1xf32> to vector<4096x16xf32>
    %swap3A = arith.constant 0 : index
    %swap3A_38 = arith.constant 0 : index
    %swap3A_39 = vector.load %arg6[%swap3A, %swap3A_38] : memref<4096x16xf32, #tpu.memory_space<vmem>>, vector<4096x16xf32>
    tpu.vector_store %arg6[%swap3A, %swap3A_38], %broadcast_in_dim3A_37 {strides = array<i32>} : memref<4096x16xf32, #tpu.memory_space<vmem>>, vector<4096x16xf32>,
    %sub3A_40 = arith.constant 1.000000e+00 : f32
    %sub3A_41 = vector.broadcast %sub3A_40 : f32 to vector<4096x1xf32>
    %sub3A_42 = arith.subf %sub3A_41, %div3A_35 : vector<4096x1xf32>
    %broadcast_in_dim3A_43 = vector.shape_cast %sub3A_42 : vector<4096x1xf32> to vector<4096x1xf32>
    %broadcast_in_dim3A_44 = vector.broadcast %broadcast_in_dim3A_43 : vector<4096x1xf32> to vector<4096x16xf32>
    %swap3A_45 = arith.constant 0 : index
    %swap3A_46 = arith.constant 0 : index
    %swap3A_47 = vector.load %arg7[%swap3A_45, %swap3A_46] : memref<4096x16xf32, #tpu.memory_space<vmem>>, vector<4096x16xf32>
    tpu.vector_store %arg7[%swap3A_45, %swap3A_46], %broadcast_in_dim3A_44 {strides = array<i32>} : memref<4096x16xf32, #tpu.memory_space<vmem>>, vector<4096x16xf32>,
    %eq3A_48 = vector.broadcast %broadcast_in_dim3A_14 : vector<4096x1xi32> to vector<4096x8xi32>
    %eq3A_49 = arith.cmpi eq, %iota3A, %eq3A_48 : vector<4096x8xi32>
    %convert_element_type3A = arith.extui %eq3A_49 : vector<4096x8xi1> to vector<4096x8xi32>
    %eq3A_50 = vector.broadcast %broadcast_in_dim3A_30 : vector<4096x1xi32> to vector<4096x8xi32>
    %eq3A_51 = arith.cmpi eq, %iota3A, %eq3A_50 : vector<4096x8xi32>
    %convert_element_type3A_52 = arith.extui %eq3A_51 : vector<4096x8xi1> to vector<4096x8xi32>
    %add3A_53 = arith.addi %convert_element_type3A, %convert_element_type3A_52 : vector<4096x8xi32>
    %broadcast_in_dim3A_54 = arith.constant 0 : i32
    %broadcast_in_dim3A_55 = vector.broadcast %broadcast_in_dim3A_54 : i32 to vector<4096x8xi32>
    %slice3A = vector.extract_strided_slice %broadcast_in_dim3A_55 {offsets = [0, 0], sizes = [1, 8], strides = [1, 1]} : vector<4096x8xi32> to vector<1x8xi32>
    %slice3A_56 = vector.extract_strided_slice %add3A_53 {offsets = [0, 0], sizes = [4095, 8], strides = [1, 1]} : vector<4096x8xi32> to vector<4095x8xi32>
    %concatenate3A = tpu.concatenate %slice3A, %slice3A_56 in 0 : vector<1x8xi32>, vector<4095x8xi32> -> vector<4096x8xi32>
    %add3A_57 = arith.addi %add3A_53, %concatenate3A : vector<4096x8xi32>
    %slice3A_58 = vector.extract_strided_slice %broadcast_in_dim3A_55 {offsets = [0, 0], sizes = [2, 8], strides = [1, 1]} : vector<4096x8xi32> to vector<2x8xi32>
    %slice3A_59 = vector.extract_strided_slice %add3A_57 {offsets = [0, 0], sizes = [4094, 8], strides = [1, 1]} : vector<4096x8xi32> to vector<4094x8xi32>
    %concatenate3A_60 = tpu.concatenate %slice3A_58, %slice3A_59 in 0 : vector<2x8xi32>, vector<4094x8xi32> -> vector<4096x8xi32>
    %add3A_61 = arith.addi %add3A_57, %concatenate3A_60 : vector<4096x8xi32>
    %slice3A_62 = vector.extract_strided_slice %broadcast_in_dim3A_55 {offsets = [0, 0], sizes = [4, 8], strides = [1, 1]} : vector<4096x8xi32> to vector<4x8xi32>
    %slice3A_63 = vector.extract_strided_slice %add3A_61 {offsets = [0, 0], sizes = [4092, 8], strides = [1, 1]} : vector<4096x8xi32> to vector<4092x8xi32>
    %concatenate3A_64 = tpu.concatenate %slice3A_62, %slice3A_63 in 0 : vector<4x8xi32>, vector<4092x8xi32> -> vector<4096x8xi32>
    %add3A_65 = arith.addi %add3A_61, %concatenate3A_64 : vector<4096x8xi32>
    %slice3A_66 = vector.extract_strided_slice %broadcast_in_dim3A_55 {offsets = [0, 0], sizes = [8, 8], strides = [1, 1]} : vector<4096x8xi32> to vector<8x8xi32>
    %slice3A_67 = vector.extract_strided_slice %add3A_65 {offsets = [0, 0], sizes = [4088, 8], strides = [1, 1]} : vector<4096x8xi32> to vector<4088x8xi32>
    %concatenate3A_68 = tpu.concatenate %slice3A_66, %slice3A_67 in 0 : vector<8x8xi32>, vector<4088x8xi32> -> vector<4096x8xi32>
    %add3A_69 = arith.addi %add3A_65, %concatenate3A_68 : vector<4096x8xi32>
    %slice3A_70 = vector.extract_strided_slice %broadcast_in_dim3A_55 {offsets = [0, 0], sizes = [16, 8], strides = [1, 1]} : vector<4096x8xi32> to vector<16x8xi32>
    %slice3A_71 = vector.extract_strided_slice %add3A_69 {offsets = [0, 0], sizes = [4080, 8], strides = [1, 1]} : vector<4096x8xi32> to vector<4080x8xi32>
    %concatenate3A_72 = tpu.concatenate %slice3A_70, %slice3A_71 in 0 : vector<16x8xi32>, vector<4080x8xi32> -> vector<4096x8xi32>
    %add3A_73 = arith.addi %add3A_69, %concatenate3A_72 : vector<4096x8xi32>
    %slice3A_74 = vector.extract_strided_slice %broadcast_in_dim3A_55 {offsets = [0, 0], sizes = [32, 8], strides = [1, 1]} : vector<4096x8xi32> to vector<32x8xi32>
    %slice3A_75 = vector.extract_strided_slice %add3A_73 {offsets = [0, 0], sizes = [4064, 8], strides = [1, 1]} : vector<4096x8xi32> to vector<4064x8xi32>
    %concatenate3A_76 = tpu.concatenate %slice3A_74, %slice3A_75 in 0 : vector<32x8xi32>, vector<4064x8xi32> -> vector<4096x8xi32>
    %add3A_77 = arith.addi %add3A_73, %concatenate3A_76 : vector<4096x8xi32>
    %slice3A_78 = vector.extract_strided_slice %broadcast_in_dim3A_55 {offsets = [0, 0], sizes = [64, 8], strides = [1, 1]} : vector<4096x8xi32> to vector<64x8xi32>
    %slice3A_79 = vector.extract_strided_slice %add3A_77 {offsets = [0, 0], sizes = [4032, 8], strides = [1, 1]} : vector<4096x8xi32> to vector<4032x8xi32>
    %concatenate3A_80 = tpu.concatenate %slice3A_78, %slice3A_79 in 0 : vector<64x8xi32>, vector<4032x8xi32> -> vector<4096x8xi32>
    %add3A_81 = arith.addi %add3A_77, %concatenate3A_80 : vector<4096x8xi32>
    %slice3A_82 = vector.extract_strided_slice %broadcast_in_dim3A_55 {offsets = [0, 0], sizes = [128, 8], strides = [1, 1]} : vector<4096x8xi32> to vector<128x8xi32>
    %slice3A_83 = vector.extract_strided_slice %add3A_81 {offsets = [0, 0], sizes = [3968, 8], strides = [1, 1]} : vector<4096x8xi32> to vector<3968x8xi32>
    %concatenate3A_84 = tpu.concatenate %slice3A_82, %slice3A_83 in 0 : vector<128x8xi32>, vector<3968x8xi32> -> vector<4096x8xi32>
    %add3A_85 = arith.addi %add3A_81, %concatenate3A_84 : vector<4096x8xi32>
    %slice3A_86 = vector.extract_strided_slice %broadcast_in_dim3A_55 {offsets = [0, 0], sizes = [256, 8], strides = [1, 1]} : vector<4096x8xi32> to vector<256x8xi32>
    %slice3A_87 = vector.extract_strided_slice %add3A_85 {offsets = [0, 0], sizes = [3840, 8], strides = [1, 1]} : vector<4096x8xi32> to vector<3840x8xi32>
    %concatenate3A_88 = tpu.concatenate %slice3A_86, %slice3A_87 in 0 : vector<256x8xi32>, vector<3840x8xi32> -> vector<4096x8xi32>
    %add3A_89 = arith.addi %add3A_85, %concatenate3A_88 : vector<4096x8xi32>
    %slice3A_90 = vector.extract_strided_slice %broadcast_in_dim3A_55 {offsets = [0, 0], sizes = [512, 8], strides = [1, 1]} : vector<4096x8xi32> to vector<512x8xi32>
    %slice3A_91 = vector.extract_strided_slice %add3A_89 {offsets = [0, 0], sizes = [3584, 8], strides = [1, 1]} : vector<4096x8xi32> to vector<3584x8xi32>
    %concatenate3A_92 = tpu.concatenate %slice3A_90, %slice3A_91 in 0 : vector<512x8xi32>, vector<3584x8xi32> -> vector<4096x8xi32>
    %add3A_93 = arith.addi %add3A_89, %concatenate3A_92 : vector<4096x8xi32>
    %slice3A_94 = vector.extract_strided_slice %broadcast_in_dim3A_55 {offsets = [0, 0], sizes = [1024, 8], strides = [1, 1]} : vector<4096x8xi32> to vector<1024x8xi32>
    %slice3A_95 = vector.extract_strided_slice %add3A_93 {offsets = [0, 0], sizes = [3072, 8], strides = [1, 1]} : vector<4096x8xi32> to vector<3072x8xi32>
    %concatenate3A_96 = tpu.concatenate %slice3A_94, %slice3A_95 in 0 : vector<1024x8xi32>, vector<3072x8xi32> -> vector<4096x8xi32>
    %add3A_97 = arith.addi %add3A_93, %concatenate3A_96 : vector<4096x8xi32>
    %slice3A_98 = vector.extract_strided_slice %broadcast_in_dim3A_55 {offsets = [0, 0], sizes = [2048, 8], strides = [1, 1]} : vector<4096x8xi32> to vector<2048x8xi32>
    %slice3A_99 = vector.extract_strided_slice %add3A_97 {offsets = [0, 0], sizes = [2048, 8], strides = [1, 1]} : vector<4096x8xi32> to vector<2048x8xi32>
    %concatenate3A_100 = tpu.concatenate %slice3A_98, %slice3A_99 in 0 : vector<2048x8xi32>, vector<2048x8xi32> -> vector<4096x8xi32>
    %add3A_101 = arith.addi %add3A_97, %concatenate3A_100 : vector<4096x8xi32>
    %sub3A_102 = arith.subi %add3A_101, %add3A_53 : vector<4096x8xi32>
    %slice3A_103 = vector.extract_strided_slice %sub3A_102 {offsets = [4095, 0], sizes = [1, 8], strides = [1, 1]} : vector<4096x8xi32> to vector<1x8xi32>
    %slice3A_104 = vector.extract_strided_slice %add3A_53 {offsets = [4095, 0], sizes = [1, 8], strides = [1, 1]} : vector<4096x8xi32> to vector<1x8xi32>
    %add3A_105 = arith.addi %slice3A_103, %slice3A_104 : vector<1x8xi32>
    %add3A_106 = arith.constant 128 : i32
    %add3A_107 = vector.broadcast %add3A_106 : i32 to vector<1x8xi32>
    %add3A_108 = arith.addi %add3A_105, %add3A_107 : vector<1x8xi32>
    %sub3A_109 = arith.constant 1 : i32
    %sub3A_110 = vector.broadcast %sub3A_109 : i32 to vector<1x8xi32>
    %sub3A_111 = arith.subi %add3A_108, %sub3A_110 : vector<1x8xi32>
    %jit3A_112 = arith.constant 128 : i32
    %div3A_113 = vector.broadcast %jit3A_112 : i32 to vector<1x8xi32>
    %div3A_114 = arith.divsi %sub3A_111, %div3A_113 : vector<1x8xi32>
    %sign3A = arith.constant 0 : i32
    %sign3A_115 = vector.broadcast %sign3A : i32 to vector<1x8xi32>
    %sign3A_116 = arith.cmpi sgt, %sub3A_111, %sign3A_115 : vector<1x8xi32>
    %sign3A_117 = arith.extui %sign3A_116 : vector<1x8xi1> to vector<1x8xi32>
    %sign3A_118 = arith.constant 0 : i32
    %sign3A_119 = vector.broadcast %sign3A_118 : i32 to vector<1x8xi32>
    %sign3A_120 = arith.cmpi slt, %sub3A_111, %sign3A_119 : vector<1x8xi32>
    %sign3A_121 = arith.extui %sign3A_120 : vector<1x8xi1> to vector<1x8xi32>
    %sign3A_122 = arith.subi %sign3A_117, %sign3A_121 : vector<1x8xi32>
    %sign3A_123 = arith.constant 0 : i32
    %sign3A_124 = arith.cmpi sgt, %jit3A_112, %sign3A_123 : i32
    %sign3A_125 = arith.extui %sign3A_124 : i1 to i32
    %sign3A_126 = arith.constant 0 : i32
    %sign3A_127 = arith.cmpi slt, %jit3A_112, %sign3A_126 : i32
    %sign3A_128 = arith.extui %sign3A_127 : i1 to i32
    %sign3A_129 = arith.subi %sign3A_125, %sign3A_128 : i32
    %ne3A = vector.broadcast %sign3A_129 : i32 to vector<1x8xi32>
    %ne3A_130 = arith.cmpi ne, %sign3A_122, %ne3A : vector<1x8xi32>
    %rem3A = vector.broadcast %jit3A_112 : i32 to vector<1x8xi32>
    %rem3A_131 = arith.remsi %sub3A_111, %rem3A : vector<1x8xi32>
    %ne3A_132 = arith.constant 0 : i32
    %ne3A_133 = vector.broadcast %ne3A_132 : i32 to vector<1x8xi32>
    %ne3A_134 = arith.cmpi ne, %rem3A_131, %ne3A_133 : vector<1x8xi32>
    %and3A = arith.andi %ne3A_130, %ne3A_134 : vector<1x8xi1>
    %sub3A_135 = arith.constant 1 : i32
    %sub3A_136 = vector.broadcast %sub3A_135 : i32 to vector<1x8xi32>
    %sub3A_137 = arith.subi %div3A_114, %sub3A_136 : vector<1x8xi32>
    %select_n3A_138 = arith.select %and3A, %sub3A_137, %div3A_114 : vector<1x8xi1>, vector<1x8xi32>
    %iota3A_139 = tpu.iota {dimensions = array<i32: 0>} : vector<8x8xi32>
    %iota3A_140 = tpu.iota {dimensions = array<i32: 1>} : vector<8x8xi32>
    %le3A = arith.cmpi sle, %iota3A_139, %iota3A_140 : vector<8x8xi32>
    %convert_element_type3A_141 = arith.extui %le3A : vector<8x8xi1> to vector<8x8xi32>
    %convert_element_type3A_142 = arith.sitofp %convert_element_type3A_141 : vector<8x8xi32> to vector<8x8xf32>
    %convert_element_type3A_143 = arith.sitofp %select_n3A_138 : vector<1x8xi32> to vector<1x8xf32>
    %dot_general3A_144 = arith.constant dense<0.000000e+00> : vector<1x8xf32>
    %dot_general3A_145 = tpu.matmul %convert_element_type3A_143, %convert_element_type3A_142, %dot_general3A_144 {dimension_numbers = #tpu.dot_dimension_numbers<[1], [0], [0], [1], [0, 0, 1, 1], [], []>, transpose_lhs_hint = false} : vector<1x8xf32>, vector<8x8xf32>, vector<1x8xf32> -> vector<1x8xf32>
    %convert_element_type3A_146 = arith.fptosi %dot_general3A_145 : vector<1x8xf32> to vector<1x8xi32>
    %sub3A_147 = arith.subi %convert_element_type3A_146, %select_n3A_138 : vector<1x8xi32>
    %mul3A = arith.constant 128 : i32
    %mul3A_148 = vector.broadcast %mul3A : i32 to vector<1x8xi32>
    %mul3A_149 = arith.muli %sub3A_147, %mul3A_148 : vector<1x8xi32>
    %add3A_150 = vector.broadcast %mul3A_149 : vector<1x8xi32> to vector<4096x8xi32>
    %add3A_151 = arith.addi %add3A_150, %sub3A_102 : vector<4096x8xi32>
    %mul3A_152 = arith.muli %convert_element_type3A, %add3A_151 : vector<4096x8xi32>
    %reduce_sum3A = arith.constant dense<0> : vector<4096xi32>
    %reduce_sum3A_153 = vector.multi_reduction <add>, %mul3A_152, %reduce_sum3A [1] : vector<4096x8xi32> to vector<4096xi32>
    %broadcast_in_dim3A_154 = vector.shape_cast %reduce_sum3A_153 : vector<4096xi32> to vector<4096x1xi32>
    %add3A_155 = vector.broadcast %mul3A_149 : vector<1x8xi32> to vector<4096x8xi32>
    %add3A_156 = arith.addi %add3A_155, %sub3A_102 : vector<4096x8xi32>
    %add3A_157 = arith.addi %add3A_156, %convert_element_type3A : vector<4096x8xi32>
    %mul3A_158 = arith.muli %convert_element_type3A_52, %add3A_157 : vector<4096x8xi32>
    %reduce_sum3A_159 = arith.constant dense<0> : vector<4096xi32>
    %reduce_sum3A_160 = vector.multi_reduction <add>, %mul3A_158, %reduce_sum3A_159 [1] : vector<4096x8xi32> to vector<4096xi32>
    %broadcast_in_dim3A_161 = vector.shape_cast %reduce_sum3A_160 : vector<4096xi32> to vector<4096x1xi32>
    %reshape3A = vector.shape_cast %broadcast_in_dim3A_154 : vector<4096x1xi32> to vector<32x128xi32>
    %swap3A_162 = arith.constant 0 : index
    %swap3A_163 = arith.constant 0 : index
    %swap3A_164 = vector.load %arg4[%swap3A_162, %swap3A_163] : memref<32x128xi32, #tpu.memory_space<vmem>>, vector<32x128xi32>
    tpu.vector_store %arg4[%swap3A_162, %swap3A_163], %reshape3A {strides = array<i32>} : memref<32x128xi32, #tpu.memory_space<vmem>>, vector<32x128xi32>,
    %reshape3A_165 = vector.shape_cast %broadcast_in_dim3A_161 : vector<4096x1xi32> to vector<32x128xi32>
    %swap3A_166 = arith.constant 0 : index
    %swap3A_167 = arith.constant 0 : index
    %swap3A_168 = vector.load %arg5[%swap3A_166, %swap3A_167] : memref<32x128xi32, #tpu.memory_space<vmem>>, vector<32x128xi32>
    tpu.vector_store %arg5[%swap3A_166, %swap3A_167], %reshape3A_165 {strides = array<i32>} : memref<32x128xi32, #tpu.memory_space<vmem>>, vector<32x128xi32>,
    %iota3A_169 = tpu.iota {dimensions = array<i32: 0>} : vector<72x8xi32>
    %broadcast_in_dim3A_170 = vector.shape_cast %convert_element_type3A_146 : vector<1x8xi32> to vector<1x8xi32>
    %broadcast_in_dim3A_171 = vector.broadcast %broadcast_in_dim3A_170 : vector<1x8xi32> to vector<72x8xi32>
    %le3A_172 = arith.cmpi sle, %broadcast_in_dim3A_171, %iota3A_169 : vector<72x8xi32>
    %convert_element_type3A_173 = arith.extui %le3A_172 : vector<72x8xi1> to vector<72x8xi32>
    %reduce_sum3A_174 = arith.constant dense<0> : vector<72xi32>
    %reduce_sum3A_175 = vector.multi_reduction <add>, %convert_element_type3A_173, %reduce_sum3A_174 [1] : vector<72x8xi32> to vector<72xi32>
    %broadcast_in_dim3A_176 = vector.shape_cast %reduce_sum3A_175 : vector<72xi32> to vector<72x1xi32>
    %min3A = arith.constant 7 : i32
    %min3A_177 = vector.broadcast %min3A : i32 to vector<72x1xi32>
    %min3A_178 = arith.minsi %broadcast_in_dim3A_176, %min3A_177 : vector<72x1xi32>
    %swap3A_179 = arith.constant 0 : index
    %swap3A_180 = arith.constant 0 : index
    %swap3A_181 = vector.load %arg8[%swap3A_179, %swap3A_180] : memref<72x1xi32, #tpu.memory_space<vmem>>, vector<72x1xi32>
    tpu.vector_store %arg8[%swap3A_179, %swap3A_180], %min3A_178 {strides = array<i32>} : memref<72x1xi32, #tpu.memory_space<vmem>>, vector<72x1xi32>,
    %slice3A_182 = vector.extract_strided_slice %iota3A_169 {offsets = [0, 0], sizes = [72, 1], strides = [1, 1]} : vector<72x8xi32> to vector<72x1xi32>
    %slice3A_183 = vector.extract_strided_slice %convert_element_type3A_146 {offsets = [0, 7], sizes = [1, 1], strides = [1, 1]} : vector<1x8xi32> to vector<1x1xi32>
    %squeeze3A = vector.extract %slice3A_183[0, 0] : i32 from vector<1x1xi32>
    %lt3A = vector.broadcast %squeeze3A : i32 to vector<72x1xi32>
    %lt3A_184 = arith.cmpi slt, %slice3A_182, %lt3A : vector<72x1xi32>
    %convert_element_type3A_185 = arith.extui %lt3A_184 : vector<72x1xi1> to vector<72x1xi32>
    %swap3A_186 = arith.constant 0 : index
    %swap3A_187 = arith.constant 0 : index
    %swap3A_188 = vector.load %arg9[%swap3A_186, %swap3A_187] : memref<72x1xi32, #tpu.memory_space<vmem>>, vector<72x1xi32>
    tpu.vector_store %arg9[%swap3A_186, %swap3A_187], %convert_element_type3A_185 {strides = array<i32>} : memref<72x1xi32, #tpu.memory_space<vmem>>, vector<72x1xi32>,
    return
  }
  func.func @transform_0(%arg0: i32) -> (i32, i32) {
    %c0_i32 = arith.constant 0 : i32
    %c0_i32_0 = arith.constant 0 : i32
    %c0_i32_1 = arith.constant 0 : i32
    return %c0_i32, %c0_i32_0 : i32, i32
  }
  func.func @transform_1(%arg0: i32) -> (i32, i32) {
    %c0_i32 = arith.constant 0 : i32
    %c0_i32_0 = arith.constant 0 : i32
    %c0_i32_1 = arith.constant 0 : i32
    return %c0_i32, %c0_i32_0 : i32, i32
  }
  func.func @transform_2(%arg0: i32) -> (i32, i32) {
    %c0_i32 = arith.constant 0 : i32
    %c0_i32_0 = arith.constant 0 : i32
    %c0_i32_1 = arith.constant 0 : i32
    return %c0_i32, %c0_i32_0 : i32, i32
  }
  func.func @transform_3(%arg0: i32) -> (i32, i32) {
    %c0_i32 = arith.constant 0 : i32
    %c0_i32_0 = arith.constant 0 : i32
    %c0_i32_1 = arith.constant 0 : i32
    return %c0_i32, %c0_i32_0 : i32, i32
  }
  func.func @transform_4(%arg0: i32) -> (i32, i32) {
    %c0_i32 = arith.constant 0 : i32
    %c0_i32_0 = arith.constant 0 : i32
    %c0_i32_1 = arith.constant 0 : i32
    return %c0_i32, %c0_i32_0 : i32, i32
  }
  func.func @transform_5(%arg0: i32) -> (i32, i32) {
    %c0_i32 = arith.constant 0 : i32
    %c0_i32_0 = arith.constant 0 : i32
    %c0_i32_1 = arith.constant 0 : i32
    return %c0_i32, %c0_i32_0 : i32, i32
  }
  func.func @transform_6(%arg0: i32) -> (i32, i32) {
    %c0_i32 = arith.constant 0 : i32
    %c0_i32_0 = arith.constant 0 : i32
    %c0_i32_1 = arith.constant 0 : i32
    return %c0_i32, %c0_i32_0 : i32, i32
  }
  func.func @transform_7(%arg0: i32) -> (i32, i32) {
    %c0_i32 = arith.constant 0 : i32
    %c0_i32_0 = arith.constant 0 : i32
    %c0_i32_1 = arith.constant 0 : i32
    return %c0_i32, %c0_i32_0 : i32, i32
  }
  func.func @transform_8(%arg0: i32) -> (i32, i32) {
    %c0_i32 = arith.constant 0 : i32
    %c0_i32_0 = arith.constant 0 : i32
    %c0_i32_1 = arith.constant 0 : i32
    return %c0_i32, %c0_i32_0 : i32, i32
  }
}

</mosaic_0001>

<sc_bundles>
// kernel: kernel.6.cloned.1.call-start
scs
__scs_entry_jumppad:
0x0: {  	(pc) =	sbr.rel $0x88, $3  }
0x1: {  	(tag) =	ssettag $0x0;
	lr =	simm.s32 $0x1  }
0x2: {  	[smem:$0x3F9C] =	sst lr;
	_ =	strace $0xD0000000  }
0x3: {  	_ = 	snop  }
0x4: {  	_ = 	snop  }
0x5: {  	_ = 	snop  }
0x6: {  	_ = 	snop  }
0x7: {  	_ = 	snop  }
__scs_overlays_trampoline_lowered:
0x8: {  	[smem:$0x3FAB] =	sst s0  }
0x9: {  	[smem:$0x3FAC] =	sst s1  }
0xa: {  	[smem:$0x3FAD] =	sst s2  }
0xb: {  	[smem:$0x3FAE] =	sst s3  }
0xc: {  	[smem:$0x3FAF] =	sst s4  }
0xd: {  	[smem:$0x3FB0] =	sst s5  }
0xe: {  	[smem:$0x3FB1] =	sst s6  }
0xf: {  	[smem:$0x3FB2] =	sst s7  }
0x10: {  	[smem:$0x3FB3] =	sst s8  }
0x11: {  	[smem:$0x3FB4] =	sst s9;
	s0 =	simm.s32 @!p0 $0x0  }
0x12: {  	s1 =	sld [smem:$0x3F9A];
	s0 =	simm.s32 @p0 $0x1  }
0x13: {  	[smem:$0x3FB5] =	sst s0;
	s0 =	simm.s32 @!p1 $0x0  }
0x14: {  	s2 =	sld [smem:$0x3F99];
	s0 =	simm.s32 @p1 $0x1  }
0x15: {  	[smem:$0x3FB6] =	sst s0;
	s0 =	simm.s32 @!p2 $0x0  }
0x16: {  	s3 =	sld [smem:$0x3FDB];
	s0 =	simm.s32 @p2 $0x1  }
0x17: {  	s4 =	simm.s32 $0x1BF5;
	[smem:$0x3FB8] =	sst s0  }
0x18: {  	s0 =	sld [smem:$0x3F9B];
	_ =	swait.ge [sflag:s4], $0x0  }
0x19: {  	s7 =	sld [smem:$0x3F9C]  }
0x1a: {  	s8 =	sadd.s32 $0xFFFFE003, lr  }
0x1b: {  	s9 =	sadd.s32 $0xFFFFFEF7, lr;
	s5 =	simm.s32 $0xFFFFFFFF;
	p2 =	slt.u32 s8, $0xFFFFF086  }
0x1c: {  	p1 =	slt.u32 s9, $0xF7A;
	s5 =	simm.s32 @!p2 $0x0  }
0x1d: {  	s5 =	simm.s32 @p1 $0x1;
	p0 =	seq.s32 s7, s2  }
0x1e: {  	s7 =	smul.u32 @!p0 $0xF7A, s2;
	p2 =	seq.s32 @!p0 s5, $0x0  }
0x1f: {  	s9 =	smul.u32 $0xF7A, s1;
	s8 =	simm.s32 @!p0 $0x1BF5;
	p2 =	por !p2, p0  }
0x20: {  	[sflag:s8] =	ssyncset.s32 @!p0 $0xFFFFF086;
	s6 =	sadd.s32 @!p0 s3, s7;
	s7 =	simm.s32 @!p0 $0x108  }
0x21: {  	s3 =	sadd.s32 s3, s9;
	s6 =	sadd.s32 @!p0 $0x88, s6;
	s7 =	simm.s32 @p2 $0x1082  }
0x22: {  	[simem:s7], [sflag:s8] =	dma.local @!p0 [hbm:s6], $0xF7A  }
0x23: {  	s9 =	sor.u32 $0xD0000000, s2;
	s6 =	simm.s32 $0x108;
	_ =	swait.ge @!p0 [sflag:s8], $0x0  }
0x24: {  	s3 =	sadd.s32 $0x88, s3;
	s6 =	simm.s32 @!p1 $0x1082;
	[sflag:s4] =	ssyncset.s32 $0xFFFFF086  }
0x25: {  	[simem:s6], [sflag:s4] =	dma.local [hbm:s3], $0xF7A  }
0x26: {  	[smem:$0x3F9C] =	sst s1;
	(tag) =	ssettag s2;
	_ =	strace s9  }
0x27: {  	s1 =	sld [smem:$0x3FAC]  }
0x28: {  	s2 =	sld [smem:$0x3FAD]  }
0x29: {  	s4 =	sld [smem:$0x3FAF]  }
0x2a: {  	p0 =	seq.s32 s5, $0x0;
	s5 =	sld [smem:$0x3FB0]  }
0x2b: {  	s6 =	sld [smem:$0x3FB1]  }
0x2c: {  	s7 =	sld [smem:$0x3FB2]  }
0x2d: {  	s3 =	simm.s32 $0x108;
	s8 =	sld [smem:$0x3FB3]  }
0x2e: {  	s3 =	simm.s32 @!p0 $0x1082;
	s9 =	sld [smem:$0x3FB4]  }
0x2f: {  	lr =	sadd.s32 s0, s3;
	s0 =	sld [smem:$0x3FAB]  }
0x30: {  	s3 =	sld [smem:$0x3FAE]  }
0x31: {  	[smem:$0x3FB7] =	sst s10  }
0x32: {  	s10 =	sld [smem:$0x3FB5];
	_ =	sdelay $0x3  }
0x33: {  	p0 =	seq.s32 s10, $0x1;
	s10 =	sld [smem:$0x3FB7];
	_ =	sdelay $0x3  }
0x34: {  	[smem:$0x3FB7] =	sst s10  }
0x35: {  	s10 =	sld [smem:$0x3FB6];
	_ =	sdelay $0x3  }
0x36: {  	p1 =	seq.s32 s10, $0x1;
	s10 =	sld [smem:$0x3FB7];
	_ =	sdelay $0x3  }
0x37: {  	[smem:$0x3FB7] =	sst s10  }
0x38: {  	s10 =	sld [smem:$0x3FB8]  }
0x39: {  	_ = 	snop;
	(pc) =	sbr.ind lr, $3  }
0x3a: {  	_ = 	snop  }
0x3b: {  	_ = 	snop  }
0x3c: {  	p2 =	seq.s32 s10, $0x1;
	s10 =	sld [smem:$0x3FB7]  }
0x3d: {  	_ =	shalt  }
0x3e: {  	_ =	shalt  }
0x3f: {  	_ =	shalt  }
0x40: {  	_ =	shalt  }
0x41: {  	_ =	shalt  }
0x42: {  	_ =	shalt  }
0x43: {  	_ =	shalt  }
0x44: {  	_ =	shalt  }
0x45: {  	_ =	shalt  }
0x46: {  	_ =	shalt  }
0x47: {  	_ =	shalt  }
0x48: {  	_ =	shalt  }
0x49: {  	_ =	shalt  }
0x4a: {  	_ =	shalt  }
0x4b: {  	_ =	shalt  }
0x4c: {  	_ =	shalt  }
0x4d: {  	_ =	shalt  }
0x4e: {  	_ =	shalt  }
0x4f: {  	_ =	shalt  }
0x50: {  	_ =	shalt  }
0x51: {  	_ =	shalt  }
0x52: {  	_ =	shalt  }
0x53: {  	_ =	shalt  }
0x54: {  	_ =	shalt  }
0x55: {  	_ =	shalt  }
0x56: {  	_ =	shalt  }
0x57: {  	_ =	shalt  }
0x58: {  	_ =	shalt  }
0x59: {  	_ =	shalt  }
0x5a: {  	_ =	shalt  }
0x5b: {  	_ =	shalt  }
0x5c: {  	_ =	shalt  }
0x5d: {  	_ =	shalt  }
0x5e: {  	_ =	shalt  }
0x5f: {  	_ =	shalt  }
0x60: {  	_ =	shalt  }
0x61: {  	_ =	shalt  }
0x62: {  	_ =	shalt  }
0x63: {  	_ =	shalt  }
0x64: {  	_ =	shalt  }
0x65: {  	_ =	shalt  }
0x66: {  	_ =	shalt  }
0x67: {  	_ =	shalt  }
0x68: {  	_ =	shalt  }
0x69: {  	_ =	shalt  }
0x6a: {  	_ =	shalt  }
0x6b: {  	_ =	shalt  }
0x6c: {  	_ =	shalt  }
0x6d: {  	_ =	shalt  }
0x6e: {  	_ =	shalt  }
0x6f: {  	_ =	shalt  }
0x70: {  	_ =	shalt  }
0x71: {  	_ =	shalt  }
0x72: {  	_ =	shalt  }
0x73: {  	_ =	shalt  }
0x74: {  	_ =	shalt  }
0x75: {  	_ =	shalt  }
0x76: {  	_ =	shalt  }
0x77: {  	_ =	shalt  }
0x78: {  	_ =	shalt  }
0x79: {  	_ =	shalt  }
0x7a: {  	_ =	shalt  }
0x7b: {  	_ =	shalt  }
0x7c: {  	_ =	shalt  }
0x7d: {  	_ =	shalt  }
0x7e: {  	_ =	shalt  }
0x7f: {  	_ =	shalt  }
0x80: {  	_ =	shalt  }
0x81: {  	_ =	shalt  }
0x82: {  	_ =	shalt  }
0x83: {  	_ =	shalt  }
0x84: {  	_ =	shalt  }
0x85: {  	_ =	shalt  }
0x86: {  	_ =	shalt  }
0x87: {  	_ =	shalt  }
.Lfunc_end0:
.L_simem_size_0:
called_computation_lowered:
.L_overlay_start_0:
0x88: {  	s2 =	sld [smem:$0x3FD9]  }
0x89: {  	s3 =	sld [smem:$0x3FFE];
	_ =	sdelay $0x1  }
0x8a: {  	s1 =	srdreg.scid  }
0x8b: {  	s0 =	sand.u32 $0x1, s1  }
0x8c: {  	s17 =	sshll.u32 s0, $0xA;
	s2 =	sadd.s32 s3, s2  }
0x8d: {  	s2 =	sadd.s32 s2, s17  }
0x8e: {  	[smem:$0x3FC3] =	sst s2  }
0x8f: {  	_ = 	snop  }
0x90: {  	s2 =	sld [smem:$0x3FC9];
	(tm) =	ssettm $0x1  }
0x91: {  	s18 =	sld [smem:$0x3FFB];
	_ =	sdelay $0x3  }
0x92: {  	_ =	strace s18  }
0x93: {  	s3 =	sld [smem:$0x3FFC];
	_ =	sdelay $0x3  }
0x94: {  	_ =	strace s3  }
0x95: {  	s3 =	sld [smem:$0x3FFD];
	_ =	sdelay $0x3  }
0x96: {  	_ =	strace s3  }
0x97: {  	_ =	strace $0x8FFFFFFF  }
0x98: {  	s19 =	sld [smem:$0x3FDB];
	_ =	sdelay $0x1  }
0x99: {  	s4 =	simm.s32 $_scs_section_size  }
0x9a: {  	s5 =	simm.s32 $_size__tile_overlayer_lowered;
	s6 =	simm.s32 $_tile_overlayer_lowered  }
0x9b: {  	s22 =	simm.s32 $0x1BFF;
	s21 =	sshll.u32 s6, $0x1;
	s3 =	sadd.s32 s4, s19  }
0x9c: {  	s7 =	simm.s32 $0x0;
	s20 =	sshll.u32 s5, $0x1;
	s5 =	sadd.s32 s21, s3  }
0x9d: {  	[timem:s7], [sflag:s22] =	dma.local [hbm:s5], s20  }
0x9e: {  	_ =	swait.ge [sflag:s22], s20  }
0x9f: {  	s4 =	ssub.s32 $0x0, s20;
	[sflag:s22] =	ssyncset.done $0x0  }
0xa0: {  	[sflag:s22] =	ssyncadd.s32 s4;
	_ =	sdelay $0x1  }
0xa1: {  	s23 =	simm.s32 $0x1B8B  }
0xa2: {  	_ =	swait.ge [sflag:s23], $0x1  }
0xa3: {  	[sflag:s23] =	ssyncset.done $0x0  }
0xa4: {  	s25 =	simm.s32 $0x1B8E;
	s24 =	sld [smem:$0x3FFE];
	[sflag:s23] =	ssyncadd.s32 $0xFFFFFFFF  }
0xa5: {  	s26 =	simm.s32 $execute0_lowered;
	[smem:$0x3FD2] =	sst s25  }
0xa6: {  	s5 =	sshll.u32 s26, $0x1;
	_ =	strace $0x80000046;
	[dreg:$0x1] =	wrdreg $0xFFFFFFFF  }
0xa7: {  	s28 =	simm.s32 $_size_execute0_lowered;
	s3 =	sadd.s32 s3, s5;
	[dreg:$0x0] =	wrdreg $0x0  }
0xa8: {  	s5 =	sshll.u32 s28, $0x1;
	[dreg:$0x2] =	wrdreg s3  }
0xa9: {  	[dreg:$0x3] =	wrdreg s5  }
0xaa: {  	[dreg:$0x4] =	wrdreg $0xC0  }
0xab: {  	_ =	task [dreg:s7], $0x5FFFF  }
0xac: {  	[dreg:$0x1] =	wrdreg $0xFFFFFFFF  }
0xad: {  	[dreg:$0x0] =	wrdreg $0x60  }
0xae: {  	[dreg:$0x2] =	wrdreg s2  }
0xaf: {  	[dreg:$0x3] =	wrdreg s24  }
0xb0: {  	[dreg:$0x4] =	wrdreg $0x9  }
0xb1: {  	_ =	task.clear_ibuf [dreg:s7], $0x5FFFF;
	_ =	strace $0x90000046  }
0xb2: {  	s29 =	simm.s32 $0x9;
	_ =	strace $0x80000048  }
0xb3: {  	_ =	swait.ge [sflag:s29], $0x1  }
0xb4: {  	[sflag:s29] =	ssyncadd.s32 $0xFFFFFFFF  }
0xb5: {  	_ =	strace $0x90000048  }
0xb6: {  	_ =	sfence  }
0xb7: {  	s30 =	sld [smem:$0x0];
	_ =	sdelay $0x2  }
0xb8: {  	s31 =	sshll.u32 s1, $0xD;
	s1 =	sshrl.u32 s1, $0x2  }
0xb9: {  	s3 =	sand.u32 $0x4000, s31;
	s1 =	sadd.s32 s1, s30  }
0xba: {  	s0 =	sor.u32 s3, s0;
	s1 =	sshll.u32 s1, $0x11  }
0xbb: {  	s0 =	sor.u32 s1, s0  }
0xbc: {  	s0 =	sadd.s32 $0x8F2B, s0  }
0xbd: {  	[sflag:s0] =	ssyncadd.remote.s32 $0x1  }
0xbe: {  	_ =	sfence.sel $0xFFFF  }
0xbf: {  	[dreg:$0x0] =	wrdreg $0xFFFFFFFF;
	(pc) =	sbr.abs _section_cstart, $3  }
0xc0: {  	[dreg:$0x1] =	wrdreg $0xFFFFFFFF  }
0xc1: {  	_ =	task.clear_ibuf [dreg:s7], $0x2FFFF;
	_ =	strace $0x9FFFFFFF  }
0xc2: {  	(tm) =	ssettm $0x7FFFFFFF  }
0xc3: {  	_ =	shalt  }
tec
execute0_lowered:
.L_overlay_start_1:
0x0: {  	(tag) =	ssettag $0x1  }
0x1: {  	s0 =	rddreg [dreg:$0x0]  }
0x2: {  	s1 =	rddreg [dreg:$0x1];
	s2 =	simm.s32 $0x0  }
0x3: {  	s3 =	srdreg.scid;
	s5 =	stileid.u32;
	s31 =	simm.s32 $0x2  }
0x4: {  	s28 =	simm.s32 $0xAA00;
	s4 =	sand.u32 $0x1, s3;
	s14 =	sshll.u32 s5, $0x1  }
0x5: {  	s29 =	simm.s32 $0xB200;
	[smem:$0x7FF] =	sst s2;
	s5 =	sor.u32 s4, s14  }
0x6: {  	s6 =	sadd.s32 $0xE00, s1;
	s7 =	sadd.s32 $0x1000, s1;
	s8 =	sshll.u32 s5, $0x4  }
0x7: {  	s3 =	sadd.s32 $0x21200, s1;
	_ =	strace $0x80000047;
	s9 =	sadd.s32 s6, s8  }
0x8: {  	s5 =	sshll.u32 s5, $0xE;
	s15 =	sadd.s32 s7, s8;
	[dreg:$0x3] =	wrdreg s9  }
0x9: {  	s10 =	sor.u32 $0x4, s8;
	s11 =	sadd.s32 s0, s5;
	[dreg:$0x4] =	wrdreg s15  }
0xa: {  	s4 =	ssub.s32 $0x2, s4;
	s16 =	sadd.s32 s6, s10;
	[dreg:$0xe] =	wrdreg s11  }
0xb: {  	s14 =	simm.s32 $0x1;
	s17 =	sadd.s32 s7, s10;
	[dreg:$0x5] =	wrdreg s16  }
0xc: {  	s19 =	sor.u32 $0x8, s8;
	s18 =	sadd.s32 $0x1000, s11;
	[dreg:$0x6] =	wrdreg s17  }
0xd: {  	s20 =	sshrl.u32 s4, $0x1;
	s21 =	sadd.s32 s6, s19;
	[dreg:$0x7] =	wrdreg s18  }
0xe: {  	s4 =	ssub.s32 s4, s20;
	s22 =	sadd.s32 s7, s19;
	[dreg:$0x8] =	wrdreg s21  }
0xf: {  	s8 =	sor.u32 $0xC, s8;
	s23 =	sadd.s32 $0x2000, s11;
	[dreg:$0x9] =	wrdreg s22  }
0x10: {  	s5 =	sadd.s32 $0x21300, s1;
	s24 =	sadd.s32 s6, s8;
	[dreg:$0xa] =	wrdreg s23  }
0x11: {  	v2 =	vlaneseq.u32;
	s6 =	sadd.s32 $0x21400, s1;
	s25 =	sadd.s32 s7, s8;
	[dreg:$0xb] =	wrdreg s24  }
0x12: {  	vm0 =	vmmov $0xffff;
	v1 =	vshrl.u32 v2, $0x3;
	s7 =	sadd.s32 $0x21500, s1;
	s26 =	sadd.s32 $0x3000, s11;
	[dreg:$0xc] =	wrdreg s25  }
0x13: {  	v0 =	vand.u32 $0x7, v2;
	v2 =	vor.u32 $0x8, v2;
	v1 =	vmul.u32 $0x8, v1;
	s30 =	smax.u32 s4, $0x1;
	[dreg:$0xd] =	wrdreg s26;
	s23 =	simm.s32 $0x200  }
.LBB2_1:
0x14: {  	s24 =	rddreg [dreg:$0x3]  }
0x15: {  	[tilespmem:s2], [sflag:$0x1] =	stream.linear.gather [hbm4b:s24+s2], $0x20, $0x38;
	[tilespmem:$0x10200] =	vst v63  }
0x16: {  	s25 =	rddreg [dreg:$0x4];
	s26 =	simm.s32 $0x100  }
0x17: {  	[tilespmem:s26], [sflag:$0x1] =	stream.linear.gather [hbm4b:s25+s2], $0x20, $0x38;
	[tilespmem:$0x10200] =	vst v63  }
0x18: {  	s10 =	rddreg [dreg:$0xe]  }
0x19: {  	[tilespmem:s23], [sflag:$0x1] =	stream.linear.gather [hbm4b:s10+s2], $0x8000, $0x38;
	[tilespmem:$0x10200] =	vst v63  }
0x1a: {  	s9 =	rddreg [dreg:$0x5];
	s0 =	simm.s32 $0x80  }
0x1b: {  	[tilespmem:s0], [sflag:$0x1] =	stream.linear.gather [hbm4b:s9+s2], $0x20, $0x38;
	[tilespmem:$0x10200] =	vst v63  }
0x1c: {  	s11 =	rddreg [dreg:$0x6];
	s13 =	simm.s32 $0x180  }
0x1d: {  	[tilespmem:s13], [sflag:$0x1] =	stream.linear.gather [hbm4b:s11+s2], $0x20, $0x38;
	[tilespmem:$0x10200] =	vst v63  }
0x1e: {  	s12 =	rddreg [dreg:$0x7];
	s15 =	simm.s32 $0x8200  }
0x1f: {  	[tilespmem:s15], [sflag:$0x1] =	stream.linear.gather [hbm4b:s12+s2], $0x8000, $0x38;
	[tilespmem:$0x10200] =	vst v63  }
0x20: {  	_ =	swait.ge [sflag:s14], $0x20  }
0x21: {  	[sflag:s14] =	ssyncset.done $0x0  }
0x22: {  	[sflag:s14] =	ssyncadd.s32 $0xFFFFFFE0  }
0x23: {  	_ =	swait.ge [sflag:s14], $0x20  }
0x24: {  	[sflag:s14] =	ssyncset.done $0x0  }
0x25: {  	[sflag:s14] =	ssyncadd.s32 $0xFFFFFFE0  }
0x26: {  	_ =	swait.ge [sflag:s14], $0x8000  }
0x27: {  	[sflag:s14] =	ssyncset.done $0x0  }
0x28: {  	[sflag:s14] =	ssyncadd.s32 $0xFFFF8000  }
0x29: {  	v3 =	vld [tilespmem:$0x0];
	_ =	sdelay $0x4  }
0x2a: {  	v4 =	vshll.u32 v3, $0x3  }
0x2b: {  	v3 =	vand.u32 $0x7, v3;
	v4 =	vand.u32 $0xFFFFFFC0, v4  }
0x2c: {  	v3 =	vor.u32 v3, v4  }
0x2d: {  	v4 =	vperm.xlane v3, v0;
	_ =	sdelay $0x1  }
0x2e: {  	v4 =	vadd.s32 v1, v4;
	_ =	sdelay $0x4  }
0x2f: {  	[hbm4b:s3+s2] =	stream.indirect_vreg.scatter [tilespmem:s23], [sflag:$0x2], $0x80, v4, vm0, $0xb8;
	[tilespmem:$0x10200] =	vst v63  }
0x30: {  	s16 =	simm.s32 $0xA00;
	v3 =	vperm.xlane v3, v2  }
0x31: {  	[hbm4b:s5+s2] =	stream.indirect_vreg.scatter [tilespmem:s16], [sflag:$0x2], $0x80, v4, vm0, $0xb8;
	[tilespmem:$0x10200] =	vst v63  }
0x32: {  	s17 =	simm.s32 $0x1200;
	v3 =	vadd.s32 v1, v3  }
0x33: {  	[hbm4b:s6+s2] =	stream.indirect_vreg.scatter [tilespmem:s17], [sflag:$0x2], $0x80, v4, vm0, $0xb8;
	[tilespmem:$0x10200] =	vst v63  }
0x34: {  	s18 =	simm.s32 $0x1A00  }
0x35: {  	[hbm4b:s7+s2] =	stream.indirect_vreg.scatter [tilespmem:s18], [sflag:$0x2], $0x80, v4, vm0, $0xb8;
	[tilespmem:$0x10200] =	vst v63  }
0x36: {  	s19 =	simm.s32 $0x2200  }
0x37: {  	[hbm4b:s3+s2] =	stream.indirect_vreg.scatter [tilespmem:s19], [sflag:$0x2], $0x80, v3, vm0, $0xb8;
	[tilespmem:$0x10200] =	vst v63  }
0x38: {  	s24 =	simm.s32 $0x2A00  }
0x39: {  	[hbm4b:s5+s2] =	stream.indirect_vreg.scatter [tilespmem:s24], [sflag:$0x2], $0x80, v3, vm0, $0xb8;
	[tilespmem:$0x10200] =	vst v63  }
0x3a: {  	s25 =	simm.s32 $0x3200  }
0x3b: {  	[hbm4b:s6+s2] =	stream.indirect_vreg.scatter [tilespmem:s25], [sflag:$0x2], $0x80, v3, vm0, $0xb8;
	[tilespmem:$0x10200] =	vst v63  }
0x3c: {  	s8 =	simm.s32 $0x3A00  }
0x3d: {  	[hbm4b:s7+s2] =	stream.indirect_vreg.scatter [tilespmem:s8], [sflag:$0x2], $0x80, v3, vm0, $0xb8;
	[tilespmem:$0x10200] =	vst v63  }
0x3e: {  	v3 =	vld [tilespmem:$0x10];
	_ =	sdelay $0x4  }
0x3f: {  	v49 =	vshll.u32 v3, $0x3  }
0x40: {  	v3 =	vand.u32 $0x7, v3;
	v4 =	vand.u32 $0xFFFFFFC0, v49  }
0x41: {  	v3 =	vor.u32 v3, v4  }
0x42: {  	v4 =	vperm.xlane v3, v0;
	_ =	sdelay $0x1  }
0x43: {  	v4 =	vadd.s32 v1, v4;
	_ =	sdelay $0x3  }
0x44: {  	s10 =	simm.s32 $0x4200  }
0x45: {  	[hbm4b:s3+s2] =	stream.indirect_vreg.scatter [tilespmem:s10], [sflag:$0x2], $0x80, v4, vm0, $0xb8;
	[tilespmem:$0x10200] =	vst v63  }
0x46: {  	s11 =	simm.s32 $0x4A00;
	v3 =	vperm.xlane v3, v2  }
0x47: {  	[hbm4b:s5+s2] =	stream.indirect_vreg.scatter [tilespmem:s11], [sflag:$0x2], $0x80, v4, vm0, $0xb8;
	[tilespmem:$0x10200] =	vst v63  }
0x48: {  	s12 =	simm.s32 $0x5200;
	v3 =	vadd.s32 v1, v3  }
0x49: {  	[hbm4b:s6+s2] =	stream.indirect_vreg.scatter [tilespmem:s12], [sflag:$0x2], $0x80, v4, vm0, $0xb8;
	[tilespmem:$0x10200] =	vst v63  }
0x4a: {  	s13 =	simm.s32 $0x5A00  }
0x4b: {  	[hbm4b:s7+s2] =	stream.indirect_vreg.scatter [tilespmem:s13], [sflag:$0x2], $0x80, v4, vm0, $0xb8;
	[tilespmem:$0x10200] =	vst v63  }
0x4c: {  	s15 =	simm.s32 $0x6200  }
0x4d: {  	[hbm4b:s3+s2] =	stream.indirect_vreg.scatter [tilespmem:s15], [sflag:$0x2], $0x80, v3, vm0, $0xb8;
	[tilespmem:$0x10200] =	vst v63  }
0x4e: {  	s19 =	simm.s32 $0x6A00  }
0x4f: {  	[hbm4b:s5+s2] =	stream.indirect_vreg.scatter [tilespmem:s19], [sflag:$0x2], $0x80, v3, vm0, $0xb8;
	[tilespmem:$0x10200] =	vst v63  }
0x50: {  	s24 =	simm.s32 $0x7200  }
0x51: {  	[hbm4b:s6+s2] =	stream.indirect_vreg.scatter [tilespmem:s24], [sflag:$0x2], $0x80, v3, vm0, $0xb8;
	[tilespmem:$0x10200] =	vst v63  }
0x52: {  	s19 =	simm.s32 $0x7A00  }
0x53: {  	[hbm4b:s7+s2] =	stream.indirect_vreg.scatter [tilespmem:s19], [sflag:$0x2], $0x80, v3, vm0, $0xb8;
	[tilespmem:$0x10200] =	vst v63  }
0x54: {  	v3 =	vld [tilespmem:$0x100];
	_ =	sdelay $0x4  }
0x55: {  	v50 =	vshll.u32 v3, $0x3  }
0x56: {  	v3 =	vand.u32 $0x7, v3;
	v4 =	vand.u32 $0xFFFFFFC0, v50  }
0x57: {  	v3 =	vor.u32 v3, v4  }
0x58: {  	v4 =	vperm.xlane v3, v0;
	_ =	sdelay $0x1  }
0x59: {  	v4 =	vadd.s32 v1, v4;
	_ =	sdelay $0x4  }
0x5a: {  	[hbm4b:s3+s2] =	stream.indirect_vreg.scatter [tilespmem:s23], [sflag:$0x2], $0x80, v4, vm0, $0xb8;
	[tilespmem:$0x10200] =	vst v63  }
0x5b: {  	s22 =	simm.s32 $0xA00;
	v3 =	vperm.xlane v3, v2  }
0x5c: {  	[hbm4b:s5+s2] =	stream.indirect_vreg.scatter [tilespmem:s22], [sflag:$0x2], $0x80, v4, vm0, $0xb8;
	[tilespmem:$0x10200] =	vst v63  }
0x5d: {  	s20 =	simm.s32 $0x1200;
	v3 =	vadd.s32 v1, v3  }
0x5e: {  	[hbm4b:s6+s2] =	stream.indirect_vreg.scatter [tilespmem:s20], [sflag:$0x2], $0x80, v4, vm0, $0xb8;
	[tilespmem:$0x10200] =	vst v63  }
0x5f: {  	s21 =	simm.s32 $0x1A00  }
0x60: {  	[hbm4b:s7+s2] =	stream.indirect_vreg.scatter [tilespmem:s21], [sflag:$0x2], $0x80, v4, vm0, $0xb8;
	[tilespmem:$0x10200] =	vst v63  }
0x61: {  	s1 =	simm.s32 $0x2200  }
0x62: {  	[hbm4b:s3+s2] =	stream.indirect_vreg.scatter [tilespmem:s1], [sflag:$0x2], $0x80, v3, vm0, $0xb8;
	[tilespmem:$0x10200] =	vst v63  }
0x63: {  	s4 =	simm.s32 $0x2A00  }
0x64: {  	[hbm4b:s5+s2] =	stream.indirect_vreg.scatter [tilespmem:s4], [sflag:$0x2], $0x80, v3, vm0, $0xb8;
	[tilespmem:$0x10200] =	vst v63  }
0x65: {  	s9 =	simm.s32 $0x3200  }
0x66: {  	[hbm4b:s6+s2] =	stream.indirect_vreg.scatter [tilespmem:s9], [sflag:$0x2], $0x80, v3, vm0, $0xb8;
	[tilespmem:$0x10200] =	vst v63  }
0x67: {  	s16 =	simm.s32 $0x3A00  }
0x68: {  	[hbm4b:s7+s2] =	stream.indirect_vreg.scatter [tilespmem:s16], [sflag:$0x2], $0x80, v3, vm0, $0xb8;
	[tilespmem:$0x10200] =	vst v63  }
0x69: {  	v3 =	vld [tilespmem:$0x110];
	_ =	sdelay $0x4  }
0x6a: {  	v51 =	vshll.u32 v3, $0x3  }
0x6b: {  	v3 =	vand.u32 $0x7, v3;
	v4 =	vand.u32 $0xFFFFFFC0, v51  }
0x6c: {  	v3 =	vor.u32 v3, v4  }
0x6d: {  	v4 =	vperm.xlane v3, v0;
	_ =	sdelay $0x1  }
0x6e: {  	v4 =	vadd.s32 v1, v4;
	_ =	sdelay $0x3  }
0x6f: {  	s17 =	simm.s32 $0x4200  }
0x70: {  	[hbm4b:s3+s2] =	stream.indirect_vreg.scatter [tilespmem:s17], [sflag:$0x2], $0x80, v4, vm0, $0xb8;
	[tilespmem:$0x10200] =	vst v63  }
0x71: {  	s18 =	simm.s32 $0x4A00;
	v3 =	vperm.xlane v3, v2  }
0x72: {  	[hbm4b:s5+s2] =	stream.indirect_vreg.scatter [tilespmem:s18], [sflag:$0x2], $0x80, v4, vm0, $0xb8;
	[tilespmem:$0x10200] =	vst v63  }
0x73: {  	s10 =	simm.s32 $0x5200;
	v3 =	vadd.s32 v1, v3  }
0x74: {  	[hbm4b:s6+s2] =	stream.indirect_vreg.scatter [tilespmem:s10], [sflag:$0x2], $0x80, v4, vm0, $0xb8;
	[tilespmem:$0x10200] =	vst v63  }
0x75: {  	s11 =	simm.s32 $0x5A00  }
0x76: {  	[hbm4b:s7+s2] =	stream.indirect_vreg.scatter [tilespmem:s11], [sflag:$0x2], $0x80, v4, vm0, $0xb8;
	[tilespmem:$0x10200] =	vst v63  }
0x77: {  	s12 =	simm.s32 $0x6200  }
0x78: {  	[hbm4b:s3+s2] =	stream.indirect_vreg.scatter [tilespmem:s12], [sflag:$0x2], $0x80, v3, vm0, $0xb8;
	[tilespmem:$0x10200] =	vst v63  }
0x79: {  	s15 =	simm.s32 $0x6A00  }
0x7a: {  	[hbm4b:s5+s2] =	stream.indirect_vreg.scatter [tilespmem:s15], [sflag:$0x2], $0x80, v3, vm0, $0xb8;
	[tilespmem:$0x10200] =	vst v63  }
0x7b: {  	s25 =	simm.s32 $0x7200  }
0x7c: {  	[hbm4b:s6+s2] =	stream.indirect_vreg.scatter [tilespmem:s25], [sflag:$0x2], $0x80, v3, vm0, $0xb8;
	[tilespmem:$0x10200] =	vst v63  }
0x7d: {  	s8 =	simm.s32 $0x7A00  }
0x7e: {  	[hbm4b:s7+s2] =	stream.indirect_vreg.scatter [tilespmem:s8], [sflag:$0x2], $0x80, v3, vm0, $0xb8;
	[tilespmem:$0x10200] =	vst v63  }
0x7f: {  	_ =	swait.ge [sflag:s31], $0x8000  }
0x80: {  	[sflag:s31] =	ssyncset.done $0x0  }
0x81: {  	[sflag:s31] =	ssyncadd.s32 $0xFFFF8000  }
0x82: {  	_ =	swait.ge [sflag:s31], $0x8000  }
0x83: {  	[sflag:s31] =	ssyncset.done $0x0  }
0x84: {  	s13 =	rddreg [dreg:$0x8];
	[sflag:s31] =	ssyncadd.s32 $0xFFFF8000  }
0x85: {  	[tilespmem:s2], [sflag:$0x1] =	stream.linear.gather [hbm4b:s13+s2], $0x20, $0x38;
	[tilespmem:$0x10200] =	vst v63  }
0x86: {  	s15 =	rddreg [dreg:$0x9]  }
0x87: {  	[tilespmem:s26], [sflag:$0x1] =	stream.linear.gather [hbm4b:s15+s2], $0x20, $0x38;
	[tilespmem:$0x10200] =	vst v63  }
0x88: {  	s16 =	rddreg [dreg:$0xa]  }
0x89: {  	[tilespmem:s23], [sflag:$0x1] =	stream.linear.gather [hbm4b:s16+s2], $0x8000, $0x38;
	[tilespmem:$0x10200] =	vst v63  }
0x8a: {  	_ =	swait.ge [sflag:s14], $0x20  }
0x8b: {  	[sflag:s14] =	ssyncset.done $0x0  }
0x8c: {  	[sflag:s14] =	ssyncadd.s32 $0xFFFFFFE0  }
0x8d: {  	_ =	swait.ge [sflag:s14], $0x20  }
0x8e: {  	[sflag:s14] =	ssyncset.done $0x0  }
0x8f: {  	[sflag:s14] =	ssyncadd.s32 $0xFFFFFFE0  }
0x90: {  	_ =	swait.ge [sflag:s14], $0x8000  }
0x91: {  	[sflag:s14] =	ssyncset.done $0x0  }
0x92: {  	[sflag:s14] =	ssyncadd.s32 $0xFFFF8000  }
0x93: {  	v3 =	vld [tilespmem:$0x80];
	_ =	sdelay $0x4  }
0x94: {  	v52 =	vshll.u32 v3, $0x3  }
0x95: {  	v3 =	vand.u32 $0x7, v3;
	v4 =	vand.u32 $0xFFFFFFC0, v52  }
0x96: {  	v3 =	vor.u32 v3, v4  }
0x97: {  	v4 =	vperm.xlane v3, v0;
	_ =	sdelay $0x1  }
0x98: {  	v4 =	vadd.s32 v1, v4;
	_ =	sdelay $0x3  }
0x99: {  	s0 =	simm.s32 $0x8200  }
0x9a: {  	[hbm4b:s3+s2] =	stream.indirect_vreg.scatter [tilespmem:s0], [sflag:$0x2], $0x80, v4, vm0, $0xb8;
	[tilespmem:$0x10200] =	vst v63  }
0x9b: {  	s26 =	simm.s32 $0x8A00;
	v3 =	vperm.xlane v3, v2  }
0x9c: {  	[hbm4b:s5+s2] =	stream.indirect_vreg.scatter [tilespmem:s26], [sflag:$0x2], $0x80, v4, vm0, $0xb8;
	[tilespmem:$0x10200] =	vst v63  }
0x9d: {  	s17 =	simm.s32 $0x9200;
	v3 =	vadd.s32 v1, v3  }
0x9e: {  	[hbm4b:s6+s2] =	stream.indirect_vreg.scatter [tilespmem:s17], [sflag:$0x2], $0x80, v4, vm0, $0xb8;
	[tilespmem:$0x10200] =	vst v63  }
0x9f: {  	s18 =	simm.s32 $0x9A00  }
0xa0: {  	[hbm4b:s7+s2] =	stream.indirect_vreg.scatter [tilespmem:s18], [sflag:$0x2], $0x80, v4, vm0, $0xb8;
	[tilespmem:$0x10200] =	vst v63  }
0xa1: {  	s21 =	simm.s32 $0xA200  }
0xa2: {  	[hbm4b:s3+s2] =	stream.indirect_vreg.scatter [tilespmem:s21], [sflag:$0x2], $0x80, v3, vm0, $0xb8;
	[tilespmem:$0x10200] =	vst v63  }
0xa3: {  	_ = 	snop  }
0xa4: {  	[hbm4b:s5+s2] =	stream.indirect_vreg.scatter [tilespmem:s28], [sflag:$0x2], $0x80, v3, vm0, $0xb8;
	[tilespmem:$0x10200] =	vst v63  }
0xa5: {  	_ = 	snop  }
0xa6: {  	[hbm4b:s6+s2] =	stream.indirect_vreg.scatter [tilespmem:s29], [sflag:$0x2], $0x80, v3, vm0, $0xb8;
	[tilespmem:$0x10200] =	vst v63  }
0xa7: {  	s19 =	simm.s32 $0xBA00  }
0xa8: {  	[hbm4b:s7+s2] =	stream.indirect_vreg.scatter [tilespmem:s19], [sflag:$0x2], $0x80, v3, vm0, $0xb8;
	[tilespmem:$0x10200] =	vst v63  }
0xa9: {  	v3 =	vld [tilespmem:$0x90];
	_ =	sdelay $0x4  }
0xaa: {  	v53 =	vshll.u32 v3, $0x3  }
0xab: {  	v3 =	vand.u32 $0x7, v3;
	v4 =	vand.u32 $0xFFFFFFC0, v53  }
0xac: {  	v3 =	vor.u32 v3, v4  }
0xad: {  	v4 =	vperm.xlane v3, v0;
	_ =	sdelay $0x1  }
0xae: {  	v4 =	vadd.s32 v1, v4;
	_ =	sdelay $0x3  }
0xaf: {  	s8 =	simm.s32 $0xC200  }
0xb0: {  	[hbm4b:s3+s2] =	stream.indirect_vreg.scatter [tilespmem:s8], [sflag:$0x2], $0x80, v4, vm0, $0xb8;
	[tilespmem:$0x10200] =	vst v63  }
0xb1: {  	s20 =	simm.s32 $0xCA00;
	v3 =	vperm.xlane v3, v2  }
0xb2: {  	[hbm4b:s5+s2] =	stream.indirect_vreg.scatter [tilespmem:s20], [sflag:$0x2], $0x80, v4, vm0, $0xb8;
	[tilespmem:$0x10200] =	vst v63  }
0xb3: {  	s24 =	simm.s32 $0xD200;
	v3 =	vadd.s32 v1, v3  }
0xb4: {  	[hbm4b:s6+s2] =	stream.indirect_vreg.scatter [tilespmem:s24], [sflag:$0x2], $0x80, v4, vm0, $0xb8;
	[tilespmem:$0x10200] =	vst v63  }
0xb5: {  	s13 =	simm.s32 $0xDA00  }
0xb6: {  	[hbm4b:s7+s2] =	stream.indirect_vreg.scatter [tilespmem:s13], [sflag:$0x2], $0x80, v4, vm0, $0xb8;
	[tilespmem:$0x10200] =	vst v63  }
0xb7: {  	s13 =	simm.s32 $0xE200  }
0xb8: {  	[hbm4b:s3+s2] =	stream.indirect_vreg.scatter [tilespmem:s13], [sflag:$0x2], $0x80, v3, vm0, $0xb8;
	[tilespmem:$0x10200] =	vst v63  }
0xb9: {  	s18 =	simm.s32 $0xEA00  }
0xba: {  	[hbm4b:s5+s2] =	stream.indirect_vreg.scatter [tilespmem:s18], [sflag:$0x2], $0x80, v3, vm0, $0xb8;
	[tilespmem:$0x10200] =	vst v63  }
0xbb: {  	s19 =	simm.s32 $0xF200  }
0xbc: {  	[hbm4b:s6+s2] =	stream.indirect_vreg.scatter [tilespmem:s19], [sflag:$0x2], $0x80, v3, vm0, $0xb8;
	[tilespmem:$0x10200] =	vst v63  }
0xbd: {  	s20 =	simm.s32 $0xFA00  }
0xbe: {  	[hbm4b:s7+s2] =	stream.indirect_vreg.scatter [tilespmem:s20], [sflag:$0x2], $0x80, v3, vm0, $0xb8;
	[tilespmem:$0x10200] =	vst v63  }
0xbf: {  	v3 =	vld [tilespmem:$0x180];
	_ =	sdelay $0x4  }
0xc0: {  	v54 =	vshll.u32 v3, $0x3  }
0xc1: {  	v3 =	vand.u32 $0x7, v3;
	v4 =	vand.u32 $0xFFFFFFC0, v54  }
0xc2: {  	v3 =	vor.u32 v3, v4  }
0xc3: {  	v4 =	vperm.xlane v3, v0;
	_ =	sdelay $0x1  }
0xc4: {  	v4 =	vadd.s32 v1, v4;
	_ =	sdelay $0x4  }
0xc5: {  	[hbm4b:s3+s2] =	stream.indirect_vreg.scatter [tilespmem:s0], [sflag:$0x2], $0x80, v4, vm0, $0xb8;
	[tilespmem:$0x10200] =	vst v63  }
0xc6: {  	v3 =	vperm.xlane v3, v2  }
0xc7: {  	[hbm4b:s5+s2] =	stream.indirect_vreg.scatter [tilespmem:s26], [sflag:$0x2], $0x80, v4, vm0, $0xb8;
	[tilespmem:$0x10200] =	vst v63  }
0xc8: {  	s10 =	simm.s32 $0x9200;
	v3 =	vadd.s32 v1, v3  }
0xc9: {  	[hbm4b:s6+s2] =	stream.indirect_vreg.scatter [tilespmem:s10], [sflag:$0x2], $0x80, v4, vm0, $0xb8;
	[tilespmem:$0x10200] =	vst v63  }
0xca: {  	s4 =	simm.s32 $0x9A00  }
0xcb: {  	[hbm4b:s7+s2] =	stream.indirect_vreg.scatter [tilespmem:s4], [sflag:$0x2], $0x80, v4, vm0, $0xb8;
	[tilespmem:$0x10200] =	vst v63  }
0xcc: {  	_ = 	snop  }
0xcd: {  	[hbm4b:s3+s2] =	stream.indirect_vreg.scatter [tilespmem:s21], [sflag:$0x2], $0x80, v3, vm0, $0xb8;
	[tilespmem:$0x10200] =	vst v63  }
0xce: {  	_ = 	snop  }
0xcf: {  	[hbm4b:s5+s2] =	stream.indirect_vreg.scatter [tilespmem:s28], [sflag:$0x2], $0x80, v3, vm0, $0xb8;
	[tilespmem:$0x10200] =	vst v63  }
0xd0: {  	_ = 	snop  }
0xd1: {  	[hbm4b:s6+s2] =	stream.indirect_vreg.scatter [tilespmem:s29], [sflag:$0x2], $0x80, v3, vm0, $0xb8;
	[tilespmem:$0x10200] =	vst v63  }
0xd2: {  	s1 =	simm.s32 $0xBA00  }
0xd3: {  	[hbm4b:s7+s2] =	stream.indirect_vreg.scatter [tilespmem:s1], [sflag:$0x2], $0x80, v3, vm0, $0xb8;
	[tilespmem:$0x10200] =	vst v63  }
0xd4: {  	v3 =	vld [tilespmem:$0x190];
	_ =	sdelay $0x4  }
0xd5: {  	v55 =	vshll.u32 v3, $0x3  }
0xd6: {  	v3 =	vand.u32 $0x7, v3;
	v4 =	vand.u32 $0xFFFFFFC0, v55  }
0xd7: {  	v3 =	vor.u32 v3, v4  }
0xd8: {  	v4 =	vperm.xlane v3, v0;
	_ =	sdelay $0x1  }
0xd9: {  	v4 =	vadd.s32 v1, v4;
	_ =	sdelay $0x3  }
0xda: {  	s8 =	simm.s32 $0xC200  }
0xdb: {  	[hbm4b:s3+s2] =	stream.indirect_vreg.scatter [tilespmem:s8], [sflag:$0x2], $0x80, v4, vm0, $0xb8;
	[tilespmem:$0x10200] =	vst v63  }
0xdc: {  	s22 =	simm.s32 $0xCA00;
	v3 =	vperm.xlane v3, v2  }
0xdd: {  	[hbm4b:s5+s2] =	stream.indirect_vreg.scatter [tilespmem:s22], [sflag:$0x2], $0x80, v4, vm0, $0xb8;
	[tilespmem:$0x10200] =	vst v63  }
0xde: {  	s25 =	simm.s32 $0xD200;
	v3 =	vadd.s32 v1, v3  }
0xdf: {  	[hbm4b:s6+s2] =	stream.indirect_vreg.scatter [tilespmem:s25], [sflag:$0x2], $0x80, v4, vm0, $0xb8;
	[tilespmem:$0x10200] =	vst v63  }
0xe0: {  	s15 =	simm.s32 $0xDA00  }
0xe1: {  	[hbm4b:s7+s2] =	stream.indirect_vreg.scatter [tilespmem:s15], [sflag:$0x2], $0x80, v4, vm0, $0xb8;
	[tilespmem:$0x10200] =	vst v63  }
0xe2: {  	s16 =	simm.s32 $0xE200  }
0xe3: {  	[hbm4b:s3+s2] =	stream.indirect_vreg.scatter [tilespmem:s16], [sflag:$0x2], $0x80, v3, vm0, $0xb8;
	[tilespmem:$0x10200] =	vst v63  }
0xe4: {  	_ = 	snop  }
0xe5: {  	[hbm4b:s5+s2] =	stream.indirect_vreg.scatter [tilespmem:s18], [sflag:$0x2], $0x80, v3, vm0, $0xb8;
	[tilespmem:$0x10200] =	vst v63  }
0xe6: {  	_ = 	snop  }
0xe7: {  	[hbm4b:s6+s2] =	stream.indirect_vreg.scatter [tilespmem:s19], [sflag:$0x2], $0x80, v3, vm0, $0xb8;
	[tilespmem:$0x10200] =	vst v63  }
0xe8: {  	_ = 	snop  }
0xe9: {  	[hbm4b:s7+s2] =	stream.indirect_vreg.scatter [tilespmem:s20], [sflag:$0x2], $0x80, v3, vm0, $0xb8;
	[tilespmem:$0x10200] =	vst v63  }
0xea: {  	_ =	swait.ge [sflag:s31], $0x8000  }
0xeb: {  	[sflag:s31] =	ssyncset.done $0x0  }
0xec: {  	[sflag:s31] =	ssyncadd.s32 $0xFFFF8000  }
0xed: {  	_ =	swait.ge [sflag:s31], $0x8000  }
0xee: {  	[sflag:s31] =	ssyncset.done $0x0  }
0xef: {  	s4 =	simm.s32 $0x80;
	s0 =	rddreg [dreg:$0xb];
	[sflag:s31] =	ssyncadd.s32 $0xFFFF8000  }
0xf0: {  	[tilespmem:s4], [sflag:$0x1] =	stream.linear.gather [hbm4b:s0+s2], $0x20, $0x38;
	[tilespmem:$0x10200] =	vst v63  }
0xf1: {  	s9 =	simm.s32 $0x180;
	s1 =	rddreg [dreg:$0xc]  }
0xf2: {  	[tilespmem:s9], [sflag:$0x1] =	stream.linear.gather [hbm4b:s1+s2], $0x20, $0x38;
	[tilespmem:$0x10200] =	vst v63  }
0xf3: {  	s17 =	simm.s32 $0x8200;
	s8 =	rddreg [dreg:$0xd]  }
0xf4: {  	[tilespmem:s17], [sflag:$0x1] =	stream.linear.gather [hbm4b:s8+s2], $0x8000, $0x38;
	[tilespmem:$0x10200] =	vst v63  }
0xf5: {  	_ =	swait.ge [sflag:s14], $0x20  }
0xf6: {  	[sflag:s14] =	ssyncset.done $0x0  }
0xf7: {  	[sflag:s14] =	ssyncadd.s32 $0xFFFFFFE0  }
0xf8: {  	_ =	swait.ge [sflag:s14], $0x20  }
0xf9: {  	[sflag:s14] =	ssyncset.done $0x0  }
0xfa: {  	[sflag:s14] =	ssyncadd.s32 $0xFFFFFFE0  }
0xfb: {  	_ =	swait.ge [sflag:s14], $0x8000  }
0xfc: {  	[sflag:s14] =	ssyncset.done $0x0  }
0xfd: {  	[sflag:s14] =	ssyncadd.s32 $0xFFFF8000  }
0xfe: {  	v3 =	vld [tilespmem:$0x0];
	_ =	sdelay $0x4  }
0xff: {  	v56 =	vshll.u32 v3, $0x3  }
0x100: {  	v3 =	vand.u32 $0x7, v3;
	v4 =	vand.u32 $0xFFFFFFC0, v56  }
0x101: {  	v3 =	vor.u32 v3, v4  }
0x102: {  	v4 =	vperm.xlane v3, v0;
	_ =	sdelay $0x1  }
0x103: {  	v4 =	vadd.s32 v1, v4;
	_ =	sdelay $0x4  }
0x104: {  	[hbm4b:s3+s2] =	stream.indirect_vreg.scatter [tilespmem:s23], [sflag:$0x2], $0x80, v4, vm0, $0xb8;
	[tilespmem:$0x10200] =	vst v63  }
0x105: {  	s17 =	simm.s32 $0xA00;
	v3 =	vperm.xlane v3, v2  }
0x106: {  	[hbm4b:s5+s2] =	stream.indirect_vreg.scatter [tilespmem:s17], [sflag:$0x2], $0x80, v4, vm0, $0xb8;
	[tilespmem:$0x10200] =	vst v63  }
0x107: {  	s15 =	simm.s32 $0x1200;
	v3 =	vadd.s32 v1, v3  }
0x108: {  	[hbm4b:s6+s2] =	stream.indirect_vreg.scatter [tilespmem:s15], [sflag:$0x2], $0x80, v4, vm0, $0xb8;
	[tilespmem:$0x10200] =	vst v63  }
0x109: {  	s16 =	simm.s32 $0x1A00  }
0x10a: {  	[hbm4b:s7+s2] =	stream.indirect_vreg.scatter [tilespmem:s16], [sflag:$0x2], $0x80, v4, vm0, $0xb8;
	[tilespmem:$0x10200] =	vst v63  }
0x10b: {  	s24 =	simm.s32 $0x2200  }
0x10c: {  	[hbm4b:s3+s2] =	stream.indirect_vreg.scatter [tilespmem:s24], [sflag:$0x2], $0x80, v3, vm0, $0xb8;
	[tilespmem:$0x10200] =	vst v63  }
0x10d: {  	s25 =	simm.s32 $0x2A00  }
0x10e: {  	[hbm4b:s5+s2] =	stream.indirect_vreg.scatter [tilespmem:s25], [sflag:$0x2], $0x80, v3, vm0, $0xb8;
	[tilespmem:$0x10200] =	vst v63  }
0x10f: {  	s22 =	simm.s32 $0x3200  }
0x110: {  	[hbm4b:s6+s2] =	stream.indirect_vreg.scatter [tilespmem:s22], [sflag:$0x2], $0x80, v3, vm0, $0xb8;
	[tilespmem:$0x10200] =	vst v63  }
0x111: {  	s10 =	simm.s32 $0x3A00  }
0x112: {  	[hbm4b:s7+s2] =	stream.indirect_vreg.scatter [tilespmem:s10], [sflag:$0x2], $0x80, v3, vm0, $0xb8;
	[tilespmem:$0x10200] =	vst v63  }
0x113: {  	v3 =	vld [tilespmem:$0x10];
	_ =	sdelay $0x4  }
0x114: {  	v57 =	vshll.u32 v3, $0x3  }
0x115: {  	v3 =	vand.u32 $0x7, v3;
	v4 =	vand.u32 $0xFFFFFFC0, v57  }
0x116: {  	v3 =	vor.u32 v3, v4  }
0x117: {  	v4 =	vperm.xlane v3, v0;
	_ =	sdelay $0x1  }
0x118: {  	v4 =	vadd.s32 v1, v4;
	_ =	sdelay $0x3  }
0x119: {  	s11 =	simm.s32 $0x4200  }
0x11a: {  	[hbm4b:s3+s2] =	stream.indirect_vreg.scatter [tilespmem:s11], [sflag:$0x2], $0x80, v4, vm0, $0xb8;
	[tilespmem:$0x10200] =	vst v63  }
0x11b: {  	s12 =	simm.s32 $0x4A00;
	v3 =	vperm.xlane v3, v2  }
0x11c: {  	[hbm4b:s5+s2] =	stream.indirect_vreg.scatter [tilespmem:s12], [sflag:$0x2], $0x80, v4, vm0, $0xb8;
	[tilespmem:$0x10200] =	vst v63  }
0x11d: {  	s0 =	simm.s32 $0x5200;
	v3 =	vadd.s32 v1, v3  }
0x11e: {  	[hbm4b:s6+s2] =	stream.indirect_vreg.scatter [tilespmem:s0], [sflag:$0x2], $0x80, v4, vm0, $0xb8;
	[tilespmem:$0x10200] =	vst v63  }
0x11f: {  	s1 =	simm.s32 $0x5A00  }
0x120: {  	[hbm4b:s7+s2] =	stream.indirect_vreg.scatter [tilespmem:s1], [sflag:$0x2], $0x80, v4, vm0, $0xb8;
	[tilespmem:$0x10200] =	vst v63  }
0x121: {  	s4 =	simm.s32 $0x6200  }
0x122: {  	[hbm4b:s3+s2] =	stream.indirect_vreg.scatter [tilespmem:s4], [sflag:$0x2], $0x80, v3, vm0, $0xb8;
	[tilespmem:$0x10200] =	vst v63  }
0x123: {  	s8 =	simm.s32 $0x6A00  }
0x124: {  	[hbm4b:s5+s2] =	stream.indirect_vreg.scatter [tilespmem:s8], [sflag:$0x2], $0x80, v3, vm0, $0xb8;
	[tilespmem:$0x10200] =	vst v63  }
0x125: {  	s9 =	simm.s32 $0x7200  }
0x126: {  	[hbm4b:s6+s2] =	stream.indirect_vreg.scatter [tilespmem:s9], [sflag:$0x2], $0x80, v3, vm0, $0xb8;
	[tilespmem:$0x10200] =	vst v63  }
0x127: {  	s13 =	simm.s32 $0x7A00  }
0x128: {  	[hbm4b:s7+s2] =	stream.indirect_vreg.scatter [tilespmem:s13], [sflag:$0x2], $0x80, v3, vm0, $0xb8;
	[tilespmem:$0x10200] =	vst v63  }
0x129: {  	v3 =	vld [tilespmem:$0x100];
	_ =	sdelay $0x4  }
0x12a: {  	v58 =	vshll.u32 v3, $0x3  }
0x12b: {  	v3 =	vand.u32 $0x7, v3;
	v4 =	vand.u32 $0xFFFFFFC0, v58  }
0x12c: {  	v3 =	vor.u32 v3, v4  }
0x12d: {  	v4 =	vperm.xlane v3, v0;
	_ =	sdelay $0x1  }
0x12e: {  	v4 =	vadd.s32 v1, v4;
	_ =	sdelay $0x4  }
0x12f: {  	[hbm4b:s3+s2] =	stream.indirect_vreg.scatter [tilespmem:s23], [sflag:$0x2], $0x80, v4, vm0, $0xb8;
	[tilespmem:$0x10200] =	vst v63  }
0x130: {  	v3 =	vperm.xlane v3, v2  }
0x131: {  	[hbm4b:s5+s2] =	stream.indirect_vreg.scatter [tilespmem:s17], [sflag:$0x2], $0x80, v4, vm0, $0xb8;
	[tilespmem:$0x10200] =	vst v63  }
0x132: {  	v3 =	vadd.s32 v1, v3  }
0x133: {  	[hbm4b:s6+s2] =	stream.indirect_vreg.scatter [tilespmem:s15], [sflag:$0x2], $0x80, v4, vm0, $0xb8;
	[tilespmem:$0x10200] =	vst v63  }
0x134: {  	_ = 	snop  }
0x135: {  	[hbm4b:s7+s2] =	stream.indirect_vreg.scatter [tilespmem:s16], [sflag:$0x2], $0x80, v4, vm0, $0xb8;
	[tilespmem:$0x10200] =	vst v63  }
0x136: {  	_ = 	snop  }
0x137: {  	[hbm4b:s3+s2] =	stream.indirect_vreg.scatter [tilespmem:s24], [sflag:$0x2], $0x80, v3, vm0, $0xb8;
	[tilespmem:$0x10200] =	vst v63  }
0x138: {  	_ = 	snop  }
0x139: {  	[hbm4b:s5+s2] =	stream.indirect_vreg.scatter [tilespmem:s25], [sflag:$0x2], $0x80, v3, vm0, $0xb8;
	[tilespmem:$0x10200] =	vst v63  }
0x13a: {  	_ = 	snop  }
0x13b: {  	[hbm4b:s6+s2] =	stream.indirect_vreg.scatter [tilespmem:s22], [sflag:$0x2], $0x80, v3, vm0, $0xb8;
	[tilespmem:$0x10200] =	vst v63  }
0x13c: {  	_ = 	snop  }
0x13d: {  	[hbm4b:s7+s2] =	stream.indirect_vreg.scatter [tilespmem:s10], [sflag:$0x2], $0x80, v3, vm0, $0xb8;
	[tilespmem:$0x10200] =	vst v63  }
0x13e: {  	v3 =	vld [tilespmem:$0x110];
	_ =	sdelay $0x4  }
0x13f: {  	v59 =	vshll.u32 v3, $0x3  }
0x140: {  	v3 =	vand.u32 $0x7, v3;
	v4 =	vand.u32 $0xFFFFFFC0, v59  }
0x141: {  	v3 =	vor.u32 v3, v4  }
0x142: {  	v4 =	vperm.xlane v3, v0;
	_ =	sdelay $0x1  }
0x143: {  	v4 =	vadd.s32 v1, v4;
	_ =	sdelay $0x4  }
0x144: {  	[hbm4b:s3+s2] =	stream.indirect_vreg.scatter [tilespmem:s11], [sflag:$0x2], $0x80, v4, vm0, $0xb8;
	[tilespmem:$0x10200] =	vst v63  }
0x145: {  	v3 =	vperm.xlane v3, v2  }
0x146: {  	[hbm4b:s5+s2] =	stream.indirect_vreg.scatter [tilespmem:s12], [sflag:$0x2], $0x80, v4, vm0, $0xb8;
	[tilespmem:$0x10200] =	vst v63  }
0x147: {  	v3 =	vadd.s32 v1, v3  }
0x148: {  	[hbm4b:s6+s2] =	stream.indirect_vreg.scatter [tilespmem:s0], [sflag:$0x2], $0x80, v4, vm0, $0xb8;
	[tilespmem:$0x10200] =	vst v63  }
0x149: {  	_ = 	snop  }
0x14a: {  	[hbm4b:s7+s2] =	stream.indirect_vreg.scatter [tilespmem:s1], [sflag:$0x2], $0x80, v4, vm0, $0xb8;
	[tilespmem:$0x10200] =	vst v63  }
0x14b: {  	_ = 	snop  }
0x14c: {  	[hbm4b:s3+s2] =	stream.indirect_vreg.scatter [tilespmem:s4], [sflag:$0x2], $0x80, v3, vm0, $0xb8;
	[tilespmem:$0x10200] =	vst v63  }
0x14d: {  	_ = 	snop  }
0x14e: {  	[hbm4b:s5+s2] =	stream.indirect_vreg.scatter [tilespmem:s8], [sflag:$0x2], $0x80, v3, vm0, $0xb8;
	[tilespmem:$0x10200] =	vst v63  }
0x14f: {  	_ = 	snop  }
0x150: {  	[hbm4b:s6+s2] =	stream.indirect_vreg.scatter [tilespmem:s9], [sflag:$0x2], $0x80, v3, vm0, $0xb8;
	[tilespmem:$0x10200] =	vst v63  }
0x151: {  	_ = 	snop  }
0x152: {  	[hbm4b:s7+s2] =	stream.indirect_vreg.scatter [tilespmem:s13], [sflag:$0x2], $0x80, v3, vm0, $0xb8;
	[tilespmem:$0x10200] =	vst v63  }
0x153: {  	_ =	swait.ge [sflag:s14], $0x20  }
0x154: {  	[sflag:s14] =	ssyncset.done $0x0  }
0x155: {  	[sflag:s14] =	ssyncadd.s32 $0xFFFFFFE0  }
0x156: {  	_ =	swait.ge [sflag:s14], $0x20  }
0x157: {  	[sflag:s14] =	ssyncset.done $0x0  }
0x158: {  	[sflag:s14] =	ssyncadd.s32 $0xFFFFFFE0  }
0x159: {  	_ =	swait.ge [sflag:s14], $0x8000  }
0x15a: {  	[sflag:s14] =	ssyncset.done $0x0  }
0x15b: {  	[sflag:s14] =	ssyncadd.s32 $0xFFFF8000  }
0x15c: {  	v3 =	vld [tilespmem:$0x80];
	_ =	sdelay $0x4  }
0x15d: {  	v60 =	vshll.u32 v3, $0x3  }
0x15e: {  	v3 =	vand.u32 $0x7, v3;
	v4 =	vand.u32 $0xFFFFFFC0, v60  }
0x15f: {  	v3 =	vor.u32 v3, v4  }
0x160: {  	v4 =	vperm.xlane v3, v0;
	_ =	sdelay $0x1  }
0x161: {  	v4 =	vadd.s32 v1, v4;
	_ =	sdelay $0x3  }
0x162: {  	s10 =	simm.s32 $0x8200  }
0x163: {  	[hbm4b:s3+s2] =	stream.indirect_vreg.scatter [tilespmem:s10], [sflag:$0x2], $0x80, v4, vm0, $0xb8;
	[tilespmem:$0x10200] =	vst v63  }
0x164: {  	v3 =	vperm.xlane v3, v2  }
0x165: {  	[hbm4b:s5+s2] =	stream.indirect_vreg.scatter [tilespmem:s26], [sflag:$0x2], $0x80, v4, vm0, $0xb8;
	[tilespmem:$0x10200] =	vst v63  }
0x166: {  	s11 =	simm.s32 $0x9200;
	v3 =	vadd.s32 v1, v3  }
0x167: {  	[hbm4b:s6+s2] =	stream.indirect_vreg.scatter [tilespmem:s11], [sflag:$0x2], $0x80, v4, vm0, $0xb8;
	[tilespmem:$0x10200] =	vst v63  }
0x168: {  	s12 =	simm.s32 $0x9A00  }
0x169: {  	[hbm4b:s7+s2] =	stream.indirect_vreg.scatter [tilespmem:s12], [sflag:$0x2], $0x80, v4, vm0, $0xb8;
	[tilespmem:$0x10200] =	vst v63  }
0x16a: {  	_ = 	snop  }
0x16b: {  	[hbm4b:s3+s2] =	stream.indirect_vreg.scatter [tilespmem:s21], [sflag:$0x2], $0x80, v3, vm0, $0xb8;
	[tilespmem:$0x10200] =	vst v63  }
0x16c: {  	_ = 	snop  }
0x16d: {  	[hbm4b:s5+s2] =	stream.indirect_vreg.scatter [tilespmem:s28], [sflag:$0x2], $0x80, v3, vm0, $0xb8;
	[tilespmem:$0x10200] =	vst v63  }
0x16e: {  	_ = 	snop  }
0x16f: {  	[hbm4b:s6+s2] =	stream.indirect_vreg.scatter [tilespmem:s29], [sflag:$0x2], $0x80, v3, vm0, $0xb8;
	[tilespmem:$0x10200] =	vst v63  }
0x170: {  	s15 =	simm.s32 $0xBA00  }
0x171: {  	[hbm4b:s7+s2] =	stream.indirect_vreg.scatter [tilespmem:s15], [sflag:$0x2], $0x80, v3, vm0, $0xb8;
	[tilespmem:$0x10200] =	vst v63  }
0x172: {  	v3 =	vld [tilespmem:$0x90];
	_ =	sdelay $0x4  }
0x173: {  	v61 =	vshll.u32 v3, $0x3  }
0x174: {  	v3 =	vand.u32 $0x7, v3;
	v4 =	vand.u32 $0xFFFFFFC0, v61  }
0x175: {  	v3 =	vor.u32 v3, v4  }
0x176: {  	v4 =	vperm.xlane v3, v0;
	_ =	sdelay $0x1  }
0x177: {  	v4 =	vadd.s32 v1, v4;
	_ =	sdelay $0x3  }
0x178: {  	s16 =	simm.s32 $0xC200  }
0x179: {  	[hbm4b:s3+s2] =	stream.indirect_vreg.scatter [tilespmem:s16], [sflag:$0x2], $0x80, v4, vm0, $0xb8;
	[tilespmem:$0x10200] =	vst v63  }
0x17a: {  	s17 =	simm.s32 $0xCA00;
	v3 =	vperm.xlane v3, v2  }
0x17b: {  	[hbm4b:s5+s2] =	stream.indirect_vreg.scatter [tilespmem:s17], [sflag:$0x2], $0x80, v4, vm0, $0xb8;
	[tilespmem:$0x10200] =	vst v63  }
0x17c: {  	s22 =	simm.s32 $0xD200;
	v3 =	vadd.s32 v1, v3  }
0x17d: {  	[hbm4b:s6+s2] =	stream.indirect_vreg.scatter [tilespmem:s22], [sflag:$0x2], $0x80, v4, vm0, $0xb8;
	[tilespmem:$0x10200] =	vst v63  }
0x17e: {  	s24 =	simm.s32 $0xDA00  }
0x17f: {  	[hbm4b:s7+s2] =	stream.indirect_vreg.scatter [tilespmem:s24], [sflag:$0x2], $0x80, v4, vm0, $0xb8;
	[tilespmem:$0x10200] =	vst v63  }
0x180: {  	s25 =	simm.s32 $0xE200  }
0x181: {  	[hbm4b:s3+s2] =	stream.indirect_vreg.scatter [tilespmem:s25], [sflag:$0x2], $0x80, v3, vm0, $0xb8;
	[tilespmem:$0x10200] =	vst v63  }
0x182: {  	_ = 	snop  }
0x183: {  	[hbm4b:s5+s2] =	stream.indirect_vreg.scatter [tilespmem:s18], [sflag:$0x2], $0x80, v3, vm0, $0xb8;
	[tilespmem:$0x10200] =	vst v63  }
0x184: {  	_ = 	snop  }
0x185: {  	[hbm4b:s6+s2] =	stream.indirect_vreg.scatter [tilespmem:s19], [sflag:$0x2], $0x80, v3, vm0, $0xb8;
	[tilespmem:$0x10200] =	vst v63  }
0x186: {  	_ = 	snop  }
0x187: {  	[hbm4b:s7+s2] =	stream.indirect_vreg.scatter [tilespmem:s20], [sflag:$0x2], $0x80, v3, vm0, $0xb8;
	[tilespmem:$0x10200] =	vst v63  }
0x188: {  	v3 =	vld [tilespmem:$0x180];
	_ =	sdelay $0x4  }
0x189: {  	v62 =	vshll.u32 v3, $0x3  }
0x18a: {  	v3 =	vand.u32 $0x7, v3;
	v4 =	vand.u32 $0xFFFFFFC0, v62  }
0x18b: {  	v3 =	vor.u32 v3, v4  }
0x18c: {  	v4 =	vperm.xlane v3, v0;
	_ =	sdelay $0x1  }
0x18d: {  	v4 =	vadd.s32 v1, v4;
	_ =	sdelay $0x4  }
0x18e: {  	[hbm4b:s3+s2] =	stream.indirect_vreg.scatter [tilespmem:s10], [sflag:$0x2], $0x80, v4, vm0, $0xb8;
	[tilespmem:$0x10200] =	vst v63  }
0x18f: {  	v3 =	vperm.xlane v3, v2  }
0x190: {  	[hbm4b:s5+s2] =	stream.indirect_vreg.scatter [tilespmem:s26], [sflag:$0x2], $0x80, v4, vm0, $0xb8;
	[tilespmem:$0x10200] =	vst v63  }
0x191: {  	v3 =	vadd.s32 v1, v3  }
0x192: {  	[hbm4b:s6+s2] =	stream.indirect_vreg.scatter [tilespmem:s11], [sflag:$0x2], $0x80, v4, vm0, $0xb8;
	[tilespmem:$0x10200] =	vst v63  }
0x193: {  	_ = 	snop  }
0x194: {  	[hbm4b:s7+s2] =	stream.indirect_vreg.scatter [tilespmem:s12], [sflag:$0x2], $0x80, v4, vm0, $0xb8;
	[tilespmem:$0x10200] =	vst v63  }
0x195: {  	_ = 	snop  }
0x196: {  	[hbm4b:s3+s2] =	stream.indirect_vreg.scatter [tilespmem:s21], [sflag:$0x2], $0x80, v3, vm0, $0xb8;
	[tilespmem:$0x10200] =	vst v63  }
0x197: {  	_ = 	snop  }
0x198: {  	[hbm4b:s5+s2] =	stream.indirect_vreg.scatter [tilespmem:s28], [sflag:$0x2], $0x80, v3, vm0, $0xb8;
	[tilespmem:$0x10200] =	vst v63  }
0x199: {  	_ = 	snop  }
0x19a: {  	[hbm4b:s6+s2] =	stream.indirect_vreg.scatter [tilespmem:s29], [sflag:$0x2], $0x80, v3, vm0, $0xb8;
	[tilespmem:$0x10200] =	vst v63  }
0x19b: {  	_ = 	snop  }
0x19c: {  	[hbm4b:s7+s2] =	stream.indirect_vreg.scatter [tilespmem:s15], [sflag:$0x2], $0x80, v3, vm0, $0xb8;
	[tilespmem:$0x10200] =	vst v63  }
0x19d: {  	v3 =	vld [tilespmem:$0x190];
	_ =	sdelay $0x4  }
0x19e: {  	v63 =	vshll.u32 v3, $0x3  }
0x19f: {  	v3 =	vand.u32 $0x7, v3;
	v4 =	vand.u32 $0xFFFFFFC0, v63  }
0x1a0: {  	v3 =	vor.u32 v3, v4  }
0x1a1: {  	v4 =	vperm.xlane v3, v0;
	_ =	sdelay $0x1  }
0x1a2: {  	v4 =	vadd.s32 v1, v4;
	_ =	sdelay $0x4  }
0x1a3: {  	[hbm4b:s3+s2] =	stream.indirect_vreg.scatter [tilespmem:s16], [sflag:$0x2], $0x80, v4, vm0, $0xb8;
	[tilespmem:$0x10200] =	vst v63  }
0x1a4: {  	v3 =	vperm.xlane v3, v2  }
0x1a5: {  	[hbm4b:s5+s2] =	stream.indirect_vreg.scatter [tilespmem:s17], [sflag:$0x2], $0x80, v4, vm0, $0xb8;
	[tilespmem:$0x10200] =	vst v63  }
0x1a6: {  	v3 =	vadd.s32 v1, v3  }
0x1a7: {  	[hbm4b:s6+s2] =	stream.indirect_vreg.scatter [tilespmem:s22], [sflag:$0x2], $0x80, v4, vm0, $0xb8;
	[tilespmem:$0x10200] =	vst v63  }
0x1a8: {  	_ = 	snop  }
0x1a9: {  	[hbm4b:s7+s2] =	stream.indirect_vreg.scatter [tilespmem:s24], [sflag:$0x2], $0x80, v4, vm0, $0xb8;
	[tilespmem:$0x10200] =	vst v63  }
0x1aa: {  	_ = 	snop  }
0x1ab: {  	[hbm4b:s3+s2] =	stream.indirect_vreg.scatter [tilespmem:s25], [sflag:$0x2], $0x80, v3, vm0, $0xb8;
	[tilespmem:$0x10200] =	vst v63  }
0x1ac: {  	_ = 	snop  }
0x1ad: {  	[hbm4b:s5+s2] =	stream.indirect_vreg.scatter [tilespmem:s18], [sflag:$0x2], $0x80, v3, vm0, $0xb8;
	[tilespmem:$0x10200] =	vst v63  }
0x1ae: {  	_ = 	snop  }
0x1af: {  	[hbm4b:s6+s2] =	stream.indirect_vreg.scatter [tilespmem:s19], [sflag:$0x2], $0x80, v3, vm0, $0xb8;
	[tilespmem:$0x10200] =	vst v63  }
0x1b0: {  	_ = 	snop  }
0x1b1: {  	[hbm4b:s7+s2] =	stream.indirect_vreg.scatter [tilespmem:s20], [sflag:$0x2], $0x80, v3, vm0, $0xb8;
	[tilespmem:$0x10200] =	vst v63  }
0x1b2: {  	_ =	swait.ge [sflag:s31], $0x8000  }
0x1b3: {  	[sflag:s31] =	ssyncset.done $0x0  }
0x1b4: {  	[sflag:s31] =	ssyncadd.s32 $0xFFFF8000  }
0x1b5: {  	_ =	swait.ge [sflag:s31], $0x8000  }
0x1b6: {  	[sflag:s31] =	ssyncset.done $0x0  }
0x1b7: {  	[sflag:s31] =	ssyncadd.s32 $0xFFFF8000  }
0x1b8: {  	p0 =	sne.s32 s30, $0x1;
	_ =	swait.ge [sflag:s31], $0x8000  }
.Ltmp0:
0x1b9: {  	[sflag:s31] =	ssyncset.done $0x0;
	(pc) =	sbr.rel @p0 .LBB2_1-.Ltmp0, $4  }
0x1ba: {  	[sflag:s31] =	ssyncadd.s32 $0xFFFF8000  }
0x1bb: {  	_ =	swait.ge [sflag:s31], $0x8000  }
0x1bc: {  	[sflag:s31] =	ssyncset.done $0x0  }
0x1bd: {  	s30 =	sadd.s32 $0xFFFFFFFF, s30;
	[sflag:s31] =	ssyncadd.s32 $0xFFFF8000  }
0x1be: {  	_ =	sfence.sel $0x180000  }
0x1bf: {  	[bflag:$0x0] =	sbarrier.arrive $0xFFFF  }
0x1c0: {  	_ =	strace $0x90000047  }
0x1c1: {  	s0 =	stileid.u32;
	[bflag:$0x2] =	sbarrier.arrive $0xFFFF  }
0x1c2: {  	p0 =	sne.s32 s0, $0x0;
	s0 =	rddreg [dreg:$0x2]  }
0x1c3: {  	s0 =	sadd.s32 @!p0 $0x100000, s0  }
0x1c4: {  	[sflag:s0] =	ssyncadd.tile.s32 @!p0 $0x1;
	_ =	shalt  }
.Lfunc_end2:
_tile_overlayer_lowered:
.L_overlay_start_2:
0x1c5: {  	(tag) =	ssettag $0x2  }
0x1c6: {  	s0 =	rddreg [dreg:$0x0];
	s2 =	stileid.u32  }
0x1c7: {  	s1 =	rddreg [dreg:$0x1];
	p0 =	sne.s32 s2, $0x0  }
0x1c8: {  	s3 =	rddreg [dreg:$0x2];
	[bflag:$0x3] =	sbarrier.arrive $0xFFFF;
	s2 =	simm.s32 @!p0 $0x1C03  }
0x1c9: {  	[timem:s3], [sflag:s2] =	dma.local @!p0 [hbm:s0], s1  }
0x1ca: {  	s0 =	simm.s32 @!p0 $0x3  }
0x1cb: {  	_ =	swait.ge @!p0 [sflag:s0], s1  }
0x1cc: {  	s1 =	ssub.s32 @!p0 $0x0, s1;
	[sflag:s0] =	ssyncset.done @!p0 $0x0  }
0x1cd: {  	[sflag:s0] =	ssyncadd.s32 @!p0 s1  }
0x1ce: {  	[bflag:$0x3] =	sbarrier.arrive $0xFFFF  }
0x1cf: {  	_ =	shalt  }

// kernel: kernel.9.cloned.1.call-start
scs
__scs_entry_jumppad:
0x0: {  	(pc) =	sbr.rel $0x88, $3  }
0x1: {  	(tag) =	ssettag $0x0;
	lr =	simm.s32 $0x1  }
0x2: {  	[smem:$0x3F9C] =	sst lr;
	_ =	strace $0xD0000000  }
0x3: {  	_ = 	snop  }
0x4: {  	_ = 	snop  }
0x5: {  	_ = 	snop  }
0x6: {  	_ = 	snop  }
0x7: {  	_ = 	snop  }
__scs_overlays_trampoline_lowered:
0x8: {  	[smem:$0x3FAB] =	sst s0  }
0x9: {  	[smem:$0x3FAC] =	sst s1  }
0xa: {  	[smem:$0x3FAD] =	sst s2  }
0xb: {  	[smem:$0x3FAE] =	sst s3  }
0xc: {  	[smem:$0x3FAF] =	sst s4  }
0xd: {  	[smem:$0x3FB0] =	sst s5  }
0xe: {  	[smem:$0x3FB1] =	sst s6  }
0xf: {  	[smem:$0x3FB2] =	sst s7  }
0x10: {  	[smem:$0x3FB3] =	sst s8  }
0x11: {  	[smem:$0x3FB4] =	sst s9;
	s0 =	simm.s32 @!p0 $0x0  }
0x12: {  	s1 =	sld [smem:$0x3F9A];
	s0 =	simm.s32 @p0 $0x1  }
0x13: {  	[smem:$0x3FB5] =	sst s0;
	s0 =	simm.s32 @!p1 $0x0  }
0x14: {  	s2 =	sld [smem:$0x3F99];
	s0 =	simm.s32 @p1 $0x1  }
0x15: {  	[smem:$0x3FB6] =	sst s0;
	s0 =	simm.s32 @!p2 $0x0  }
0x16: {  	s3 =	sld [smem:$0x3FDB];
	s0 =	simm.s32 @p2 $0x1  }
0x17: {  	s4 =	simm.s32 $0x1BF5;
	[smem:$0x3FB8] =	sst s0  }
0x18: {  	s0 =	sld [smem:$0x3F9B];
	_ =	swait.ge [sflag:s4], $0x0  }
0x19: {  	s7 =	sld [smem:$0x3F9C]  }
0x1a: {  	s8 =	sadd.s32 $0xFFFFE003, lr  }
0x1b: {  	s9 =	sadd.s32 $0xFFFFFEF7, lr;
	s5 =	simm.s32 $0xFFFFFFFF;
	p2 =	slt.u32 s8, $0xFFFFF086  }
0x1c: {  	p1 =	slt.u32 s9, $0xF7A;
	s5 =	simm.s32 @!p2 $0x0  }
0x1d: {  	s5 =	simm.s32 @p1 $0x1;
	p0 =	seq.s32 s7, s2  }
0x1e: {  	s7 =	smul.u32 @!p0 $0xF7A, s2;
	p2 =	seq.s32 @!p0 s5, $0x0  }
0x1f: {  	s9 =	smul.u32 $0xF7A, s1;
	s8 =	simm.s32 @!p0 $0x1BF5;
	p2 =	por !p2, p0  }
0x20: {  	[sflag:s8] =	ssyncset.s32 @!p0 $0xFFFFF086;
	s6 =	sadd.s32 @!p0 s3, s7;
	s7 =	simm.s32 @!p0 $0x108  }
0x21: {  	s3 =	sadd.s32 s3, s9;
	s6 =	sadd.s32 @!p0 $0x88, s6;
	s7 =	simm.s32 @p2 $0x1082  }
0x22: {  	[simem:s7], [sflag:s8] =	dma.local @!p0 [hbm:s6], $0xF7A  }
0x23: {  	s9 =	sor.u32 $0xD0000000, s2;
	s6 =	simm.s32 $0x108;
	_ =	swait.ge @!p0 [sflag:s8], $0x0  }
0x24: {  	s3 =	sadd.s32 $0x88, s3;
	s6 =	simm.s32 @!p1 $0x1082;
	[sflag:s4] =	ssyncset.s32 $0xFFFFF086  }
0x25: {  	[simem:s6], [sflag:s4] =	dma.local [hbm:s3], $0xF7A  }
0x26: {  	[smem:$0x3F9C] =	sst s1;
	(tag) =	ssettag s2;
	_ =	strace s9  }
0x27: {  	s1 =	sld [smem:$0x3FAC]  }
0x28: {  	s2 =	sld [smem:$0x3FAD]  }
0x29: {  	s4 =	sld [smem:$0x3FAF]  }
0x2a: {  	p0 =	seq.s32 s5, $0x0;
	s5 =	sld [smem:$0x3FB0]  }
0x2b: {  	s6 =	sld [smem:$0x3FB1]  }
0x2c: {  	s7 =	sld [smem:$0x3FB2]  }
0x2d: {  	s3 =	simm.s32 $0x108;
	s8 =	sld [smem:$0x3FB3]  }
0x2e: {  	s3 =	simm.s32 @!p0 $0x1082;
	s9 =	sld [smem:$0x3FB4]  }
0x2f: {  	lr =	sadd.s32 s0, s3;
	s0 =	sld [smem:$0x3FAB]  }
0x30: {  	s3 =	sld [smem:$0x3FAE]  }
0x31: {  	[smem:$0x3FB7] =	sst s10  }
0x32: {  	s10 =	sld [smem:$0x3FB5];
	_ =	sdelay $0x3  }
0x33: {  	p0 =	seq.s32 s10, $0x1;
	s10 =	sld [smem:$0x3FB7];
	_ =	sdelay $0x3  }
0x34: {  	[smem:$0x3FB7] =	sst s10  }
0x35: {  	s10 =	sld [smem:$0x3FB6];
	_ =	sdelay $0x3  }
0x36: {  	p1 =	seq.s32 s10, $0x1;
	s10 =	sld [smem:$0x3FB7];
	_ =	sdelay $0x3  }
0x37: {  	[smem:$0x3FB7] =	sst s10  }
0x38: {  	s10 =	sld [smem:$0x3FB8]  }
0x39: {  	_ = 	snop;
	(pc) =	sbr.ind lr, $3  }
0x3a: {  	_ = 	snop  }
0x3b: {  	_ = 	snop  }
0x3c: {  	p2 =	seq.s32 s10, $0x1;
	s10 =	sld [smem:$0x3FB7]  }
0x3d: {  	_ =	shalt  }
0x3e: {  	_ =	shalt  }
0x3f: {  	_ =	shalt  }
0x40: {  	_ =	shalt  }
0x41: {  	_ =	shalt  }
0x42: {  	_ =	shalt  }
0x43: {  	_ =	shalt  }
0x44: {  	_ =	shalt  }
0x45: {  	_ =	shalt  }
0x46: {  	_ =	shalt  }
0x47: {  	_ =	shalt  }
0x48: {  	_ =	shalt  }
0x49: {  	_ =	shalt  }
0x4a: {  	_ =	shalt  }
0x4b: {  	_ =	shalt  }
0x4c: {  	_ =	shalt  }
0x4d: {  	_ =	shalt  }
0x4e: {  	_ =	shalt  }
0x4f: {  	_ =	shalt  }
0x50: {  	_ =	shalt  }
0x51: {  	_ =	shalt  }
0x52: {  	_ =	shalt  }
0x53: {  	_ =	shalt  }
0x54: {  	_ =	shalt  }
0x55: {  	_ =	shalt  }
0x56: {  	_ =	shalt  }
0x57: {  	_ =	shalt  }
0x58: {  	_ =	shalt  }
0x59: {  	_ =	shalt  }
0x5a: {  	_ =	shalt  }
0x5b: {  	_ =	shalt  }
0x5c: {  	_ =	shalt  }
0x5d: {  	_ =	shalt  }
0x5e: {  	_ =	shalt  }
0x5f: {  	_ =	shalt  }
0x60: {  	_ =	shalt  }
0x61: {  	_ =	shalt  }
0x62: {  	_ =	shalt  }
0x63: {  	_ =	shalt  }
0x64: {  	_ =	shalt  }
0x65: {  	_ =	shalt  }
0x66: {  	_ =	shalt  }
0x67: {  	_ =	shalt  }
0x68: {  	_ =	shalt  }
0x69: {  	_ =	shalt  }
0x6a: {  	_ =	shalt  }
0x6b: {  	_ =	shalt  }
0x6c: {  	_ =	shalt  }
0x6d: {  	_ =	shalt  }
0x6e: {  	_ =	shalt  }
0x6f: {  	_ =	shalt  }
0x70: {  	_ =	shalt  }
0x71: {  	_ =	shalt  }
0x72: {  	_ =	shalt  }
0x73: {  	_ =	shalt  }
0x74: {  	_ =	shalt  }
0x75: {  	_ =	shalt  }
0x76: {  	_ =	shalt  }
0x77: {  	_ =	shalt  }
0x78: {  	_ =	shalt  }
0x79: {  	_ =	shalt  }
0x7a: {  	_ =	shalt  }
0x7b: {  	_ =	shalt  }
0x7c: {  	_ =	shalt  }
0x7d: {  	_ =	shalt  }
0x7e: {  	_ =	shalt  }
0x7f: {  	_ =	shalt  }
0x80: {  	_ =	shalt  }
0x81: {  	_ =	shalt  }
0x82: {  	_ =	shalt  }
0x83: {  	_ =	shalt  }
0x84: {  	_ =	shalt  }
0x85: {  	_ =	shalt  }
0x86: {  	_ =	shalt  }
0x87: {  	_ =	shalt  }
.Lfunc_end0:
.L_simem_size_0:
called_computation.1_lowered:
.L_overlay_start_0:
0x88: {  	s2 =	sld [smem:$0x3FD9]  }
0x89: {  	s3 =	sld [smem:$0x3FFE];
	_ =	sdelay $0x1  }
0x8a: {  	s1 =	srdreg.scid  }
0x8b: {  	s0 =	sand.u32 $0x1, s1  }
0x8c: {  	s17 =	sshll.u32 s0, $0xA;
	s2 =	sadd.s32 s3, s2  }
0x8d: {  	s2 =	sadd.s32 s2, s17  }
0x8e: {  	[smem:$0x3FC3] =	sst s2  }
0x8f: {  	_ = 	snop  }
0x90: {  	s2 =	sld [smem:$0x3FD0];
	(tm) =	ssettm $0x1  }
0x91: {  	s18 =	sld [smem:$0x3FFB];
	_ =	sdelay $0x3  }
0x92: {  	_ =	strace s18  }
0x93: {  	s3 =	sld [smem:$0x3FFC];
	_ =	sdelay $0x3  }
0x94: {  	_ =	strace s3  }
0x95: {  	s3 =	sld [smem:$0x3FFD];
	_ =	sdelay $0x3  }
0x96: {  	_ =	strace s3  }
0x97: {  	_ =	strace $0x8FFFFFFF  }
0x98: {  	s19 =	sld [smem:$0x3FDB];
	_ =	sdelay $0x1  }
0x99: {  	s4 =	simm.s32 $_scs_section_size  }
0x9a: {  	s5 =	simm.s32 $_size__tile_overlayer_lowered;
	s6 =	simm.s32 $_tile_overlayer_lowered  }
0x9b: {  	s22 =	simm.s32 $0x1BFF;
	s21 =	sshll.u32 s6, $0x1;
	s3 =	sadd.s32 s4, s19  }
0x9c: {  	s7 =	simm.s32 $0x0;
	s20 =	sshll.u32 s5, $0x1;
	s5 =	sadd.s32 s21, s3  }
0x9d: {  	[timem:s7], [sflag:s22] =	dma.local [hbm:s5], s20  }
0x9e: {  	_ =	swait.ge [sflag:s22], s20  }
0x9f: {  	s4 =	ssub.s32 $0x0, s20;
	[sflag:s22] =	ssyncset.done $0x0  }
0xa0: {  	[sflag:s22] =	ssyncadd.s32 s4;
	_ =	sdelay $0x1  }
0xa1: {  	s23 =	simm.s32 $0x1B8B  }
0xa2: {  	_ =	swait.ge [sflag:s23], $0x1  }
0xa3: {  	[sflag:s23] =	ssyncset.done $0x0  }
0xa4: {  	s25 =	simm.s32 $0x1B8E;
	s24 =	sld [smem:$0x3FFE];
	[sflag:s23] =	ssyncadd.s32 $0xFFFFFFFF  }
0xa5: {  	s26 =	simm.s32 $execute0_lowered;
	[smem:$0x3FD2] =	sst s25  }
0xa6: {  	s5 =	sshll.u32 s26, $0x1;
	_ =	strace $0x80000049;
	[dreg:$0x1] =	wrdreg $0xFFFFFFFF  }
0xa7: {  	s28 =	simm.s32 $_size_execute0_lowered;
	s3 =	sadd.s32 s3, s5;
	[dreg:$0x0] =	wrdreg $0x0  }
0xa8: {  	s5 =	sshll.u32 s28, $0x1;
	[dreg:$0x2] =	wrdreg s3  }
0xa9: {  	[dreg:$0x3] =	wrdreg s5  }
0xaa: {  	[dreg:$0x4] =	wrdreg $0xC0  }
0xab: {  	_ =	task [dreg:s7], $0x5FFFF  }
0xac: {  	[dreg:$0x1] =	wrdreg $0xFFFFFFFF  }
0xad: {  	[dreg:$0x0] =	wrdreg $0x60  }
0xae: {  	[dreg:$0x2] =	wrdreg s24  }
0xaf: {  	[dreg:$0x3] =	wrdreg s2  }
0xb0: {  	[dreg:$0x4] =	wrdreg $0x9  }
0xb1: {  	_ =	task.clear_ibuf [dreg:s7], $0x5FFFF;
	_ =	strace $0x90000049  }
0xb2: {  	s29 =	simm.s32 $0x9;
	_ =	strace $0x8000004B  }
0xb3: {  	_ =	swait.ge [sflag:s29], $0x1  }
0xb4: {  	[sflag:s29] =	ssyncadd.s32 $0xFFFFFFFF  }
0xb5: {  	_ =	strace $0x9000004B  }
0xb6: {  	_ =	sfence  }
0xb7: {  	s30 =	sld [smem:$0x0];
	_ =	sdelay $0x2  }
0xb8: {  	s31 =	sshll.u32 s1, $0xD;
	s1 =	sshrl.u32 s1, $0x2  }
0xb9: {  	s3 =	sand.u32 $0x4000, s31;
	s1 =	sadd.s32 s1, s30  }
0xba: {  	s0 =	sor.u32 s3, s0;
	s1 =	sshll.u32 s1, $0x11  }
0xbb: {  	s0 =	sor.u32 s1, s0  }
0xbc: {  	s0 =	sadd.s32 $0x8F2B, s0  }
0xbd: {  	[sflag:s0] =	ssyncadd.remote.s32 $0x1  }
0xbe: {  	_ =	sfence.sel $0xFFFF  }
0xbf: {  	[dreg:$0x0] =	wrdreg $0xFFFFFFFF;
	(pc) =	sbr.abs _section_cstart, $3  }
0xc0: {  	[dreg:$0x1] =	wrdreg $0xFFFFFFFF  }
0xc1: {  	_ =	task.clear_ibuf [dreg:s7], $0x2FFFF;
	_ =	strace $0x9FFFFFFF  }
0xc2: {  	(tm) =	ssettm $0x7FFFFFFF  }
0xc3: {  	_ =	shalt  }
tec
execute0_lowered:
.L_overlay_start_1:
0x0: {  	(tag) =	ssettag $0x1  }
0x1: {  	s0 =	srdreg.scid  }
0x2: {  	s1 =	stileid.u32;
	s15 =	rddreg [dreg:$0x1];
	s2 =	sand.u32 $0x1, s0  }
0x3: {  	s3 =	sshll.u32 s1, $0x1;
	s0 =	rddreg [dreg:$0x0];
	s1 =	simm.s32 $0x0  }
0x4: {  	s3 =	sor.u32 s2, s3;
	[smem:$0x7FF] =	sst s1;
	s2 =	ssub.s32 $0x2, s2  }
0x5: {  	s5 =	sadd.s32 $0x1200, s0;
	s6 =	sadd.s32 $0x11200, s0;
	s29 =	sadd.s32 $0x141200, s0  }
0x6: {  	s31 =	sadd.s32 $0x141300, s0;
	s4 =	sshll.u32 s3, $0x4;
	s7 =	sshrl.u32 s2, $0x1  }
0x7: {  	s17 =	sshll.u32 s3, $0xB;
	s3 =	sshll.u32 s3, $0xE;
	s2 =	ssub.s32 s2, s7  }
0x8: {  	s8 =	sor.u32 $0x2, s4;
	s9 =	sadd.s32 s5, s17;
	s10 =	sor.u32 $0x4, s4  }
0x9: {  	s7 =	sadd.s32 s6, s17;
	s11 =	sor.u32 $0x8, s4;
	s13 =	sor.u32 $0xA, s4  }
0xa: {  	s28 =	sor.u32 $0xC, s4;
	s14 =	sor.u32 $0xE, s4;
	[dreg:$0x3] =	wrdreg s9  }
0xb: {  	s3 =	sadd.s32 s15, s3;
	s18 =	sshll.u32 s8, $0x7;
	[dreg:$0x4] =	wrdreg s7  }
0xc: {  	s20 =	sshll.u32 s10, $0x7;
	s23 =	sshll.u32 s11, $0x7;
	s19 =	sadd.s32 s5, s18  }
0xd: {  	s25 =	sshll.u32 s13, $0x7;
	s9 =	sadd.s32 s6, s18;
	[dreg:$0x5] =	wrdreg s19  }
0xe: {  	s30 =	sshll.u32 s28, $0x7;
	s21 =	sadd.s32 s5, s20;
	[dreg:$0x6] =	wrdreg s9  }
0xf: {  	s17 =	sshll.u32 s14, $0x7;
	s7 =	sadd.s32 s6, s20;
	[dreg:$0x7] =	wrdreg s21  }
0x10: {  	s28 =	sshll.u32 s28, $0xA;
	s24 =	sadd.s32 s5, s23;
	[dreg:$0x8] =	wrdreg s7  }
0x11: {  	s2 =	smax.u32 s2, $0x1;
	s26 =	sadd.s32 s5, s25;
	[dreg:$0xb] =	wrdreg s24  }
0x12: {  	s16 =	sadd.s32 s5, s30;
	s18 =	sadd.s32 s6, s17;
	[dreg:$0xd] =	wrdreg s26  }
0x13: {  	s20 =	sshll.u32 s8, $0xA;
	s8 =	simm.s32 $0xF900;
	[dreg:$0xf] =	wrdreg s16  }
0x14: {  	s9 =	sor.u32 $0x6, s4;
	[dreg:$0x12] =	wrdreg s18;
	s4 =	sadd.s32 s4, s0  }
0x15: {  	s21 =	sshll.u32 s10, $0xA;
	s24 =	sshll.u32 s11, $0xA;
	s22 =	sshll.u32 s9, $0x7  }
0x16: {  	s10 =	simm.s32 $0x10900;
	s11 =	simm.s32 $0x11100;
	s12 =	sadd.s32 s5, s22  }
0x17: {  	s16 =	simm.s32 $0x2;
	s7 =	sadd.s32 s6, s22;
	[dreg:$0x9] =	wrdreg s12  }
0x18: {  	s18 =	simm.s32 $0x16100;
	s5 =	sadd.s32 s5, s17;
	[dreg:$0xa] =	wrdreg s7  }
0x19: {  	s19 =	sadd.s32 $0xE00, s4;
	s12 =	sadd.s32 s6, s23;
	[dreg:$0x11] =	wrdreg s5  }
0x1a: {  	s4 =	sadd.s32 $0x1000, s4;
	s7 =	sadd.s32 s6, s25;
	[dreg:$0xc] =	wrdreg s12  }
0x1b: {  	s22 =	sadd.s32 s15, s21;
	[dreg:$0xe] =	wrdreg s7;
	s7 =	sadd.s32 s6, s30  }
0x1c: {  	s17 =	simm.s32 $0x12100;
	s23 =	sshll.u32 s9, $0xA;
	[dreg:$0x10] =	wrdreg s7  }
0x1d: {  	s25 =	sshll.u32 s13, $0xA;
	_ =	strace $0x8000004A;
	[dreg:$0x13] =	wrdreg s19  }
0x1e: {  	s5 =	simm.s32 $0xE100;
	s9 =	simm.s32 $0x10100;
	[dreg:$0x14] =	wrdreg s4  }
0x1f: {  	s13 =	simm.s32 $0x900;
	s26 =	sadd.s32 s15, s25;
	[dreg:$0x15] =	wrdreg s3  }
0x20: {  	s30 =	sshll.u32 s14, $0xA;
	s14 =	sadd.s32 $0x141400, s0;
	[dreg:$0x17] =	wrdreg s22  }
0x21: {  	s0 =	sadd.s32 $0x141500, s0;
	s6 =	simm.s32 $0xE900;
	[dreg:$0x1a] =	wrdreg s26  }
0x22: {  	s12 =	simm.s32 $0x11900;
	s3 =	sadd.s32 s15, s20;
	[dreg:$0x1d] =	wrdreg s2  }
0x23: {  	s7 =	simm.s32 $0xF100;
	[dreg:$0x16] =	wrdreg s3;
	s3 =	sadd.s32 s15, s23  }
0x24: {  	s4 =	simm.s32 $0x9900;
	[dreg:$0x18] =	wrdreg s3;
	s3 =	sadd.s32 s15, s24  }
0x25: {  	v2 =	vlaneseq.u32;
	s19 =	simm.s32 $0x3;
	[dreg:$0x19] =	wrdreg s3;
	s3 =	sadd.s32 s15, s28  }
0x26: {  	vm0 =	vmmov $0xffff;
	v1 =	vshrl.u32 v2, $0x3;
	s20 =	simm.s32 $0x0;
	[dreg:$0x1b] =	wrdreg s3;
	s3 =	sadd.s32 s15, s30  }
0x27: {  	v0 =	vand.u32 $0x7, v2;
	v2 =	vor.u32 $0x8, v2;
	v1 =	vmul.u32 $0x8, v1;
	s15 =	simm.s32 $0x1900;
	[dreg:$0x1c] =	wrdreg s3;
	s3 =	simm.s32 $0x1  }
.LBB2_1:
0x28: {  	s2 =	rddreg [dreg:$0x13]  }
0x29: {  	[tilespmem:s1], [sflag:$0x1] =	stream.linear.gather [hbm4b:s2+s1], $0x80, $0x38;
	[tilespmem:$0x1A100] =	vst v63  }
0x2a: {  	_ =	swait.ge [sflag:s3], $0x80  }
0x2b: {  	[sflag:s3] =	ssyncset.done $0x0  }
0x2c: {  	s21 =	simm.s32 $0x80;
	s23 =	rddreg [dreg:$0x14];
	[sflag:s3] =	ssyncadd.s32 $0xFFFFFF80  }
0x2d: {  	[tilespmem:s21], [sflag:$0x1] =	stream.linear.gather [hbm4b:s23+s1], $0x80, $0x38;
	[tilespmem:$0x1A100] =	vst v63  }
0x2e: {  	_ =	swait.ge [sflag:s3], $0x80  }
0x2f: {  	[sflag:s3] =	ssyncset.done $0x0  }
0x30: {  	[sflag:s3] =	ssyncadd.s32 $0xFFFFFF80  }
0x31: {  	v3 =	vld [tilespmem:$0x0];
	_ =	sdelay $0x4  }
0x32: {  	v4 =	vshll.u32 v3, $0x3  }
0x33: {  	v3 =	vand.u32 $0x7, v3;
	v4 =	vand.u32 $0xFFFFFFC0, v4  }
0x34: {  	v3 =	vor.u32 v3, v4  }
0x35: {  	v4 =	vperm.xlane v3, v0;
	_ =	sdelay $0x1  }
0x36: {  	v4 =	vadd.s32 v1, v4;
	_ =	sdelay $0x3  }
0x37: {  	s24 =	simm.s32 $0x2100  }
0x38: {  	[tilespmem:s24], [sflag:$0x2] =	stream.indirect_vreg.gather [hbm4b:s29+s1], $0x80, v4, vm0, $0xb8;
	[tilespmem:$0x1A100] =	vst v63  }
0x39: {  	s25 =	simm.s32 $0x2900;
	v3 =	vperm.xlane v3, v2  }
0x3a: {  	[tilespmem:s25], [sflag:$0x2] =	stream.indirect_vreg.gather [hbm4b:s31+s1], $0x80, v4, vm0, $0xb8;
	[tilespmem:$0x1A100] =	vst v63  }
0x3b: {  	s26 =	simm.s32 $0x3100;
	v3 =	vadd.s32 v1, v3  }
0x3c: {  	[tilespmem:s26], [sflag:$0x2] =	stream.indirect_vreg.gather [hbm4b:s14+s1], $0x80, v4, vm0, $0xb8;
	[tilespmem:$0x1A100] =	vst v63  }
0x3d: {  	s28 =	simm.s32 $0x3900  }
0x3e: {  	[tilespmem:s28], [sflag:$0x2] =	stream.indirect_vreg.gather [hbm4b:s0+s1], $0x80, v4, vm0, $0xb8;
	[tilespmem:$0x1A100] =	vst v63  }
0x3f: {  	s30 =	simm.s32 $0x4100  }
0x40: {  	[tilespmem:s30], [sflag:$0x2] =	stream.indirect_vreg.gather [hbm4b:s29+s1], $0x80, v3, vm0, $0xb8;
	[tilespmem:$0x1A100] =	vst v63  }
0x41: {  	s21 =	simm.s32 $0x4900  }
0x42: {  	[tilespmem:s21], [sflag:$0x2] =	stream.indirect_vreg.gather [hbm4b:s31+s1], $0x80, v3, vm0, $0xb8;
	[tilespmem:$0x1A100] =	vst v63  }
0x43: {  	s22 =	simm.s32 $0x5100  }
0x44: {  	[tilespmem:s22], [sflag:$0x2] =	stream.indirect_vreg.gather [hbm4b:s14+s1], $0x80, v3, vm0, $0xb8;
	[tilespmem:$0x1A100] =	vst v63  }
0x45: {  	s23 =	simm.s32 $0x5900  }
0x46: {  	[tilespmem:s23], [sflag:$0x2] =	stream.indirect_vreg.gather [hbm4b:s0+s1], $0x80, v3, vm0, $0xb8;
	[tilespmem:$0x1A100] =	vst v63  }
0x47: {  	v3 =	vld [tilespmem:$0x80];
	_ =	sdelay $0x4  }
0x48: {  	v61 =	vshll.u32 v3, $0x3  }
0x49: {  	v3 =	vand.u32 $0x7, v3;
	v4 =	vand.u32 $0xFFFFFFC0, v61  }
0x4a: {  	v3 =	vor.u32 v3, v4  }
0x4b: {  	v4 =	vperm.xlane v3, v0;
	_ =	sdelay $0x1  }
0x4c: {  	v4 =	vadd.s32 v1, v4;
	_ =	sdelay $0x3  }
0x4d: {  	s24 =	simm.s32 $0xA100  }
0x4e: {  	[tilespmem:s24], [sflag:$0x2] =	stream.indirect_vreg.gather [hbm4b:s29+s1], $0x80, v4, vm0, $0xb8;
	[tilespmem:$0x1A100] =	vst v63  }
0x4f: {  	s25 =	simm.s32 $0xA900;
	v3 =	vperm.xlane v3, v2  }
0x50: {  	[tilespmem:s25], [sflag:$0x2] =	stream.indirect_vreg.gather [hbm4b:s31+s1], $0x80, v4, vm0, $0xb8;
	[tilespmem:$0x1A100] =	vst v63  }
0x51: {  	s26 =	simm.s32 $0xB100;
	v3 =	vadd.s32 v1, v3  }
0x52: {  	[tilespmem:s26], [sflag:$0x2] =	stream.indirect_vreg.gather [hbm4b:s14+s1], $0x80, v4, vm0, $0xb8;
	[tilespmem:$0x1A100] =	vst v63  }
0x53: {  	s28 =	simm.s32 $0xB900  }
0x54: {  	[tilespmem:s28], [sflag:$0x2] =	stream.indirect_vreg.gather [hbm4b:s0+s1], $0x80, v4, vm0, $0xb8;
	[tilespmem:$0x1A100] =	vst v63  }
0x55: {  	s30 =	simm.s32 $0xC100  }
0x56: {  	[tilespmem:s30], [sflag:$0x2] =	stream.indirect_vreg.gather [hbm4b:s29+s1], $0x80, v3, vm0, $0xb8;
	[tilespmem:$0x1A100] =	vst v63  }
0x57: {  	s21 =	simm.s32 $0xC900  }
0x58: {  	[tilespmem:s21], [sflag:$0x2] =	stream.indirect_vreg.gather [hbm4b:s31+s1], $0x80, v3, vm0, $0xb8;
	[tilespmem:$0x1A100] =	vst v63  }
0x59: {  	s22 =	simm.s32 $0xD100  }
0x5a: {  	[tilespmem:s22], [sflag:$0x2] =	stream.indirect_vreg.gather [hbm4b:s14+s1], $0x80, v3, vm0, $0xb8;
	[tilespmem:$0x1A100] =	vst v63  }
0x5b: {  	s23 =	simm.s32 $0xD900  }
0x5c: {  	[tilespmem:s23], [sflag:$0x2] =	stream.indirect_vreg.gather [hbm4b:s0+s1], $0x80, v3, vm0, $0xb8;
	[tilespmem:$0x1A100] =	vst v63  }
0x5d: {  	s24 =	rddreg [dreg:$0x3];
	s25 =	simm.s32 $0x100  }
0x5e: {  	[tilespmem:s25], [sflag:$0x2] =	stream.linear.gather [hbm4b:s24+s1], $0x800, $0x38;
	[tilespmem:$0x1A100] =	vst v63  }
0x5f: {  	s26 =	rddreg [dreg:$0x4];
	s28 =	simm.s32 $0x1100  }
0x60: {  	[tilespmem:s28], [sflag:$0x2] =	stream.linear.gather [hbm4b:s26+s1], $0x800, $0x38;
	[tilespmem:$0x1A100] =	vst v63  }
0x61: {  	v3 =	vld [tilespmem:$0x10];
	_ =	sdelay $0x4  }
0x62: {  	v62 =	vshll.u32 v3, $0x3  }
0x63: {  	v3 =	vand.u32 $0x7, v3;
	v4 =	vand.u32 $0xFFFFFFC0, v62  }
0x64: {  	v3 =	vor.u32 v3, v4  }
0x65: {  	v4 =	vperm.xlane v3, v0;
	_ =	sdelay $0x1  }
0x66: {  	v4 =	vadd.s32 v1, v4;
	_ =	sdelay $0x3  }
0x67: {  	s30 =	simm.s32 $0x6100  }
0x68: {  	[tilespmem:s30], [sflag:$0x2] =	stream.indirect_vreg.gather [hbm4b:s29+s1], $0x80, v4, vm0, $0xb8;
	[tilespmem:$0x1A100] =	vst v63  }
0x69: {  	s21 =	simm.s32 $0x6900;
	v3 =	vperm.xlane v3, v2  }
0x6a: {  	[tilespmem:s21], [sflag:$0x2] =	stream.indirect_vreg.gather [hbm4b:s31+s1], $0x80, v4, vm0, $0xb8;
	[tilespmem:$0x1A100] =	vst v63  }
0x6b: {  	s22 =	simm.s32 $0x7100;
	v3 =	vadd.s32 v1, v3  }
0x6c: {  	[tilespmem:s22], [sflag:$0x2] =	stream.indirect_vreg.gather [hbm4b:s14+s1], $0x80, v4, vm0, $0xb8;
	[tilespmem:$0x1A100] =	vst v63  }
0x6d: {  	s23 =	simm.s32 $0x7900  }
0x6e: {  	[tilespmem:s23], [sflag:$0x2] =	stream.indirect_vreg.gather [hbm4b:s0+s1], $0x80, v4, vm0, $0xb8;
	[tilespmem:$0x1A100] =	vst v63  }
0x6f: {  	s24 =	simm.s32 $0x8100  }
0x70: {  	[tilespmem:s24], [sflag:$0x2] =	stream.indirect_vreg.gather [hbm4b:s29+s1], $0x80, v3, vm0, $0xb8;
	[tilespmem:$0x1A100] =	vst v63  }
0x71: {  	s25 =	simm.s32 $0x8900  }
0x72: {  	[tilespmem:s25], [sflag:$0x2] =	stream.indirect_vreg.gather [hbm4b:s31+s1], $0x80, v3, vm0, $0xb8;
	[tilespmem:$0x1A100] =	vst v63  }
0x73: {  	s26 =	simm.s32 $0x9100  }
0x74: {  	[tilespmem:s26], [sflag:$0x2] =	stream.indirect_vreg.gather [hbm4b:s14+s1], $0x80, v3, vm0, $0xb8;
	[tilespmem:$0x1A100] =	vst v63  }
0x75: {  	_ = 	snop  }
0x76: {  	[tilespmem:s4], [sflag:$0x2] =	stream.indirect_vreg.gather [hbm4b:s0+s1], $0x80, v3, vm0, $0xb8;
	[tilespmem:$0x1A100] =	vst v63  }
0x77: {  	v3 =	vld [tilespmem:$0x90];
	_ =	sdelay $0x4  }
0x78: {  	v63 =	vshll.u32 v3, $0x3  }
0x79: {  	v3 =	vand.u32 $0x7, v3;
	v4 =	vand.u32 $0xFFFFFFC0, v63  }
0x7a: {  	v3 =	vor.u32 v3, v4  }
0x7b: {  	v4 =	vperm.xlane v3, v0;
	_ =	sdelay $0x1  }
0x7c: {  	v4 =	vadd.s32 v1, v4;
	_ =	sdelay $0x4  }
0x7d: {  	[tilespmem:s5], [sflag:$0x2] =	stream.indirect_vreg.gather [hbm4b:s29+s1], $0x80, v4, vm0, $0xb8;
	[tilespmem:$0x1A100] =	vst v63  }
0x7e: {  	v3 =	vperm.xlane v3, v2  }
0x7f: {  	[tilespmem:s6], [sflag:$0x2] =	stream.indirect_vreg.gather [hbm4b:s31+s1], $0x80, v4, vm0, $0xb8;
	[tilespmem:$0x1A100] =	vst v63  }
0x80: {  	v3 =	vadd.s32 v1, v3  }
0x81: {  	[tilespmem:s7], [sflag:$0x2] =	stream.indirect_vreg.gather [hbm4b:s14+s1], $0x80, v4, vm0, $0xb8;
	[tilespmem:$0x1A100] =	vst v63  }
0x82: {  	_ = 	snop  }
0x83: {  	[tilespmem:s8], [sflag:$0x2] =	stream.indirect_vreg.gather [hbm4b:s0+s1], $0x80, v4, vm0, $0xb8;
	[tilespmem:$0x1A100] =	vst v63  }
0x84: {  	_ = 	snop  }
0x85: {  	[tilespmem:s9], [sflag:$0x2] =	stream.indirect_vreg.gather [hbm4b:s29+s1], $0x80, v3, vm0, $0xb8;
	[tilespmem:$0x1A100] =	vst v63  }
0x86: {  	_ = 	snop  }
0x87: {  	[tilespmem:s10], [sflag:$0x2] =	stream.indirect_vreg.gather [hbm4b:s31+s1], $0x80, v3, vm0, $0xb8;
	[tilespmem:$0x1A100] =	vst v63  }
0x88: {  	_ = 	snop  }
0x89: {  	[tilespmem:s11], [sflag:$0x2] =	stream.indirect_vreg.gather [hbm4b:s14+s1], $0x80, v3, vm0, $0xb8;
	[tilespmem:$0x1A100] =	vst v63  }
0x8a: {  	_ = 	snop  }
0x8b: {  	[tilespmem:s12], [sflag:$0x2] =	stream.indirect_vreg.gather [hbm4b:s0+s1], $0x80, v3, vm0, $0xb8;
	[tilespmem:$0x1A100] =	vst v63  }
0x8c: {  	s28 =	rddreg [dreg:$0x5]  }
0x8d: {  	[tilespmem:s13], [sflag:$0x2] =	stream.linear.gather [hbm4b:s28+s1], $0x800, $0x38;
	[tilespmem:$0x1A100] =	vst v63  }
0x8e: {  	s30 =	rddreg [dreg:$0x6]  }
0x8f: {  	[tilespmem:s15], [sflag:$0x2] =	stream.linear.gather [hbm4b:s30+s1], $0x800, $0x38;
	[tilespmem:$0x1A100] =	vst v63  }
0x90: {  	_ =	swait.ge [sflag:s16], $0x4000  }
0x91: {  	[sflag:s16] =	ssyncset.done $0x0  }
0x92: {  	[sflag:s16] =	ssyncadd.s32 $0xFFFFC000  }
0x93: {  	_ =	swait.ge [sflag:s16], $0x4000  }
0x94: {  	[sflag:s16] =	ssyncset.done $0x0  }
0x95: {  	[sflag:s16] =	ssyncadd.s32 $0xFFFFC000  }
0x96: {  	_ =	swait.ge [sflag:s16], $0x800  }
0x97: {  	[sflag:s16] =	ssyncset.done $0x0  }
0x98: {  	[sflag:s16] =	ssyncadd.s32 $0xFFFFF800  }
0x99: {  	_ =	swait.ge [sflag:s16], $0x800  }
0x9a: {  	[sflag:s16] =	ssyncset.done $0x0  }
0x9b: {  	s21 =	simm.s32 $0x0;
	[sflag:s16] =	ssyncadd.s32 $0xFFFFF800  }
.LBB2_2:
0x9c: {  	s2 =	sshll.u32 s21, $0x7;
	s22 =	sshll.u32 s21, $0xA  }
0x9d: {  	s24 =	simm.s32 $0x0;
	s22 =	sand.u32 $0x2000, s22;
	s23 =	sand.u32 $0x380, s2  }
0x9e: {  	s26 =	sand.u32 $0x40, s24;
	s23 =	sor.u32 s22, s23  }
0x9f: {  	v3 =	vld [tilespmem:s2+$0x100];
	s24 =	sand.u32 $0x1C00, s24;
	s22 =	sor.u32 s26, s23  }
0xa0: {  	v4 =	vld [tilespmem:s2+$0x1100];
	s24 =	sor.u32 s24, s22  }
0xa1: {  	v5 =	vld [tilespmem:s24+$0x2130]  }
0xa2: {  	v6 =	vld [tilespmem:s24+$0xA130]  }
0xa3: {  	v7 =	vld [tilespmem:s24+$0x2100]  }
0xa4: {  	v8 =	vld [tilespmem:s24+$0xA100]  }
0xa5: {  	s22 =	simm.s32 $0x40;
	v9 =	vld [tilespmem:s24+$0x2110]  }
0xa6: {  	s25 =	simm.s32 $0x200;
	s2 =	sand.u32 $0x40, s22;
	v10 =	vld [tilespmem:s24+$0xA110]  }
0xa7: {  	s22 =	sand.u32 $0x1C00, s25;
	v11 =	vld [tilespmem:s24+$0x2120];
	s2 =	sor.u32 s2, s23;
	v5 =	vmul.f32 v5, v3;
	v6 =	vmul.f32 v6, v4  }
0xa8: {  	v12 =	vld [tilespmem:s24+$0xA120];
	s22 =	sor.u32 s22, s2  }
0xa9: {  	v13 =	vld [tilespmem:s22+$0x2130];
	v7 =	vmul.f32 v7, v3;
	v8 =	vmul.f32 v8, v4;
	v5 =	vadd.f32 v6, v5  }
0xaa: {  	v14 =	vld [tilespmem:s22+$0xA130]  }
0xab: {  	v9 =	vmul.f32 v9, v3;
	v10 =	vmul.f32 v10, v4;
	v6 =	vld [tilespmem:s22+$0x2100];
	v7 =	vadd.f32 v8, v7;
	[tilespmem:s24+$0x12130] =	vst v5  }
0xac: {  	v8 =	vld [tilespmem:s22+$0xA100]  }
0xad: {  	s26 =	simm.s32 $0x80;
	v15 =	vmul.f32 v11, v3;
	v12 =	vmul.f32 v12, v4;
	v16 =	vadd.f32 v10, v9;
	v5 =	vld [tilespmem:s22+$0x2110];
	[tilespmem:s24+$0x12100] =	vst v7  }
0xae: {  	s25 =	simm.s32 $0x400;
	s2 =	sand.u32 $0x40, s26;
	v9 =	vld [tilespmem:s22+$0xA110]  }
0xaf: {  	s28 =	sand.u32 $0x1C00, s25;
	s26 =	simm.s32 $0xC0;
	s30 =	sor.u32 s2, s23;
	v12 =	vadd.f32 v12, v15;
	v10 =	vmul.f32 v13, v3;
	v11 =	vmul.f32 v14, v4;
	v7 =	vld [tilespmem:s22+$0x2120];
	[tilespmem:s24+$0x12110] =	vst v16  }
.LBB2_3:
0xb0: {  	p0 =	sne.s32 s26, $0x3C0;
	s2 =	sor.u32 s28, s30;
	v13 =	vmul.f32 v6, v3;
	v14 =	vld [tilespmem:s22+$0xA120]  }
0xb1: {  	v15 =	vld [tilespmem:s2+$0x2130];
	v8 =	vmul.f32 v8, v4;
	v10 =	vadd.f32 v11, v10;
	[tilespmem:s24+$0x12120] =	vst v12;
	s24 =	smov.u32 s22;
	s22 =	smov.u32 s2  }
0xb2: {  	v11 =	vld [tilespmem:s22+$0xA130];
	v12 =	vmul.f32 v5, v3  }
.Ltmp0:
0xb3: {  	v6 =	vld [tilespmem:s22+$0x2100];
	v13 =	vadd.f32 v8, v13;
	v9 =	vmul.f32 v9, v4;
	[tilespmem:s24+$0x12130] =	vst v10;
	(pc) =	sbr.rel @p0 .LBB2_3-.Ltmp0, $4  }
0xb4: {  	v8 =	vld [tilespmem:s22+$0xA100];
	v16 =	vmul.f32 v7, v3  }
0xb5: {  	v5 =	vld [tilespmem:s22+$0x2110];
	[tilespmem:s24+$0x12100] =	vst v13;
	v12 =	vadd.f32 v9, v12;
	v13 =	vmul.f32 v14, v4  }
0xb6: {  	s25 =	sadd.s32 $0x200, s25;
	s2 =	sand.u32 $0x40, s26;
	v9 =	vld [tilespmem:s22+$0xA110]  }
0xb7: {  	s28 =	sand.u32 $0x1C00, s25;
	s26 =	sadd.s32 $0x40, s26;
	s30 =	sor.u32 s2, s23;
	v10 =	vmul.f32 v15, v3;
	v7 =	vld [tilespmem:s22+$0x2120];
	v11 =	vmul.f32 v11, v4;
	[tilespmem:s24+$0x12110] =	vst v12;
	v12 =	vadd.f32 v13, v16  }
0xb8: {  	s2 =	sor.u32 s28, s30;
	v13 =	vld [tilespmem:s22+$0xA120]  }
0xb9: {  	v6 =	vmul.f32 v6, v3;
	v14 =	vld [tilespmem:s2+$0x2130];
	[tilespmem:s24+$0x12120] =	vst v12;
	v10 =	vadd.f32 v11, v10;
	v8 =	vmul.f32 v8, v4  }
0xba: {  	v58 =	vld [tilespmem:s2+$0xA130]  }
0xbb: {  	v12 =	vld [tilespmem:s2+$0x2100];
	v5 =	vmul.f32 v5, v3;
	[tilespmem:s22+$0x12130] =	vst v10;
	v6 =	vadd.f32 v8, v6;
	v9 =	vmul.f32 v9, v4  }
0xbc: {  	v59 =	vld [tilespmem:s2+$0xA100]  }
0xbd: {  	v10 =	vld [tilespmem:s2+$0x2110];
	[tilespmem:s22+$0x12100] =	vst v6;
	v5 =	vadd.f32 v9, v5  }
0xbe: {  	v6 =	vld [tilespmem:s2+$0xA110]  }
0xbf: {  	v60 =	vld [tilespmem:s2+$0x2120];
	[tilespmem:s22+$0x12110] =	vst v5  }
0xc0: {  	v5 =	vld [tilespmem:s2+$0xA120]  }
0xc1: {  	v7 =	vmul.f32 v7, v3;
	v13 =	vmul.f32 v13, v4  }
0xc2: {  	v14 =	vmul.f32 v14, v3;
	v11 =	vmul.f32 v58, v4  }
0xc3: {  	s21 =	sadd.s32 $0x1, s21;
	v7 =	vadd.f32 v13, v7;
	v12 =	vmul.f32 v12, v3;
	v8 =	vmul.f32 v59, v4  }
0xc4: {  	p0 =	sne.s32 s21, $0x10;
	v11 =	vadd.f32 v11, v14;
	v10 =	vmul.f32 v10, v3;
	v6 =	vmul.f32 v6, v4  }
.Ltmp1:
0xc5: {  	[tilespmem:s22+$0x12120] =	vst v7;
	v61 =	vadd.f32 v8, v12;
	v3 =	vmul.f32 v60, v3;
	v62 =	vmul.f32 v5, v4;
	(pc) =	sbr.rel @p0 .LBB2_2-.Ltmp1, $4  }
0xc6: {  	[tilespmem:s2+$0x12130] =	vst v11;
	v63 =	vadd.f32 v6, v10  }
0xc7: {  	[tilespmem:s2+$0x12100] =	vst v61;
	v3 =	vadd.f32 v62, v3  }
0xc8: {  	[tilespmem:s2+$0x12110] =	vst v63  }
0xc9: {  	[tilespmem:s2+$0x12120] =	vst v3  }
0xca: {  	s21 =	simm.s32 $0x0;
	s2 =	rddreg [dreg:$0x15]  }
0xcb: {  	[hbm4b:s2+s21] =	stream.linear.scatter [tilespmem:s17], [sflag:$0x3], $0x4000, $0x38;
	[tilespmem:$0x1A100] =	vst v63  }
0xcc: {  	v3 =	vld [tilespmem:$0x20];
	_ =	sdelay $0x4  }
0xcd: {  	v4 =	vshll.u32 v3, $0x3  }
0xce: {  	v3 =	vand.u32 $0x7, v3;
	v4 =	vand.u32 $0xFFFFFFC0, v4  }
0xcf: {  	v3 =	vor.u32 v3, v4  }
0xd0: {  	v4 =	vperm.xlane v3, v0;
	_ =	sdelay $0x1  }
0xd1: {  	v4 =	vadd.s32 v1, v4;
	_ =	sdelay $0x3  }
0xd2: {  	s24 =	simm.s32 $0x2100  }
0xd3: {  	[tilespmem:s24], [sflag:$0x2] =	stream.indirect_vreg.gather [hbm4b:s29+s21], $0x80, v4, vm0, $0xb8;
	[tilespmem:$0x1A100] =	vst v63  }
0xd4: {  	s25 =	simm.s32 $0x2900;
	v3 =	vperm.xlane v3, v2  }
0xd5: {  	[tilespmem:s25], [sflag:$0x2] =	stream.indirect_vreg.gather [hbm4b:s31+s21], $0x80, v4, vm0, $0xb8;
	[tilespmem:$0x1A100] =	vst v63  }
0xd6: {  	s26 =	simm.s32 $0x3100;
	v3 =	vadd.s32 v1, v3  }
0xd7: {  	[tilespmem:s26], [sflag:$0x2] =	stream.indirect_vreg.gather [hbm4b:s14+s21], $0x80, v4, vm0, $0xb8;
	[tilespmem:$0x1A100] =	vst v63  }
0xd8: {  	s28 =	simm.s32 $0x3900  }
0xd9: {  	[tilespmem:s28], [sflag:$0x2] =	stream.indirect_vreg.gather [hbm4b:s0+s21], $0x80, v4, vm0, $0xb8;
	[tilespmem:$0x1A100] =	vst v63  }
0xda: {  	s30 =	simm.s32 $0x4100  }
0xdb: {  	[tilespmem:s30], [sflag:$0x2] =	stream.indirect_vreg.gather [hbm4b:s29+s21], $0x80, v3, vm0, $0xb8;
	[tilespmem:$0x1A100] =	vst v63  }
0xdc: {  	s22 =	simm.s32 $0x4900  }
0xdd: {  	[tilespmem:s22], [sflag:$0x2] =	stream.indirect_vreg.gather [hbm4b:s31+s21], $0x80, v3, vm0, $0xb8;
	[tilespmem:$0x1A100] =	vst v63  }
0xde: {  	s23 =	simm.s32 $0x5100  }
0xdf: {  	[tilespmem:s23], [sflag:$0x2] =	stream.indirect_vreg.gather [hbm4b:s14+s21], $0x80, v3, vm0, $0xb8;
	[tilespmem:$0x1A100] =	vst v63  }
0xe0: {  	s24 =	simm.s32 $0x5900  }
0xe1: {  	[tilespmem:s24], [sflag:$0x2] =	stream.indirect_vreg.gather [hbm4b:s0+s21], $0x80, v3, vm0, $0xb8;
	[tilespmem:$0x1A100] =	vst v63  }
0xe2: {  	v3 =	vld [tilespmem:$0xA0];
	_ =	sdelay $0x4  }
0xe3: {  	v63 =	vshll.u32 v3, $0x3  }
0xe4: {  	v3 =	vand.u32 $0x7, v3;
	v4 =	vand.u32 $0xFFFFFFC0, v63  }
0xe5: {  	v3 =	vor.u32 v3, v4  }
0xe6: {  	v4 =	vperm.xlane v3, v0;
	_ =	sdelay $0x1  }
0xe7: {  	v4 =	vadd.s32 v1, v4;
	_ =	sdelay $0x3  }
0xe8: {  	s25 =	simm.s32 $0xA100  }
0xe9: {  	[tilespmem:s25], [sflag:$0x2] =	stream.indirect_vreg.gather [hbm4b:s29+s21], $0x80, v4, vm0, $0xb8;
	[tilespmem:$0x1A100] =	vst v63  }
0xea: {  	s26 =	simm.s32 $0xA900;
	v3 =	vperm.xlane v3, v2  }
0xeb: {  	[tilespmem:s26], [sflag:$0x2] =	stream.indirect_vreg.gather [hbm4b:s31+s21], $0x80, v4, vm0, $0xb8;
	[tilespmem:$0x1A100] =	vst v63  }
0xec: {  	s28 =	simm.s32 $0xB100;
	v3 =	vadd.s32 v1, v3  }
0xed: {  	[tilespmem:s28], [sflag:$0x2] =	stream.indirect_vreg.gather [hbm4b:s14+s21], $0x80, v4, vm0, $0xb8;
	[tilespmem:$0x1A100] =	vst v63  }
0xee: {  	s30 =	simm.s32 $0xB900  }
0xef: {  	[tilespmem:s30], [sflag:$0x2] =	stream.indirect_vreg.gather [hbm4b:s0+s21], $0x80, v4, vm0, $0xb8;
	[tilespmem:$0x1A100] =	vst v63  }
0xf0: {  	s22 =	simm.s32 $0xC100  }
0xf1: {  	[tilespmem:s22], [sflag:$0x2] =	stream.indirect_vreg.gather [hbm4b:s29+s21], $0x80, v3, vm0, $0xb8;
	[tilespmem:$0x1A100] =	vst v63  }
0xf2: {  	s23 =	simm.s32 $0xC900  }
0xf3: {  	[tilespmem:s23], [sflag:$0x2] =	stream.indirect_vreg.gather [hbm4b:s31+s21], $0x80, v3, vm0, $0xb8;
	[tilespmem:$0x1A100] =	vst v63  }
0xf4: {  	s24 =	simm.s32 $0xD100  }
0xf5: {  	[tilespmem:s24], [sflag:$0x2] =	stream.indirect_vreg.gather [hbm4b:s14+s21], $0x80, v3, vm0, $0xb8;
	[tilespmem:$0x1A100] =	vst v63  }
0xf6: {  	s25 =	simm.s32 $0xD900  }
0xf7: {  	[tilespmem:s25], [sflag:$0x2] =	stream.indirect_vreg.gather [hbm4b:s0+s21], $0x80, v3, vm0, $0xb8;
	[tilespmem:$0x1A100] =	vst v63  }
0xf8: {  	s26 =	rddreg [dreg:$0x7];
	s22 =	simm.s32 $0x100  }
0xf9: {  	[tilespmem:s22], [sflag:$0x2] =	stream.linear.gather [hbm4b:s26+s21], $0x800, $0x38;
	[tilespmem:$0x1A100] =	vst v63  }
0xfa: {  	s28 =	rddreg [dreg:$0x8];
	s30 =	simm.s32 $0x1100  }
0xfb: {  	[tilespmem:s30], [sflag:$0x2] =	stream.linear.gather [hbm4b:s28+s21], $0x800, $0x38;
	[tilespmem:$0x1A100] =	vst v63  }
0xfc: {  	_ =	swait.ge [sflag:s16], $0x4000  }
0xfd: {  	[sflag:s16] =	ssyncset.done $0x0  }
0xfe: {  	[sflag:s16] =	ssyncadd.s32 $0xFFFFC000  }
0xff: {  	_ =	swait.ge [sflag:s16], $0x4000  }
0x100: {  	[sflag:s16] =	ssyncset.done $0x0  }
0x101: {  	[sflag:s16] =	ssyncadd.s32 $0xFFFFC000  }
0x102: {  	_ =	swait.ge [sflag:s16], $0x800  }
0x103: {  	[sflag:s16] =	ssyncset.done $0x0  }
0x104: {  	[sflag:s16] =	ssyncadd.s32 $0xFFFFF800  }
0x105: {  	_ =	swait.ge [sflag:s16], $0x800  }
0x106: {  	[sflag:s16] =	ssyncset.done $0x0  }
0x107: {  	s22 =	simm.s32 $0x0;
	[sflag:s16] =	ssyncadd.s32 $0xFFFFF800  }
.LBB2_6:
0x108: {  	s2 =	sshll.u32 s22, $0x7;
	s23 =	sshll.u32 s22, $0xA  }
0x109: {  	s23 =	sand.u32 $0x2000, s23;
	s24 =	sand.u32 $0x380, s2  }
0x10a: {  	s26 =	sand.u32 $0x40, s21;
	s24 =	sor.u32 s24, s23  }
0x10b: {  	s25 =	sand.u32 $0x1C00, s21;
	v3 =	vld [tilespmem:s2+$0x900];
	s23 =	sor.u32 s26, s24  }
0x10c: {  	v4 =	vld [tilespmem:s2+$0x1900];
	s25 =	sor.u32 s25, s23  }
0x10d: {  	v5 =	vld [tilespmem:s25+$0x6130]  }
0x10e: {  	v6 =	vld [tilespmem:s25+$0xE130]  }
0x10f: {  	v7 =	vld [tilespmem:s25+$0x6100]  }
0x110: {  	v8 =	vld [tilespmem:s25+$0xE100]  }
0x111: {  	s23 =	simm.s32 $0x40;
	v9 =	vld [tilespmem:s25+$0x6110]  }
0x112: {  	s26 =	simm.s32 $0x200;
	s2 =	sand.u32 $0x40, s23;
	v10 =	vld [tilespmem:s25+$0xE110]  }
0x113: {  	s23 =	sand.u32 $0x1C00, s26;
	v11 =	vld [tilespmem:s25+$0x6120];
	s2 =	sor.u32 s2, s24;
	v5 =	vmul.f32 v5, v3;
	v6 =	vmul.f32 v6, v4  }
0x114: {  	v12 =	vld [tilespmem:s25+$0xE120];
	s23 =	sor.u32 s23, s2  }
0x115: {  	v13 =	vld [tilespmem:s23+$0x6130];
	v7 =	vmul.f32 v7, v3;
	v8 =	vmul.f32 v8, v4;
	v5 =	vadd.f32 v6, v5  }
0x116: {  	v14 =	vld [tilespmem:s23+$0xE130]  }
0x117: {  	v9 =	vmul.f32 v9, v3;
	v10 =	vmul.f32 v10, v4;
	v6 =	vld [tilespmem:s23+$0x6100];
	v7 =	vadd.f32 v8, v7;
	[tilespmem:s25+$0x16130] =	vst v5  }
0x118: {  	v8 =	vld [tilespmem:s23+$0xE100]  }
0x119: {  	s26 =	simm.s32 $0x80;
	v15 =	vmul.f32 v11, v3;
	v12 =	vmul.f32 v12, v4;
	v16 =	vadd.f32 v10, v9;
	v5 =	vld [tilespmem:s23+$0x6110];
	[tilespmem:s25+$0x16100] =	vst v7  }
0x11a: {  	s2 =	sand.u32 $0x40, s26;
	s26 =	simm.s32 $0x400;
	v9 =	vld [tilespmem:s23+$0xE110]  }
0x11b: {  	s28 =	simm.s32 $0xC0;
	s30 =	sand.u32 $0x1C00, s26;
	s2 =	sor.u32 s2, s24;
	v12 =	vadd.f32 v12, v15;
	v10 =	vmul.f32 v13, v3;
	v11 =	vmul.f32 v14, v4;
	v7 =	vld [tilespmem:s23+$0x6120];
	[tilespmem:s25+$0x16110] =	vst v16  }
.LBB2_7:
0x11c: {  	p0 =	sne.s32 s28, $0x3C0;
	s2 =	sor.u32 s30, s2;
	v13 =	vmul.f32 v6, v3;
	v14 =	vld [tilespmem:s23+$0xE120]  }
0x11d: {  	v15 =	vld [tilespmem:s2+$0x6130];
	v8 =	vmul.f32 v8, v4;
	v10 =	vadd.f32 v11, v10;
	[tilespmem:s25+$0x16120] =	vst v12;
	s25 =	smov.u32 s23;
	s23 =	smov.u32 s2  }
0x11e: {  	v11 =	vld [tilespmem:s23+$0xE130];
	v12 =	vmul.f32 v5, v3  }
.Ltmp2:
0x11f: {  	v6 =	vld [tilespmem:s23+$0x6100];
	v13 =	vadd.f32 v8, v13;
	v9 =	vmul.f32 v9, v4;
	[tilespmem:s25+$0x16130] =	vst v10;
	(pc) =	sbr.rel @p0 .LBB2_7-.Ltmp2, $4  }
0x120: {  	v8 =	vld [tilespmem:s23+$0xE100];
	v16 =	vmul.f32 v7, v3  }
0x121: {  	v5 =	vld [tilespmem:s23+$0x6110];
	[tilespmem:s25+$0x16100] =	vst v13;
	v12 =	vadd.f32 v9, v12;
	v13 =	vmul.f32 v14, v4  }
0x122: {  	s26 =	sadd.s32 $0x200, s26;
	s2 =	sand.u32 $0x40, s28;
	v9 =	vld [tilespmem:s23+$0xE110]  }
0x123: {  	s30 =	sand.u32 $0x1C00, s26;
	s28 =	sadd.s32 $0x40, s28;
	s2 =	sor.u32 s2, s24;
	v10 =	vmul.f32 v15, v3;
	v7 =	vld [tilespmem:s23+$0x6120];
	v11 =	vmul.f32 v11, v4;
	[tilespmem:s25+$0x16110] =	vst v12;
	v12 =	vadd.f32 v13, v16  }
0x124: {  	s2 =	sor.u32 s30, s2;
	v13 =	vld [tilespmem:s23+$0xE120]  }
0x125: {  	v6 =	vmul.f32 v6, v3;
	v14 =	vld [tilespmem:s2+$0x6130];
	[tilespmem:s25+$0x16120] =	vst v12;
	v10 =	vadd.f32 v11, v10;
	v8 =	vmul.f32 v8, v4  }
0x126: {  	v58 =	vld [tilespmem:s2+$0xE130]  }
0x127: {  	v12 =	vld [tilespmem:s2+$0x6100];
	v5 =	vmul.f32 v5, v3;
	[tilespmem:s23+$0x16130] =	vst v10;
	v6 =	vadd.f32 v8, v6;
	v9 =	vmul.f32 v9, v4  }
0x128: {  	v59 =	vld [tilespmem:s2+$0xE100]  }
0x129: {  	v10 =	vld [tilespmem:s2+$0x6110];
	[tilespmem:s23+$0x16100] =	vst v6;
	v5 =	vadd.f32 v9, v5  }
0x12a: {  	v6 =	vld [tilespmem:s2+$0xE110]  }
0x12b: {  	v60 =	vld [tilespmem:s2+$0x6120];
	[tilespmem:s23+$0x16110] =	vst v5  }
0x12c: {  	v5 =	vld [tilespmem:s2+$0xE120]  }
0x12d: {  	v7 =	vmul.f32 v7, v3;
	v13 =	vmul.f32 v13, v4  }
0x12e: {  	v14 =	vmul.f32 v14, v3;
	v11 =	vmul.f32 v58, v4  }
0x12f: {  	s22 =	sadd.s32 $0x1, s22;
	v7 =	vadd.f32 v13, v7;
	v12 =	vmul.f32 v12, v3;
	v8 =	vmul.f32 v59, v4  }
0x130: {  	p0 =	sne.s32 s22, $0x10;
	v11 =	vadd.f32 v11, v14;
	v10 =	vmul.f32 v10, v3;
	v6 =	vmul.f32 v6, v4  }
.Ltmp3:
0x131: {  	[tilespmem:s23+$0x16120] =	vst v7;
	v61 =	vadd.f32 v8, v12;
	v3 =	vmul.f32 v60, v3;
	v62 =	vmul.f32 v5, v4;
	(pc) =	sbr.rel @p0 .LBB2_6-.Ltmp3, $4  }
0x132: {  	[tilespmem:s2+$0x16130] =	vst v11;
	v63 =	vadd.f32 v6, v10  }
0x133: {  	[tilespmem:s2+$0x16100] =	vst v61;
	v3 =	vadd.f32 v62, v3  }
0x134: {  	[tilespmem:s2+$0x16110] =	vst v63  }
0x135: {  	[tilespmem:s2+$0x16120] =	vst v3  }
0x136: {  	s21 =	simm.s32 $0x0;
	s2 =	rddreg [dreg:$0x16]  }
0x137: {  	[hbm4b:s2+s21] =	stream.linear.scatter [tilespmem:s18], [sflag:$0x3], $0x4000, $0x38;
	[tilespmem:$0x1A100] =	vst v63  }
0x138: {  	v3 =	vld [tilespmem:$0x30];
	_ =	sdelay $0x4  }
0x139: {  	v4 =	vshll.u32 v3, $0x3  }
0x13a: {  	v3 =	vand.u32 $0x7, v3;
	v4 =	vand.u32 $0xFFFFFFC0, v4  }
0x13b: {  	v3 =	vor.u32 v3, v4  }
0x13c: {  	v4 =	vperm.xlane v3, v0;
	_ =	sdelay $0x1  }
0x13d: {  	v4 =	vadd.s32 v1, v4;
	_ =	sdelay $0x3  }
0x13e: {  	s28 =	simm.s32 $0x6100  }
0x13f: {  	[tilespmem:s28], [sflag:$0x2] =	stream.indirect_vreg.gather [hbm4b:s29+s21], $0x80, v4, vm0, $0xb8;
	[tilespmem:$0x1A100] =	vst v63  }
0x140: {  	s30 =	simm.s32 $0x6900;
	v3 =	vperm.xlane v3, v2  }
0x141: {  	[tilespmem:s30], [sflag:$0x2] =	stream.indirect_vreg.gather [hbm4b:s31+s21], $0x80, v4, vm0, $0xb8;
	[tilespmem:$0x1A100] =	vst v63  }
0x142: {  	s22 =	simm.s32 $0x7100;
	v3 =	vadd.s32 v1, v3  }
0x143: {  	[tilespmem:s22], [sflag:$0x2] =	stream.indirect_vreg.gather [hbm4b:s14+s21], $0x80, v4, vm0, $0xb8;
	[tilespmem:$0x1A100] =	vst v63  }
0x144: {  	s23 =	simm.s32 $0x7900  }
0x145: {  	[tilespmem:s23], [sflag:$0x2] =	stream.indirect_vreg.gather [hbm4b:s0+s21], $0x80, v4, vm0, $0xb8;
	[tilespmem:$0x1A100] =	vst v63  }
0x146: {  	s24 =	simm.s32 $0x8100  }
0x147: {  	[tilespmem:s24], [sflag:$0x2] =	stream.indirect_vreg.gather [hbm4b:s29+s21], $0x80, v3, vm0, $0xb8;
	[tilespmem:$0x1A100] =	vst v63  }
0x148: {  	s25 =	simm.s32 $0x8900  }
0x149: {  	[tilespmem:s25], [sflag:$0x2] =	stream.indirect_vreg.gather [hbm4b:s31+s21], $0x80, v3, vm0, $0xb8;
	[tilespmem:$0x1A100] =	vst v63  }
0x14a: {  	s26 =	simm.s32 $0x9100  }
0x14b: {  	[tilespmem:s26], [sflag:$0x2] =	stream.indirect_vreg.gather [hbm4b:s14+s21], $0x80, v3, vm0, $0xb8;
	[tilespmem:$0x1A100] =	vst v63  }
0x14c: {  	_ = 	snop  }
0x14d: {  	[tilespmem:s4], [sflag:$0x2] =	stream.indirect_vreg.gather [hbm4b:s0+s21], $0x80, v3, vm0, $0xb8;
	[tilespmem:$0x1A100] =	vst v63  }
0x14e: {  	v3 =	vld [tilespmem:$0xB0];
	_ =	sdelay $0x4  }
0x14f: {  	v63 =	vshll.u32 v3, $0x3  }
0x150: {  	v3 =	vand.u32 $0x7, v3;
	v4 =	vand.u32 $0xFFFFFFC0, v63  }
0x151: {  	v3 =	vor.u32 v3, v4  }
0x152: {  	v4 =	vperm.xlane v3, v0;
	_ =	sdelay $0x1  }
0x153: {  	v4 =	vadd.s32 v1, v4;
	_ =	sdelay $0x4  }
0x154: {  	[tilespmem:s5], [sflag:$0x2] =	stream.indirect_vreg.gather [hbm4b:s29+s21], $0x80, v4, vm0, $0xb8;
	[tilespmem:$0x1A100] =	vst v63  }
0x155: {  	v3 =	vperm.xlane v3, v2  }
0x156: {  	[tilespmem:s6], [sflag:$0x2] =	stream.indirect_vreg.gather [hbm4b:s31+s21], $0x80, v4, vm0, $0xb8;
	[tilespmem:$0x1A100] =	vst v63  }
0x157: {  	v3 =	vadd.s32 v1, v3  }
0x158: {  	[tilespmem:s7], [sflag:$0x2] =	stream.indirect_vreg.gather [hbm4b:s14+s21], $0x80, v4, vm0, $0xb8;
	[tilespmem:$0x1A100] =	vst v63  }
0x159: {  	_ = 	snop  }
0x15a: {  	[tilespmem:s8], [sflag:$0x2] =	stream.indirect_vreg.gather [hbm4b:s0+s21], $0x80, v4, vm0, $0xb8;
	[tilespmem:$0x1A100] =	vst v63  }
0x15b: {  	_ = 	snop  }
0x15c: {  	[tilespmem:s9], [sflag:$0x2] =	stream.indirect_vreg.gather [hbm4b:s29+s21], $0x80, v3, vm0, $0xb8;
	[tilespmem:$0x1A100] =	vst v63  }
0x15d: {  	_ = 	snop  }
0x15e: {  	[tilespmem:s10], [sflag:$0x2] =	stream.indirect_vreg.gather [hbm4b:s31+s21], $0x80, v3, vm0, $0xb8;
	[tilespmem:$0x1A100] =	vst v63  }
0x15f: {  	_ = 	snop  }
0x160: {  	[tilespmem:s11], [sflag:$0x2] =	stream.indirect_vreg.gather [hbm4b:s14+s21], $0x80, v3, vm0, $0xb8;
	[tilespmem:$0x1A100] =	vst v63  }
0x161: {  	_ = 	snop  }
0x162: {  	[tilespmem:s12], [sflag:$0x2] =	stream.indirect_vreg.gather [hbm4b:s0+s21], $0x80, v3, vm0, $0xb8;
	[tilespmem:$0x1A100] =	vst v63  }
0x163: {  	s28 =	rddreg [dreg:$0x9]  }
0x164: {  	[tilespmem:s13], [sflag:$0x2] =	stream.linear.gather [hbm4b:s28+s21], $0x800, $0x38;
	[tilespmem:$0x1A100] =	vst v63  }
0x165: {  	s30 =	rddreg [dreg:$0xa]  }
0x166: {  	[tilespmem:s15], [sflag:$0x2] =	stream.linear.gather [hbm4b:s30+s21], $0x800, $0x38;
	[tilespmem:$0x1A100] =	vst v63  }
0x167: {  	_ =	swait.ge [sflag:s16], $0x4000  }
0x168: {  	[sflag:s16] =	ssyncset.done $0x0  }
0x169: {  	[sflag:s16] =	ssyncadd.s32 $0xFFFFC000  }
0x16a: {  	_ =	swait.ge [sflag:s16], $0x4000  }
0x16b: {  	[sflag:s16] =	ssyncset.done $0x0  }
0x16c: {  	[sflag:s16] =	ssyncadd.s32 $0xFFFFC000  }
0x16d: {  	_ =	swait.ge [sflag:s16], $0x800  }
0x16e: {  	[sflag:s16] =	ssyncset.done $0x0  }
0x16f: {  	[sflag:s16] =	ssyncadd.s32 $0xFFFFF800  }
0x170: {  	_ =	swait.ge [sflag:s16], $0x800  }
0x171: {  	[sflag:s16] =	ssyncset.done $0x0  }
0x172: {  	[sflag:s16] =	ssyncadd.s32 $0xFFFFF800  }
0x173: {  	_ =	swait.ge [sflag:s19], $0x4000  }
0x174: {  	[sflag:s19] =	ssyncset.done $0x0  }
0x175: {  	s22 =	simm.s32 $0x0;
	[sflag:s19] =	ssyncadd.s32 $0xFFFFC000  }
.LBB2_10:
0x176: {  	s2 =	sshll.u32 s22, $0x7;
	s23 =	sshll.u32 s22, $0xA  }
0x177: {  	s23 =	sand.u32 $0x2000, s23;
	s24 =	sand.u32 $0x380, s2  }
0x178: {  	s26 =	sand.u32 $0x40, s21;
	s24 =	sor.u32 s23, s24  }
0x179: {  	s25 =	sand.u32 $0x1C00, s21;
	v3 =	vld [tilespmem:s2+$0x100];
	s23 =	sor.u32 s26, s24  }
0x17a: {  	v4 =	vld [tilespmem:s2+$0x1100];
	s25 =	sor.u32 s25, s23  }
0x17b: {  	v5 =	vld [tilespmem:s25+$0x2130]  }
0x17c: {  	v6 =	vld [tilespmem:s25+$0xA130]  }
0x17d: {  	v7 =	vld [tilespmem:s25+$0x2100]  }
0x17e: {  	v8 =	vld [tilespmem:s25+$0xA100]  }
0x17f: {  	s23 =	simm.s32 $0x40;
	v9 =	vld [tilespmem:s25+$0x2110]  }
0x180: {  	s26 =	simm.s32 $0x200;
	s2 =	sand.u32 $0x40, s23;
	v10 =	vld [tilespmem:s25+$0xA110]  }
0x181: {  	s23 =	sand.u32 $0x1C00, s26;
	v11 =	vld [tilespmem:s25+$0x2120];
	s2 =	sor.u32 s2, s24;
	v5 =	vmul.f32 v5, v3;
	v6 =	vmul.f32 v6, v4  }
0x182: {  	v12 =	vld [tilespmem:s25+$0xA120];
	s23 =	sor.u32 s23, s2  }
0x183: {  	v13 =	vld [tilespmem:s23+$0x2130];
	v7 =	vmul.f32 v7, v3;
	v8 =	vmul.f32 v8, v4;
	v5 =	vadd.f32 v6, v5  }
0x184: {  	v14 =	vld [tilespmem:s23+$0xA130]  }
0x185: {  	v9 =	vmul.f32 v9, v3;
	v10 =	vmul.f32 v10, v4;
	v6 =	vld [tilespmem:s23+$0x2100];
	v7 =	vadd.f32 v8, v7;
	[tilespmem:s25+$0x12130] =	vst v5  }
0x186: {  	v8 =	vld [tilespmem:s23+$0xA100]  }
0x187: {  	s26 =	simm.s32 $0x80;
	v15 =	vmul.f32 v11, v3;
	v12 =	vmul.f32 v12, v4;
	v16 =	vadd.f32 v10, v9;
	v5 =	vld [tilespmem:s23+$0x2110];
	[tilespmem:s25+$0x12100] =	vst v7  }
0x188: {  	s2 =	sand.u32 $0x40, s26;
	s26 =	simm.s32 $0x400;
	v9 =	vld [tilespmem:s23+$0xA110]  }
0x189: {  	s28 =	simm.s32 $0xC0;
	s30 =	sand.u32 $0x1C00, s26;
	s2 =	sor.u32 s2, s24;
	v12 =	vadd.f32 v12, v15;
	v10 =	vmul.f32 v13, v3;
	v11 =	vmul.f32 v14, v4;
	v7 =	vld [tilespmem:s23+$0x2120];
	[tilespmem:s25+$0x12110] =	vst v16  }
.LBB2_11:
0x18a: {  	p0 =	sne.s32 s28, $0x3C0;
	s2 =	sor.u32 s30, s2;
	v13 =	vmul.f32 v6, v3;
	v14 =	vld [tilespmem:s23+$0xA120]  }
0x18b: {  	v15 =	vld [tilespmem:s2+$0x2130];
	v8 =	vmul.f32 v8, v4;
	v10 =	vadd.f32 v11, v10;
	[tilespmem:s25+$0x12120] =	vst v12;
	s25 =	smov.u32 s23;
	s23 =	smov.u32 s2  }
0x18c: {  	v11 =	vld [tilespmem:s23+$0xA130];
	v12 =	vmul.f32 v5, v3  }
.Ltmp4:
0x18d: {  	v6 =	vld [tilespmem:s23+$0x2100];
	v13 =	vadd.f32 v8, v13;
	v9 =	vmul.f32 v9, v4;
	[tilespmem:s25+$0x12130] =	vst v10;
	(pc) =	sbr.rel @p0 .LBB2_11-.Ltmp4, $4  }
0x18e: {  	v8 =	vld [tilespmem:s23+$0xA100];
	v16 =	vmul.f32 v7, v3  }
0x18f: {  	v5 =	vld [tilespmem:s23+$0x2110];
	[tilespmem:s25+$0x12100] =	vst v13;
	v12 =	vadd.f32 v9, v12;
	v13 =	vmul.f32 v14, v4  }
0x190: {  	s26 =	sadd.s32 $0x200, s26;
	s2 =	sand.u32 $0x40, s28;
	v9 =	vld [tilespmem:s23+$0xA110]  }
0x191: {  	s30 =	sand.u32 $0x1C00, s26;
	s28 =	sadd.s32 $0x40, s28;
	s2 =	sor.u32 s2, s24;
	v10 =	vmul.f32 v15, v3;
	v7 =	vld [tilespmem:s23+$0x2120];
	v11 =	vmul.f32 v11, v4;
	[tilespmem:s25+$0x12110] =	vst v12;
	v12 =	vadd.f32 v13, v16  }
0x192: {  	s2 =	sor.u32 s30, s2;
	v13 =	vld [tilespmem:s23+$0xA120]  }
0x193: {  	v6 =	vmul.f32 v6, v3;
	v14 =	vld [tilespmem:s2+$0x2130];
	[tilespmem:s25+$0x12120] =	vst v12;
	v10 =	vadd.f32 v11, v10;
	v8 =	vmul.f32 v8, v4  }
0x194: {  	v58 =	vld [tilespmem:s2+$0xA130]  }
0x195: {  	v12 =	vld [tilespmem:s2+$0x2100];
	v5 =	vmul.f32 v5, v3;
	[tilespmem:s23+$0x12130] =	vst v10;
	v6 =	vadd.f32 v8, v6;
	v9 =	vmul.f32 v9, v4  }
0x196: {  	v59 =	vld [tilespmem:s2+$0xA100]  }
0x197: {  	v10 =	vld [tilespmem:s2+$0x2110];
	[tilespmem:s23+$0x12100] =	vst v6;
	v5 =	vadd.f32 v9, v5  }
0x198: {  	v6 =	vld [tilespmem:s2+$0xA110]  }
0x199: {  	v60 =	vld [tilespmem:s2+$0x2120];
	[tilespmem:s23+$0x12110] =	vst v5  }
0x19a: {  	v5 =	vld [tilespmem:s2+$0xA120]  }
0x19b: {  	v7 =	vmul.f32 v7, v3;
	v13 =	vmul.f32 v13, v4  }
0x19c: {  	v14 =	vmul.f32 v14, v3;
	v11 =	vmul.f32 v58, v4  }
0x19d: {  	s22 =	sadd.s32 $0x1, s22;
	v7 =	vadd.f32 v13, v7;
	v12 =	vmul.f32 v12, v3;
	v8 =	vmul.f32 v59, v4  }
0x19e: {  	p0 =	sne.s32 s22, $0x10;
	v11 =	vadd.f32 v11, v14;
	v10 =	vmul.f32 v10, v3;
	v6 =	vmul.f32 v6, v4  }
.Ltmp5:
0x19f: {  	[tilespmem:s23+$0x12120] =	vst v7;
	v61 =	vadd.f32 v8, v12;
	v3 =	vmul.f32 v60, v3;
	v62 =	vmul.f32 v5, v4;
	(pc) =	sbr.rel @p0 .LBB2_10-.Ltmp5, $4  }
0x1a0: {  	[tilespmem:s2+$0x12130] =	vst v11;
	v63 =	vadd.f32 v6, v10  }
0x1a1: {  	[tilespmem:s2+$0x12100] =	vst v61;
	v3 =	vadd.f32 v62, v3  }
0x1a2: {  	[tilespmem:s2+$0x12110] =	vst v63  }
0x1a3: {  	[tilespmem:s2+$0x12120] =	vst v3  }
0x1a4: {  	s21 =	simm.s32 $0x0;
	s2 =	rddreg [dreg:$0x17]  }
0x1a5: {  	[hbm4b:s2+s21] =	stream.linear.scatter [tilespmem:s17], [sflag:$0x3], $0x4000, $0x38;
	[tilespmem:$0x1A100] =	vst v63  }
0x1a6: {  	v3 =	vld [tilespmem:$0x40];
	_ =	sdelay $0x4  }
0x1a7: {  	v4 =	vshll.u32 v3, $0x3  }
0x1a8: {  	v3 =	vand.u32 $0x7, v3;
	v4 =	vand.u32 $0xFFFFFFC0, v4  }
0x1a9: {  	v3 =	vor.u32 v3, v4  }
0x1aa: {  	v4 =	vperm.xlane v3, v0;
	_ =	sdelay $0x1  }
0x1ab: {  	v4 =	vadd.s32 v1, v4;
	_ =	sdelay $0x3  }
0x1ac: {  	s24 =	simm.s32 $0x2100  }
0x1ad: {  	[tilespmem:s24], [sflag:$0x2] =	stream.indirect_vreg.gather [hbm4b:s29+s21], $0x80, v4, vm0, $0xb8;
	[tilespmem:$0x1A100] =	vst v63  }
0x1ae: {  	s25 =	simm.s32 $0x2900;
	v3 =	vperm.xlane v3, v2  }
0x1af: {  	[tilespmem:s25], [sflag:$0x2] =	stream.indirect_vreg.gather [hbm4b:s31+s21], $0x80, v4, vm0, $0xb8;
	[tilespmem:$0x1A100] =	vst v63  }
0x1b0: {  	s26 =	simm.s32 $0x3100;
	v3 =	vadd.s32 v1, v3  }
0x1b1: {  	[tilespmem:s26], [sflag:$0x2] =	stream.indirect_vreg.gather [hbm4b:s14+s21], $0x80, v4, vm0, $0xb8;
	[tilespmem:$0x1A100] =	vst v63  }
0x1b2: {  	s28 =	simm.s32 $0x3900  }
0x1b3: {  	[tilespmem:s28], [sflag:$0x2] =	stream.indirect_vreg.gather [hbm4b:s0+s21], $0x80, v4, vm0, $0xb8;
	[tilespmem:$0x1A100] =	vst v63  }
0x1b4: {  	s30 =	simm.s32 $0x4100  }
0x1b5: {  	[tilespmem:s30], [sflag:$0x2] =	stream.indirect_vreg.gather [hbm4b:s29+s21], $0x80, v3, vm0, $0xb8;
	[tilespmem:$0x1A100] =	vst v63  }
0x1b6: {  	s22 =	simm.s32 $0x4900  }
0x1b7: {  	[tilespmem:s22], [sflag:$0x2] =	stream.indirect_vreg.gather [hbm4b:s31+s21], $0x80, v3, vm0, $0xb8;
	[tilespmem:$0x1A100] =	vst v63  }
0x1b8: {  	s23 =	simm.s32 $0x5100  }
0x1b9: {  	[tilespmem:s23], [sflag:$0x2] =	stream.indirect_vreg.gather [hbm4b:s14+s21], $0x80, v3, vm0, $0xb8;
	[tilespmem:$0x1A100] =	vst v63  }
0x1ba: {  	s24 =	simm.s32 $0x5900  }
0x1bb: {  	[tilespmem:s24], [sflag:$0x2] =	stream.indirect_vreg.gather [hbm4b:s0+s21], $0x80, v3, vm0, $0xb8;
	[tilespmem:$0x1A100] =	vst v63  }
0x1bc: {  	v3 =	vld [tilespmem:$0xC0];
	_ =	sdelay $0x4  }
0x1bd: {  	v63 =	vshll.u32 v3, $0x3  }
0x1be: {  	v3 =	vand.u32 $0x7, v3;
	v4 =	vand.u32 $0xFFFFFFC0, v63  }
0x1bf: {  	v3 =	vor.u32 v3, v4  }
0x1c0: {  	v4 =	vperm.xlane v3, v0;
	_ =	sdelay $0x1  }
0x1c1: {  	v4 =	vadd.s32 v1, v4;
	_ =	sdelay $0x3  }
0x1c2: {  	s25 =	simm.s32 $0xA100  }
0x1c3: {  	[tilespmem:s25], [sflag:$0x2] =	stream.indirect_vreg.gather [hbm4b:s29+s21], $0x80, v4, vm0, $0xb8;
	[tilespmem:$0x1A100] =	vst v63  }
0x1c4: {  	s26 =	simm.s32 $0xA900;
	v3 =	vperm.xlane v3, v2  }
0x1c5: {  	[tilespmem:s26], [sflag:$0x2] =	stream.indirect_vreg.gather [hbm4b:s31+s21], $0x80, v4, vm0, $0xb8;
	[tilespmem:$0x1A100] =	vst v63  }
0x1c6: {  	s28 =	simm.s32 $0xB100;
	v3 =	vadd.s32 v1, v3  }
0x1c7: {  	[tilespmem:s28], [sflag:$0x2] =	stream.indirect_vreg.gather [hbm4b:s14+s21], $0x80, v4, vm0, $0xb8;
	[tilespmem:$0x1A100] =	vst v63  }
0x1c8: {  	s30 =	simm.s32 $0xB900  }
0x1c9: {  	[tilespmem:s30], [sflag:$0x2] =	stream.indirect_vreg.gather [hbm4b:s0+s21], $0x80, v4, vm0, $0xb8;
	[tilespmem:$0x1A100] =	vst v63  }
0x1ca: {  	s22 =	simm.s32 $0xC100  }
0x1cb: {  	[tilespmem:s22], [sflag:$0x2] =	stream.indirect_vreg.gather [hbm4b:s29+s21], $0x80, v3, vm0, $0xb8;
	[tilespmem:$0x1A100] =	vst v63  }
0x1cc: {  	s23 =	simm.s32 $0xC900  }
0x1cd: {  	[tilespmem:s23], [sflag:$0x2] =	stream.indirect_vreg.gather [hbm4b:s31+s21], $0x80, v3, vm0, $0xb8;
	[tilespmem:$0x1A100] =	vst v63  }
0x1ce: {  	s24 =	simm.s32 $0xD100  }
0x1cf: {  	[tilespmem:s24], [sflag:$0x2] =	stream.indirect_vreg.gather [hbm4b:s14+s21], $0x80, v3, vm0, $0xb8;
	[tilespmem:$0x1A100] =	vst v63  }
0x1d0: {  	s25 =	simm.s32 $0xD900  }
0x1d1: {  	[tilespmem:s25], [sflag:$0x2] =	stream.indirect_vreg.gather [hbm4b:s0+s21], $0x80, v3, vm0, $0xb8;
	[tilespmem:$0x1A100] =	vst v63  }
0x1d2: {  	s26 =	rddreg [dreg:$0xb];
	s22 =	simm.s32 $0x100  }
0x1d3: {  	[tilespmem:s22], [sflag:$0x2] =	stream.linear.gather [hbm4b:s26+s21], $0x800, $0x38;
	[tilespmem:$0x1A100] =	vst v63  }
0x1d4: {  	s28 =	rddreg [dreg:$0xc];
	s30 =	simm.s32 $0x1100  }
0x1d5: {  	[tilespmem:s30], [sflag:$0x2] =	stream.linear.gather [hbm4b:s28+s21], $0x800, $0x38;
	[tilespmem:$0x1A100] =	vst v63  }
0x1d6: {  	_ =	swait.ge [sflag:s16], $0x4000  }
0x1d7: {  	[sflag:s16] =	ssyncset.done $0x0  }
0x1d8: {  	[sflag:s16] =	ssyncadd.s32 $0xFFFFC000  }
0x1d9: {  	_ =	swait.ge [sflag:s16], $0x4000  }
0x1da: {  	[sflag:s16] =	ssyncset.done $0x0  }
0x1db: {  	[sflag:s16] =	ssyncadd.s32 $0xFFFFC000  }
0x1dc: {  	_ =	swait.ge [sflag:s16], $0x800  }
0x1dd: {  	[sflag:s16] =	ssyncset.done $0x0  }
0x1de: {  	[sflag:s16] =	ssyncadd.s32 $0xFFFFF800  }
0x1df: {  	_ =	swait.ge [sflag:s16], $0x800  }
0x1e0: {  	[sflag:s16] =	ssyncset.done $0x0  }
0x1e1: {  	[sflag:s16] =	ssyncadd.s32 $0xFFFFF800  }
0x1e2: {  	_ =	swait.ge [sflag:s19], $0x4000  }
0x1e3: {  	[sflag:s19] =	ssyncset.done $0x0  }
0x1e4: {  	s22 =	simm.s32 $0x0;
	[sflag:s19] =	ssyncadd.s32 $0xFFFFC000  }
.LBB2_14:
0x1e5: {  	s2 =	sshll.u32 s22, $0x7;
	s23 =	sshll.u32 s22, $0xA  }
0x1e6: {  	s23 =	sand.u32 $0x2000, s23;
	s24 =	sand.u32 $0x380, s2  }
0x1e7: {  	s26 =	sand.u32 $0x40, s21;
	s24 =	sor.u32 s24, s23  }
0x1e8: {  	s25 =	sand.u32 $0x1C00, s21;
	v3 =	vld [tilespmem:s2+$0x900];
	s23 =	sor.u32 s26, s24  }
0x1e9: {  	v4 =	vld [tilespmem:s2+$0x1900];
	s25 =	sor.u32 s25, s23  }
0x1ea: {  	v5 =	vld [tilespmem:s25+$0x6130]  }
0x1eb: {  	v6 =	vld [tilespmem:s25+$0xE130]  }
0x1ec: {  	v7 =	vld [tilespmem:s25+$0x6100]  }
0x1ed: {  	v8 =	vld [tilespmem:s25+$0xE100]  }
0x1ee: {  	s23 =	simm.s32 $0x40;
	v9 =	vld [tilespmem:s25+$0x6110]  }
0x1ef: {  	s26 =	simm.s32 $0x200;
	s2 =	sand.u32 $0x40, s23;
	v10 =	vld [tilespmem:s25+$0xE110]  }
0x1f0: {  	s23 =	sand.u32 $0x1C00, s26;
	v11 =	vld [tilespmem:s25+$0x6120];
	s2 =	sor.u32 s2, s24;
	v5 =	vmul.f32 v5, v3;
	v6 =	vmul.f32 v6, v4  }
0x1f1: {  	v12 =	vld [tilespmem:s25+$0xE120];
	s23 =	sor.u32 s23, s2  }
0x1f2: {  	v13 =	vld [tilespmem:s23+$0x6130];
	v7 =	vmul.f32 v7, v3;
	v8 =	vmul.f32 v8, v4;
	v5 =	vadd.f32 v6, v5  }
0x1f3: {  	v14 =	vld [tilespmem:s23+$0xE130]  }
0x1f4: {  	v9 =	vmul.f32 v9, v3;
	v10 =	vmul.f32 v10, v4;
	v6 =	vld [tilespmem:s23+$0x6100];
	v7 =	vadd.f32 v8, v7;
	[tilespmem:s25+$0x16130] =	vst v5  }
0x1f5: {  	v8 =	vld [tilespmem:s23+$0xE100]  }
0x1f6: {  	s26 =	simm.s32 $0x80;
	v15 =	vmul.f32 v11, v3;
	v12 =	vmul.f32 v12, v4;
	v16 =	vadd.f32 v10, v9;
	v5 =	vld [tilespmem:s23+$0x6110];
	[tilespmem:s25+$0x16100] =	vst v7  }
0x1f7: {  	s2 =	sand.u32 $0x40, s26;
	s26 =	simm.s32 $0x400;
	v9 =	vld [tilespmem:s23+$0xE110]  }
0x1f8: {  	s28 =	simm.s32 $0xC0;
	s30 =	sand.u32 $0x1C00, s26;
	s2 =	sor.u32 s2, s24;
	v12 =	vadd.f32 v12, v15;
	v10 =	vmul.f32 v13, v3;
	v11 =	vmul.f32 v14, v4;
	v7 =	vld [tilespmem:s23+$0x6120];
	[tilespmem:s25+$0x16110] =	vst v16  }
.LBB2_15:
0x1f9: {  	p0 =	sne.s32 s28, $0x3C0;
	s2 =	sor.u32 s30, s2;
	v13 =	vmul.f32 v6, v3;
	v14 =	vld [tilespmem:s23+$0xE120]  }
0x1fa: {  	v15 =	vld [tilespmem:s2+$0x6130];
	v8 =	vmul.f32 v8, v4;
	v10 =	vadd.f32 v11, v10;
	[tilespmem:s25+$0x16120] =	vst v12;
	s25 =	smov.u32 s23;
	s23 =	smov.u32 s2  }
0x1fb: {  	v11 =	vld [tilespmem:s23+$0xE130];
	v12 =	vmul.f32 v5, v3  }
.Ltmp6:
0x1fc: {  	v6 =	vld [tilespmem:s23+$0x6100];
	v13 =	vadd.f32 v8, v13;
	v9 =	vmul.f32 v9, v4;
	[tilespmem:s25+$0x16130] =	vst v10;
	(pc) =	sbr.rel @p0 .LBB2_15-.Ltmp6, $4  }
0x1fd: {  	v8 =	vld [tilespmem:s23+$0xE100];
	v16 =	vmul.f32 v7, v3  }
0x1fe: {  	v5 =	vld [tilespmem:s23+$0x6110];
	[tilespmem:s25+$0x16100] =	vst v13;
	v12 =	vadd.f32 v9, v12;
	v13 =	vmul.f32 v14, v4  }
0x1ff: {  	s26 =	sadd.s32 $0x200, s26;
	s2 =	sand.u32 $0x40, s28;
	v9 =	vld [tilespmem:s23+$0xE110]  }
0x200: {  	s30 =	sand.u32 $0x1C00, s26;
	s28 =	sadd.s32 $0x40, s28;
	s2 =	sor.u32 s2, s24;
	v10 =	vmul.f32 v15, v3;
	v7 =	vld [tilespmem:s23+$0x6120];
	v11 =	vmul.f32 v11, v4;
	[tilespmem:s25+$0x16110] =	vst v12;
	v12 =	vadd.f32 v13, v16  }
0x201: {  	s2 =	sor.u32 s30, s2;
	v13 =	vld [tilespmem:s23+$0xE120]  }
0x202: {  	v6 =	vmul.f32 v6, v3;
	v14 =	vld [tilespmem:s2+$0x6130];
	[tilespmem:s25+$0x16120] =	vst v12;
	v10 =	vadd.f32 v11, v10;
	v8 =	vmul.f32 v8, v4  }
0x203: {  	v58 =	vld [tilespmem:s2+$0xE130]  }
0x204: {  	v12 =	vld [tilespmem:s2+$0x6100];
	v5 =	vmul.f32 v5, v3;
	[tilespmem:s23+$0x16130] =	vst v10;
	v6 =	vadd.f32 v8, v6;
	v9 =	vmul.f32 v9, v4  }
0x205: {  	v59 =	vld [tilespmem:s2+$0xE100]  }
0x206: {  	v10 =	vld [tilespmem:s2+$0x6110];
	[tilespmem:s23+$0x16100] =	vst v6;
	v5 =	vadd.f32 v9, v5  }
0x207: {  	v6 =	vld [tilespmem:s2+$0xE110]  }
0x208: {  	v60 =	vld [tilespmem:s2+$0x6120];
	[tilespmem:s23+$0x16110] =	vst v5  }
0x209: {  	v5 =	vld [tilespmem:s2+$0xE120]  }
0x20a: {  	v7 =	vmul.f32 v7, v3;
	v13 =	vmul.f32 v13, v4  }
0x20b: {  	v14 =	vmul.f32 v14, v3;
	v11 =	vmul.f32 v58, v4  }
0x20c: {  	s22 =	sadd.s32 $0x1, s22;
	v7 =	vadd.f32 v13, v7;
	v12 =	vmul.f32 v12, v3;
	v8 =	vmul.f32 v59, v4  }
0x20d: {  	p0 =	sne.s32 s22, $0x10;
	v11 =	vadd.f32 v11, v14;
	v10 =	vmul.f32 v10, v3;
	v6 =	vmul.f32 v6, v4  }
.Ltmp7:
0x20e: {  	[tilespmem:s23+$0x16120] =	vst v7;
	v61 =	vadd.f32 v8, v12;
	v3 =	vmul.f32 v60, v3;
	v62 =	vmul.f32 v5, v4;
	(pc) =	sbr.rel @p0 .LBB2_14-.Ltmp7, $4  }
0x20f: {  	[tilespmem:s2+$0x16130] =	vst v11;
	v63 =	vadd.f32 v6, v10  }
0x210: {  	[tilespmem:s2+$0x16100] =	vst v61;
	v3 =	vadd.f32 v62, v3  }
0x211: {  	[tilespmem:s2+$0x16110] =	vst v63  }
0x212: {  	[tilespmem:s2+$0x16120] =	vst v3  }
0x213: {  	s21 =	simm.s32 $0x0;
	s2 =	rddreg [dreg:$0x18]  }
0x214: {  	[hbm4b:s2+s21] =	stream.linear.scatter [tilespmem:s18], [sflag:$0x3], $0x4000, $0x38;
	[tilespmem:$0x1A100] =	vst v63  }
0x215: {  	v3 =	vld [tilespmem:$0x50];
	_ =	sdelay $0x4  }
0x216: {  	v4 =	vshll.u32 v3, $0x3  }
0x217: {  	v3 =	vand.u32 $0x7, v3;
	v4 =	vand.u32 $0xFFFFFFC0, v4  }
0x218: {  	v3 =	vor.u32 v3, v4  }
0x219: {  	v4 =	vperm.xlane v3, v0;
	_ =	sdelay $0x1  }
0x21a: {  	v4 =	vadd.s32 v1, v4;
	_ =	sdelay $0x3  }
0x21b: {  	s28 =	simm.s32 $0x6100  }
0x21c: {  	[tilespmem:s28], [sflag:$0x2] =	stream.indirect_vreg.gather [hbm4b:s29+s21], $0x80, v4, vm0, $0xb8;
	[tilespmem:$0x1A100] =	vst v63  }
0x21d: {  	s30 =	simm.s32 $0x6900;
	v3 =	vperm.xlane v3, v2  }
0x21e: {  	[tilespmem:s30], [sflag:$0x2] =	stream.indirect_vreg.gather [hbm4b:s31+s21], $0x80, v4, vm0, $0xb8;
	[tilespmem:$0x1A100] =	vst v63  }
0x21f: {  	s22 =	simm.s32 $0x7100;
	v3 =	vadd.s32 v1, v3  }
0x220: {  	[tilespmem:s22], [sflag:$0x2] =	stream.indirect_vreg.gather [hbm4b:s14+s21], $0x80, v4, vm0, $0xb8;
	[tilespmem:$0x1A100] =	vst v63  }
0x221: {  	s23 =	simm.s32 $0x7900  }
0x222: {  	[tilespmem:s23], [sflag:$0x2] =	stream.indirect_vreg.gather [hbm4b:s0+s21], $0x80, v4, vm0, $0xb8;
	[tilespmem:$0x1A100] =	vst v63  }
0x223: {  	s24 =	simm.s32 $0x8100  }
0x224: {  	[tilespmem:s24], [sflag:$0x2] =	stream.indirect_vreg.gather [hbm4b:s29+s21], $0x80, v3, vm0, $0xb8;
	[tilespmem:$0x1A100] =	vst v63  }
0x225: {  	s25 =	simm.s32 $0x8900  }
0x226: {  	[tilespmem:s25], [sflag:$0x2] =	stream.indirect_vreg.gather [hbm4b:s31+s21], $0x80, v3, vm0, $0xb8;
	[tilespmem:$0x1A100] =	vst v63  }
0x227: {  	s26 =	simm.s32 $0x9100  }
0x228: {  	[tilespmem:s26], [sflag:$0x2] =	stream.indirect_vreg.gather [hbm4b:s14+s21], $0x80, v3, vm0, $0xb8;
	[tilespmem:$0x1A100] =	vst v63  }
0x229: {  	_ = 	snop  }
0x22a: {  	[tilespmem:s4], [sflag:$0x2] =	stream.indirect_vreg.gather [hbm4b:s0+s21], $0x80, v3, vm0, $0xb8;
	[tilespmem:$0x1A100] =	vst v63  }
0x22b: {  	v3 =	vld [tilespmem:$0xD0];
	_ =	sdelay $0x4  }
0x22c: {  	v63 =	vshll.u32 v3, $0x3  }
0x22d: {  	v3 =	vand.u32 $0x7, v3;
	v4 =	vand.u32 $0xFFFFFFC0, v63  }
0x22e: {  	v3 =	vor.u32 v3, v4  }
0x22f: {  	v4 =	vperm.xlane v3, v0;
	_ =	sdelay $0x1  }
0x230: {  	v4 =	vadd.s32 v1, v4;
	_ =	sdelay $0x4  }
0x231: {  	[tilespmem:s5], [sflag:$0x2] =	stream.indirect_vreg.gather [hbm4b:s29+s21], $0x80, v4, vm0, $0xb8;
	[tilespmem:$0x1A100] =	vst v63  }
0x232: {  	v3 =	vperm.xlane v3, v2  }
0x233: {  	[tilespmem:s6], [sflag:$0x2] =	stream.indirect_vreg.gather [hbm4b:s31+s21], $0x80, v4, vm0, $0xb8;
	[tilespmem:$0x1A100] =	vst v63  }
0x234: {  	v3 =	vadd.s32 v1, v3  }
0x235: {  	[tilespmem:s7], [sflag:$0x2] =	stream.indirect_vreg.gather [hbm4b:s14+s21], $0x80, v4, vm0, $0xb8;
	[tilespmem:$0x1A100] =	vst v63  }
0x236: {  	_ = 	snop  }
0x237: {  	[tilespmem:s8], [sflag:$0x2] =	stream.indirect_vreg.gather [hbm4b:s0+s21], $0x80, v4, vm0, $0xb8;
	[tilespmem:$0x1A100] =	vst v63  }
0x238: {  	_ = 	snop  }
0x239: {  	[tilespmem:s9], [sflag:$0x2] =	stream.indirect_vreg.gather [hbm4b:s29+s21], $0x80, v3, vm0, $0xb8;
	[tilespmem:$0x1A100] =	vst v63  }
0x23a: {  	_ = 	snop  }
0x23b: {  	[tilespmem:s10], [sflag:$0x2] =	stream.indirect_vreg.gather [hbm4b:s31+s21], $0x80, v3, vm0, $0xb8;
	[tilespmem:$0x1A100] =	vst v63  }
0x23c: {  	_ = 	snop  }
0x23d: {  	[tilespmem:s11], [sflag:$0x2] =	stream.indirect_vreg.gather [hbm4b:s14+s21], $0x80, v3, vm0, $0xb8;
	[tilespmem:$0x1A100] =	vst v63  }
0x23e: {  	_ = 	snop  }
0x23f: {  	[tilespmem:s12], [sflag:$0x2] =	stream.indirect_vreg.gather [hbm4b:s0+s21], $0x80, v3, vm0, $0xb8;
	[tilespmem:$0x1A100] =	vst v63  }
0x240: {  	s28 =	rddreg [dreg:$0xd]  }
0x241: {  	[tilespmem:s13], [sflag:$0x2] =	stream.linear.gather [hbm4b:s28+s21], $0x800, $0x38;
	[tilespmem:$0x1A100] =	vst v63  }
0x242: {  	s30 =	rddreg [dreg:$0xe]  }
0x243: {  	[tilespmem:s15], [sflag:$0x2] =	stream.linear.gather [hbm4b:s30+s21], $0x800, $0x38;
	[tilespmem:$0x1A100] =	vst v63  }
0x244: {  	_ =	swait.ge [sflag:s16], $0x4000  }
0x245: {  	[sflag:s16] =	ssyncset.done $0x0  }
0x246: {  	[sflag:s16] =	ssyncadd.s32 $0xFFFFC000  }
0x247: {  	_ =	swait.ge [sflag:s16], $0x4000  }
0x248: {  	[sflag:s16] =	ssyncset.done $0x0  }
0x249: {  	[sflag:s16] =	ssyncadd.s32 $0xFFFFC000  }
0x24a: {  	_ =	swait.ge [sflag:s16], $0x800  }
0x24b: {  	[sflag:s16] =	ssyncset.done $0x0  }
0x24c: {  	[sflag:s16] =	ssyncadd.s32 $0xFFFFF800  }
0x24d: {  	_ =	swait.ge [sflag:s16], $0x800  }
0x24e: {  	[sflag:s16] =	ssyncset.done $0x0  }
0x24f: {  	[sflag:s16] =	ssyncadd.s32 $0xFFFFF800  }
0x250: {  	_ =	swait.ge [sflag:s19], $0x4000  }
0x251: {  	[sflag:s19] =	ssyncset.done $0x0  }
0x252: {  	s22 =	simm.s32 $0x0;
	[sflag:s19] =	ssyncadd.s32 $0xFFFFC000  }
.LBB2_18:
0x253: {  	s2 =	sshll.u32 s22, $0x7;
	s23 =	sshll.u32 s22, $0xA  }
0x254: {  	s23 =	sand.u32 $0x2000, s23;
	s24 =	sand.u32 $0x380, s2  }
0x255: {  	s26 =	sand.u32 $0x40, s21;
	s24 =	sor.u32 s23, s24  }
0x256: {  	s25 =	sand.u32 $0x1C00, s21;
	v3 =	vld [tilespmem:s2+$0x100];
	s23 =	sor.u32 s26, s24  }
0x257: {  	v4 =	vld [tilespmem:s2+$0x1100];
	s25 =	sor.u32 s25, s23  }
0x258: {  	v5 =	vld [tilespmem:s25+$0x2130]  }
0x259: {  	v6 =	vld [tilespmem:s25+$0xA130]  }
0x25a: {  	v7 =	vld [tilespmem:s25+$0x2100]  }
0x25b: {  	v8 =	vld [tilespmem:s25+$0xA100]  }
0x25c: {  	s23 =	simm.s32 $0x40;
	v9 =	vld [tilespmem:s25+$0x2110]  }
0x25d: {  	s26 =	simm.s32 $0x200;
	s2 =	sand.u32 $0x40, s23;
	v10 =	vld [tilespmem:s25+$0xA110]  }
0x25e: {  	s23 =	sand.u32 $0x1C00, s26;
	v11 =	vld [tilespmem:s25+$0x2120];
	s2 =	sor.u32 s2, s24;
	v5 =	vmul.f32 v5, v3;
	v6 =	vmul.f32 v6, v4  }
0x25f: {  	v12 =	vld [tilespmem:s25+$0xA120];
	s23 =	sor.u32 s23, s2  }
0x260: {  	v13 =	vld [tilespmem:s23+$0x2130];
	v7 =	vmul.f32 v7, v3;
	v8 =	vmul.f32 v8, v4;
	v5 =	vadd.f32 v6, v5  }
0x261: {  	v14 =	vld [tilespmem:s23+$0xA130]  }
0x262: {  	v9 =	vmul.f32 v9, v3;
	v10 =	vmul.f32 v10, v4;
	v6 =	vld [tilespmem:s23+$0x2100];
	v7 =	vadd.f32 v8, v7;
	[tilespmem:s25+$0x12130] =	vst v5  }
0x263: {  	v8 =	vld [tilespmem:s23+$0xA100]  }
0x264: {  	s26 =	simm.s32 $0x80;
	v15 =	vmul.f32 v11, v3;
	v12 =	vmul.f32 v12, v4;
	v16 =	vadd.f32 v10, v9;
	v5 =	vld [tilespmem:s23+$0x2110];
	[tilespmem:s25+$0x12100] =	vst v7  }
0x265: {  	s2 =	sand.u32 $0x40, s26;
	s26 =	simm.s32 $0x400;
	v9 =	vld [tilespmem:s23+$0xA110]  }
0x266: {  	s28 =	simm.s32 $0xC0;
	s30 =	sand.u32 $0x1C00, s26;
	s2 =	sor.u32 s2, s24;
	v12 =	vadd.f32 v12, v15;
	v10 =	vmul.f32 v13, v3;
	v11 =	vmul.f32 v14, v4;
	v7 =	vld [tilespmem:s23+$0x2120];
	[tilespmem:s25+$0x12110] =	vst v16  }
.LBB2_19:
0x267: {  	p0 =	sne.s32 s28, $0x3C0;
	s2 =	sor.u32 s30, s2;
	v13 =	vmul.f32 v6, v3;
	v14 =	vld [tilespmem:s23+$0xA120]  }
0x268: {  	v15 =	vld [tilespmem:s2+$0x2130];
	v8 =	vmul.f32 v8, v4;
	v10 =	vadd.f32 v11, v10;
	[tilespmem:s25+$0x12120] =	vst v12;
	s25 =	smov.u32 s23;
	s23 =	smov.u32 s2  }
0x269: {  	v11 =	vld [tilespmem:s23+$0xA130];
	v12 =	vmul.f32 v5, v3  }
.Ltmp8:
0x26a: {  	v6 =	vld [tilespmem:s23+$0x2100];
	v13 =	vadd.f32 v8, v13;
	v9 =	vmul.f32 v9, v4;
	[tilespmem:s25+$0x12130] =	vst v10;
	(pc) =	sbr.rel @p0 .LBB2_19-.Ltmp8, $4  }
0x26b: {  	v8 =	vld [tilespmem:s23+$0xA100];
	v16 =	vmul.f32 v7, v3  }
0x26c: {  	v5 =	vld [tilespmem:s23+$0x2110];
	[tilespmem:s25+$0x12100] =	vst v13;
	v12 =	vadd.f32 v9, v12;
	v13 =	vmul.f32 v14, v4  }
0x26d: {  	s26 =	sadd.s32 $0x200, s26;
	s2 =	sand.u32 $0x40, s28;
	v9 =	vld [tilespmem:s23+$0xA110]  }
0x26e: {  	s30 =	sand.u32 $0x1C00, s26;
	s28 =	sadd.s32 $0x40, s28;
	s2 =	sor.u32 s2, s24;
	v10 =	vmul.f32 v15, v3;
	v7 =	vld [tilespmem:s23+$0x2120];
	v11 =	vmul.f32 v11, v4;
	[tilespmem:s25+$0x12110] =	vst v12;
	v12 =	vadd.f32 v13, v16  }
0x26f: {  	s2 =	sor.u32 s30, s2;
	v13 =	vld [tilespmem:s23+$0xA120]  }
0x270: {  	v6 =	vmul.f32 v6, v3;
	v14 =	vld [tilespmem:s2+$0x2130];
	[tilespmem:s25+$0x12120] =	vst v12;
	v10 =	vadd.f32 v11, v10;
	v8 =	vmul.f32 v8, v4  }
0x271: {  	v58 =	vld [tilespmem:s2+$0xA130]  }
0x272: {  	v12 =	vld [tilespmem:s2+$0x2100];
	v5 =	vmul.f32 v5, v3;
	[tilespmem:s23+$0x12130] =	vst v10;
	v6 =	vadd.f32 v8, v6;
	v9 =	vmul.f32 v9, v4  }
0x273: {  	v59 =	vld [tilespmem:s2+$0xA100]  }
0x274: {  	v10 =	vld [tilespmem:s2+$0x2110];
	[tilespmem:s23+$0x12100] =	vst v6;
	v5 =	vadd.f32 v9, v5  }
0x275: {  	v6 =	vld [tilespmem:s2+$0xA110]  }
0x276: {  	v60 =	vld [tilespmem:s2+$0x2120];
	[tilespmem:s23+$0x12110] =	vst v5  }
0x277: {  	v5 =	vld [tilespmem:s2+$0xA120]  }
0x278: {  	v7 =	vmul.f32 v7, v3;
	v13 =	vmul.f32 v13, v4  }
0x279: {  	v14 =	vmul.f32 v14, v3;
	v11 =	vmul.f32 v58, v4  }
0x27a: {  	s22 =	sadd.s32 $0x1, s22;
	v7 =	vadd.f32 v13, v7;
	v12 =	vmul.f32 v12, v3;
	v8 =	vmul.f32 v59, v4  }
0x27b: {  	p0 =	sne.s32 s22, $0x10;
	v11 =	vadd.f32 v11, v14;
	v10 =	vmul.f32 v10, v3;
	v6 =	vmul.f32 v6, v4  }
.Ltmp9:
0x27c: {  	[tilespmem:s23+$0x12120] =	vst v7;
	v61 =	vadd.f32 v8, v12;
	v3 =	vmul.f32 v60, v3;
	v62 =	vmul.f32 v5, v4;
	(pc) =	sbr.rel @p0 .LBB2_18-.Ltmp9, $4  }
0x27d: {  	[tilespmem:s2+$0x12130] =	vst v11;
	v63 =	vadd.f32 v6, v10  }
0x27e: {  	[tilespmem:s2+$0x12100] =	vst v61;
	v3 =	vadd.f32 v62, v3  }
0x27f: {  	[tilespmem:s2+$0x12110] =	vst v63  }
0x280: {  	[tilespmem:s2+$0x12120] =	vst v3  }
0x281: {  	s21 =	simm.s32 $0x0;
	s2 =	rddreg [dreg:$0x19]  }
0x282: {  	[hbm4b:s2+s21] =	stream.linear.scatter [tilespmem:s17], [sflag:$0x3], $0x4000, $0x38;
	[tilespmem:$0x1A100] =	vst v63  }
0x283: {  	v3 =	vld [tilespmem:$0x60];
	_ =	sdelay $0x4  }
0x284: {  	v4 =	vshll.u32 v3, $0x3  }
0x285: {  	v3 =	vand.u32 $0x7, v3;
	v4 =	vand.u32 $0xFFFFFFC0, v4  }
0x286: {  	v3 =	vor.u32 v3, v4  }
0x287: {  	v4 =	vperm.xlane v3, v0;
	_ =	sdelay $0x1  }
0x288: {  	v4 =	vadd.s32 v1, v4;
	_ =	sdelay $0x3  }
0x289: {  	s24 =	simm.s32 $0x2100  }
0x28a: {  	[tilespmem:s24], [sflag:$0x2] =	stream.indirect_vreg.gather [hbm4b:s29+s21], $0x80, v4, vm0, $0xb8;
	[tilespmem:$0x1A100] =	vst v63  }
0x28b: {  	s25 =	simm.s32 $0x2900;
	v3 =	vperm.xlane v3, v2  }
0x28c: {  	[tilespmem:s25], [sflag:$0x2] =	stream.indirect_vreg.gather [hbm4b:s31+s21], $0x80, v4, vm0, $0xb8;
	[tilespmem:$0x1A100] =	vst v63  }
0x28d: {  	s26 =	simm.s32 $0x3100;
	v3 =	vadd.s32 v1, v3  }
0x28e: {  	[tilespmem:s26], [sflag:$0x2] =	stream.indirect_vreg.gather [hbm4b:s14+s21], $0x80, v4, vm0, $0xb8;
	[tilespmem:$0x1A100] =	vst v63  }
0x28f: {  	s28 =	simm.s32 $0x3900  }
0x290: {  	[tilespmem:s28], [sflag:$0x2] =	stream.indirect_vreg.gather [hbm4b:s0+s21], $0x80, v4, vm0, $0xb8;
	[tilespmem:$0x1A100] =	vst v63  }
0x291: {  	s30 =	simm.s32 $0x4100  }
0x292: {  	[tilespmem:s30], [sflag:$0x2] =	stream.indirect_vreg.gather [hbm4b:s29+s21], $0x80, v3, vm0, $0xb8;
	[tilespmem:$0x1A100] =	vst v63  }
0x293: {  	s22 =	simm.s32 $0x4900  }
0x294: {  	[tilespmem:s22], [sflag:$0x2] =	stream.indirect_vreg.gather [hbm4b:s31+s21], $0x80, v3, vm0, $0xb8;
	[tilespmem:$0x1A100] =	vst v63  }
0x295: {  	s23 =	simm.s32 $0x5100  }
0x296: {  	[tilespmem:s23], [sflag:$0x2] =	stream.indirect_vreg.gather [hbm4b:s14+s21], $0x80, v3, vm0, $0xb8;
	[tilespmem:$0x1A100] =	vst v63  }
0x297: {  	s24 =	simm.s32 $0x5900  }
0x298: {  	[tilespmem:s24], [sflag:$0x2] =	stream.indirect_vreg.gather [hbm4b:s0+s21], $0x80, v3, vm0, $0xb8;
	[tilespmem:$0x1A100] =	vst v63  }
0x299: {  	v3 =	vld [tilespmem:$0xE0];
	_ =	sdelay $0x4  }
0x29a: {  	v63 =	vshll.u32 v3, $0x3  }
0x29b: {  	v3 =	vand.u32 $0x7, v3;
	v4 =	vand.u32 $0xFFFFFFC0, v63  }
0x29c: {  	v3 =	vor.u32 v3, v4  }
0x29d: {  	v4 =	vperm.xlane v3, v0;
	_ =	sdelay $0x1  }
0x29e: {  	v4 =	vadd.s32 v1, v4;
	_ =	sdelay $0x3  }
0x29f: {  	s25 =	simm.s32 $0xA100  }
0x2a0: {  	[tilespmem:s25], [sflag:$0x2] =	stream.indirect_vreg.gather [hbm4b:s29+s21], $0x80, v4, vm0, $0xb8;
	[tilespmem:$0x1A100] =	vst v63  }
0x2a1: {  	s26 =	simm.s32 $0xA900;
	v3 =	vperm.xlane v3, v2  }
0x2a2: {  	[tilespmem:s26], [sflag:$0x2] =	stream.indirect_vreg.gather [hbm4b:s31+s21], $0x80, v4, vm0, $0xb8;
	[tilespmem:$0x1A100] =	vst v63  }
0x2a3: {  	s28 =	simm.s32 $0xB100;
	v3 =	vadd.s32 v1, v3  }
0x2a4: {  	[tilespmem:s28], [sflag:$0x2] =	stream.indirect_vreg.gather [hbm4b:s14+s21], $0x80, v4, vm0, $0xb8;
	[tilespmem:$0x1A100] =	vst v63  }
0x2a5: {  	s30 =	simm.s32 $0xB900  }
0x2a6: {  	[tilespmem:s30], [sflag:$0x2] =	stream.indirect_vreg.gather [hbm4b:s0+s21], $0x80, v4, vm0, $0xb8;
	[tilespmem:$0x1A100] =	vst v63  }
0x2a7: {  	s22 =	simm.s32 $0xC100  }
0x2a8: {  	[tilespmem:s22], [sflag:$0x2] =	stream.indirect_vreg.gather [hbm4b:s29+s21], $0x80, v3, vm0, $0xb8;
	[tilespmem:$0x1A100] =	vst v63  }
0x2a9: {  	s23 =	simm.s32 $0xC900  }
0x2aa: {  	[tilespmem:s23], [sflag:$0x2] =	stream.indirect_vreg.gather [hbm4b:s31+s21], $0x80, v3, vm0, $0xb8;
	[tilespmem:$0x1A100] =	vst v63  }
0x2ab: {  	s24 =	simm.s32 $0xD100  }
0x2ac: {  	[tilespmem:s24], [sflag:$0x2] =	stream.indirect_vreg.gather [hbm4b:s14+s21], $0x80, v3, vm0, $0xb8;
	[tilespmem:$0x1A100] =	vst v63  }
0x2ad: {  	s25 =	simm.s32 $0xD900  }
0x2ae: {  	[tilespmem:s25], [sflag:$0x2] =	stream.indirect_vreg.gather [hbm4b:s0+s21], $0x80, v3, vm0, $0xb8;
	[tilespmem:$0x1A100] =	vst v63  }
0x2af: {  	s26 =	rddreg [dreg:$0xf];
	s22 =	simm.s32 $0x100  }
0x2b0: {  	[tilespmem:s22], [sflag:$0x2] =	stream.linear.gather [hbm4b:s26+s21], $0x800, $0x38;
	[tilespmem:$0x1A100] =	vst v63  }
0x2b1: {  	s28 =	rddreg [dreg:$0x10];
	s30 =	simm.s32 $0x1100  }
0x2b2: {  	[tilespmem:s30], [sflag:$0x2] =	stream.linear.gather [hbm4b:s28+s21], $0x800, $0x38;
	[tilespmem:$0x1A100] =	vst v63  }
0x2b3: {  	_ =	swait.ge [sflag:s16], $0x4000  }
0x2b4: {  	[sflag:s16] =	ssyncset.done $0x0  }
0x2b5: {  	[sflag:s16] =	ssyncadd.s32 $0xFFFFC000  }
0x2b6: {  	_ =	swait.ge [sflag:s16], $0x4000  }
0x2b7: {  	[sflag:s16] =	ssyncset.done $0x0  }
0x2b8: {  	[sflag:s16] =	ssyncadd.s32 $0xFFFFC000  }
0x2b9: {  	_ =	swait.ge [sflag:s16], $0x800  }
0x2ba: {  	[sflag:s16] =	ssyncset.done $0x0  }
0x2bb: {  	[sflag:s16] =	ssyncadd.s32 $0xFFFFF800  }
0x2bc: {  	_ =	swait.ge [sflag:s16], $0x800  }
0x2bd: {  	[sflag:s16] =	ssyncset.done $0x0  }
0x2be: {  	[sflag:s16] =	ssyncadd.s32 $0xFFFFF800  }
0x2bf: {  	_ =	swait.ge [sflag:s19], $0x4000  }
0x2c0: {  	[sflag:s19] =	ssyncset.done $0x0  }
0x2c1: {  	s22 =	simm.s32 $0x0;
	[sflag:s19] =	ssyncadd.s32 $0xFFFFC000  }
.LBB2_22:
0x2c2: {  	s2 =	sshll.u32 s22, $0x7;
	s23 =	sshll.u32 s22, $0xA  }
0x2c3: {  	s23 =	sand.u32 $0x2000, s23;
	s24 =	sand.u32 $0x380, s2  }
0x2c4: {  	s26 =	sand.u32 $0x40, s21;
	s24 =	sor.u32 s24, s23  }
0x2c5: {  	s25 =	sand.u32 $0x1C00, s21;
	v3 =	vld [tilespmem:s2+$0x900];
	s23 =	sor.u32 s26, s24  }
0x2c6: {  	v4 =	vld [tilespmem:s2+$0x1900];
	s25 =	sor.u32 s25, s23  }
0x2c7: {  	v5 =	vld [tilespmem:s25+$0x6130]  }
0x2c8: {  	v6 =	vld [tilespmem:s25+$0xE130]  }
0x2c9: {  	v7 =	vld [tilespmem:s25+$0x6100]  }
0x2ca: {  	v8 =	vld [tilespmem:s25+$0xE100]  }
0x2cb: {  	s23 =	simm.s32 $0x40;
	v9 =	vld [tilespmem:s25+$0x6110]  }
0x2cc: {  	s26 =	simm.s32 $0x200;
	s2 =	sand.u32 $0x40, s23;
	v10 =	vld [tilespmem:s25+$0xE110]  }
0x2cd: {  	s23 =	sand.u32 $0x1C00, s26;
	v11 =	vld [tilespmem:s25+$0x6120];
	s2 =	sor.u32 s2, s24;
	v5 =	vmul.f32 v5, v3;
	v6 =	vmul.f32 v6, v4  }
0x2ce: {  	v12 =	vld [tilespmem:s25+$0xE120];
	s23 =	sor.u32 s23, s2  }
0x2cf: {  	v13 =	vld [tilespmem:s23+$0x6130];
	v7 =	vmul.f32 v7, v3;
	v8 =	vmul.f32 v8, v4;
	v5 =	vadd.f32 v6, v5  }
0x2d0: {  	v14 =	vld [tilespmem:s23+$0xE130]  }
0x2d1: {  	v9 =	vmul.f32 v9, v3;
	v10 =	vmul.f32 v10, v4;
	v6 =	vld [tilespmem:s23+$0x6100];
	v7 =	vadd.f32 v8, v7;
	[tilespmem:s25+$0x16130] =	vst v5  }
0x2d2: {  	v8 =	vld [tilespmem:s23+$0xE100]  }
0x2d3: {  	s26 =	simm.s32 $0x80;
	v15 =	vmul.f32 v11, v3;
	v12 =	vmul.f32 v12, v4;
	v16 =	vadd.f32 v10, v9;
	v5 =	vld [tilespmem:s23+$0x6110];
	[tilespmem:s25+$0x16100] =	vst v7  }
0x2d4: {  	s2 =	sand.u32 $0x40, s26;
	s26 =	simm.s32 $0x400;
	v9 =	vld [tilespmem:s23+$0xE110]  }
0x2d5: {  	s28 =	simm.s32 $0xC0;
	s30 =	sand.u32 $0x1C00, s26;
	s2 =	sor.u32 s2, s24;
	v12 =	vadd.f32 v12, v15;
	v10 =	vmul.f32 v13, v3;
	v11 =	vmul.f32 v14, v4;
	v7 =	vld [tilespmem:s23+$0x6120];
	[tilespmem:s25+$0x16110] =	vst v16  }
.LBB2_23:
0x2d6: {  	p0 =	sne.s32 s28, $0x3C0;
	s2 =	sor.u32 s30, s2;
	v13 =	vmul.f32 v6, v3;
	v14 =	vld [tilespmem:s23+$0xE120]  }
0x2d7: {  	v15 =	vld [tilespmem:s2+$0x6130];
	v8 =	vmul.f32 v8, v4;
	v10 =	vadd.f32 v11, v10;
	[tilespmem:s25+$0x16120] =	vst v12;
	s25 =	smov.u32 s23;
	s23 =	smov.u32 s2  }
0x2d8: {  	v11 =	vld [tilespmem:s23+$0xE130];
	v12 =	vmul.f32 v5, v3  }
.Ltmp10:
0x2d9: {  	v6 =	vld [tilespmem:s23+$0x6100];
	v13 =	vadd.f32 v8, v13;
	v9 =	vmul.f32 v9, v4;
	[tilespmem:s25+$0x16130] =	vst v10;
	(pc) =	sbr.rel @p0 .LBB2_23-.Ltmp10, $4  }
0x2da: {  	v8 =	vld [tilespmem:s23+$0xE100];
	v16 =	vmul.f32 v7, v3  }
0x2db: {  	v5 =	vld [tilespmem:s23+$0x6110];
	[tilespmem:s25+$0x16100] =	vst v13;
	v12 =	vadd.f32 v9, v12;
	v13 =	vmul.f32 v14, v4  }
0x2dc: {  	s26 =	sadd.s32 $0x200, s26;
	s2 =	sand.u32 $0x40, s28;
	v9 =	vld [tilespmem:s23+$0xE110]  }
0x2dd: {  	s30 =	sand.u32 $0x1C00, s26;
	s28 =	sadd.s32 $0x40, s28;
	s2 =	sor.u32 s2, s24;
	v10 =	vmul.f32 v15, v3;
	v7 =	vld [tilespmem:s23+$0x6120];
	v11 =	vmul.f32 v11, v4;
	[tilespmem:s25+$0x16110] =	vst v12;
	v12 =	vadd.f32 v13, v16  }
0x2de: {  	s2 =	sor.u32 s30, s2;
	v13 =	vld [tilespmem:s23+$0xE120]  }
0x2df: {  	v6 =	vmul.f32 v6, v3;
	v14 =	vld [tilespmem:s2+$0x6130];
	[tilespmem:s25+$0x16120] =	vst v12;
	v10 =	vadd.f32 v11, v10;
	v8 =	vmul.f32 v8, v4  }
0x2e0: {  	v58 =	vld [tilespmem:s2+$0xE130]  }
0x2e1: {  	v12 =	vld [tilespmem:s2+$0x6100];
	v5 =	vmul.f32 v5, v3;
	[tilespmem:s23+$0x16130] =	vst v10;
	v6 =	vadd.f32 v8, v6;
	v9 =	vmul.f32 v9, v4  }
0x2e2: {  	v59 =	vld [tilespmem:s2+$0xE100]  }
0x2e3: {  	v10 =	vld [tilespmem:s2+$0x6110];
	[tilespmem:s23+$0x16100] =	vst v6;
	v5 =	vadd.f32 v9, v5  }
0x2e4: {  	v6 =	vld [tilespmem:s2+$0xE110]  }
0x2e5: {  	v60 =	vld [tilespmem:s2+$0x6120];
	[tilespmem:s23+$0x16110] =	vst v5  }
0x2e6: {  	v5 =	vld [tilespmem:s2+$0xE120]  }
0x2e7: {  	v7 =	vmul.f32 v7, v3;
	v13 =	vmul.f32 v13, v4  }
0x2e8: {  	v14 =	vmul.f32 v14, v3;
	v11 =	vmul.f32 v58, v4  }
0x2e9: {  	s22 =	sadd.s32 $0x1, s22;
	v7 =	vadd.f32 v13, v7;
	v12 =	vmul.f32 v12, v3;
	v8 =	vmul.f32 v59, v4  }
0x2ea: {  	p0 =	sne.s32 s22, $0x10;
	v11 =	vadd.f32 v11, v14;
	v10 =	vmul.f32 v10, v3;
	v6 =	vmul.f32 v6, v4  }
.Ltmp11:
0x2eb: {  	[tilespmem:s23+$0x16120] =	vst v7;
	v61 =	vadd.f32 v8, v12;
	v3 =	vmul.f32 v60, v3;
	v62 =	vmul.f32 v5, v4;
	(pc) =	sbr.rel @p0 .LBB2_22-.Ltmp11, $4  }
0x2ec: {  	[tilespmem:s2+$0x16130] =	vst v11;
	v63 =	vadd.f32 v6, v10  }
0x2ed: {  	[tilespmem:s2+$0x16100] =	vst v61;
	v3 =	vadd.f32 v62, v3  }
0x2ee: {  	[tilespmem:s2+$0x16110] =	vst v63  }
0x2ef: {  	[tilespmem:s2+$0x16120] =	vst v3  }
0x2f0: {  	s21 =	simm.s32 $0x0;
	s2 =	rddreg [dreg:$0x1a]  }
0x2f1: {  	[hbm4b:s2+s21] =	stream.linear.scatter [tilespmem:s18], [sflag:$0x3], $0x4000, $0x38;
	[tilespmem:$0x1A100] =	vst v63  }
0x2f2: {  	v3 =	vld [tilespmem:$0x70];
	_ =	sdelay $0x4  }
0x2f3: {  	v4 =	vshll.u32 v3, $0x3  }
0x2f4: {  	v3 =	vand.u32 $0x7, v3;
	v4 =	vand.u32 $0xFFFFFFC0, v4  }
0x2f5: {  	v3 =	vor.u32 v3, v4  }
0x2f6: {  	v4 =	vperm.xlane v3, v0;
	_ =	sdelay $0x1  }
0x2f7: {  	v4 =	vadd.s32 v1, v4;
	_ =	sdelay $0x3  }
0x2f8: {  	s28 =	simm.s32 $0x6100  }
0x2f9: {  	[tilespmem:s28], [sflag:$0x2] =	stream.indirect_vreg.gather [hbm4b:s29+s21], $0x80, v4, vm0, $0xb8;
	[tilespmem:$0x1A100] =	vst v63  }
0x2fa: {  	s30 =	simm.s32 $0x6900;
	v3 =	vperm.xlane v3, v2  }
0x2fb: {  	[tilespmem:s30], [sflag:$0x2] =	stream.indirect_vreg.gather [hbm4b:s31+s21], $0x80, v4, vm0, $0xb8;
	[tilespmem:$0x1A100] =	vst v63  }
0x2fc: {  	s22 =	simm.s32 $0x7100;
	v3 =	vadd.s32 v1, v3  }
0x2fd: {  	[tilespmem:s22], [sflag:$0x2] =	stream.indirect_vreg.gather [hbm4b:s14+s21], $0x80, v4, vm0, $0xb8;
	[tilespmem:$0x1A100] =	vst v63  }
0x2fe: {  	s23 =	simm.s32 $0x7900  }
0x2ff: {  	[tilespmem:s23], [sflag:$0x2] =	stream.indirect_vreg.gather [hbm4b:s0+s21], $0x80, v4, vm0, $0xb8;
	[tilespmem:$0x1A100] =	vst v63  }
0x300: {  	s24 =	simm.s32 $0x8100  }
0x301: {  	[tilespmem:s24], [sflag:$0x2] =	stream.indirect_vreg.gather [hbm4b:s29+s21], $0x80, v3, vm0, $0xb8;
	[tilespmem:$0x1A100] =	vst v63  }
0x302: {  	s25 =	simm.s32 $0x8900  }
0x303: {  	[tilespmem:s25], [sflag:$0x2] =	stream.indirect_vreg.gather [hbm4b:s31+s21], $0x80, v3, vm0, $0xb8;
	[tilespmem:$0x1A100] =	vst v63  }
0x304: {  	s26 =	simm.s32 $0x9100  }
0x305: {  	[tilespmem:s26], [sflag:$0x2] =	stream.indirect_vreg.gather [hbm4b:s14+s21], $0x80, v3, vm0, $0xb8;
	[tilespmem:$0x1A100] =	vst v63  }
0x306: {  	_ = 	snop  }
0x307: {  	[tilespmem:s4], [sflag:$0x2] =	stream.indirect_vreg.gather [hbm4b:s0+s21], $0x80, v3, vm0, $0xb8;
	[tilespmem:$0x1A100] =	vst v63  }
0x308: {  	v3 =	vld [tilespmem:$0xF0];
	_ =	sdelay $0x4  }
0x309: {  	v63 =	vshll.u32 v3, $0x3  }
0x30a: {  	v3 =	vand.u32 $0x7, v3;
	v4 =	vand.u32 $0xFFFFFFC0, v63  }
0x30b: {  	v3 =	vor.u32 v3, v4  }
0x30c: {  	v4 =	vperm.xlane v3, v0;
	_ =	sdelay $0x1  }
0x30d: {  	v4 =	vadd.s32 v1, v4;
	_ =	sdelay $0x4  }
0x30e: {  	[tilespmem:s5], [sflag:$0x2] =	stream.indirect_vreg.gather [hbm4b:s29+s21], $0x80, v4, vm0, $0xb8;
	[tilespmem:$0x1A100] =	vst v63  }
0x30f: {  	v3 =	vperm.xlane v3, v2  }
0x310: {  	[tilespmem:s6], [sflag:$0x2] =	stream.indirect_vreg.gather [hbm4b:s31+s21], $0x80, v4, vm0, $0xb8;
	[tilespmem:$0x1A100] =	vst v63  }
0x311: {  	v3 =	vadd.s32 v1, v3  }
0x312: {  	[tilespmem:s7], [sflag:$0x2] =	stream.indirect_vreg.gather [hbm4b:s14+s21], $0x80, v4, vm0, $0xb8;
	[tilespmem:$0x1A100] =	vst v63  }
0x313: {  	_ = 	snop  }
0x314: {  	[tilespmem:s8], [sflag:$0x2] =	stream.indirect_vreg.gather [hbm4b:s0+s21], $0x80, v4, vm0, $0xb8;
	[tilespmem:$0x1A100] =	vst v63  }
0x315: {  	_ = 	snop  }
0x316: {  	[tilespmem:s9], [sflag:$0x2] =	stream.indirect_vreg.gather [hbm4b:s29+s21], $0x80, v3, vm0, $0xb8;
	[tilespmem:$0x1A100] =	vst v63  }
0x317: {  	_ = 	snop  }
0x318: {  	[tilespmem:s10], [sflag:$0x2] =	stream.indirect_vreg.gather [hbm4b:s31+s21], $0x80, v3, vm0, $0xb8;
	[tilespmem:$0x1A100] =	vst v63  }
0x319: {  	_ = 	snop  }
0x31a: {  	[tilespmem:s11], [sflag:$0x2] =	stream.indirect_vreg.gather [hbm4b:s14+s21], $0x80, v3, vm0, $0xb8;
	[tilespmem:$0x1A100] =	vst v63  }
0x31b: {  	_ = 	snop  }
0x31c: {  	[tilespmem:s12], [sflag:$0x2] =	stream.indirect_vreg.gather [hbm4b:s0+s21], $0x80, v3, vm0, $0xb8;
	[tilespmem:$0x1A100] =	vst v63  }
0x31d: {  	s28 =	rddreg [dreg:$0x11]  }
0x31e: {  	[tilespmem:s13], [sflag:$0x2] =	stream.linear.gather [hbm4b:s28+s21], $0x800, $0x38;
	[tilespmem:$0x1A100] =	vst v63  }
0x31f: {  	s30 =	rddreg [dreg:$0x12]  }
0x320: {  	[tilespmem:s15], [sflag:$0x2] =	stream.linear.gather [hbm4b:s30+s21], $0x800, $0x38;
	[tilespmem:$0x1A100] =	vst v63  }
0x321: {  	_ =	swait.ge [sflag:s16], $0x4000  }
0x322: {  	[sflag:s16] =	ssyncset.done $0x0  }
0x323: {  	[sflag:s16] =	ssyncadd.s32 $0xFFFFC000  }
0x324: {  	_ =	swait.ge [sflag:s16], $0x4000  }
0x325: {  	[sflag:s16] =	ssyncset.done $0x0  }
0x326: {  	[sflag:s16] =	ssyncadd.s32 $0xFFFFC000  }
0x327: {  	_ =	swait.ge [sflag:s16], $0x800  }
0x328: {  	[sflag:s16] =	ssyncset.done $0x0  }
0x329: {  	[sflag:s16] =	ssyncadd.s32 $0xFFFFF800  }
0x32a: {  	_ =	swait.ge [sflag:s16], $0x800  }
0x32b: {  	[sflag:s16] =	ssyncset.done $0x0  }
0x32c: {  	[sflag:s16] =	ssyncadd.s32 $0xFFFFF800  }
0x32d: {  	_ =	swait.ge [sflag:s19], $0x4000  }
0x32e: {  	[sflag:s19] =	ssyncset.done $0x0  }
0x32f: {  	s22 =	simm.s32 $0x0;
	[sflag:s19] =	ssyncadd.s32 $0xFFFFC000  }
.LBB2_26:
0x330: {  	s2 =	sshll.u32 s22, $0x7;
	s23 =	sshll.u32 s22, $0xA  }
0x331: {  	s23 =	sand.u32 $0x2000, s23;
	s24 =	sand.u32 $0x380, s2  }
0x332: {  	s26 =	sand.u32 $0x40, s21;
	s24 =	sor.u32 s23, s24  }
0x333: {  	s25 =	sand.u32 $0x1C00, s21;
	v3 =	vld [tilespmem:s2+$0x100];
	s23 =	sor.u32 s26, s24  }
0x334: {  	v4 =	vld [tilespmem:s2+$0x1100];
	s25 =	sor.u32 s25, s23  }
0x335: {  	v5 =	vld [tilespmem:s25+$0x2130]  }
0x336: {  	v6 =	vld [tilespmem:s25+$0xA130]  }
0x337: {  	v7 =	vld [tilespmem:s25+$0x2100]  }
0x338: {  	v8 =	vld [tilespmem:s25+$0xA100]  }
0x339: {  	s23 =	simm.s32 $0x40;
	v9 =	vld [tilespmem:s25+$0x2110]  }
0x33a: {  	s26 =	simm.s32 $0x200;
	s2 =	sand.u32 $0x40, s23;
	v10 =	vld [tilespmem:s25+$0xA110]  }
0x33b: {  	s23 =	sand.u32 $0x1C00, s26;
	v11 =	vld [tilespmem:s25+$0x2120];
	s2 =	sor.u32 s2, s24;
	v5 =	vmul.f32 v5, v3;
	v6 =	vmul.f32 v6, v4  }
0x33c: {  	v12 =	vld [tilespmem:s25+$0xA120];
	s23 =	sor.u32 s23, s2  }
0x33d: {  	v13 =	vld [tilespmem:s23+$0x2130];
	v7 =	vmul.f32 v7, v3;
	v8 =	vmul.f32 v8, v4;
	v5 =	vadd.f32 v6, v5  }
0x33e: {  	v14 =	vld [tilespmem:s23+$0xA130]  }
0x33f: {  	v9 =	vmul.f32 v9, v3;
	v10 =	vmul.f32 v10, v4;
	v6 =	vld [tilespmem:s23+$0x2100];
	v7 =	vadd.f32 v8, v7;
	[tilespmem:s25+$0x12130] =	vst v5  }
0x340: {  	v8 =	vld [tilespmem:s23+$0xA100]  }
0x341: {  	s26 =	simm.s32 $0x80;
	v15 =	vmul.f32 v11, v3;
	v12 =	vmul.f32 v12, v4;
	v16 =	vadd.f32 v10, v9;
	v5 =	vld [tilespmem:s23+$0x2110];
	[tilespmem:s25+$0x12100] =	vst v7  }
0x342: {  	s2 =	sand.u32 $0x40, s26;
	s26 =	simm.s32 $0x400;
	v9 =	vld [tilespmem:s23+$0xA110]  }
0x343: {  	s28 =	simm.s32 $0xC0;
	s30 =	sand.u32 $0x1C00, s26;
	s2 =	sor.u32 s2, s24;
	v12 =	vadd.f32 v12, v15;
	v10 =	vmul.f32 v13, v3;
	v11 =	vmul.f32 v14, v4;
	v7 =	vld [tilespmem:s23+$0x2120];
	[tilespmem:s25+$0x12110] =	vst v16  }
.LBB2_27:
0x344: {  	p0 =	sne.s32 s28, $0x3C0;
	s2 =	sor.u32 s30, s2;
	v13 =	vmul.f32 v6, v3;
	v14 =	vld [tilespmem:s23+$0xA120]  }
0x345: {  	v15 =	vld [tilespmem:s2+$0x2130];
	v8 =	vmul.f32 v8, v4;
	v10 =	vadd.f32 v11, v10;
	[tilespmem:s25+$0x12120] =	vst v12;
	s25 =	smov.u32 s23;
	s23 =	smov.u32 s2  }
0x346: {  	v11 =	vld [tilespmem:s23+$0xA130];
	v12 =	vmul.f32 v5, v3  }
.Ltmp12:
0x347: {  	v6 =	vld [tilespmem:s23+$0x2100];
	v13 =	vadd.f32 v8, v13;
	v9 =	vmul.f32 v9, v4;
	[tilespmem:s25+$0x12130] =	vst v10;
	(pc) =	sbr.rel @p0 .LBB2_27-.Ltmp12, $4  }
0x348: {  	v8 =	vld [tilespmem:s23+$0xA100];
	v16 =	vmul.f32 v7, v3  }
0x349: {  	v5 =	vld [tilespmem:s23+$0x2110];
	[tilespmem:s25+$0x12100] =	vst v13;
	v12 =	vadd.f32 v9, v12;
	v13 =	vmul.f32 v14, v4  }
0x34a: {  	s26 =	sadd.s32 $0x200, s26;
	s2 =	sand.u32 $0x40, s28;
	v9 =	vld [tilespmem:s23+$0xA110]  }
0x34b: {  	s30 =	sand.u32 $0x1C00, s26;
	s28 =	sadd.s32 $0x40, s28;
	s2 =	sor.u32 s2, s24;
	v10 =	vmul.f32 v15, v3;
	v7 =	vld [tilespmem:s23+$0x2120];
	v11 =	vmul.f32 v11, v4;
	[tilespmem:s25+$0x12110] =	vst v12;
	v12 =	vadd.f32 v13, v16  }
0x34c: {  	s2 =	sor.u32 s30, s2;
	v13 =	vld [tilespmem:s23+$0xA120]  }
0x34d: {  	v6 =	vmul.f32 v6, v3;
	v14 =	vld [tilespmem:s2+$0x2130];
	[tilespmem:s25+$0x12120] =	vst v12;
	v10 =	vadd.f32 v11, v10;
	v8 =	vmul.f32 v8, v4  }
0x34e: {  	v58 =	vld [tilespmem:s2+$0xA130]  }
0x34f: {  	v12 =	vld [tilespmem:s2+$0x2100];
	v5 =	vmul.f32 v5, v3;
	[tilespmem:s23+$0x12130] =	vst v10;
	v6 =	vadd.f32 v8, v6;
	v9 =	vmul.f32 v9, v4  }
0x350: {  	v59 =	vld [tilespmem:s2+$0xA100]  }
0x351: {  	v10 =	vld [tilespmem:s2+$0x2110];
	[tilespmem:s23+$0x12100] =	vst v6;
	v5 =	vadd.f32 v9, v5  }
0x352: {  	v6 =	vld [tilespmem:s2+$0xA110]  }
0x353: {  	v60 =	vld [tilespmem:s2+$0x2120];
	[tilespmem:s23+$0x12110] =	vst v5  }
0x354: {  	v5 =	vld [tilespmem:s2+$0xA120]  }
0x355: {  	v7 =	vmul.f32 v7, v3;
	v13 =	vmul.f32 v13, v4  }
0x356: {  	v14 =	vmul.f32 v14, v3;
	v11 =	vmul.f32 v58, v4  }
0x357: {  	s22 =	sadd.s32 $0x1, s22;
	v7 =	vadd.f32 v13, v7;
	v12 =	vmul.f32 v12, v3;
	v8 =	vmul.f32 v59, v4  }
0x358: {  	p0 =	sne.s32 s22, $0x10;
	v11 =	vadd.f32 v11, v14;
	v10 =	vmul.f32 v10, v3;
	v6 =	vmul.f32 v6, v4  }
.Ltmp13:
0x359: {  	[tilespmem:s23+$0x12120] =	vst v7;
	v61 =	vadd.f32 v8, v12;
	v3 =	vmul.f32 v60, v3;
	v62 =	vmul.f32 v5, v4;
	(pc) =	sbr.rel @p0 .LBB2_26-.Ltmp13, $4  }
0x35a: {  	[tilespmem:s2+$0x12130] =	vst v11;
	v63 =	vadd.f32 v6, v10  }
0x35b: {  	[tilespmem:s2+$0x12100] =	vst v61;
	v3 =	vadd.f32 v62, v3  }
0x35c: {  	[tilespmem:s2+$0x12110] =	vst v63  }
0x35d: {  	[tilespmem:s2+$0x12120] =	vst v3  }
0x35e: {  	s21 =	simm.s32 $0x0;
	s2 =	rddreg [dreg:$0x1b]  }
0x35f: {  	[hbm4b:s2+s21] =	stream.linear.scatter [tilespmem:s17], [sflag:$0x3], $0x4000, $0x38;
	[tilespmem:$0x1A100] =	vst v63  }
0x360: {  	_ =	swait.ge [sflag:s16], $0x4000  }
0x361: {  	[sflag:s16] =	ssyncset.done $0x0  }
0x362: {  	[sflag:s16] =	ssyncadd.s32 $0xFFFFC000  }
0x363: {  	_ =	swait.ge [sflag:s16], $0x4000  }
0x364: {  	[sflag:s16] =	ssyncset.done $0x0  }
0x365: {  	[sflag:s16] =	ssyncadd.s32 $0xFFFFC000  }
0x366: {  	_ =	swait.ge [sflag:s16], $0x800  }
0x367: {  	[sflag:s16] =	ssyncset.done $0x0  }
0x368: {  	[sflag:s16] =	ssyncadd.s32 $0xFFFFF800  }
0x369: {  	_ =	swait.ge [sflag:s16], $0x800  }
0x36a: {  	[sflag:s16] =	ssyncset.done $0x0  }
0x36b: {  	[sflag:s16] =	ssyncadd.s32 $0xFFFFF800  }
0x36c: {  	_ =	swait.ge [sflag:s19], $0x4000  }
0x36d: {  	[sflag:s19] =	ssyncset.done $0x0  }
0x36e: {  	s22 =	simm.s32 $0x0;
	[sflag:s19] =	ssyncadd.s32 $0xFFFFC000  }
.LBB2_30:
0x36f: {  	s2 =	sshll.u32 s22, $0x7;
	s23 =	sshll.u32 s22, $0xA  }
0x370: {  	s23 =	sand.u32 $0x2000, s23;
	s24 =	sand.u32 $0x380, s2  }
0x371: {  	s26 =	sand.u32 $0x40, s21;
	s24 =	sor.u32 s24, s23  }
0x372: {  	s25 =	sand.u32 $0x1C00, s21;
	v3 =	vld [tilespmem:s2+$0x900];
	s23 =	sor.u32 s26, s24  }
0x373: {  	v4 =	vld [tilespmem:s2+$0x1900];
	s25 =	sor.u32 s25, s23  }
0x374: {  	v5 =	vld [tilespmem:s25+$0x6130]  }
0x375: {  	v6 =	vld [tilespmem:s25+$0xE130]  }
0x376: {  	v7 =	vld [tilespmem:s25+$0x6100]  }
0x377: {  	v8 =	vld [tilespmem:s25+$0xE100]  }
0x378: {  	s23 =	simm.s32 $0x40;
	v9 =	vld [tilespmem:s25+$0x6110]  }
0x379: {  	s26 =	simm.s32 $0x200;
	s2 =	sand.u32 $0x40, s23;
	v10 =	vld [tilespmem:s25+$0xE110]  }
0x37a: {  	s23 =	sand.u32 $0x1C00, s26;
	v11 =	vld [tilespmem:s25+$0x6120];
	s2 =	sor.u32 s2, s24;
	v5 =	vmul.f32 v5, v3;
	v6 =	vmul.f32 v6, v4  }
0x37b: {  	v12 =	vld [tilespmem:s25+$0xE120];
	s23 =	sor.u32 s23, s2  }
0x37c: {  	v13 =	vld [tilespmem:s23+$0x6130];
	v7 =	vmul.f32 v7, v3;
	v8 =	vmul.f32 v8, v4;
	v5 =	vadd.f32 v6, v5  }
0x37d: {  	v14 =	vld [tilespmem:s23+$0xE130]  }
0x37e: {  	v9 =	vmul.f32 v9, v3;
	v10 =	vmul.f32 v10, v4;
	v6 =	vld [tilespmem:s23+$0x6100];
	v7 =	vadd.f32 v8, v7;
	[tilespmem:s25+$0x16130] =	vst v5  }
0x37f: {  	v8 =	vld [tilespmem:s23+$0xE100]  }
0x380: {  	s26 =	simm.s32 $0x80;
	v15 =	vmul.f32 v11, v3;
	v12 =	vmul.f32 v12, v4;
	v16 =	vadd.f32 v10, v9;
	v5 =	vld [tilespmem:s23+$0x6110];
	[tilespmem:s25+$0x16100] =	vst v7  }
0x381: {  	s2 =	sand.u32 $0x40, s26;
	s26 =	simm.s32 $0x400;
	v9 =	vld [tilespmem:s23+$0xE110]  }
0x382: {  	s28 =	simm.s32 $0xC0;
	s30 =	sand.u32 $0x1C00, s26;
	s2 =	sor.u32 s2, s24;
	v12 =	vadd.f32 v12, v15;
	v10 =	vmul.f32 v13, v3;
	v11 =	vmul.f32 v14, v4;
	v7 =	vld [tilespmem:s23+$0x6120];
	[tilespmem:s25+$0x16110] =	vst v16  }
.LBB2_31:
0x383: {  	p0 =	sne.s32 s28, $0x3C0;
	s2 =	sor.u32 s30, s2;
	v13 =	vmul.f32 v6, v3;
	v14 =	vld [tilespmem:s23+$0xE120]  }
0x384: {  	v15 =	vld [tilespmem:s2+$0x6130];
	v8 =	vmul.f32 v8, v4;
	v10 =	vadd.f32 v11, v10;
	[tilespmem:s25+$0x16120] =	vst v12;
	s25 =	smov.u32 s23;
	s23 =	smov.u32 s2  }
0x385: {  	v11 =	vld [tilespmem:s23+$0xE130];
	v12 =	vmul.f32 v5, v3  }
.Ltmp14:
0x386: {  	v6 =	vld [tilespmem:s23+$0x6100];
	v13 =	vadd.f32 v8, v13;
	v9 =	vmul.f32 v9, v4;
	[tilespmem:s25+$0x16130] =	vst v10;
	(pc) =	sbr.rel @p0 .LBB2_31-.Ltmp14, $4  }
0x387: {  	v8 =	vld [tilespmem:s23+$0xE100];
	v16 =	vmul.f32 v7, v3  }
0x388: {  	v5 =	vld [tilespmem:s23+$0x6110];
	[tilespmem:s25+$0x16100] =	vst v13;
	v12 =	vadd.f32 v9, v12;
	v13 =	vmul.f32 v14, v4  }
0x389: {  	s26 =	sadd.s32 $0x200, s26;
	s2 =	sand.u32 $0x40, s28;
	v9 =	vld [tilespmem:s23+$0xE110]  }
0x38a: {  	s30 =	sand.u32 $0x1C00, s26;
	s28 =	sadd.s32 $0x40, s28;
	s2 =	sor.u32 s2, s24;
	v10 =	vmul.f32 v15, v3;
	v7 =	vld [tilespmem:s23+$0x6120];
	v11 =	vmul.f32 v11, v4;
	[tilespmem:s25+$0x16110] =	vst v12;
	v12 =	vadd.f32 v13, v16  }
0x38b: {  	s2 =	sor.u32 s30, s2;
	v13 =	vld [tilespmem:s23+$0xE120]  }
0x38c: {  	v6 =	vmul.f32 v6, v3;
	v14 =	vld [tilespmem:s2+$0x6130];
	[tilespmem:s25+$0x16120] =	vst v12;
	v10 =	vadd.f32 v11, v10;
	v8 =	vmul.f32 v8, v4  }
0x38d: {  	v58 =	vld [tilespmem:s2+$0xE130]  }
0x38e: {  	v12 =	vld [tilespmem:s2+$0x6100];
	v5 =	vmul.f32 v5, v3;
	[tilespmem:s23+$0x16130] =	vst v10;
	v6 =	vadd.f32 v8, v6;
	v9 =	vmul.f32 v9, v4  }
0x38f: {  	v59 =	vld [tilespmem:s2+$0xE100]  }
0x390: {  	v10 =	vld [tilespmem:s2+$0x6110];
	[tilespmem:s23+$0x16100] =	vst v6;
	v5 =	vadd.f32 v9, v5  }
0x391: {  	v6 =	vld [tilespmem:s2+$0xE110]  }
0x392: {  	v60 =	vld [tilespmem:s2+$0x6120];
	[tilespmem:s23+$0x16110] =	vst v5  }
0x393: {  	v5 =	vld [tilespmem:s2+$0xE120]  }
0x394: {  	v7 =	vmul.f32 v7, v3;
	v13 =	vmul.f32 v13, v4  }
0x395: {  	v14 =	vmul.f32 v14, v3;
	v11 =	vmul.f32 v58, v4  }
0x396: {  	s22 =	sadd.s32 $0x1, s22;
	v7 =	vadd.f32 v13, v7;
	v12 =	vmul.f32 v12, v3;
	v8 =	vmul.f32 v59, v4  }
0x397: {  	p0 =	sne.s32 s22, $0x10;
	v11 =	vadd.f32 v11, v14;
	v10 =	vmul.f32 v10, v3;
	v6 =	vmul.f32 v6, v4  }
.Ltmp15:
0x398: {  	[tilespmem:s23+$0x16120] =	vst v7;
	v61 =	vadd.f32 v8, v12;
	v3 =	vmul.f32 v60, v3;
	v62 =	vmul.f32 v5, v4;
	(pc) =	sbr.rel @p0 .LBB2_30-.Ltmp15, $4  }
0x399: {  	[tilespmem:s2+$0x16130] =	vst v11;
	v63 =	vadd.f32 v6, v10  }
0x39a: {  	[tilespmem:s2+$0x16100] =	vst v61;
	v3 =	vadd.f32 v62, v3  }
0x39b: {  	[tilespmem:s2+$0x16110] =	vst v63  }
0x39c: {  	[tilespmem:s2+$0x16120] =	vst v3  }
0x39d: {  	s2 =	rddreg [dreg:$0x1c]  }
0x39e: {  	[hbm4b:s2+s1] =	stream.linear.scatter [tilespmem:s18], [sflag:$0x3], $0x4000, $0x38;
	[tilespmem:$0x1A100] =	vst v63  }
0x39f: {  	_ =	swait.ge [sflag:s19], $0x4000  }
0x3a0: {  	[sflag:s19] =	ssyncset.done $0x0  }
0x3a1: {  	[sflag:s19] =	ssyncadd.s32 $0xFFFFC000  }
0x3a2: {  	_ =	swait.ge [sflag:s19], $0x4000  }
0x3a3: {  	s20 =	sadd.s32 $0x1, s20;
	s30 =	rddreg [dreg:$0x1d]  }
0x3a4: {  	p0 =	sne.s32 s20, s30  }
.Ltmp16:
0x3a5: {  	_ = 	snop;
	(pc) =	sbr.rel @p0 .LBB2_1-.Ltmp16, $3  }
0x3a6: {  	_ =	sdelay $0x1  }
0x3a7: {  	[sflag:s19] =	ssyncset.done $0x0  }
0x3a8: {  	[sflag:s19] =	ssyncadd.s32 $0xFFFFC000  }
0x3a9: {  	_ =	sfence.sel $0x180000  }
0x3aa: {  	[bflag:$0x0] =	sbarrier.arrive $0xFFFF  }
0x3ab: {  	_ =	strace $0x9000004A  }
0x3ac: {  	s0 =	stileid.u32;
	[bflag:$0x2] =	sbarrier.arrive $0xFFFF  }
0x3ad: {  	p0 =	sne.s32 s0, $0x0;
	s0 =	rddreg [dreg:$0x2]  }
0x3ae: {  	s0 =	sadd.s32 @!p0 $0x100000, s0  }
0x3af: {  	[sflag:s0] =	ssyncadd.tile.s32 @!p0 $0x1;
	_ =	shalt  }
.Lfunc_end2:
_tile_overlayer_lowered:
.L_overlay_start_2:
0x3b0: {  	(tag) =	ssettag $0x2  }
0x3b1: {  	s0 =	rddreg [dreg:$0x0];
	s2 =	stileid.u32  }
0x3b2: {  	s1 =	rddreg [dreg:$0x1];
	p0 =	sne.s32 s2, $0x0  }
0x3b3: {  	s3 =	rddreg [dreg:$0x2];
	[bflag:$0x3] =	sbarrier.arrive $0xFFFF;
	s2 =	simm.s32 @!p0 $0x1C04  }
0x3b4: {  	[timem:s3], [sflag:s2] =	dma.local @!p0 [hbm:s0], s1  }
0x3b5: {  	s0 =	simm.s32 @!p0 $0x4  }
0x3b6: {  	_ =	swait.ge @!p0 [sflag:s0], s1  }
0x3b7: {  	s1 =	ssub.s32 @!p0 $0x0, s1;
	[sflag:s0] =	ssyncset.done @!p0 $0x0  }
0x3b8: {  	[sflag:s0] =	ssyncadd.s32 @!p0 s1  }
0x3b9: {  	[bflag:$0x3] =	sbarrier.arrive $0xFFFF  }
0x3ba: {  	_ =	shalt  }

</sc_bundles>
